<compile_context>
chip_gen: v7x
topology: tpu7x:2x2x1
jax: 0.10.2.dev20260603
libtpu: 0.0.44.dev20260713+nightly
codegen_flags: <defaults>
</compile_context>

<pallas_src>
import functools

import jax
import jax.numpy as jnp
from jax import lax
from jax.experimental import pallas as pl
from jax.experimental.pallas import tpu as pltpu
from jax.experimental.pallas import tpu_sc as plsc

_N = 10000
_E = 160000
_D = 128

_NC = 2
_NS = 16
_NW = _NC * _NS


_G_CH = 80
_NBUF = 5


def _sc_gather(table, idx, m):
    bpw = m // _NW
    nch = bpw // _G_CH
    d = table.shape[1]
    dt = table.dtype
    assert bpw % _G_CH == 0 and nch % _NBUF == 0
    mesh = plsc.VectorSubcoreMesh(core_axis_name="c", subcore_axis_name="s")

    @functools.partial(
        pl.kernel,
        out_type=jax.ShapeDtypeStruct((m, d), dt),
        mesh=mesh,
        scratch_types=(
            [pltpu.VMEM((bpw,), jnp.int32)]
            + [pltpu.VMEM((_G_CH, d), dt)] * _NBUF
            + [pltpu.SemaphoreType.DMA] * (2 * _NBUF)
        ),
    )
    def gk(table_hbm, idx_hbm, out_hbm, idx_v, *rest):
        bufs = rest[:_NBUF]
        gsem = rest[_NBUF:2 * _NBUF]
        wsem = rest[2 * _NBUF:3 * _NBUF]
        wid = lax.axis_index("s") * _NC + lax.axis_index("c")
        base = pl.multiple_of(wid * bpw, _G_CH)
        pltpu.sync_copy(idx_hbm.at[pl.ds(base, bpw)], idx_v)

        def start(j, b):
            off = pl.multiple_of(j * _G_CH, _G_CH)
            pltpu.async_copy(table_hbm.at[idx_v.at[pl.ds(off, _G_CH)]],
                             bufs[b], gsem[b])

        def gwait(b):
            pltpu.make_async_copy(table_hbm.at[pl.ds(0, _G_CH)], bufs[b],
                                  gsem[b]).wait()

        def writeback(j, b):
            off = pl.multiple_of(base + j * _G_CH, _G_CH)
            pltpu.async_copy(bufs[b], out_hbm.at[pl.ds(off, _G_CH)], wsem[b])

        def wwait(b):
            pltpu.make_async_copy(bufs[b], out_hbm.at[pl.ds(0, _G_CH)],
                                  wsem[b]).wait()

        for b in range(_NBUF):
            start(b, b)

        rounds = nch // _NBUF

        @pl.loop(0, rounds)
        def _(i):
            j0 = i * _NBUF
            for b in range(_NBUF):
                gwait(b)
                writeback(j0 + b, b)
            for b in range(_NBUF):
                @pl.when(i < rounds - 1)
                def _():
                    wwait(b)
                    start(j0 + _NBUF + b, b)

        for b in range(_NBUF):
            wwait(b)

    return gk(table, idx)



_S_CH = 128
_S_NCHTOT = _E // _S_CH
_S_NCHPAD = 1280
_S_NCH = _S_NCHPAD // _NW
_RPS = 624
_S_NBUF = 2


def _sc_segsum(e_new, idx3, zeros):
    mesh = plsc.VectorSubcoreMesh(core_axis_name="c", subcore_axis_name="s")

    @functools.partial(
        pl.kernel,
        out_type=jax.ShapeDtypeStruct((_NC, _N, _D), jnp.float32),
        mesh=mesh,
        scratch_types=(
            [pltpu.VMEM((_S_NCH, _S_CH), jnp.int32)]
            + [pltpu.VMEM((_S_CH, _D), jnp.float32)] * _S_NBUF
            + [pltpu.SemaphoreType.DMA] * (2 * _S_NBUF)
            + [pltpu.VMEM_SHARED((_N, _D), jnp.float32)]
        ),
    )
    def sk(e_hbm, idx_hbm, z_hbm, out_hbm, idx_v, *rest):
        bufs = rest[:_S_NBUF]
        lsem = rest[_S_NBUF:2 * _S_NBUF]
        ssem = rest[2 * _S_NBUF:3 * _S_NBUF]
        acc = rest[3 * _S_NBUF]
        c = lax.axis_index("c")
        s = lax.axis_index("s")
        w = c * _NS + s
        rows = pl.ds(pl.multiple_of(s * _RPS, 8), _RPS)
        tail = pl.ds(_NS * _RPS, _N - _NS * _RPS)
        pltpu.sync_copy(z_hbm.at[rows], acc.at[rows])

        @pl.when(s == _NS - 1)
        def _():
            pltpu.sync_copy(z_hbm.at[tail], acc.at[tail])

        pltpu.sync_copy(idx_hbm.at[w], idx_v)
        plsc.subcore_barrier()

        def real(j):
            return w * _S_NCH + j < _S_NCHTOT

        def startload(j, b):
            @pl.when(real(j))
            def _():
                off = pl.multiple_of((w * _S_NCH + j) * _S_CH, _S_CH)
                pltpu.async_copy(e_hbm.at[pl.ds(off, _S_CH)], bufs[b], lsem[b])

        def lwait(j, b):
            @pl.when(real(j))
            def _():
                pltpu.make_async_copy(e_hbm.at[pl.ds(0, _S_CH)], bufs[b],
                                      lsem[b]).wait()

        def scat(j, b):
            @pl.when(real(j))
            def _():
                pltpu.async_copy(bufs[b], acc.at[idx_v.at[j]], ssem[b],
                                 add=True)

        def swait(j, b):
            @pl.when(real(j))
            def _():
                pltpu.make_async_copy(e_hbm.at[pl.ds(0, _S_CH)], bufs[b],
                                      ssem[b]).wait()

        for b in range(_S_NBUF):
            startload(b, b)

        rounds = _S_NCH // _S_NBUF

        @pl.loop(0, rounds)
        def _(i):
            j0 = i * _S_NBUF
            for b in range(_S_NBUF):
                lwait(j0 + b, b)
                scat(j0 + b, b)
            for b in range(_S_NBUF):
                @pl.when(i < rounds - 1)
                def _():
                    swait(j0 + b, b)
                    startload(j0 + _S_NBUF + b, b)

        for b in range(_S_NBUF):
            swait((rounds - 1) * _S_NBUF + b, b)

        plsc.subcore_barrier()
        pltpu.sync_copy(acc.at[rows], out_hbm.at[c, rows])

        @pl.when(s == _NS - 1)
        def _():
            pltpu.sync_copy(acc.at[tail], out_hbm.at[c, tail])

    return sk(e_new, idx3, zeros)



_BLK = 1000


def _bdot(a, w):
    return jnp.dot(a.astype(jnp.bfloat16), w.astype(jnp.bfloat16),
                   preferred_element_type=jnp.float32)


def _ffn(xs, offsets, rows, W1s, b1, W2, b2, W3, b3, g=None, be=None,
         res_idx=None, want_new=False, sum_pair=False):
    nx = len(xs)
    nw = len(W1s)
    has_ln = g is not None
    dout = W3.shape[1]
    nblk = rows // _BLK

    def body(*refs):
        xr = refs[:nx]
        wr = refs[nx:nx + nw]
        b1r, w2r, b2r, w3r, b3r = refs[nx + nw:nx + nw + 5]
        k = nx + nw + 5
        if has_ln:
            gr, ber = refs[k:k + 2]
            k += 2
        outs = refs[k:]
        if sum_pair:
            xcat = jnp.concatenate([xr[0][...], xr[1][...] + xr[2][...]],
                                   axis=-1)
            acc = _bdot(xcat, wr[0][...])
        elif nx > 1:
            xcat = jnp.concatenate([r[...] for r in xr], axis=-1)
            acc = _bdot(xcat, wr[0][...])
        else:
            acc = _bdot(xr[0][...], wr[0][...])
        z = jnp.maximum(acc + b1r[...], 0.0)
        z = jnp.maximum(_bdot(z, w2r[...]) + b2r[...], 0.0)
        z = _bdot(z, w3r[...]) + b3r[...]
        if has_ln:
            mu = jnp.sum(z, axis=-1, keepdims=True) * (1.0 / _D)
            zc = z - mu
            var = jnp.sum(zc * zc, axis=-1, keepdims=True) * (1.0 / _D)
            z = zc / jnp.sqrt(var + 1e-5) * gr[...] + ber[...]
        if res_idx is None:
            outs[0][...] = z
        elif want_new:
            outs[0][...] = z
            outs[1][...] = xr[res_idx][...] + z
        else:
            outs[0][...] = xr[res_idx][...] + z

    in_specs = [
        pl.BlockSpec((_BLK, x.shape[1]), functools.partial(lambda o, i: (i + o, 0), o))
        for x, o in zip(xs, offsets)
    ]
    for w in W1s:
        in_specs.append(pl.BlockSpec(w.shape, lambda i: (0, 0)))
    operands = list(xs) + list(W1s)
    for a in (b1, W2, b2, W3, b3):
        in_specs.append(pl.BlockSpec(a.shape, lambda i: (0, 0)))
        operands.append(a)
    if has_ln:
        for a in (g, be):
            in_specs.append(pl.BlockSpec(a.shape, lambda i: (0, 0)))
            operands.append(a)

    n_out = 2 if (res_idx is not None and want_new) else 1
    out_shape = [jax.ShapeDtypeStruct((rows, dout), jnp.float32)] * n_out
    out_specs = [pl.BlockSpec((_BLK, dout), lambda i: (i, 0))] * n_out
    res = pl.pallas_call(
        body,
        grid=(nblk,),
        in_specs=in_specs,
        out_specs=out_specs,
        out_shape=out_shape,
    )(*operands)
    return res if n_out > 1 else res[0]


_EBLK = 2000


def _edge_mlp(hgp, e, W1, b1, W2, b2, W3, b3, g, be):
    nblk = _E // _EBLK

    def body(hr, er, w1r, b1r, w2r, b2r, w3r, b3r, gr, ber,
             out_new, out_next):
        xcat = jnp.concatenate([hr[0], hr[1], er[...]], axis=-1)
        z = jnp.maximum(_bdot(xcat, w1r[...]) + b1r[...], 0.0)
        z = jnp.maximum(_bdot(z, w2r[...]) + b2r[...], 0.0)
        z = _bdot(z, w3r[...]) + b3r[...]
        mu = jnp.sum(z, axis=-1, keepdims=True) * (1.0 / _D)
        zc = z - mu
        var = jnp.sum(zc * zc, axis=-1, keepdims=True) * (1.0 / _D)
        z = zc / jnp.sqrt(var + 1e-5) * gr[...] + ber[...]
        out_new[...] = z
        out_next[...] = er[...] + z

    in_specs = [pl.BlockSpec((2, _EBLK, _D), lambda i: (0, i, 0)),
                pl.BlockSpec((_EBLK, _D), lambda i: (i, 0))]
    operands = [hgp, e]
    for a in (W1, b1, W2, b2, W3, b3, g, be):
        in_specs.append(pl.BlockSpec(a.shape, lambda i: (0, 0)))
        operands.append(a)
    out_shape = [jax.ShapeDtypeStruct((_E, _D), jnp.float32)] * 2
    out_specs = [pl.BlockSpec((_EBLK, _D), lambda i: (i, 0))] * 2
    return pl.pallas_call(
        body,
        grid=(nblk,),
        in_specs=in_specs,
        out_specs=out_specs,
        out_shape=out_shape,
    )(*operands)


def _prep(p):
    Ws = p['W']
    bs = [b.reshape(1, -1) for b in p['b']]
    g = p['g'].reshape(1, -1) if 'g' in p else None
    be = p['be'].reshape(1, -1) if 'be' in p else None
    return Ws, bs, g, be


def kernel(x, edge_index, edge_features, params):
    src = edge_index[0]
    dst = edge_index[1]

    Ws, bs, g, be = _prep(params['enc_node'])
    h = _ffn([x], [0], _N, [Ws[0]], bs[0], Ws[1], bs[1], Ws[2], bs[2], g, be)
    Ws, bs, g, be = _prep(params['enc_edge'])
    e = _ffn([edge_features], [0], _E, [Ws[0]], bs[0], Ws[1], bs[1], Ws[2], bs[2], g, be)

    gather_idx = jnp.concatenate([src, dst])
    dst_pad = jnp.full((_S_NCHPAD * _S_CH - _E,), _N, jnp.int32)
    dst3 = jnp.concatenate([dst, dst_pad]).reshape(_NW, _S_NCH, _S_CH)
    zeros = jnp.zeros((_N, _D), jnp.float32)

    for blk in params['proc']:
        hg = _sc_gather(h, gather_idx, 2 * _E)
        hgp = hg.reshape(2, _E, _D)
        Ws, bs, g, be = _prep(blk['edge'])
        e_new, e = _edge_mlp(hgp, e, Ws[0], bs[0], Ws[1], bs[1], Ws[2], bs[2],
                             g, be)
        parts = _sc_segsum(e_new, dst3, zeros).reshape(2 * _N, _D)
        Ws, bs, g, be = _prep(blk['node'])
        h = _ffn([h, parts, parts], [0, 0, _N // _BLK], _N,
                 [Ws[0]], bs[0], Ws[1], bs[1], Ws[2], bs[2], g, be,
                 res_idx=0, want_new=False, sum_pair=True)

    Ws, bs, g, be = _prep(params['dec_node'])
    out_node = _ffn([h], [0], _N, [Ws[0]], bs[0], Ws[1], bs[1], Ws[2], bs[2])
    Ws, bs, g, be = _prep(params['dec_edge'])
    out_edge = _ffn([e], [0], _E, [Ws[0]], bs[0], Ws[1], bs[1], Ws[2], bs[2])
    return (out_node, out_edge)

# --- scband reference (transcript-rebuilt; emitter-appended) ---
"""Pipeline reference for scband-mpnn-37203006717964 (READ-ONLY COPY).

The authoritative reference and input builder live on the scoring server;
editing this copy changes nothing except your own understanding.
"""

import jax, jax.numpy as jnp
import numpy as np

N = 10000
E = 160000
NODE_IN = 128
EDGE_IN = 16
LATENT = 128
HIDDEN = 128
NHL = 2
NODE_OUT = 3
EDGE_OUT = 1
STEPS = 4


def mlp_init(key, in_size, hidden, n_hidden, out_size, use_ln):
    sizes = [in_size] + [hidden] * n_hidden + [out_size]
    Ws, bs = [], []
    for i in range(len(sizes) - 1):
        key, k = jax.random.split(key)
        Ws.append(jax.random.normal(k, (sizes[i], sizes[i + 1]), jnp.float32) / np.sqrt(sizes[i]))
        bs.append(jnp.zeros((sizes[i + 1],), jnp.float32))
    p = {'W': Ws, 'b': bs}
    if use_ln:
        p['g'] = jnp.ones((out_size,), jnp.float32)
        p['be'] = jnp.zeros((out_size,), jnp.float32)
    return p


def mlp_apply(p, x):
    h = x
    n = len(p['W'])
    for i in range(n):
        h = h @ p['W'][i] + p['b'][i]
        if i < n - 1:
            h = jax.nn.relu(h)
    if 'g' in p:
        mu = h.mean(-1, keepdims=True)
        var = h.var(-1, keepdims=True)
        h = (h - mu) / jnp.sqrt(var + 1e-5) * p['g'] + p['be']
    return h


def setup_inputs(seed: int = 0):
    key = jax.random.key(seed)
    k1, k2, k3, kp = jax.random.split(key, 4)
    x = jax.random.normal(k1, (N, NODE_IN), jnp.float32)
    edge_index = jax.random.randint(k2, (2, E), 0, N, dtype=jnp.int32)
    edge_features = jax.random.normal(k3, (E, EDGE_IN), jnp.float32)
    ks = jax.random.split(kp, 2 * STEPS + 4)
    params = {
        'enc_node': mlp_init(ks[0], NODE_IN, HIDDEN, NHL, LATENT, True),
        'enc_edge': mlp_init(ks[1], EDGE_IN, HIDDEN, NHL, LATENT, True),
        'proc': [{'edge': mlp_init(ks[2 + 2 * i], 3 * LATENT, HIDDEN, NHL, LATENT, True),
                  'node': mlp_init(ks[3 + 2 * i], 2 * LATENT, HIDDEN, NHL, LATENT, True)}
                 for i in range(STEPS)],
        'dec_node': mlp_init(ks[2 + 2 * STEPS], LATENT, HIDDEN, NHL, NODE_OUT, False),
        'dec_edge': mlp_init(ks[3 + 2 * STEPS], LATENT, HIDDEN, NHL, EDGE_OUT, False),
    }
    return {'x': x, 'edge_index': edge_index, 'edge_features': edge_features, 'params': params}


def reference(x, edge_index, edge_features, params):
    # Encoder
    h = mlp_apply(params['enc_node'], x)
    e = mlp_apply(params['enc_edge'], edge_features)
    src = edge_index[0]
    dst = edge_index[1]
    # Processor: GNS-style interaction blocks with add aggregation + residuals
    for blk in params['proc']:
        e_in = jnp.concatenate([h[src], h[dst], e], axis=-1)
        e_new = mlp_apply(blk['edge'], e_in)
        agg = jax.ops.segment_sum(e_new, dst, num_segments=h.shape[0])
        n_in = jnp.concatenate([h, agg], axis=-1)
        h_new = mlp_apply(blk['node'], n_in)
        h = h + h_new
        e = e + e_new
    # Decoder
    out_node = mlp_apply(params['dec_node'], h)
    out_edge = mlp_apply(params['dec_edge'], e)
    return (out_node, out_edge)

if __name__ == "__main__":
    import jax
    _d = setup_inputs()
    print(jax.jit(kernel)(*tuple(_d.values())))

</pallas_src>

<mosaic_0001>
#map = affine_map<(d0, d1) -> (0, 0)>
#map1 = affine_map<(d0, d1) -> (0)>
module attributes {stable_mosaic.version = 14 : i64} {
  func.func @gk(%arg0: i32, %arg1: i32, %arg2: memref<10000x128xf32, #tpu.memory_space<hbm>>, %arg3: memref<320000xi32, #tpu.memory_space<hbm>>, %arg4: memref<320000x128xf32, #tpu.memory_space<hbm>>, %arg5: memref<10000xi32, #tpu.memory_space<vmem>>, %arg6: memref<80x128xf32, #tpu.memory_space<vmem>>, %arg7: memref<80x128xf32, #tpu.memory_space<vmem>>, %arg8: memref<80x128xf32, #tpu.memory_space<vmem>>, %arg9: memref<80x128xf32, #tpu.memory_space<vmem>>, %arg10: memref<80x128xf32, #tpu.memory_space<vmem>>, %arg11: memref<!tpu.dma_semaphore, #tpu.memory_space<semaphore_mem>>, %arg12: memref<!tpu.dma_semaphore, #tpu.memory_space<semaphore_mem>>, %arg13: memref<!tpu.dma_semaphore, #tpu.memory_space<semaphore_mem>>, %arg14: memref<!tpu.dma_semaphore, #tpu.memory_space<semaphore_mem>>, %arg15: memref<!tpu.dma_semaphore, #tpu.memory_space<semaphore_mem>>, %arg16: memref<!tpu.dma_semaphore, #tpu.memory_space<semaphore_mem>>, %arg17: memref<!tpu.dma_semaphore, #tpu.memory_space<semaphore_mem>>, %arg18: memref<!tpu.dma_semaphore, #tpu.memory_space<semaphore_mem>>, %arg19: memref<!tpu.dma_semaphore, #tpu.memory_space<semaphore_mem>>, %arg20: memref<!tpu.dma_semaphore, #tpu.memory_space<semaphore_mem>>) attributes {dimension_semantics = [#tpu.dimension_semantics<core_parallel>, #tpu.dimension_semantics<subcore_parallel>], iteration_bounds = array<i64: 2, 16>, scalar_prefetch = 0 : i64, scratch_operands = 16 : i64, tpu.core_type = #tpu.core_type<sc_vector_subcore>, window_params = [{transform_indices = #map}, {transform_indices = #map1}, {transform_indices = #map}]} {
    %mul3A = arith.constant 2 : i32
    %mul3A_0 = arith.muli %arg1, %mul3A : i32
    %add3A = arith.addi %mul3A_0, %arg0 : i32
    %mul3A_1 = arith.constant 10000 : i32
    %mul3A_2 = arith.muli %add3A, %mul3A_1 : i32
    %multiple_of3A = tpu.assume_multiple %mul3A_2, 80 : i32
    "tpu.region"() ({
      %run_scoped3A = tpu.sem_alloc : memref<!tpu.dma_semaphore, #tpu.memory_space<semaphore_mem>>
      %dma_start3A_65 = tpu.memref_slice %arg3[%multiple_of3A] : memref<320000xi32, #tpu.memory_space<hbm>> -> memref<10000xi32, #tpu.memory_space<hbm>>
      %dma_start3A_66 = tpu.memref_slice %arg3[%multiple_of3A] : memref<320000xi32, #tpu.memory_space<hbm>> -> memref<10000xi32, #tpu.memory_space<hbm>>
      tpu.enqueue_dma source(%dma_start3A_66 : memref<10000xi32, #tpu.memory_space<hbm>>) target(%arg5 : memref<10000xi32, #tpu.memory_space<vmem>>) target_semaphore(%run_scoped3A : memref<!tpu.dma_semaphore, #tpu.memory_space<semaphore_mem>>)
      %dma_wait3A_67 = tpu.memref_slice %arg3[%multiple_of3A] : memref<320000xi32, #tpu.memory_space<hbm>> -> memref<10000xi32, #tpu.memory_space<hbm>>
      %dma_wait3A_68 = tpu.memref_slice %arg3[%multiple_of3A] : memref<320000xi32, #tpu.memory_space<hbm>> -> memref<10000xi32, #tpu.memory_space<hbm>>
      tpu.wait_dma2 semaphore(%run_scoped3A : memref<!tpu.dma_semaphore, #tpu.memory_space<semaphore_mem>>) src(%dma_wait3A_68 : memref<10000xi32, #tpu.memory_space<hbm>>) dst(%arg5 : memref<10000xi32, #tpu.memory_space<vmem>>)
      tpu.yield
    }) : () -> ()
    %multiple_of3A_3 = arith.constant 0 : i32
    %multiple_of3A_4 = tpu.assume_multiple %multiple_of3A_3, 80 : i32
    %dma_start3A = tpu.memref_slice %arg5[%multiple_of3A_4] : memref<10000xi32, #tpu.memory_space<vmem>> -> memref<80xi32, #tpu.memory_space<vmem>>
    %dma_start3A_5 = arith.constant 0 : i32
    %dma_start3A_6 = arith.constant 0 : i32
    %dma_start3A_7 = tpu.memref_slice %arg2[%dma_start3A_5, %dma_start3A_6] : memref<10000x128xf32, #tpu.memory_space<hbm>> -> memref<10000x128xf32, #tpu.memory_space<hbm>>
    tpu.enqueue_indirect_dma source(%dma_start3A_7 : memref<10000x128xf32, #tpu.memory_space<hbm>>) target(%arg6 : memref<80x128xf32, #tpu.memory_space<vmem>>) offsets(%dma_start3A : memref<80xi32, #tpu.memory_space<vmem>>) semaphore(%arg11 : memref<!tpu.dma_semaphore, #tpu.memory_space<semaphore_mem>>)
    %multiple_of3A_8 = arith.constant 80 : i32
    %multiple_of3A_9 = tpu.assume_multiple %multiple_of3A_8, 80 : i32
    %dma_start3A_10 = tpu.memref_slice %arg5[%multiple_of3A_9] : memref<10000xi32, #tpu.memory_space<vmem>> -> memref<80xi32, #tpu.memory_space<vmem>>
    %dma_start3A_11 = arith.constant 0 : i32
    %dma_start3A_12 = arith.constant 0 : i32
    %dma_start3A_13 = tpu.memref_slice %arg2[%dma_start3A_11, %dma_start3A_12] : memref<10000x128xf32, #tpu.memory_space<hbm>> -> memref<10000x128xf32, #tpu.memory_space<hbm>>
    tpu.enqueue_indirect_dma source(%dma_start3A_13 : memref<10000x128xf32, #tpu.memory_space<hbm>>) target(%arg7 : memref<80x128xf32, #tpu.memory_space<vmem>>) offsets(%dma_start3A_10 : memref<80xi32, #tpu.memory_space<vmem>>) semaphore(%arg12 : memref<!tpu.dma_semaphore, #tpu.memory_space<semaphore_mem>>)
    %multiple_of3A_14 = arith.constant 160 : i32
    %multiple_of3A_15 = tpu.assume_multiple %multiple_of3A_14, 80 : i32
    %dma_start3A_16 = tpu.memref_slice %arg5[%multiple_of3A_15] : memref<10000xi32, #tpu.memory_space<vmem>> -> memref<80xi32, #tpu.memory_space<vmem>>
    %dma_start3A_17 = arith.constant 0 : i32
    %dma_start3A_18 = arith.constant 0 : i32
    %dma_start3A_19 = tpu.memref_slice %arg2[%dma_start3A_17, %dma_start3A_18] : memref<10000x128xf32, #tpu.memory_space<hbm>> -> memref<10000x128xf32, #tpu.memory_space<hbm>>
    tpu.enqueue_indirect_dma source(%dma_start3A_19 : memref<10000x128xf32, #tpu.memory_space<hbm>>) target(%arg8 : memref<80x128xf32, #tpu.memory_space<vmem>>) offsets(%dma_start3A_16 : memref<80xi32, #tpu.memory_space<vmem>>) semaphore(%arg13 : memref<!tpu.dma_semaphore, #tpu.memory_space<semaphore_mem>>)
    %multiple_of3A_20 = arith.constant 240 : i32
    %multiple_of3A_21 = tpu.assume_multiple %multiple_of3A_20, 80 : i32
    %dma_start3A_22 = tpu.memref_slice %arg5[%multiple_of3A_21] : memref<10000xi32, #tpu.memory_space<vmem>> -> memref<80xi32, #tpu.memory_space<vmem>>
    %dma_start3A_23 = arith.constant 0 : i32
    %dma_start3A_24 = arith.constant 0 : i32
    %dma_start3A_25 = tpu.memref_slice %arg2[%dma_start3A_23, %dma_start3A_24] : memref<10000x128xf32, #tpu.memory_space<hbm>> -> memref<10000x128xf32, #tpu.memory_space<hbm>>
    tpu.enqueue_indirect_dma source(%dma_start3A_25 : memref<10000x128xf32, #tpu.memory_space<hbm>>) target(%arg9 : memref<80x128xf32, #tpu.memory_space<vmem>>) offsets(%dma_start3A_22 : memref<80xi32, #tpu.memory_space<vmem>>) semaphore(%arg14 : memref<!tpu.dma_semaphore, #tpu.memory_space<semaphore_mem>>)
    %multiple_of3A_26 = arith.constant 320 : i32
    %multiple_of3A_27 = tpu.assume_multiple %multiple_of3A_26, 80 : i32
    %dma_start3A_28 = tpu.memref_slice %arg5[%multiple_of3A_27] : memref<10000xi32, #tpu.memory_space<vmem>> -> memref<80xi32, #tpu.memory_space<vmem>>
    %dma_start3A_29 = arith.constant 0 : i32
    %dma_start3A_30 = arith.constant 0 : i32
    %dma_start3A_31 = tpu.memref_slice %arg2[%dma_start3A_29, %dma_start3A_30] : memref<10000x128xf32, #tpu.memory_space<hbm>> -> memref<10000x128xf32, #tpu.memory_space<hbm>>
    tpu.enqueue_indirect_dma source(%dma_start3A_31 : memref<10000x128xf32, #tpu.memory_space<hbm>>) target(%arg10 : memref<80x128xf32, #tpu.memory_space<vmem>>) offsets(%dma_start3A_28 : memref<80xi32, #tpu.memory_space<vmem>>) semaphore(%arg15 : memref<!tpu.dma_semaphore, #tpu.memory_space<semaphore_mem>>)
    %scan3A = arith.constant 0 : i32
    %scan3A_32 = arith.constant 25 : i32
    %scan3A_33 = arith.addi %scan3A, %scan3A_32 : i32
    %scan3A_34 = arith.constant 1 : i32
    scf.for %scan3A_65 = %scan3A to %scan3A_33 step %scan3A_34  : i32 {
      %mul3A_66 = arith.constant 1 : i32
      %mul3A_67 = arith.muli %scan3A_65, %mul3A_66 : i32
      %add3A_68 = arith.constant 0 : i32
      %add3A_69 = arith.addi %add3A_68, %mul3A_67 : i32
      %mul3A_70 = arith.constant 5 : i32
      %mul3A_71 = arith.muli %add3A_69, %mul3A_70 : i32
      %dma_wait3A_72 = arith.constant 0 : i32
      %dma_wait3A_73 = arith.constant 0 : i32
      %dma_wait3A_74 = tpu.memref_slice %arg2[%dma_wait3A_72, %dma_wait3A_73] : memref<10000x128xf32, #tpu.memory_space<hbm>> -> memref<80x128xf32, #tpu.memory_space<hbm>>
      %dma_wait3A_75 = arith.constant 0 : i32
      %dma_wait3A_76 = arith.constant 0 : i32
      %dma_wait3A_77 = tpu.memref_slice %arg2[%dma_wait3A_75, %dma_wait3A_76] : memref<10000x128xf32, #tpu.memory_space<hbm>> -> memref<80x128xf32, #tpu.memory_space<hbm>>
      tpu.wait_dma2 semaphore(%arg11 : memref<!tpu.dma_semaphore, #tpu.memory_space<semaphore_mem>>) src(%dma_wait3A_77 : memref<80x128xf32, #tpu.memory_space<hbm>>) dst(%arg6 : memref<80x128xf32, #tpu.memory_space<vmem>>)
      %add3A_78 = arith.constant 0 : i32
      %add3A_79 = arith.addi %mul3A_71, %add3A_78 : i32
      %mul3A_80 = arith.constant 80 : i32
      %mul3A_81 = arith.muli %add3A_79, %mul3A_80 : i32
      %add3A_82 = arith.addi %multiple_of3A, %mul3A_81 : i32
      %multiple_of3A_83 = tpu.assume_multiple %add3A_82, 80 : i32
      %dma_start3A_84 = arith.constant 0 : i32
      %dma_start3A_85 = tpu.memref_slice %arg4[%multiple_of3A_83, %dma_start3A_84] : memref<320000x128xf32, #tpu.memory_space<hbm>> -> memref<80x128xf32, #tpu.memory_space<hbm>>
      %dma_start3A_86 = arith.constant 0 : i32
      %dma_start3A_87 = tpu.memref_slice %arg4[%multiple_of3A_83, %dma_start3A_86] : memref<320000x128xf32, #tpu.memory_space<hbm>> -> memref<80x128xf32, #tpu.memory_space<hbm>>
      tpu.enqueue_dma source(%arg6 : memref<80x128xf32, #tpu.memory_space<vmem>>) target(%dma_start3A_87 : memref<80x128xf32, #tpu.memory_space<hbm>>) target_semaphore(%arg16 : memref<!tpu.dma_semaphore, #tpu.memory_space<semaphore_mem>>)
      %dma_wait3A_88 = arith.constant 0 : i32
      %dma_wait3A_89 = arith.constant 0 : i32
      %dma_wait3A_90 = tpu.memref_slice %arg2[%dma_wait3A_88, %dma_wait3A_89] : memref<10000x128xf32, #tpu.memory_space<hbm>> -> memref<80x128xf32, #tpu.memory_space<hbm>>
      %dma_wait3A_91 = arith.constant 0 : i32
      %dma_wait3A_92 = arith.constant 0 : i32
      %dma_wait3A_93 = tpu.memref_slice %arg2[%dma_wait3A_91, %dma_wait3A_92] : memref<10000x128xf32, #tpu.memory_space<hbm>> -> memref<80x128xf32, #tpu.memory_space<hbm>>
      tpu.wait_dma2 semaphore(%arg12 : memref<!tpu.dma_semaphore, #tpu.memory_space<semaphore_mem>>) src(%dma_wait3A_93 : memref<80x128xf32, #tpu.memory_space<hbm>>) dst(%arg7 : memref<80x128xf32, #tpu.memory_space<vmem>>)
      %add3A_94 = arith.constant 1 : i32
      %add3A_95 = arith.addi %mul3A_71, %add3A_94 : i32
      %mul3A_96 = arith.constant 80 : i32
      %mul3A_97 = arith.muli %add3A_95, %mul3A_96 : i32
      %add3A_98 = arith.addi %multiple_of3A, %mul3A_97 : i32
      %multiple_of3A_99 = tpu.assume_multiple %add3A_98, 80 : i32
      %dma_start3A_100 = arith.constant 0 : i32
      %dma_start3A_101 = tpu.memref_slice %arg4[%multiple_of3A_99, %dma_start3A_100] : memref<320000x128xf32, #tpu.memory_space<hbm>> -> memref<80x128xf32, #tpu.memory_space<hbm>>
      %dma_start3A_102 = arith.constant 0 : i32
      %dma_start3A_103 = tpu.memref_slice %arg4[%multiple_of3A_99, %dma_start3A_102] : memref<320000x128xf32, #tpu.memory_space<hbm>> -> memref<80x128xf32, #tpu.memory_space<hbm>>
      tpu.enqueue_dma source(%arg7 : memref<80x128xf32, #tpu.memory_space<vmem>>) target(%dma_start3A_103 : memref<80x128xf32, #tpu.memory_space<hbm>>) target_semaphore(%arg17 : memref<!tpu.dma_semaphore, #tpu.memory_space<semaphore_mem>>)
      %dma_wait3A_104 = arith.constant 0 : i32
      %dma_wait3A_105 = arith.constant 0 : i32
      %dma_wait3A_106 = tpu.memref_slice %arg2[%dma_wait3A_104, %dma_wait3A_105] : memref<10000x128xf32, #tpu.memory_space<hbm>> -> memref<80x128xf32, #tpu.memory_space<hbm>>
      %dma_wait3A_107 = arith.constant 0 : i32
      %dma_wait3A_108 = arith.constant 0 : i32
      %dma_wait3A_109 = tpu.memref_slice %arg2[%dma_wait3A_107, %dma_wait3A_108] : memref<10000x128xf32, #tpu.memory_space<hbm>> -> memref<80x128xf32, #tpu.memory_space<hbm>>
      tpu.wait_dma2 semaphore(%arg13 : memref<!tpu.dma_semaphore, #tpu.memory_space<semaphore_mem>>) src(%dma_wait3A_109 : memref<80x128xf32, #tpu.memory_space<hbm>>) dst(%arg8 : memref<80x128xf32, #tpu.memory_space<vmem>>)
      %add3A_110 = arith.constant 2 : i32
      %add3A_111 = arith.addi %mul3A_71, %add3A_110 : i32
      %mul3A_112 = arith.constant 80 : i32
      %mul3A_113 = arith.muli %add3A_111, %mul3A_112 : i32
      %add3A_114 = arith.addi %multiple_of3A, %mul3A_113 : i32
      %multiple_of3A_115 = tpu.assume_multiple %add3A_114, 80 : i32
      %dma_start3A_116 = arith.constant 0 : i32
      %dma_start3A_117 = tpu.memref_slice %arg4[%multiple_of3A_115, %dma_start3A_116] : memref<320000x128xf32, #tpu.memory_space<hbm>> -> memref<80x128xf32, #tpu.memory_space<hbm>>
      %dma_start3A_118 = arith.constant 0 : i32
      %dma_start3A_119 = tpu.memref_slice %arg4[%multiple_of3A_115, %dma_start3A_118] : memref<320000x128xf32, #tpu.memory_space<hbm>> -> memref<80x128xf32, #tpu.memory_space<hbm>>
      tpu.enqueue_dma source(%arg8 : memref<80x128xf32, #tpu.memory_space<vmem>>) target(%dma_start3A_119 : memref<80x128xf32, #tpu.memory_space<hbm>>) target_semaphore(%arg18 : memref<!tpu.dma_semaphore, #tpu.memory_space<semaphore_mem>>)
      %dma_wait3A_120 = arith.constant 0 : i32
      %dma_wait3A_121 = arith.constant 0 : i32
      %dma_wait3A_122 = tpu.memref_slice %arg2[%dma_wait3A_120, %dma_wait3A_121] : memref<10000x128xf32, #tpu.memory_space<hbm>> -> memref<80x128xf32, #tpu.memory_space<hbm>>
      %dma_wait3A_123 = arith.constant 0 : i32
      %dma_wait3A_124 = arith.constant 0 : i32
      %dma_wait3A_125 = tpu.memref_slice %arg2[%dma_wait3A_123, %dma_wait3A_124] : memref<10000x128xf32, #tpu.memory_space<hbm>> -> memref<80x128xf32, #tpu.memory_space<hbm>>
      tpu.wait_dma2 semaphore(%arg14 : memref<!tpu.dma_semaphore, #tpu.memory_space<semaphore_mem>>) src(%dma_wait3A_125 : memref<80x128xf32, #tpu.memory_space<hbm>>) dst(%arg9 : memref<80x128xf32, #tpu.memory_space<vmem>>)
      %add3A_126 = arith.constant 3 : i32
      %add3A_127 = arith.addi %mul3A_71, %add3A_126 : i32
      %mul3A_128 = arith.constant 80 : i32
      %mul3A_129 = arith.muli %add3A_127, %mul3A_128 : i32
      %add3A_130 = arith.addi %multiple_of3A, %mul3A_129 : i32
      %multiple_of3A_131 = tpu.assume_multiple %add3A_130, 80 : i32
      %dma_start3A_132 = arith.constant 0 : i32
      %dma_start3A_133 = tpu.memref_slice %arg4[%multiple_of3A_131, %dma_start3A_132] : memref<320000x128xf32, #tpu.memory_space<hbm>> -> memref<80x128xf32, #tpu.memory_space<hbm>>
      %dma_start3A_134 = arith.constant 0 : i32
      %dma_start3A_135 = tpu.memref_slice %arg4[%multiple_of3A_131, %dma_start3A_134] : memref<320000x128xf32, #tpu.memory_space<hbm>> -> memref<80x128xf32, #tpu.memory_space<hbm>>
      tpu.enqueue_dma source(%arg9 : memref<80x128xf32, #tpu.memory_space<vmem>>) target(%dma_start3A_135 : memref<80x128xf32, #tpu.memory_space<hbm>>) target_semaphore(%arg19 : memref<!tpu.dma_semaphore, #tpu.memory_space<semaphore_mem>>)
      %dma_wait3A_136 = arith.constant 0 : i32
      %dma_wait3A_137 = arith.constant 0 : i32
      %dma_wait3A_138 = tpu.memref_slice %arg2[%dma_wait3A_136, %dma_wait3A_137] : memref<10000x128xf32, #tpu.memory_space<hbm>> -> memref<80x128xf32, #tpu.memory_space<hbm>>
      %dma_wait3A_139 = arith.constant 0 : i32
      %dma_wait3A_140 = arith.constant 0 : i32
      %dma_wait3A_141 = tpu.memref_slice %arg2[%dma_wait3A_139, %dma_wait3A_140] : memref<10000x128xf32, #tpu.memory_space<hbm>> -> memref<80x128xf32, #tpu.memory_space<hbm>>
      tpu.wait_dma2 semaphore(%arg15 : memref<!tpu.dma_semaphore, #tpu.memory_space<semaphore_mem>>) src(%dma_wait3A_141 : memref<80x128xf32, #tpu.memory_space<hbm>>) dst(%arg10 : memref<80x128xf32, #tpu.memory_space<vmem>>)
      %add3A_142 = arith.constant 4 : i32
      %add3A_143 = arith.addi %mul3A_71, %add3A_142 : i32
      %mul3A_144 = arith.constant 80 : i32
      %mul3A_145 = arith.muli %add3A_143, %mul3A_144 : i32
      %add3A_146 = arith.addi %multiple_of3A, %mul3A_145 : i32
      %multiple_of3A_147 = tpu.assume_multiple %add3A_146, 80 : i32
      %dma_start3A_148 = arith.constant 0 : i32
      %dma_start3A_149 = tpu.memref_slice %arg4[%multiple_of3A_147, %dma_start3A_148] : memref<320000x128xf32, #tpu.memory_space<hbm>> -> memref<80x128xf32, #tpu.memory_space<hbm>>
      %dma_start3A_150 = arith.constant 0 : i32
      %dma_start3A_151 = tpu.memref_slice %arg4[%multiple_of3A_147, %dma_start3A_150] : memref<320000x128xf32, #tpu.memory_space<hbm>> -> memref<80x128xf32, #tpu.memory_space<hbm>>
      tpu.enqueue_dma source(%arg10 : memref<80x128xf32, #tpu.memory_space<vmem>>) target(%dma_start3A_151 : memref<80x128xf32, #tpu.memory_space<hbm>>) target_semaphore(%arg20 : memref<!tpu.dma_semaphore, #tpu.memory_space<semaphore_mem>>)
      %lt3A = arith.constant 24 : i32
      %lt3A_152 = arith.cmpi slt, %add3A_69, %lt3A : i32
      %convert_element_type3A = arith.extui %lt3A_152 : i1 to i32
      %cond3A = arith.constant 0 : i32
      %cond3A_153 = arith.cmpi ne, %convert_element_type3A, %cond3A : i32
      scf.if %cond3A_153 {
        %dma_wait3A_174 = arith.constant 0 : i32
        %dma_wait3A_175 = arith.constant 0 : i32
        %dma_wait3A_176 = tpu.memref_slice %arg4[%dma_wait3A_174, %dma_wait3A_175] : memref<320000x128xf32, #tpu.memory_space<hbm>> -> memref<80x128xf32, #tpu.memory_space<hbm>>
        %dma_wait3A_177 = arith.constant 0 : i32
        %dma_wait3A_178 = arith.constant 0 : i32
        %dma_wait3A_179 = tpu.memref_slice %arg4[%dma_wait3A_177, %dma_wait3A_178] : memref<320000x128xf32, #tpu.memory_space<hbm>> -> memref<80x128xf32, #tpu.memory_space<hbm>>
        tpu.wait_dma2 semaphore(%arg16 : memref<!tpu.dma_semaphore, #tpu.memory_space<semaphore_mem>>) src(%arg6 : memref<80x128xf32, #tpu.memory_space<vmem>>) dst(%dma_wait3A_179 : memref<80x128xf32, #tpu.memory_space<hbm>>)
        %add3A_180 = arith.constant 5 : i32
        %add3A_181 = arith.addi %mul3A_71, %add3A_180 : i32
        %add3A_182 = arith.constant 0 : i32
        %add3A_183 = arith.addi %add3A_181, %add3A_182 : i32
        %mul3A_184 = arith.constant 80 : i32
        %mul3A_185 = arith.muli %add3A_183, %mul3A_184 : i32
        %multiple_of3A_186 = tpu.assume_multiple %mul3A_185, 80 : i32
        %dma_start3A_187 = tpu.memref_slice %arg5[%multiple_of3A_186] : memref<10000xi32, #tpu.memory_space<vmem>> -> memref<80xi32, #tpu.memory_space<vmem>>
        %dma_start3A_188 = arith.constant 0 : i32
        %dma_start3A_189 = arith.constant 0 : i32
        %dma_start3A_190 = tpu.memref_slice %arg2[%dma_start3A_188, %dma_start3A_189] : memref<10000x128xf32, #tpu.memory_space<hbm>> -> memref<10000x128xf32, #tpu.memory_space<hbm>>
        tpu.enqueue_indirect_dma source(%dma_start3A_190 : memref<10000x128xf32, #tpu.memory_space<hbm>>) target(%arg6 : memref<80x128xf32, #tpu.memory_space<vmem>>) offsets(%dma_start3A_187 : memref<80xi32, #tpu.memory_space<vmem>>) semaphore(%arg11 : memref<!tpu.dma_semaphore, #tpu.memory_space<semaphore_mem>>)
      } else {
      }
      %lt3A_154 = arith.constant 24 : i32
      %lt3A_155 = arith.cmpi slt, %add3A_69, %lt3A_154 : i32
      %convert_element_type3A_156 = arith.extui %lt3A_155 : i1 to i32
      %cond3A_157 = arith.constant 0 : i32
      %cond3A_158 = arith.cmpi ne, %convert_element_type3A_156, %cond3A_157 : i32
      scf.if %cond3A_158 {
        %dma_wait3A_174 = arith.constant 0 : i32
        %dma_wait3A_175 = arith.constant 0 : i32
        %dma_wait3A_176 = tpu.memref_slice %arg4[%dma_wait3A_174, %dma_wait3A_175] : memref<320000x128xf32, #tpu.memory_space<hbm>> -> memref<80x128xf32, #tpu.memory_space<hbm>>
        %dma_wait3A_177 = arith.constant 0 : i32
        %dma_wait3A_178 = arith.constant 0 : i32
        %dma_wait3A_179 = tpu.memref_slice %arg4[%dma_wait3A_177, %dma_wait3A_178] : memref<320000x128xf32, #tpu.memory_space<hbm>> -> memref<80x128xf32, #tpu.memory_space<hbm>>
        tpu.wait_dma2 semaphore(%arg17 : memref<!tpu.dma_semaphore, #tpu.memory_space<semaphore_mem>>) src(%arg7 : memref<80x128xf32, #tpu.memory_space<vmem>>) dst(%dma_wait3A_179 : memref<80x128xf32, #tpu.memory_space<hbm>>)
        %add3A_180 = arith.constant 5 : i32
        %add3A_181 = arith.addi %mul3A_71, %add3A_180 : i32
        %add3A_182 = arith.constant 1 : i32
        %add3A_183 = arith.addi %add3A_181, %add3A_182 : i32
        %mul3A_184 = arith.constant 80 : i32
        %mul3A_185 = arith.muli %add3A_183, %mul3A_184 : i32
        %multiple_of3A_186 = tpu.assume_multiple %mul3A_185, 80 : i32
        %dma_start3A_187 = tpu.memref_slice %arg5[%multiple_of3A_186] : memref<10000xi32, #tpu.memory_space<vmem>> -> memref<80xi32, #tpu.memory_space<vmem>>
        %dma_start3A_188 = arith.constant 0 : i32
        %dma_start3A_189 = arith.constant 0 : i32
        %dma_start3A_190 = tpu.memref_slice %arg2[%dma_start3A_188, %dma_start3A_189] : memref<10000x128xf32, #tpu.memory_space<hbm>> -> memref<10000x128xf32, #tpu.memory_space<hbm>>
        tpu.enqueue_indirect_dma source(%dma_start3A_190 : memref<10000x128xf32, #tpu.memory_space<hbm>>) target(%arg7 : memref<80x128xf32, #tpu.memory_space<vmem>>) offsets(%dma_start3A_187 : memref<80xi32, #tpu.memory_space<vmem>>) semaphore(%arg12 : memref<!tpu.dma_semaphore, #tpu.memory_space<semaphore_mem>>)
      } else {
      }
      %lt3A_159 = arith.constant 24 : i32
      %lt3A_160 = arith.cmpi slt, %add3A_69, %lt3A_159 : i32
      %convert_element_type3A_161 = arith.extui %lt3A_160 : i1 to i32
      %cond3A_162 = arith.constant 0 : i32
      %cond3A_163 = arith.cmpi ne, %convert_element_type3A_161, %cond3A_162 : i32
      scf.if %cond3A_163 {
        %dma_wait3A_174 = arith.constant 0 : i32
        %dma_wait3A_175 = arith.constant 0 : i32
        %dma_wait3A_176 = tpu.memref_slice %arg4[%dma_wait3A_174, %dma_wait3A_175] : memref<320000x128xf32, #tpu.memory_space<hbm>> -> memref<80x128xf32, #tpu.memory_space<hbm>>
        %dma_wait3A_177 = arith.constant 0 : i32
        %dma_wait3A_178 = arith.constant 0 : i32
        %dma_wait3A_179 = tpu.memref_slice %arg4[%dma_wait3A_177, %dma_wait3A_178] : memref<320000x128xf32, #tpu.memory_space<hbm>> -> memref<80x128xf32, #tpu.memory_space<hbm>>
        tpu.wait_dma2 semaphore(%arg18 : memref<!tpu.dma_semaphore, #tpu.memory_space<semaphore_mem>>) src(%arg8 : memref<80x128xf32, #tpu.memory_space<vmem>>) dst(%dma_wait3A_179 : memref<80x128xf32, #tpu.memory_space<hbm>>)
        %add3A_180 = arith.constant 5 : i32
        %add3A_181 = arith.addi %mul3A_71, %add3A_180 : i32
        %add3A_182 = arith.constant 2 : i32
        %add3A_183 = arith.addi %add3A_181, %add3A_182 : i32
        %mul3A_184 = arith.constant 80 : i32
        %mul3A_185 = arith.muli %add3A_183, %mul3A_184 : i32
        %multiple_of3A_186 = tpu.assume_multiple %mul3A_185, 80 : i32
        %dma_start3A_187 = tpu.memref_slice %arg5[%multiple_of3A_186] : memref<10000xi32, #tpu.memory_space<vmem>> -> memref<80xi32, #tpu.memory_space<vmem>>
        %dma_start3A_188 = arith.constant 0 : i32
        %dma_start3A_189 = arith.constant 0 : i32
        %dma_start3A_190 = tpu.memref_slice %arg2[%dma_start3A_188, %dma_start3A_189] : memref<10000x128xf32, #tpu.memory_space<hbm>> -> memref<10000x128xf32, #tpu.memory_space<hbm>>
        tpu.enqueue_indirect_dma source(%dma_start3A_190 : memref<10000x128xf32, #tpu.memory_space<hbm>>) target(%arg8 : memref<80x128xf32, #tpu.memory_space<vmem>>) offsets(%dma_start3A_187 : memref<80xi32, #tpu.memory_space<vmem>>) semaphore(%arg13 : memref<!tpu.dma_semaphore, #tpu.memory_space<semaphore_mem>>)
      } else {
      }
      %lt3A_164 = arith.constant 24 : i32
      %lt3A_165 = arith.cmpi slt, %add3A_69, %lt3A_164 : i32
      %convert_element_type3A_166 = arith.extui %lt3A_165 : i1 to i32
      %cond3A_167 = arith.constant 0 : i32
      %cond3A_168 = arith.cmpi ne, %convert_element_type3A_166, %cond3A_167 : i32
      scf.if %cond3A_168 {
        %dma_wait3A_174 = arith.constant 0 : i32
        %dma_wait3A_175 = arith.constant 0 : i32
        %dma_wait3A_176 = tpu.memref_slice %arg4[%dma_wait3A_174, %dma_wait3A_175] : memref<320000x128xf32, #tpu.memory_space<hbm>> -> memref<80x128xf32, #tpu.memory_space<hbm>>
        %dma_wait3A_177 = arith.constant 0 : i32
        %dma_wait3A_178 = arith.constant 0 : i32
        %dma_wait3A_179 = tpu.memref_slice %arg4[%dma_wait3A_177, %dma_wait3A_178] : memref<320000x128xf32, #tpu.memory_space<hbm>> -> memref<80x128xf32, #tpu.memory_space<hbm>>
        tpu.wait_dma2 semaphore(%arg19 : memref<!tpu.dma_semaphore, #tpu.memory_space<semaphore_mem>>) src(%arg9 : memref<80x128xf32, #tpu.memory_space<vmem>>) dst(%dma_wait3A_179 : memref<80x128xf32, #tpu.memory_space<hbm>>)
        %add3A_180 = arith.constant 5 : i32
        %add3A_181 = arith.addi %mul3A_71, %add3A_180 : i32
        %add3A_182 = arith.constant 3 : i32
        %add3A_183 = arith.addi %add3A_181, %add3A_182 : i32
        %mul3A_184 = arith.constant 80 : i32
        %mul3A_185 = arith.muli %add3A_183, %mul3A_184 : i32
        %multiple_of3A_186 = tpu.assume_multiple %mul3A_185, 80 : i32
        %dma_start3A_187 = tpu.memref_slice %arg5[%multiple_of3A_186] : memref<10000xi32, #tpu.memory_space<vmem>> -> memref<80xi32, #tpu.memory_space<vmem>>
        %dma_start3A_188 = arith.constant 0 : i32
        %dma_start3A_189 = arith.constant 0 : i32
        %dma_start3A_190 = tpu.memref_slice %arg2[%dma_start3A_188, %dma_start3A_189] : memref<10000x128xf32, #tpu.memory_space<hbm>> -> memref<10000x128xf32, #tpu.memory_space<hbm>>
        tpu.enqueue_indirect_dma source(%dma_start3A_190 : memref<10000x128xf32, #tpu.memory_space<hbm>>) target(%arg9 : memref<80x128xf32, #tpu.memory_space<vmem>>) offsets(%dma_start3A_187 : memref<80xi32, #tpu.memory_space<vmem>>) semaphore(%arg14 : memref<!tpu.dma_semaphore, #tpu.memory_space<semaphore_mem>>)
      } else {
      }
      %lt3A_169 = arith.constant 24 : i32
      %lt3A_170 = arith.cmpi slt, %add3A_69, %lt3A_169 : i32
      %convert_element_type3A_171 = arith.extui %lt3A_170 : i1 to i32
      %cond3A_172 = arith.constant 0 : i32
      %cond3A_173 = arith.cmpi ne, %convert_element_type3A_171, %cond3A_172 : i32
      scf.if %cond3A_173 {
        %dma_wait3A_174 = arith.constant 0 : i32
        %dma_wait3A_175 = arith.constant 0 : i32
        %dma_wait3A_176 = tpu.memref_slice %arg4[%dma_wait3A_174, %dma_wait3A_175] : memref<320000x128xf32, #tpu.memory_space<hbm>> -> memref<80x128xf32, #tpu.memory_space<hbm>>
        %dma_wait3A_177 = arith.constant 0 : i32
        %dma_wait3A_178 = arith.constant 0 : i32
        %dma_wait3A_179 = tpu.memref_slice %arg4[%dma_wait3A_177, %dma_wait3A_178] : memref<320000x128xf32, #tpu.memory_space<hbm>> -> memref<80x128xf32, #tpu.memory_space<hbm>>
        tpu.wait_dma2 semaphore(%arg20 : memref<!tpu.dma_semaphore, #tpu.memory_space<semaphore_mem>>) src(%arg10 : memref<80x128xf32, #tpu.memory_space<vmem>>) dst(%dma_wait3A_179 : memref<80x128xf32, #tpu.memory_space<hbm>>)
        %add3A_180 = arith.constant 5 : i32
        %add3A_181 = arith.addi %mul3A_71, %add3A_180 : i32
        %add3A_182 = arith.constant 4 : i32
        %add3A_183 = arith.addi %add3A_181, %add3A_182 : i32
        %mul3A_184 = arith.constant 80 : i32
        %mul3A_185 = arith.muli %add3A_183, %mul3A_184 : i32
        %multiple_of3A_186 = tpu.assume_multiple %mul3A_185, 80 : i32
        %dma_start3A_187 = tpu.memref_slice %arg5[%multiple_of3A_186] : memref<10000xi32, #tpu.memory_space<vmem>> -> memref<80xi32, #tpu.memory_space<vmem>>
        %dma_start3A_188 = arith.constant 0 : i32
        %dma_start3A_189 = arith.constant 0 : i32
        %dma_start3A_190 = tpu.memref_slice %arg2[%dma_start3A_188, %dma_start3A_189] : memref<10000x128xf32, #tpu.memory_space<hbm>> -> memref<10000x128xf32, #tpu.memory_space<hbm>>
        tpu.enqueue_indirect_dma source(%dma_start3A_190 : memref<10000x128xf32, #tpu.memory_space<hbm>>) target(%arg10 : memref<80x128xf32, #tpu.memory_space<vmem>>) offsets(%dma_start3A_187 : memref<80xi32, #tpu.memory_space<vmem>>) semaphore(%arg15 : memref<!tpu.dma_semaphore, #tpu.memory_space<semaphore_mem>>)
      } else {
      }
    }
    %scan3A_35 = arith.constant 25 : i32
    %dma_wait3A = arith.constant 0 : i32
    %dma_wait3A_36 = arith.constant 0 : i32
    %dma_wait3A_37 = tpu.memref_slice %arg4[%dma_wait3A, %dma_wait3A_36] : memref<320000x128xf32, #tpu.memory_space<hbm>> -> memref<80x128xf32, #tpu.memory_space<hbm>>
    %dma_wait3A_38 = arith.constant 0 : i32
    %dma_wait3A_39 = arith.constant 0 : i32
    %dma_wait3A_40 = tpu.memref_slice %arg4[%dma_wait3A_38, %dma_wait3A_39] : memref<320000x128xf32, #tpu.memory_space<hbm>> -> memref<80x128xf32, #tpu.memory_space<hbm>>
    tpu.wait_dma2 semaphore(%arg16 : memref<!tpu.dma_semaphore, #tpu.memory_space<semaphore_mem>>) src(%arg6 : memref<80x128xf32, #tpu.memory_space<vmem>>) dst(%dma_wait3A_40 : memref<80x128xf32, #tpu.memory_space<hbm>>)
    %dma_wait3A_41 = arith.constant 0 : i32
    %dma_wait3A_42 = arith.constant 0 : i32
    %dma_wait3A_43 = tpu.memref_slice %arg4[%dma_wait3A_41, %dma_wait3A_42] : memref<320000x128xf32, #tpu.memory_space<hbm>> -> memref<80x128xf32, #tpu.memory_space<hbm>>
    %dma_wait3A_44 = arith.constant 0 : i32
    %dma_wait3A_45 = arith.constant 0 : i32
    %dma_wait3A_46 = tpu.memref_slice %arg4[%dma_wait3A_44, %dma_wait3A_45] : memref<320000x128xf32, #tpu.memory_space<hbm>> -> memref<80x128xf32, #tpu.memory_space<hbm>>
    tpu.wait_dma2 semaphore(%arg17 : memref<!tpu.dma_semaphore, #tpu.memory_space<semaphore_mem>>) src(%arg7 : memref<80x128xf32, #tpu.memory_space<vmem>>) dst(%dma_wait3A_46 : memref<80x128xf32, #tpu.memory_space<hbm>>)
    %dma_wait3A_47 = arith.constant 0 : i32
    %dma_wait3A_48 = arith.constant 0 : i32
    %dma_wait3A_49 = tpu.memref_slice %arg4[%dma_wait3A_47, %dma_wait3A_48] : memref<320000x128xf32, #tpu.memory_space<hbm>> -> memref<80x128xf32, #tpu.memory_space<hbm>>
    %dma_wait3A_50 = arith.constant 0 : i32
    %dma_wait3A_51 = arith.constant 0 : i32
    %dma_wait3A_52 = tpu.memref_slice %arg4[%dma_wait3A_50, %dma_wait3A_51] : memref<320000x128xf32, #tpu.memory_space<hbm>> -> memref<80x128xf32, #tpu.memory_space<hbm>>
    tpu.wait_dma2 semaphore(%arg18 : memref<!tpu.dma_semaphore, #tpu.memory_space<semaphore_mem>>) src(%arg8 : memref<80x128xf32, #tpu.memory_space<vmem>>) dst(%dma_wait3A_52 : memref<80x128xf32, #tpu.memory_space<hbm>>)
    %dma_wait3A_53 = arith.constant 0 : i32
    %dma_wait3A_54 = arith.constant 0 : i32
    %dma_wait3A_55 = tpu.memref_slice %arg4[%dma_wait3A_53, %dma_wait3A_54] : memref<320000x128xf32, #tpu.memory_space<hbm>> -> memref<80x128xf32, #tpu.memory_space<hbm>>
    %dma_wait3A_56 = arith.constant 0 : i32
    %dma_wait3A_57 = arith.constant 0 : i32
    %dma_wait3A_58 = tpu.memref_slice %arg4[%dma_wait3A_56, %dma_wait3A_57] : memref<320000x128xf32, #tpu.memory_space<hbm>> -> memref<80x128xf32, #tpu.memory_space<hbm>>
    tpu.wait_dma2 semaphore(%arg19 : memref<!tpu.dma_semaphore, #tpu.memory_space<semaphore_mem>>) src(%arg9 : memref<80x128xf32, #tpu.memory_space<vmem>>) dst(%dma_wait3A_58 : memref<80x128xf32, #tpu.memory_space<hbm>>)
    %dma_wait3A_59 = arith.constant 0 : i32
    %dma_wait3A_60 = arith.constant 0 : i32
    %dma_wait3A_61 = tpu.memref_slice %arg4[%dma_wait3A_59, %dma_wait3A_60] : memref<320000x128xf32, #tpu.memory_space<hbm>> -> memref<80x128xf32, #tpu.memory_space<hbm>>
    %dma_wait3A_62 = arith.constant 0 : i32
    %dma_wait3A_63 = arith.constant 0 : i32
    %dma_wait3A_64 = tpu.memref_slice %arg4[%dma_wait3A_62, %dma_wait3A_63] : memref<320000x128xf32, #tpu.memory_space<hbm>> -> memref<80x128xf32, #tpu.memory_space<hbm>>
    tpu.wait_dma2 semaphore(%arg20 : memref<!tpu.dma_semaphore, #tpu.memory_space<semaphore_mem>>) src(%arg10 : memref<80x128xf32, #tpu.memory_space<vmem>>) dst(%dma_wait3A_64 : memref<80x128xf32, #tpu.memory_space<hbm>>)
    return
  }
}

#map = affine_map<(d0, d1) -> (0, 0)>
#map1 = affine_map<(d0, d1) -> (0, 0, 0)>
module attributes {stable_mosaic.version = 14 : i64} {
  func.func @sk(%arg0: i32, %arg1: i32, %arg2: memref<160000x128xf32, #tpu.memory_space<hbm>>, %arg3: memref<32x40x128xi32, #tpu.memory_space<hbm>>, %arg4: memref<10000x128xf32, #tpu.memory_space<hbm>>, %arg5: memref<2x10000x128xf32, #tpu.memory_space<hbm>>, %arg6: memref<40x128xi32, #tpu.memory_space<vmem>>, %arg7: memref<128x128xf32, #tpu.memory_space<vmem>>, %arg8: memref<128x128xf32, #tpu.memory_space<vmem>>, %arg9: memref<!tpu.dma_semaphore, #tpu.memory_space<semaphore_mem>>, %arg10: memref<!tpu.dma_semaphore, #tpu.memory_space<semaphore_mem>>, %arg11: memref<!tpu.dma_semaphore, #tpu.memory_space<semaphore_mem>>, %arg12: memref<!tpu.dma_semaphore, #tpu.memory_space<semaphore_mem>>, %arg13: memref<10000x128xf32, #tpu.memory_space<vmem_shared>>) attributes {dimension_semantics = [#tpu.dimension_semantics<core_parallel>, #tpu.dimension_semantics<subcore_parallel>], iteration_bounds = array<i64: 2, 16>, scalar_prefetch = 0 : i64, scratch_operands = 8 : i64, tpu.core_type = #tpu.core_type<sc_vector_subcore>, window_params = [{transform_indices = #map}, {transform_indices = #map1}, {transform_indices = #map}, {transform_indices = #map1}]} {
    %mul3A = arith.constant 16 : i32
    %mul3A_0 = arith.muli %arg0, %mul3A : i32
    %add3A = arith.addi %mul3A_0, %arg1 : i32
    %mul3A_1 = arith.constant 624 : i32
    %mul3A_2 = arith.muli %arg1, %mul3A_1 : i32
    %multiple_of3A = tpu.assume_multiple %mul3A_2, 8 : i32
    "tpu.region"() ({
      %run_scoped3A = tpu.sem_alloc : memref<!tpu.dma_semaphore, #tpu.memory_space<semaphore_mem>>
      %dma_start3A = arith.constant 0 : i32
      %dma_start3A_50 = tpu.memref_slice %arg13[%multiple_of3A, %dma_start3A] : memref<10000x128xf32, #tpu.memory_space<vmem_shared>> -> memref<624x128xf32, #tpu.memory_space<vmem_shared>>
      %dma_start3A_51 = arith.constant 0 : i32
      %dma_start3A_52 = tpu.memref_slice %arg4[%multiple_of3A, %dma_start3A_51] : memref<10000x128xf32, #tpu.memory_space<hbm>> -> memref<624x128xf32, #tpu.memory_space<hbm>>
      tpu.enqueue_dma source(%dma_start3A_52 : memref<624x128xf32, #tpu.memory_space<hbm>>) target(%dma_start3A_50 : memref<624x128xf32, #tpu.memory_space<vmem_shared>>) target_semaphore(%run_scoped3A : memref<!tpu.dma_semaphore, #tpu.memory_space<semaphore_mem>>)
      %dma_wait3A = arith.constant 0 : i32
      %dma_wait3A_53 = tpu.memref_slice %arg13[%multiple_of3A, %dma_wait3A] : memref<10000x128xf32, #tpu.memory_space<vmem_shared>> -> memref<624x128xf32, #tpu.memory_space<vmem_shared>>
      %dma_wait3A_54 = arith.constant 0 : i32
      %dma_wait3A_55 = tpu.memref_slice %arg4[%multiple_of3A, %dma_wait3A_54] : memref<10000x128xf32, #tpu.memory_space<hbm>> -> memref<624x128xf32, #tpu.memory_space<hbm>>
      tpu.wait_dma2 semaphore(%run_scoped3A : memref<!tpu.dma_semaphore, #tpu.memory_space<semaphore_mem>>) src(%dma_wait3A_55 : memref<624x128xf32, #tpu.memory_space<hbm>>) dst(%dma_wait3A_53 : memref<624x128xf32, #tpu.memory_space<vmem_shared>>)
      tpu.yield
    }) : () -> ()
    %eq3A = arith.constant 15 : i32
    %eq3A_3 = arith.cmpi eq, %arg1, %eq3A : i32
    %convert_element_type3A = arith.extui %eq3A_3 : i1 to i32
    %cond3A = arith.constant 0 : i32
    %cond3A_4 = arith.cmpi ne, %convert_element_type3A, %cond3A : i32
    scf.if %cond3A_4 {
      "tpu.region"() ({
        %run_scoped3A = tpu.sem_alloc : memref<!tpu.dma_semaphore, #tpu.memory_space<semaphore_mem>>
        %dma_start3A = arith.constant 9984 : i32
        %dma_start3A_50 = arith.constant 0 : i32
        %dma_start3A_51 = tpu.memref_slice %arg13[%dma_start3A, %dma_start3A_50] : memref<10000x128xf32, #tpu.memory_space<vmem_shared>> -> memref<16x128xf32, #tpu.memory_space<vmem_shared>>
        %dma_start3A_52 = arith.constant 9984 : i32
        %dma_start3A_53 = arith.constant 0 : i32
        %dma_start3A_54 = tpu.memref_slice %arg4[%dma_start3A_52, %dma_start3A_53] : memref<10000x128xf32, #tpu.memory_space<hbm>> -> memref<16x128xf32, #tpu.memory_space<hbm>>
        tpu.enqueue_dma source(%dma_start3A_54 : memref<16x128xf32, #tpu.memory_space<hbm>>) target(%dma_start3A_51 : memref<16x128xf32, #tpu.memory_space<vmem_shared>>) target_semaphore(%run_scoped3A : memref<!tpu.dma_semaphore, #tpu.memory_space<semaphore_mem>>)
        %dma_wait3A = arith.constant 9984 : i32
        %dma_wait3A_55 = arith.constant 0 : i32
        %dma_wait3A_56 = tpu.memref_slice %arg13[%dma_wait3A, %dma_wait3A_55] : memref<10000x128xf32, #tpu.memory_space<vmem_shared>> -> memref<16x128xf32, #tpu.memory_space<vmem_shared>>
        %dma_wait3A_57 = arith.constant 9984 : i32
        %dma_wait3A_58 = arith.constant 0 : i32
        %dma_wait3A_59 = tpu.memref_slice %arg4[%dma_wait3A_57, %dma_wait3A_58] : memref<10000x128xf32, #tpu.memory_space<hbm>> -> memref<16x128xf32, #tpu.memory_space<hbm>>
        tpu.wait_dma2 semaphore(%run_scoped3A : memref<!tpu.dma_semaphore, #tpu.memory_space<semaphore_mem>>) src(%dma_wait3A_59 : memref<16x128xf32, #tpu.memory_space<hbm>>) dst(%dma_wait3A_56 : memref<16x128xf32, #tpu.memory_space<vmem_shared>>)
        tpu.yield
      }) : () -> ()
    } else {
    }
    "tpu.region"() ({
      %run_scoped3A = tpu.sem_alloc : memref<!tpu.dma_semaphore, #tpu.memory_space<semaphore_mem>>
      %dma_start3A = arith.constant 0 : i32
      %dma_start3A_50 = arith.constant 0 : i32
      %dma_start3A_51 = tpu.memref_slice %arg3[%add3A, %dma_start3A, %dma_start3A_50] : memref<32x40x128xi32, #tpu.memory_space<hbm>> -> memref<1x40x128xi32, #tpu.memory_space<hbm>>
      %dma_start3A_52 = tpu.memref_squeeze %dma_start3A_51 : memref<1x40x128xi32, #tpu.memory_space<hbm>> -> memref<40x128xi32, #tpu.memory_space<hbm>>
      %dma_start3A_53 = arith.constant 0 : i32
      %dma_start3A_54 = arith.constant 0 : i32
      %dma_start3A_55 = tpu.memref_slice %arg3[%add3A, %dma_start3A_53, %dma_start3A_54] : memref<32x40x128xi32, #tpu.memory_space<hbm>> -> memref<1x40x128xi32, #tpu.memory_space<hbm>>
      %dma_start3A_56 = tpu.memref_squeeze %dma_start3A_55 : memref<1x40x128xi32, #tpu.memory_space<hbm>> -> memref<40x128xi32, #tpu.memory_space<hbm>>
      tpu.enqueue_dma source(%dma_start3A_56 : memref<40x128xi32, #tpu.memory_space<hbm>>) target(%arg6 : memref<40x128xi32, #tpu.memory_space<vmem>>) target_semaphore(%run_scoped3A : memref<!tpu.dma_semaphore, #tpu.memory_space<semaphore_mem>>)
      %dma_wait3A = arith.constant 0 : i32
      %dma_wait3A_57 = arith.constant 0 : i32
      %dma_wait3A_58 = tpu.memref_slice %arg3[%add3A, %dma_wait3A, %dma_wait3A_57] : memref<32x40x128xi32, #tpu.memory_space<hbm>> -> memref<1x40x128xi32, #tpu.memory_space<hbm>>
      %dma_wait3A_59 = tpu.memref_squeeze %dma_wait3A_58 : memref<1x40x128xi32, #tpu.memory_space<hbm>> -> memref<40x128xi32, #tpu.memory_space<hbm>>
      %dma_wait3A_60 = arith.constant 0 : i32
      %dma_wait3A_61 = arith.constant 0 : i32
      %dma_wait3A_62 = tpu.memref_slice %arg3[%add3A, %dma_wait3A_60, %dma_wait3A_61] : memref<32x40x128xi32, #tpu.memory_space<hbm>> -> memref<1x40x128xi32, #tpu.memory_space<hbm>>
      %dma_wait3A_63 = tpu.memref_squeeze %dma_wait3A_62 : memref<1x40x128xi32, #tpu.memory_space<hbm>> -> memref<40x128xi32, #tpu.memory_space<hbm>>
      tpu.wait_dma2 semaphore(%run_scoped3A : memref<!tpu.dma_semaphore, #tpu.memory_space<semaphore_mem>>) src(%dma_wait3A_63 : memref<40x128xi32, #tpu.memory_space<hbm>>) dst(%arg6 : memref<40x128xi32, #tpu.memory_space<vmem>>)
      tpu.yield
    }) : () -> ()
    %barrier3A = arith.constant 0 : index
    tpu.barrier barrier_id(%barrier3A)
    %mul3A_5 = arith.constant 40 : i32
    %mul3A_6 = arith.muli %add3A, %mul3A_5 : i32
    %add3A_7 = arith.constant 0 : i32
    %add3A_8 = arith.addi %mul3A_6, %add3A_7 : i32
    %lt3A = arith.constant 1250 : i32
    %lt3A_9 = arith.cmpi slt, %add3A_8, %lt3A : i32
    %convert_element_type3A_10 = arith.extui %lt3A_9 : i1 to i32
    %cond3A_11 = arith.constant 0 : i32
    %cond3A_12 = arith.cmpi ne, %convert_element_type3A_10, %cond3A_11 : i32
    scf.if %cond3A_12 {
      %mul3A_50 = arith.constant 40 : i32
      %mul3A_51 = arith.muli %add3A, %mul3A_50 : i32
      %add3A_52 = arith.constant 0 : i32
      %add3A_53 = arith.addi %mul3A_51, %add3A_52 : i32
      %mul3A_54 = arith.constant 128 : i32
      %mul3A_55 = arith.muli %add3A_53, %mul3A_54 : i32
      %multiple_of3A_56 = tpu.assume_multiple %mul3A_55, 128 : i32
      %dma_start3A = arith.constant 0 : i32
      %dma_start3A_57 = tpu.memref_slice %arg2[%multiple_of3A_56, %dma_start3A] : memref<160000x128xf32, #tpu.memory_space<hbm>> -> memref<128x128xf32, #tpu.memory_space<hbm>>
      %dma_start3A_58 = arith.constant 0 : i32
      %dma_start3A_59 = tpu.memref_slice %arg2[%multiple_of3A_56, %dma_start3A_58] : memref<160000x128xf32, #tpu.memory_space<hbm>> -> memref<128x128xf32, #tpu.memory_space<hbm>>
      tpu.enqueue_dma source(%dma_start3A_59 : memref<128x128xf32, #tpu.memory_space<hbm>>) target(%arg7 : memref<128x128xf32, #tpu.memory_space<vmem>>) target_semaphore(%arg9 : memref<!tpu.dma_semaphore, #tpu.memory_space<semaphore_mem>>)
    } else {
    }
    %mul3A_13 = arith.constant 40 : i32
    %mul3A_14 = arith.muli %add3A, %mul3A_13 : i32
    %add3A_15 = arith.constant 1 : i32
    %add3A_16 = arith.addi %mul3A_14, %add3A_15 : i32
    %lt3A_17 = arith.constant 1250 : i32
    %lt3A_18 = arith.cmpi slt, %add3A_16, %lt3A_17 : i32
    %convert_element_type3A_19 = arith.extui %lt3A_18 : i1 to i32
    %cond3A_20 = arith.constant 0 : i32
    %cond3A_21 = arith.cmpi ne, %convert_element_type3A_19, %cond3A_20 : i32
    scf.if %cond3A_21 {
      %mul3A_50 = arith.constant 40 : i32
      %mul3A_51 = arith.muli %add3A, %mul3A_50 : i32
      %add3A_52 = arith.constant 1 : i32
      %add3A_53 = arith.addi %mul3A_51, %add3A_52 : i32
      %mul3A_54 = arith.constant 128 : i32
      %mul3A_55 = arith.muli %add3A_53, %mul3A_54 : i32
      %multiple_of3A_56 = tpu.assume_multiple %mul3A_55, 128 : i32
      %dma_start3A = arith.constant 0 : i32
      %dma_start3A_57 = tpu.memref_slice %arg2[%multiple_of3A_56, %dma_start3A] : memref<160000x128xf32, #tpu.memory_space<hbm>> -> memref<128x128xf32, #tpu.memory_space<hbm>>
      %dma_start3A_58 = arith.constant 0 : i32
      %dma_start3A_59 = tpu.memref_slice %arg2[%multiple_of3A_56, %dma_start3A_58] : memref<160000x128xf32, #tpu.memory_space<hbm>> -> memref<128x128xf32, #tpu.memory_space<hbm>>
      tpu.enqueue_dma source(%dma_start3A_59 : memref<128x128xf32, #tpu.memory_space<hbm>>) target(%arg8 : memref<128x128xf32, #tpu.memory_space<vmem>>) target_semaphore(%arg10 : memref<!tpu.dma_semaphore, #tpu.memory_space<semaphore_mem>>)
    } else {
    }
    %scan3A = arith.constant 0 : i32
    %scan3A_22 = arith.constant 20 : i32
    %scan3A_23 = arith.addi %scan3A, %scan3A_22 : i32
    %scan3A_24 = arith.constant 1 : i32
    scf.for %scan3A_50 = %scan3A to %scan3A_23 step %scan3A_24  : i32 {
      %mul3A_51 = arith.constant 1 : i32
      %mul3A_52 = arith.muli %scan3A_50, %mul3A_51 : i32
      %add3A_53 = arith.constant 0 : i32
      %add3A_54 = arith.addi %add3A_53, %mul3A_52 : i32
      %mul3A_55 = arith.constant 2 : i32
      %mul3A_56 = arith.muli %add3A_54, %mul3A_55 : i32
      %add3A_57 = arith.constant 0 : i32
      %add3A_58 = arith.addi %mul3A_56, %add3A_57 : i32
      %mul3A_59 = arith.constant 40 : i32
      %mul3A_60 = arith.muli %add3A, %mul3A_59 : i32
      %add3A_61 = arith.addi %mul3A_60, %add3A_58 : i32
      %lt3A_62 = arith.constant 1250 : i32
      %lt3A_63 = arith.cmpi slt, %add3A_61, %lt3A_62 : i32
      %convert_element_type3A_64 = arith.extui %lt3A_63 : i1 to i32
      %cond3A_65 = arith.constant 0 : i32
      %cond3A_66 = arith.cmpi ne, %convert_element_type3A_64, %cond3A_65 : i32
      scf.if %cond3A_66 {
        %dma_wait3A = arith.constant 0 : i32
        %dma_wait3A_107 = arith.constant 0 : i32
        %dma_wait3A_108 = tpu.memref_slice %arg2[%dma_wait3A, %dma_wait3A_107] : memref<160000x128xf32, #tpu.memory_space<hbm>> -> memref<128x128xf32, #tpu.memory_space<hbm>>
        %dma_wait3A_109 = arith.constant 0 : i32
        %dma_wait3A_110 = arith.constant 0 : i32
        %dma_wait3A_111 = tpu.memref_slice %arg2[%dma_wait3A_109, %dma_wait3A_110] : memref<160000x128xf32, #tpu.memory_space<hbm>> -> memref<128x128xf32, #tpu.memory_space<hbm>>
        tpu.wait_dma2 semaphore(%arg9 : memref<!tpu.dma_semaphore, #tpu.memory_space<semaphore_mem>>) src(%dma_wait3A_111 : memref<128x128xf32, #tpu.memory_space<hbm>>) dst(%arg7 : memref<128x128xf32, #tpu.memory_space<vmem>>)
      } else {
      }
      %add3A_67 = arith.constant 0 : i32
      %add3A_68 = arith.addi %mul3A_56, %add3A_67 : i32
      %mul3A_69 = arith.constant 40 : i32
      %mul3A_70 = arith.muli %add3A, %mul3A_69 : i32
      %add3A_71 = arith.addi %mul3A_70, %add3A_68 : i32
      %lt3A_72 = arith.constant 1250 : i32
      %lt3A_73 = arith.cmpi slt, %add3A_71, %lt3A_72 : i32
      %convert_element_type3A_74 = arith.extui %lt3A_73 : i1 to i32
      %cond3A_75 = arith.constant 0 : i32
      %cond3A_76 = arith.cmpi ne, %convert_element_type3A_74, %cond3A_75 : i32
      scf.if %cond3A_76 {
        %dma_start3A = arith.constant 0 : i32
        %dma_start3A_107 = tpu.memref_slice %arg6[%add3A_68, %dma_start3A] : memref<40x128xi32, #tpu.memory_space<vmem>> -> memref<1x128xi32, #tpu.memory_space<vmem>>
        %dma_start3A_108 = tpu.memref_squeeze %dma_start3A_107 : memref<1x128xi32, #tpu.memory_space<vmem>> -> memref<128xi32, #tpu.memory_space<vmem>>
        %dma_start3A_109 = arith.constant 0 : i32
        %dma_start3A_110 = arith.constant 0 : i32
        %dma_start3A_111 = tpu.memref_slice %arg13[%dma_start3A_109, %dma_start3A_110] : memref<10000x128xf32, #tpu.memory_space<vmem_shared>> -> memref<10000x128xf32, #tpu.memory_space<vmem_shared>>
        tpu.enqueue_indirect_dma source(%arg7 : memref<128x128xf32, #tpu.memory_space<vmem>>) target(%dma_start3A_111 : memref<10000x128xf32, #tpu.memory_space<vmem_shared>>) offsets(%dma_start3A_108 : memref<128xi32, #tpu.memory_space<vmem>>) semaphore(%arg11 : memref<!tpu.dma_semaphore, #tpu.memory_space<semaphore_mem>>) {add = true}
      } else {
      }
      %add3A_77 = arith.constant 1 : i32
      %add3A_78 = arith.addi %mul3A_56, %add3A_77 : i32
      %mul3A_79 = arith.constant 40 : i32
      %mul3A_80 = arith.muli %add3A, %mul3A_79 : i32
      %add3A_81 = arith.addi %mul3A_80, %add3A_78 : i32
      %lt3A_82 = arith.constant 1250 : i32
      %lt3A_83 = arith.cmpi slt, %add3A_81, %lt3A_82 : i32
      %convert_element_type3A_84 = arith.extui %lt3A_83 : i1 to i32
      %cond3A_85 = arith.constant 0 : i32
      %cond3A_86 = arith.cmpi ne, %convert_element_type3A_84, %cond3A_85 : i32
      scf.if %cond3A_86 {
        %dma_wait3A = arith.constant 0 : i32
        %dma_wait3A_107 = arith.constant 0 : i32
        %dma_wait3A_108 = tpu.memref_slice %arg2[%dma_wait3A, %dma_wait3A_107] : memref<160000x128xf32, #tpu.memory_space<hbm>> -> memref<128x128xf32, #tpu.memory_space<hbm>>
        %dma_wait3A_109 = arith.constant 0 : i32
        %dma_wait3A_110 = arith.constant 0 : i32
        %dma_wait3A_111 = tpu.memref_slice %arg2[%dma_wait3A_109, %dma_wait3A_110] : memref<160000x128xf32, #tpu.memory_space<hbm>> -> memref<128x128xf32, #tpu.memory_space<hbm>>
        tpu.wait_dma2 semaphore(%arg10 : memref<!tpu.dma_semaphore, #tpu.memory_space<semaphore_mem>>) src(%dma_wait3A_111 : memref<128x128xf32, #tpu.memory_space<hbm>>) dst(%arg8 : memref<128x128xf32, #tpu.memory_space<vmem>>)
      } else {
      }
      %add3A_87 = arith.constant 1 : i32
      %add3A_88 = arith.addi %mul3A_56, %add3A_87 : i32
      %mul3A_89 = arith.constant 40 : i32
      %mul3A_90 = arith.muli %add3A, %mul3A_89 : i32
      %add3A_91 = arith.addi %mul3A_90, %add3A_88 : i32
      %lt3A_92 = arith.constant 1250 : i32
      %lt3A_93 = arith.cmpi slt, %add3A_91, %lt3A_92 : i32
      %convert_element_type3A_94 = arith.extui %lt3A_93 : i1 to i32
      %cond3A_95 = arith.constant 0 : i32
      %cond3A_96 = arith.cmpi ne, %convert_element_type3A_94, %cond3A_95 : i32
      scf.if %cond3A_96 {
        %dma_start3A = arith.constant 0 : i32
        %dma_start3A_107 = tpu.memref_slice %arg6[%add3A_88, %dma_start3A] : memref<40x128xi32, #tpu.memory_space<vmem>> -> memref<1x128xi32, #tpu.memory_space<vmem>>
        %dma_start3A_108 = tpu.memref_squeeze %dma_start3A_107 : memref<1x128xi32, #tpu.memory_space<vmem>> -> memref<128xi32, #tpu.memory_space<vmem>>
        %dma_start3A_109 = arith.constant 0 : i32
        %dma_start3A_110 = arith.constant 0 : i32
        %dma_start3A_111 = tpu.memref_slice %arg13[%dma_start3A_109, %dma_start3A_110] : memref<10000x128xf32, #tpu.memory_space<vmem_shared>> -> memref<10000x128xf32, #tpu.memory_space<vmem_shared>>
        tpu.enqueue_indirect_dma source(%arg8 : memref<128x128xf32, #tpu.memory_space<vmem>>) target(%dma_start3A_111 : memref<10000x128xf32, #tpu.memory_space<vmem_shared>>) offsets(%dma_start3A_108 : memref<128xi32, #tpu.memory_space<vmem>>) semaphore(%arg12 : memref<!tpu.dma_semaphore, #tpu.memory_space<semaphore_mem>>) {add = true}
      } else {
      }
      %lt3A_97 = arith.constant 19 : i32
      %lt3A_98 = arith.cmpi slt, %add3A_54, %lt3A_97 : i32
      %convert_element_type3A_99 = arith.extui %lt3A_98 : i1 to i32
      %cond3A_100 = arith.constant 0 : i32
      %cond3A_101 = arith.cmpi ne, %convert_element_type3A_99, %cond3A_100 : i32
      scf.if %cond3A_101 {
        %add3A_107 = arith.constant 0 : i32
        %add3A_108 = arith.addi %mul3A_56, %add3A_107 : i32
        %mul3A_109 = arith.constant 40 : i32
        %mul3A_110 = arith.muli %add3A, %mul3A_109 : i32
        %add3A_111 = arith.addi %mul3A_110, %add3A_108 : i32
        %lt3A_112 = arith.constant 1250 : i32
        %lt3A_113 = arith.cmpi slt, %add3A_111, %lt3A_112 : i32
        %convert_element_type3A_114 = arith.extui %lt3A_113 : i1 to i32
        %cond3A_115 = arith.constant 0 : i32
        %cond3A_116 = arith.cmpi ne, %convert_element_type3A_114, %cond3A_115 : i32
        scf.if %cond3A_116 {
          %dma_wait3A = arith.constant 0 : i32
          %dma_wait3A_129 = arith.constant 0 : i32
          %dma_wait3A_130 = tpu.memref_slice %arg2[%dma_wait3A, %dma_wait3A_129] : memref<160000x128xf32, #tpu.memory_space<hbm>> -> memref<128x128xf32, #tpu.memory_space<hbm>>
          %dma_wait3A_131 = arith.constant 0 : i32
          %dma_wait3A_132 = arith.constant 0 : i32
          %dma_wait3A_133 = tpu.memref_slice %arg2[%dma_wait3A_131, %dma_wait3A_132] : memref<160000x128xf32, #tpu.memory_space<hbm>> -> memref<128x128xf32, #tpu.memory_space<hbm>>
          tpu.wait_dma2 semaphore(%arg11 : memref<!tpu.dma_semaphore, #tpu.memory_space<semaphore_mem>>) src(%dma_wait3A_133 : memref<128x128xf32, #tpu.memory_space<hbm>>) dst(%arg7 : memref<128x128xf32, #tpu.memory_space<vmem>>)
        } else {
        }
        %add3A_117 = arith.constant 2 : i32
        %add3A_118 = arith.addi %mul3A_56, %add3A_117 : i32
        %add3A_119 = arith.constant 0 : i32
        %add3A_120 = arith.addi %add3A_118, %add3A_119 : i32
        %mul3A_121 = arith.constant 40 : i32
        %mul3A_122 = arith.muli %add3A, %mul3A_121 : i32
        %add3A_123 = arith.addi %mul3A_122, %add3A_120 : i32
        %lt3A_124 = arith.constant 1250 : i32
        %lt3A_125 = arith.cmpi slt, %add3A_123, %lt3A_124 : i32
        %convert_element_type3A_126 = arith.extui %lt3A_125 : i1 to i32
        %cond3A_127 = arith.constant 0 : i32
        %cond3A_128 = arith.cmpi ne, %convert_element_type3A_126, %cond3A_127 : i32
        scf.if %cond3A_128 {
          %mul3A_129 = arith.constant 40 : i32
          %mul3A_130 = arith.muli %add3A, %mul3A_129 : i32
          %add3A_131 = arith.addi %mul3A_130, %add3A_120 : i32
          %mul3A_132 = arith.constant 128 : i32
          %mul3A_133 = arith.muli %add3A_131, %mul3A_132 : i32
          %multiple_of3A_134 = tpu.assume_multiple %mul3A_133, 128 : i32
          %dma_start3A = arith.constant 0 : i32
          %dma_start3A_135 = tpu.memref_slice %arg2[%multiple_of3A_134, %dma_start3A] : memref<160000x128xf32, #tpu.memory_space<hbm>> -> memref<128x128xf32, #tpu.memory_space<hbm>>
          %dma_start3A_136 = arith.constant 0 : i32
          %dma_start3A_137 = tpu.memref_slice %arg2[%multiple_of3A_134, %dma_start3A_136] : memref<160000x128xf32, #tpu.memory_space<hbm>> -> memref<128x128xf32, #tpu.memory_space<hbm>>
          tpu.enqueue_dma source(%dma_start3A_137 : memref<128x128xf32, #tpu.memory_space<hbm>>) target(%arg7 : memref<128x128xf32, #tpu.memory_space<vmem>>) target_semaphore(%arg9 : memref<!tpu.dma_semaphore, #tpu.memory_space<semaphore_mem>>)
        } else {
        }
      } else {
      }
      %lt3A_102 = arith.constant 19 : i32
      %lt3A_103 = arith.cmpi slt, %add3A_54, %lt3A_102 : i32
      %convert_element_type3A_104 = arith.extui %lt3A_103 : i1 to i32
      %cond3A_105 = arith.constant 0 : i32
      %cond3A_106 = arith.cmpi ne, %convert_element_type3A_104, %cond3A_105 : i32
      scf.if %cond3A_106 {
        %add3A_107 = arith.constant 1 : i32
        %add3A_108 = arith.addi %mul3A_56, %add3A_107 : i32
        %mul3A_109 = arith.constant 40 : i32
        %mul3A_110 = arith.muli %add3A, %mul3A_109 : i32
        %add3A_111 = arith.addi %mul3A_110, %add3A_108 : i32
        %lt3A_112 = arith.constant 1250 : i32
        %lt3A_113 = arith.cmpi slt, %add3A_111, %lt3A_112 : i32
        %convert_element_type3A_114 = arith.extui %lt3A_113 : i1 to i32
        %cond3A_115 = arith.constant 0 : i32
        %cond3A_116 = arith.cmpi ne, %convert_element_type3A_114, %cond3A_115 : i32
        scf.if %cond3A_116 {
          %dma_wait3A = arith.constant 0 : i32
          %dma_wait3A_129 = arith.constant 0 : i32
          %dma_wait3A_130 = tpu.memref_slice %arg2[%dma_wait3A, %dma_wait3A_129] : memref<160000x128xf32, #tpu.memory_space<hbm>> -> memref<128x128xf32, #tpu.memory_space<hbm>>
          %dma_wait3A_131 = arith.constant 0 : i32
          %dma_wait3A_132 = arith.constant 0 : i32
          %dma_wait3A_133 = tpu.memref_slice %arg2[%dma_wait3A_131, %dma_wait3A_132] : memref<160000x128xf32, #tpu.memory_space<hbm>> -> memref<128x128xf32, #tpu.memory_space<hbm>>
          tpu.wait_dma2 semaphore(%arg12 : memref<!tpu.dma_semaphore, #tpu.memory_space<semaphore_mem>>) src(%dma_wait3A_133 : memref<128x128xf32, #tpu.memory_space<hbm>>) dst(%arg8 : memref<128x128xf32, #tpu.memory_space<vmem>>)
        } else {
        }
        %add3A_117 = arith.constant 2 : i32
        %add3A_118 = arith.addi %mul3A_56, %add3A_117 : i32
        %add3A_119 = arith.constant 1 : i32
        %add3A_120 = arith.addi %add3A_118, %add3A_119 : i32
        %mul3A_121 = arith.constant 40 : i32
        %mul3A_122 = arith.muli %add3A, %mul3A_121 : i32
        %add3A_123 = arith.addi %mul3A_122, %add3A_120 : i32
        %lt3A_124 = arith.constant 1250 : i32
        %lt3A_125 = arith.cmpi slt, %add3A_123, %lt3A_124 : i32
        %convert_element_type3A_126 = arith.extui %lt3A_125 : i1 to i32
        %cond3A_127 = arith.constant 0 : i32
        %cond3A_128 = arith.cmpi ne, %convert_element_type3A_126, %cond3A_127 : i32
        scf.if %cond3A_128 {
          %mul3A_129 = arith.constant 40 : i32
          %mul3A_130 = arith.muli %add3A, %mul3A_129 : i32
          %add3A_131 = arith.addi %mul3A_130, %add3A_120 : i32
          %mul3A_132 = arith.constant 128 : i32
          %mul3A_133 = arith.muli %add3A_131, %mul3A_132 : i32
          %multiple_of3A_134 = tpu.assume_multiple %mul3A_133, 128 : i32
          %dma_start3A = arith.constant 0 : i32
          %dma_start3A_135 = tpu.memref_slice %arg2[%multiple_of3A_134, %dma_start3A] : memref<160000x128xf32, #tpu.memory_space<hbm>> -> memref<128x128xf32, #tpu.memory_space<hbm>>
          %dma_start3A_136 = arith.constant 0 : i32
          %dma_start3A_137 = tpu.memref_slice %arg2[%multiple_of3A_134, %dma_start3A_136] : memref<160000x128xf32, #tpu.memory_space<hbm>> -> memref<128x128xf32, #tpu.memory_space<hbm>>
          tpu.enqueue_dma source(%dma_start3A_137 : memref<128x128xf32, #tpu.memory_space<hbm>>) target(%arg8 : memref<128x128xf32, #tpu.memory_space<vmem>>) target_semaphore(%arg10 : memref<!tpu.dma_semaphore, #tpu.memory_space<semaphore_mem>>)
        } else {
        }
      } else {
      }
    }
    %scan3A_25 = arith.constant 20 : i32
    %mul3A_26 = arith.constant 40 : i32
    %mul3A_27 = arith.muli %add3A, %mul3A_26 : i32
    %add3A_28 = arith.constant 38 : i32
    %add3A_29 = arith.addi %mul3A_27, %add3A_28 : i32
    %lt3A_30 = arith.constant 1250 : i32
    %lt3A_31 = arith.cmpi slt, %add3A_29, %lt3A_30 : i32
    %convert_element_type3A_32 = arith.extui %lt3A_31 : i1 to i32
    %cond3A_33 = arith.constant 0 : i32
    %cond3A_34 = arith.cmpi ne, %convert_element_type3A_32, %cond3A_33 : i32
    scf.if %cond3A_34 {
      %dma_wait3A = arith.constant 0 : i32
      %dma_wait3A_50 = arith.constant 0 : i32
      %dma_wait3A_51 = tpu.memref_slice %arg2[%dma_wait3A, %dma_wait3A_50] : memref<160000x128xf32, #tpu.memory_space<hbm>> -> memref<128x128xf32, #tpu.memory_space<hbm>>
      %dma_wait3A_52 = arith.constant 0 : i32
      %dma_wait3A_53 = arith.constant 0 : i32
      %dma_wait3A_54 = tpu.memref_slice %arg2[%dma_wait3A_52, %dma_wait3A_53] : memref<160000x128xf32, #tpu.memory_space<hbm>> -> memref<128x128xf32, #tpu.memory_space<hbm>>
      tpu.wait_dma2 semaphore(%arg11 : memref<!tpu.dma_semaphore, #tpu.memory_space<semaphore_mem>>) src(%dma_wait3A_54 : memref<128x128xf32, #tpu.memory_space<hbm>>) dst(%arg7 : memref<128x128xf32, #tpu.memory_space<vmem>>)
    } else {
    }
    %mul3A_35 = arith.constant 40 : i32
    %mul3A_36 = arith.muli %add3A, %mul3A_35 : i32
    %add3A_37 = arith.constant 39 : i32
    %add3A_38 = arith.addi %mul3A_36, %add3A_37 : i32
    %lt3A_39 = arith.constant 1250 : i32
    %lt3A_40 = arith.cmpi slt, %add3A_38, %lt3A_39 : i32
    %convert_element_type3A_41 = arith.extui %lt3A_40 : i1 to i32
    %cond3A_42 = arith.constant 0 : i32
    %cond3A_43 = arith.cmpi ne, %convert_element_type3A_41, %cond3A_42 : i32
    scf.if %cond3A_43 {
      %dma_wait3A = arith.constant 0 : i32
      %dma_wait3A_50 = arith.constant 0 : i32
      %dma_wait3A_51 = tpu.memref_slice %arg2[%dma_wait3A, %dma_wait3A_50] : memref<160000x128xf32, #tpu.memory_space<hbm>> -> memref<128x128xf32, #tpu.memory_space<hbm>>
      %dma_wait3A_52 = arith.constant 0 : i32
      %dma_wait3A_53 = arith.constant 0 : i32
      %dma_wait3A_54 = tpu.memref_slice %arg2[%dma_wait3A_52, %dma_wait3A_53] : memref<160000x128xf32, #tpu.memory_space<hbm>> -> memref<128x128xf32, #tpu.memory_space<hbm>>
      tpu.wait_dma2 semaphore(%arg12 : memref<!tpu.dma_semaphore, #tpu.memory_space<semaphore_mem>>) src(%dma_wait3A_54 : memref<128x128xf32, #tpu.memory_space<hbm>>) dst(%arg8 : memref<128x128xf32, #tpu.memory_space<vmem>>)
    } else {
    }
    %barrier3A_44 = arith.constant 0 : index
    tpu.barrier barrier_id(%barrier3A_44)
    "tpu.region"() ({
      %run_scoped3A = tpu.sem_alloc : memref<!tpu.dma_semaphore, #tpu.memory_space<semaphore_mem>>
      %dma_start3A = arith.constant 0 : i32
      %dma_start3A_50 = tpu.memref_slice %arg5[%arg0, %multiple_of3A, %dma_start3A] : memref<2x10000x128xf32, #tpu.memory_space<hbm>> -> memref<1x624x128xf32, #tpu.memory_space<hbm>>
      %dma_start3A_51 = tpu.memref_squeeze %dma_start3A_50 : memref<1x624x128xf32, #tpu.memory_space<hbm>> -> memref<624x128xf32, #tpu.memory_space<hbm>>
      %dma_start3A_52 = arith.constant 0 : i32
      %dma_start3A_53 = tpu.memref_slice %arg13[%multiple_of3A, %dma_start3A_52] : memref<10000x128xf32, #tpu.memory_space<vmem_shared>> -> memref<624x128xf32, #tpu.memory_space<vmem_shared>>
      tpu.enqueue_dma source(%dma_start3A_53 : memref<624x128xf32, #tpu.memory_space<vmem_shared>>) target(%dma_start3A_51 : memref<624x128xf32, #tpu.memory_space<hbm>>) target_semaphore(%run_scoped3A : memref<!tpu.dma_semaphore, #tpu.memory_space<semaphore_mem>>)
      %dma_wait3A = arith.constant 0 : i32
      %dma_wait3A_54 = tpu.memref_slice %arg5[%arg0, %multiple_of3A, %dma_wait3A] : memref<2x10000x128xf32, #tpu.memory_space<hbm>> -> memref<1x624x128xf32, #tpu.memory_space<hbm>>
      %dma_wait3A_55 = tpu.memref_squeeze %dma_wait3A_54 : memref<1x624x128xf32, #tpu.memory_space<hbm>> -> memref<624x128xf32, #tpu.memory_space<hbm>>
      %dma_wait3A_56 = arith.constant 0 : i32
      %dma_wait3A_57 = tpu.memref_slice %arg13[%multiple_of3A, %dma_wait3A_56] : memref<10000x128xf32, #tpu.memory_space<vmem_shared>> -> memref<624x128xf32, #tpu.memory_space<vmem_shared>>
      tpu.wait_dma2 semaphore(%run_scoped3A : memref<!tpu.dma_semaphore, #tpu.memory_space<semaphore_mem>>) src(%dma_wait3A_57 : memref<624x128xf32, #tpu.memory_space<vmem_shared>>) dst(%dma_wait3A_55 : memref<624x128xf32, #tpu.memory_space<hbm>>)
      tpu.yield
    }) : () -> ()
    %eq3A_45 = arith.constant 15 : i32
    %eq3A_46 = arith.cmpi eq, %arg1, %eq3A_45 : i32
    %convert_element_type3A_47 = arith.extui %eq3A_46 : i1 to i32
    %cond3A_48 = arith.constant 0 : i32
    %cond3A_49 = arith.cmpi ne, %convert_element_type3A_47, %cond3A_48 : i32
    scf.if %cond3A_49 {
      "tpu.region"() ({
        %run_scoped3A = tpu.sem_alloc : memref<!tpu.dma_semaphore, #tpu.memory_space<semaphore_mem>>
        %dma_start3A = arith.constant 9984 : i32
        %dma_start3A_50 = arith.constant 0 : i32
        %dma_start3A_51 = tpu.memref_slice %arg5[%arg0, %dma_start3A, %dma_start3A_50] : memref<2x10000x128xf32, #tpu.memory_space<hbm>> -> memref<1x16x128xf32, #tpu.memory_space<hbm>>
        %dma_start3A_52 = tpu.memref_squeeze %dma_start3A_51 : memref<1x16x128xf32, #tpu.memory_space<hbm>> -> memref<16x128xf32, #tpu.memory_space<hbm>>
        %dma_start3A_53 = arith.constant 9984 : i32
        %dma_start3A_54 = arith.constant 0 : i32
        %dma_start3A_55 = tpu.memref_slice %arg13[%dma_start3A_53, %dma_start3A_54] : memref<10000x128xf32, #tpu.memory_space<vmem_shared>> -> memref<16x128xf32, #tpu.memory_space<vmem_shared>>
        tpu.enqueue_dma source(%dma_start3A_55 : memref<16x128xf32, #tpu.memory_space<vmem_shared>>) target(%dma_start3A_52 : memref<16x128xf32, #tpu.memory_space<hbm>>) target_semaphore(%run_scoped3A : memref<!tpu.dma_semaphore, #tpu.memory_space<semaphore_mem>>)
        %dma_wait3A = arith.constant 9984 : i32
        %dma_wait3A_56 = arith.constant 0 : i32
        %dma_wait3A_57 = tpu.memref_slice %arg5[%arg0, %dma_wait3A, %dma_wait3A_56] : memref<2x10000x128xf32, #tpu.memory_space<hbm>> -> memref<1x16x128xf32, #tpu.memory_space<hbm>>
        %dma_wait3A_58 = tpu.memref_squeeze %dma_wait3A_57 : memref<1x16x128xf32, #tpu.memory_space<hbm>> -> memref<16x128xf32, #tpu.memory_space<hbm>>
        %dma_wait3A_59 = arith.constant 9984 : i32
        %dma_wait3A_60 = arith.constant 0 : i32
        %dma_wait3A_61 = tpu.memref_slice %arg13[%dma_wait3A_59, %dma_wait3A_60] : memref<10000x128xf32, #tpu.memory_space<vmem_shared>> -> memref<16x128xf32, #tpu.memory_space<vmem_shared>>
        tpu.wait_dma2 semaphore(%run_scoped3A : memref<!tpu.dma_semaphore, #tpu.memory_space<semaphore_mem>>) src(%dma_wait3A_61 : memref<16x128xf32, #tpu.memory_space<vmem_shared>>) dst(%dma_wait3A_58 : memref<16x128xf32, #tpu.memory_space<hbm>>)
        tpu.yield
      }) : () -> ()
    } else {
    }
    return
  }
}

#map = affine_map<(d0, d1) -> (0, 0)>
#map1 = affine_map<(d0, d1) -> (0)>
module attributes {stable_mosaic.version = 14 : i64} {
  func.func @gk(%arg0: i32, %arg1: i32, %arg2: memref<10000x128xf32, #tpu.memory_space<hbm>>, %arg3: memref<320000xi32, #tpu.memory_space<hbm>>, %arg4: memref<320000x128xf32, #tpu.memory_space<hbm>>, %arg5: memref<10000xi32, #tpu.memory_space<vmem>>, %arg6: memref<80x128xf32, #tpu.memory_space<vmem>>, %arg7: memref<80x128xf32, #tpu.memory_space<vmem>>, %arg8: memref<80x128xf32, #tpu.memory_space<vmem>>, %arg9: memref<80x128xf32, #tpu.memory_space<vmem>>, %arg10: memref<80x128xf32, #tpu.memory_space<vmem>>, %arg11: memref<!tpu.dma_semaphore, #tpu.memory_space<semaphore_mem>>, %arg12: memref<!tpu.dma_semaphore, #tpu.memory_space<semaphore_mem>>, %arg13: memref<!tpu.dma_semaphore, #tpu.memory_space<semaphore_mem>>, %arg14: memref<!tpu.dma_semaphore, #tpu.memory_space<semaphore_mem>>, %arg15: memref<!tpu.dma_semaphore, #tpu.memory_space<semaphore_mem>>, %arg16: memref<!tpu.dma_semaphore, #tpu.memory_space<semaphore_mem>>, %arg17: memref<!tpu.dma_semaphore, #tpu.memory_space<semaphore_mem>>, %arg18: memref<!tpu.dma_semaphore, #tpu.memory_space<semaphore_mem>>, %arg19: memref<!tpu.dma_semaphore, #tpu.memory_space<semaphore_mem>>, %arg20: memref<!tpu.dma_semaphore, #tpu.memory_space<semaphore_mem>>) attributes {dimension_semantics = [#tpu.dimension_semantics<core_parallel>, #tpu.dimension_semantics<subcore_parallel>], iteration_bounds = array<i64: 2, 16>, scalar_prefetch = 0 : i64, scratch_operands = 16 : i64, tpu.core_type = #tpu.core_type<sc_vector_subcore>, window_params = [{transform_indices = #map}, {transform_indices = #map1}, {transform_indices = #map}]} {
    %mul3A = arith.constant 2 : i32
    %mul3A_0 = arith.muli %arg1, %mul3A : i32
    %add3A = arith.addi %mul3A_0, %arg0 : i32
    %mul3A_1 = arith.constant 10000 : i32
    %mul3A_2 = arith.muli %add3A, %mul3A_1 : i32
    %multiple_of3A = tpu.assume_multiple %mul3A_2, 80 : i32
    "tpu.region"() ({
      %run_scoped3A = tpu.sem_alloc : memref<!tpu.dma_semaphore, #tpu.memory_space<semaphore_mem>>
      %dma_start3A_65 = tpu.memref_slice %arg3[%multiple_of3A] : memref<320000xi32, #tpu.memory_space<hbm>> -> memref<10000xi32, #tpu.memory_space<hbm>>
      %dma_start3A_66 = tpu.memref_slice %arg3[%multiple_of3A] : memref<320000xi32, #tpu.memory_space<hbm>> -> memref<10000xi32, #tpu.memory_space<hbm>>
      tpu.enqueue_dma source(%dma_start3A_66 : memref<10000xi32, #tpu.memory_space<hbm>>) target(%arg5 : memref<10000xi32, #tpu.memory_space<vmem>>) target_semaphore(%run_scoped3A : memref<!tpu.dma_semaphore, #tpu.memory_space<semaphore_mem>>)
      %dma_wait3A_67 = tpu.memref_slice %arg3[%multiple_of3A] : memref<320000xi32, #tpu.memory_space<hbm>> -> memref<10000xi32, #tpu.memory_space<hbm>>
      %dma_wait3A_68 = tpu.memref_slice %arg3[%multiple_of3A] : memref<320000xi32, #tpu.memory_space<hbm>> -> memref<10000xi32, #tpu.memory_space<hbm>>
      tpu.wait_dma2 semaphore(%run_scoped3A : memref<!tpu.dma_semaphore, #tpu.memory_space<semaphore_mem>>) src(%dma_wait3A_68 : memref<10000xi32, #tpu.memory_space<hbm>>) dst(%arg5 : memref<10000xi32, #tpu.memory_space<vmem>>)
      tpu.yield
    }) : () -> ()
    %multiple_of3A_3 = arith.constant 0 : i32
    %multiple_of3A_4 = tpu.assume_multiple %multiple_of3A_3, 80 : i32
    %dma_start3A = tpu.memref_slice %arg5[%multiple_of3A_4] : memref<10000xi32, #tpu.memory_space<vmem>> -> memref<80xi32, #tpu.memory_space<vmem>>
    %dma_start3A_5 = arith.constant 0 : i32
    %dma_start3A_6 = arith.constant 0 : i32
    %dma_start3A_7 = tpu.memref_slice %arg2[%dma_start3A_5, %dma_start3A_6] : memref<10000x128xf32, #tpu.memory_space<hbm>> -> memref<10000x128xf32, #tpu.memory_space<hbm>>
    tpu.enqueue_indirect_dma source(%dma_start3A_7 : memref<10000x128xf32, #tpu.memory_space<hbm>>) target(%arg6 : memref<80x128xf32, #tpu.memory_space<vmem>>) offsets(%dma_start3A : memref<80xi32, #tpu.memory_space<vmem>>) semaphore(%arg11 : memref<!tpu.dma_semaphore, #tpu.memory_space<semaphore_mem>>)
    %multiple_of3A_8 = arith.constant 80 : i32
    %multiple_of3A_9 = tpu.assume_multiple %multiple_of3A_8, 80 : i32
    %dma_start3A_10 = tpu.memref_slice %arg5[%multiple_of3A_9] : memref<10000xi32, #tpu.memory_space<vmem>> -> memref<80xi32, #tpu.memory_space<vmem>>
    %dma_start3A_11 = arith.constant 0 : i32
    %dma_start3A_12 = arith.constant 0 : i32
    %dma_start3A_13 = tpu.memref_slice %arg2[%dma_start3A_11, %dma_start3A_12] : memref<10000x128xf32, #tpu.memory_space<hbm>> -> memref<10000x128xf32, #tpu.memory_space<hbm>>
    tpu.enqueue_indirect_dma source(%dma_start3A_13 : memref<10000x128xf32, #tpu.memory_space<hbm>>) target(%arg7 : memref<80x128xf32, #tpu.memory_space<vmem>>) offsets(%dma_start3A_10 : memref<80xi32, #tpu.memory_space<vmem>>) semaphore(%arg12 : memref<!tpu.dma_semaphore, #tpu.memory_space<semaphore_mem>>)
    %multiple_of3A_14 = arith.constant 160 : i32
    %multiple_of3A_15 = tpu.assume_multiple %multiple_of3A_14, 80 : i32
    %dma_start3A_16 = tpu.memref_slice %arg5[%multiple_of3A_15] : memref<10000xi32, #tpu.memory_space<vmem>> -> memref<80xi32, #tpu.memory_space<vmem>>
    %dma_start3A_17 = arith.constant 0 : i32
    %dma_start3A_18 = arith.constant 0 : i32
    %dma_start3A_19 = tpu.memref_slice %arg2[%dma_start3A_17, %dma_start3A_18] : memref<10000x128xf32, #tpu.memory_space<hbm>> -> memref<10000x128xf32, #tpu.memory_space<hbm>>
    tpu.enqueue_indirect_dma source(%dma_start3A_19 : memref<10000x128xf32, #tpu.memory_space<hbm>>) target(%arg8 : memref<80x128xf32, #tpu.memory_space<vmem>>) offsets(%dma_start3A_16 : memref<80xi32, #tpu.memory_space<vmem>>) semaphore(%arg13 : memref<!tpu.dma_semaphore, #tpu.memory_space<semaphore_mem>>)
    %multiple_of3A_20 = arith.constant 240 : i32
    %multiple_of3A_21 = tpu.assume_multiple %multiple_of3A_20, 80 : i32
    %dma_start3A_22 = tpu.memref_slice %arg5[%multiple_of3A_21] : memref<10000xi32, #tpu.memory_space<vmem>> -> memref<80xi32, #tpu.memory_space<vmem>>
    %dma_start3A_23 = arith.constant 0 : i32
    %dma_start3A_24 = arith.constant 0 : i32
    %dma_start3A_25 = tpu.memref_slice %arg2[%dma_start3A_23, %dma_start3A_24] : memref<10000x128xf32, #tpu.memory_space<hbm>> -> memref<10000x128xf32, #tpu.memory_space<hbm>>
    tpu.enqueue_indirect_dma source(%dma_start3A_25 : memref<10000x128xf32, #tpu.memory_space<hbm>>) target(%arg9 : memref<80x128xf32, #tpu.memory_space<vmem>>) offsets(%dma_start3A_22 : memref<80xi32, #tpu.memory_space<vmem>>) semaphore(%arg14 : memref<!tpu.dma_semaphore, #tpu.memory_space<semaphore_mem>>)
    %multiple_of3A_26 = arith.constant 320 : i32
    %multiple_of3A_27 = tpu.assume_multiple %multiple_of3A_26, 80 : i32
    %dma_start3A_28 = tpu.memref_slice %arg5[%multiple_of3A_27] : memref<10000xi32, #tpu.memory_space<vmem>> -> memref<80xi32, #tpu.memory_space<vmem>>
    %dma_start3A_29 = arith.constant 0 : i32
    %dma_start3A_30 = arith.constant 0 : i32
    %dma_start3A_31 = tpu.memref_slice %arg2[%dma_start3A_29, %dma_start3A_30] : memref<10000x128xf32, #tpu.memory_space<hbm>> -> memref<10000x128xf32, #tpu.memory_space<hbm>>
    tpu.enqueue_indirect_dma source(%dma_start3A_31 : memref<10000x128xf32, #tpu.memory_space<hbm>>) target(%arg10 : memref<80x128xf32, #tpu.memory_space<vmem>>) offsets(%dma_start3A_28 : memref<80xi32, #tpu.memory_space<vmem>>) semaphore(%arg15 : memref<!tpu.dma_semaphore, #tpu.memory_space<semaphore_mem>>)
    %scan3A = arith.constant 0 : i32
    %scan3A_32 = arith.constant 25 : i32
    %scan3A_33 = arith.addi %scan3A, %scan3A_32 : i32
    %scan3A_34 = arith.constant 1 : i32
    scf.for %scan3A_65 = %scan3A to %scan3A_33 step %scan3A_34  : i32 {
      %mul3A_66 = arith.constant 1 : i32
      %mul3A_67 = arith.muli %scan3A_65, %mul3A_66 : i32
      %add3A_68 = arith.constant 0 : i32
      %add3A_69 = arith.addi %add3A_68, %mul3A_67 : i32
      %mul3A_70 = arith.constant 5 : i32
      %mul3A_71 = arith.muli %add3A_69, %mul3A_70 : i32
      %dma_wait3A_72 = arith.constant 0 : i32
      %dma_wait3A_73 = arith.constant 0 : i32
      %dma_wait3A_74 = tpu.memref_slice %arg2[%dma_wait3A_72, %dma_wait3A_73] : memref<10000x128xf32, #tpu.memory_space<hbm>> -> memref<80x128xf32, #tpu.memory_space<hbm>>
      %dma_wait3A_75 = arith.constant 0 : i32
      %dma_wait3A_76 = arith.constant 0 : i32
      %dma_wait3A_77 = tpu.memref_slice %arg2[%dma_wait3A_75, %dma_wait3A_76] : memref<10000x128xf32, #tpu.memory_space<hbm>> -> memref<80x128xf32, #tpu.memory_space<hbm>>
      tpu.wait_dma2 semaphore(%arg11 : memref<!tpu.dma_semaphore, #tpu.memory_space<semaphore_mem>>) src(%dma_wait3A_77 : memref<80x128xf32, #tpu.memory_space<hbm>>) dst(%arg6 : memref<80x128xf32, #tpu.memory_space<vmem>>)
      %add3A_78 = arith.constant 0 : i32
      %add3A_79 = arith.addi %mul3A_71, %add3A_78 : i32
      %mul3A_80 = arith.constant 80 : i32
      %mul3A_81 = arith.muli %add3A_79, %mul3A_80 : i32
      %add3A_82 = arith.addi %multiple_of3A, %mul3A_81 : i32
      %multiple_of3A_83 = tpu.assume_multiple %add3A_82, 80 : i32
      %dma_start3A_84 = arith.constant 0 : i32
      %dma_start3A_85 = tpu.memref_slice %arg4[%multiple_of3A_83, %dma_start3A_84] : memref<320000x128xf32, #tpu.memory_space<hbm>> -> memref<80x128xf32, #tpu.memory_space<hbm>>
      %dma_start3A_86 = arith.constant 0 : i32
      %dma_start3A_87 = tpu.memref_slice %arg4[%multiple_of3A_83, %dma_start3A_86] : memref<320000x128xf32, #tpu.memory_space<hbm>> -> memref<80x128xf32, #tpu.memory_space<hbm>>
      tpu.enqueue_dma source(%arg6 : memref<80x128xf32, #tpu.memory_space<vmem>>) target(%dma_start3A_87 : memref<80x128xf32, #tpu.memory_space<hbm>>) target_semaphore(%arg16 : memref<!tpu.dma_semaphore, #tpu.memory_space<semaphore_mem>>)
      %dma_wait3A_88 = arith.constant 0 : i32
      %dma_wait3A_89 = arith.constant 0 : i32
      %dma_wait3A_90 = tpu.memref_slice %arg2[%dma_wait3A_88, %dma_wait3A_89] : memref<10000x128xf32, #tpu.memory_space<hbm>> -> memref<80x128xf32, #tpu.memory_space<hbm>>
      %dma_wait3A_91 = arith.constant 0 : i32
      %dma_wait3A_92 = arith.constant 0 : i32
      %dma_wait3A_93 = tpu.memref_slice %arg2[%dma_wait3A_91, %dma_wait3A_92] : memref<10000x128xf32, #tpu.memory_space<hbm>> -> memref<80x128xf32, #tpu.memory_space<hbm>>
      tpu.wait_dma2 semaphore(%arg12 : memref<!tpu.dma_semaphore, #tpu.memory_space<semaphore_mem>>) src(%dma_wait3A_93 : memref<80x128xf32, #tpu.memory_space<hbm>>) dst(%arg7 : memref<80x128xf32, #tpu.memory_space<vmem>>)
      %add3A_94 = arith.constant 1 : i32
      %add3A_95 = arith.addi %mul3A_71, %add3A_94 : i32
      %mul3A_96 = arith.constant 80 : i32
      %mul3A_97 = arith.muli %add3A_95, %mul3A_96 : i32
      %add3A_98 = arith.addi %multiple_of3A, %mul3A_97 : i32
      %multiple_of3A_99 = tpu.assume_multiple %add3A_98, 80 : i32
      %dma_start3A_100 = arith.constant 0 : i32
      %dma_start3A_101 = tpu.memref_slice %arg4[%multiple_of3A_99, %dma_start3A_100] : memref<320000x128xf32, #tpu.memory_space<hbm>> -> memref<80x128xf32, #tpu.memory_space<hbm>>
      %dma_start3A_102 = arith.constant 0 : i32
      %dma_start3A_103 = tpu.memref_slice %arg4[%multiple_of3A_99, %dma_start3A_102] : memref<320000x128xf32, #tpu.memory_space<hbm>> -> memref<80x128xf32, #tpu.memory_space<hbm>>
      tpu.enqueue_dma source(%arg7 : memref<80x128xf32, #tpu.memory_space<vmem>>) target(%dma_start3A_103 : memref<80x128xf32, #tpu.memory_space<hbm>>) target_semaphore(%arg17 : memref<!tpu.dma_semaphore, #tpu.memory_space<semaphore_mem>>)
      %dma_wait3A_104 = arith.constant 0 : i32
      %dma_wait3A_105 = arith.constant 0 : i32
      %dma_wait3A_106 = tpu.memref_slice %arg2[%dma_wait3A_104, %dma_wait3A_105] : memref<10000x128xf32, #tpu.memory_space<hbm>> -> memref<80x128xf32, #tpu.memory_space<hbm>>
      %dma_wait3A_107 = arith.constant 0 : i32
      %dma_wait3A_108 = arith.constant 0 : i32
      %dma_wait3A_109 = tpu.memref_slice %arg2[%dma_wait3A_107, %dma_wait3A_108] : memref<10000x128xf32, #tpu.memory_space<hbm>> -> memref<80x128xf32, #tpu.memory_space<hbm>>
      tpu.wait_dma2 semaphore(%arg13 : memref<!tpu.dma_semaphore, #tpu.memory_space<semaphore_mem>>) src(%dma_wait3A_109 : memref<80x128xf32, #tpu.memory_space<hbm>>) dst(%arg8 : memref<80x128xf32, #tpu.memory_space<vmem>>)
      %add3A_110 = arith.constant 2 : i32
      %add3A_111 = arith.addi %mul3A_71, %add3A_110 : i32
      %mul3A_112 = arith.constant 80 : i32
      %mul3A_113 = arith.muli %add3A_111, %mul3A_112 : i32
      %add3A_114 = arith.addi %multiple_of3A, %mul3A_113 : i32
      %multiple_of3A_115 = tpu.assume_multiple %add3A_114, 80 : i32
      %dma_start3A_116 = arith.constant 0 : i32
      %dma_start3A_117 = tpu.memref_slice %arg4[%multiple_of3A_115, %dma_start3A_116] : memref<320000x128xf32, #tpu.memory_space<hbm>> -> memref<80x128xf32, #tpu.memory_space<hbm>>
      %dma_start3A_118 = arith.constant 0 : i32
      %dma_start3A_119 = tpu.memref_slice %arg4[%multiple_of3A_115, %dma_start3A_118] : memref<320000x128xf32, #tpu.memory_space<hbm>> -> memref<80x128xf32, #tpu.memory_space<hbm>>
      tpu.enqueue_dma source(%arg8 : memref<80x128xf32, #tpu.memory_space<vmem>>) target(%dma_start3A_119 : memref<80x128xf32, #tpu.memory_space<hbm>>) target_semaphore(%arg18 : memref<!tpu.dma_semaphore, #tpu.memory_space<semaphore_mem>>)
      %dma_wait3A_120 = arith.constant 0 : i32
      %dma_wait3A_121 = arith.constant 0 : i32
      %dma_wait3A_122 = tpu.memref_slice %arg2[%dma_wait3A_120, %dma_wait3A_121] : memref<10000x128xf32, #tpu.memory_space<hbm>> -> memref<80x128xf32, #tpu.memory_space<hbm>>
      %dma_wait3A_123 = arith.constant 0 : i32
      %dma_wait3A_124 = arith.constant 0 : i32
      %dma_wait3A_125 = tpu.memref_slice %arg2[%dma_wait3A_123, %dma_wait3A_124] : memref<10000x128xf32, #tpu.memory_space<hbm>> -> memref<80x128xf32, #tpu.memory_space<hbm>>
      tpu.wait_dma2 semaphore(%arg14 : memref<!tpu.dma_semaphore, #tpu.memory_space<semaphore_mem>>) src(%dma_wait3A_125 : memref<80x128xf32, #tpu.memory_space<hbm>>) dst(%arg9 : memref<80x128xf32, #tpu.memory_space<vmem>>)
      %add3A_126 = arith.constant 3 : i32
      %add3A_127 = arith.addi %mul3A_71, %add3A_126 : i32
      %mul3A_128 = arith.constant 80 : i32
      %mul3A_129 = arith.muli %add3A_127, %mul3A_128 : i32
      %add3A_130 = arith.addi %multiple_of3A, %mul3A_129 : i32
      %multiple_of3A_131 = tpu.assume_multiple %add3A_130, 80 : i32
      %dma_start3A_132 = arith.constant 0 : i32
      %dma_start3A_133 = tpu.memref_slice %arg4[%multiple_of3A_131, %dma_start3A_132] : memref<320000x128xf32, #tpu.memory_space<hbm>> -> memref<80x128xf32, #tpu.memory_space<hbm>>
      %dma_start3A_134 = arith.constant 0 : i32
      %dma_start3A_135 = tpu.memref_slice %arg4[%multiple_of3A_131, %dma_start3A_134] : memref<320000x128xf32, #tpu.memory_space<hbm>> -> memref<80x128xf32, #tpu.memory_space<hbm>>
      tpu.enqueue_dma source(%arg9 : memref<80x128xf32, #tpu.memory_space<vmem>>) target(%dma_start3A_135 : memref<80x128xf32, #tpu.memory_space<hbm>>) target_semaphore(%arg19 : memref<!tpu.dma_semaphore, #tpu.memory_space<semaphore_mem>>)
      %dma_wait3A_136 = arith.constant 0 : i32
      %dma_wait3A_137 = arith.constant 0 : i32
      %dma_wait3A_138 = tpu.memref_slice %arg2[%dma_wait3A_136, %dma_wait3A_137] : memref<10000x128xf32, #tpu.memory_space<hbm>> -> memref<80x128xf32, #tpu.memory_space<hbm>>
      %dma_wait3A_139 = arith.constant 0 : i32
      %dma_wait3A_140 = arith.constant 0 : i32
      %dma_wait3A_141 = tpu.memref_slice %arg2[%dma_wait3A_139, %dma_wait3A_140] : memref<10000x128xf32, #tpu.memory_space<hbm>> -> memref<80x128xf32, #tpu.memory_space<hbm>>
      tpu.wait_dma2 semaphore(%arg15 : memref<!tpu.dma_semaphore, #tpu.memory_space<semaphore_mem>>) src(%dma_wait3A_141 : memref<80x128xf32, #tpu.memory_space<hbm>>) dst(%arg10 : memref<80x128xf32, #tpu.memory_space<vmem>>)
      %add3A_142 = arith.constant 4 : i32
      %add3A_143 = arith.addi %mul3A_71, %add3A_142 : i32
      %mul3A_144 = arith.constant 80 : i32
      %mul3A_145 = arith.muli %add3A_143, %mul3A_144 : i32
      %add3A_146 = arith.addi %multiple_of3A, %mul3A_145 : i32
      %multiple_of3A_147 = tpu.assume_multiple %add3A_146, 80 : i32
      %dma_start3A_148 = arith.constant 0 : i32
      %dma_start3A_149 = tpu.memref_slice %arg4[%multiple_of3A_147, %dma_start3A_148] : memref<320000x128xf32, #tpu.memory_space<hbm>> -> memref<80x128xf32, #tpu.memory_space<hbm>>
      %dma_start3A_150 = arith.constant 0 : i32
      %dma_start3A_151 = tpu.memref_slice %arg4[%multiple_of3A_147, %dma_start3A_150] : memref<320000x128xf32, #tpu.memory_space<hbm>> -> memref<80x128xf32, #tpu.memory_space<hbm>>
      tpu.enqueue_dma source(%arg10 : memref<80x128xf32, #tpu.memory_space<vmem>>) target(%dma_start3A_151 : memref<80x128xf32, #tpu.memory_space<hbm>>) target_semaphore(%arg20 : memref<!tpu.dma_semaphore, #tpu.memory_space<semaphore_mem>>)
      %lt3A = arith.constant 24 : i32
      %lt3A_152 = arith.cmpi slt, %add3A_69, %lt3A : i32
      %convert_element_type3A = arith.extui %lt3A_152 : i1 to i32
      %cond3A = arith.constant 0 : i32
      %cond3A_153 = arith.cmpi ne, %convert_element_type3A, %cond3A : i32
      scf.if %cond3A_153 {
        %dma_wait3A_174 = arith.constant 0 : i32
        %dma_wait3A_175 = arith.constant 0 : i32
        %dma_wait3A_176 = tpu.memref_slice %arg4[%dma_wait3A_174, %dma_wait3A_175] : memref<320000x128xf32, #tpu.memory_space<hbm>> -> memref<80x128xf32, #tpu.memory_space<hbm>>
        %dma_wait3A_177 = arith.constant 0 : i32
        %dma_wait3A_178 = arith.constant 0 : i32
        %dma_wait3A_179 = tpu.memref_slice %arg4[%dma_wait3A_177, %dma_wait3A_178] : memref<320000x128xf32, #tpu.memory_space<hbm>> -> memref<80x128xf32, #tpu.memory_space<hbm>>
        tpu.wait_dma2 semaphore(%arg16 : memref<!tpu.dma_semaphore, #tpu.memory_space<semaphore_mem>>) src(%arg6 : memref<80x128xf32, #tpu.memory_space<vmem>>) dst(%dma_wait3A_179 : memref<80x128xf32, #tpu.memory_space<hbm>>)
        %add3A_180 = arith.constant 5 : i32
        %add3A_181 = arith.addi %mul3A_71, %add3A_180 : i32
        %add3A_182 = arith.constant 0 : i32
        %add3A_183 = arith.addi %add3A_181, %add3A_182 : i32
        %mul3A_184 = arith.constant 80 : i32
        %mul3A_185 = arith.muli %add3A_183, %mul3A_184 : i32
        %multiple_of3A_186 = tpu.assume_multiple %mul3A_185, 80 : i32
        %dma_start3A_187 = tpu.memref_slice %arg5[%multiple_of3A_186] : memref<10000xi32, #tpu.memory_space<vmem>> -> memref<80xi32, #tpu.memory_space<vmem>>
        %dma_start3A_188 = arith.constant 0 : i32
        %dma_start3A_189 = arith.constant 0 : i32
        %dma_start3A_190 = tpu.memref_slice %arg2[%dma_start3A_188, %dma_start3A_189] : memref<10000x128xf32, #tpu.memory_space<hbm>> -> memref<10000x128xf32, #tpu.memory_space<hbm>>
        tpu.enqueue_indirect_dma source(%dma_start3A_190 : memref<10000x128xf32, #tpu.memory_space<hbm>>) target(%arg6 : memref<80x128xf32, #tpu.memory_space<vmem>>) offsets(%dma_start3A_187 : memref<80xi32, #tpu.memory_space<vmem>>) semaphore(%arg11 : memref<!tpu.dma_semaphore, #tpu.memory_space<semaphore_mem>>)
      } else {
      }
      %lt3A_154 = arith.constant 24 : i32
      %lt3A_155 = arith.cmpi slt, %add3A_69, %lt3A_154 : i32
      %convert_element_type3A_156 = arith.extui %lt3A_155 : i1 to i32
      %cond3A_157 = arith.constant 0 : i32
      %cond3A_158 = arith.cmpi ne, %convert_element_type3A_156, %cond3A_157 : i32
      scf.if %cond3A_158 {
        %dma_wait3A_174 = arith.constant 0 : i32
        %dma_wait3A_175 = arith.constant 0 : i32
        %dma_wait3A_176 = tpu.memref_slice %arg4[%dma_wait3A_174, %dma_wait3A_175] : memref<320000x128xf32, #tpu.memory_space<hbm>> -> memref<80x128xf32, #tpu.memory_space<hbm>>
        %dma_wait3A_177 = arith.constant 0 : i32
        %dma_wait3A_178 = arith.constant 0 : i32
        %dma_wait3A_179 = tpu.memref_slice %arg4[%dma_wait3A_177, %dma_wait3A_178] : memref<320000x128xf32, #tpu.memory_space<hbm>> -> memref<80x128xf32, #tpu.memory_space<hbm>>
        tpu.wait_dma2 semaphore(%arg17 : memref<!tpu.dma_semaphore, #tpu.memory_space<semaphore_mem>>) src(%arg7 : memref<80x128xf32, #tpu.memory_space<vmem>>) dst(%dma_wait3A_179 : memref<80x128xf32, #tpu.memory_space<hbm>>)
        %add3A_180 = arith.constant 5 : i32
        %add3A_181 = arith.addi %mul3A_71, %add3A_180 : i32
        %add3A_182 = arith.constant 1 : i32
        %add3A_183 = arith.addi %add3A_181, %add3A_182 : i32
        %mul3A_184 = arith.constant 80 : i32
        %mul3A_185 = arith.muli %add3A_183, %mul3A_184 : i32
        %multiple_of3A_186 = tpu.assume_multiple %mul3A_185, 80 : i32
        %dma_start3A_187 = tpu.memref_slice %arg5[%multiple_of3A_186] : memref<10000xi32, #tpu.memory_space<vmem>> -> memref<80xi32, #tpu.memory_space<vmem>>
        %dma_start3A_188 = arith.constant 0 : i32
        %dma_start3A_189 = arith.constant 0 : i32
        %dma_start3A_190 = tpu.memref_slice %arg2[%dma_start3A_188, %dma_start3A_189] : memref<10000x128xf32, #tpu.memory_space<hbm>> -> memref<10000x128xf32, #tpu.memory_space<hbm>>
        tpu.enqueue_indirect_dma source(%dma_start3A_190 : memref<10000x128xf32, #tpu.memory_space<hbm>>) target(%arg7 : memref<80x128xf32, #tpu.memory_space<vmem>>) offsets(%dma_start3A_187 : memref<80xi32, #tpu.memory_space<vmem>>) semaphore(%arg12 : memref<!tpu.dma_semaphore, #tpu.memory_space<semaphore_mem>>)
      } else {
      }
      %lt3A_159 = arith.constant 24 : i32
      %lt3A_160 = arith.cmpi slt, %add3A_69, %lt3A_159 : i32
      %convert_element_type3A_161 = arith.extui %lt3A_160 : i1 to i32
      %cond3A_162 = arith.constant 0 : i32
      %cond3A_163 = arith.cmpi ne, %convert_element_type3A_161, %cond3A_162 : i32
      scf.if %cond3A_163 {
        %dma_wait3A_174 = arith.constant 0 : i32
        %dma_wait3A_175 = arith.constant 0 : i32
        %dma_wait3A_176 = tpu.memref_slice %arg4[%dma_wait3A_174, %dma_wait3A_175] : memref<320000x128xf32, #tpu.memory_space<hbm>> -> memref<80x128xf32, #tpu.memory_space<hbm>>
        %dma_wait3A_177 = arith.constant 0 : i32
        %dma_wait3A_178 = arith.constant 0 : i32
        %dma_wait3A_179 = tpu.memref_slice %arg4[%dma_wait3A_177, %dma_wait3A_178] : memref<320000x128xf32, #tpu.memory_space<hbm>> -> memref<80x128xf32, #tpu.memory_space<hbm>>
        tpu.wait_dma2 semaphore(%arg18 : memref<!tpu.dma_semaphore, #tpu.memory_space<semaphore_mem>>) src(%arg8 : memref<80x128xf32, #tpu.memory_space<vmem>>) dst(%dma_wait3A_179 : memref<80x128xf32, #tpu.memory_space<hbm>>)
        %add3A_180 = arith.constant 5 : i32
        %add3A_181 = arith.addi %mul3A_71, %add3A_180 : i32
        %add3A_182 = arith.constant 2 : i32
        %add3A_183 = arith.addi %add3A_181, %add3A_182 : i32
        %mul3A_184 = arith.constant 80 : i32
        %mul3A_185 = arith.muli %add3A_183, %mul3A_184 : i32
        %multiple_of3A_186 = tpu.assume_multiple %mul3A_185, 80 : i32
        %dma_start3A_187 = tpu.memref_slice %arg5[%multiple_of3A_186] : memref<10000xi32, #tpu.memory_space<vmem>> -> memref<80xi32, #tpu.memory_space<vmem>>
        %dma_start3A_188 = arith.constant 0 : i32
        %dma_start3A_189 = arith.constant 0 : i32
        %dma_start3A_190 = tpu.memref_slice %arg2[%dma_start3A_188, %dma_start3A_189] : memref<10000x128xf32, #tpu.memory_space<hbm>> -> memref<10000x128xf32, #tpu.memory_space<hbm>>
        tpu.enqueue_indirect_dma source(%dma_start3A_190 : memref<10000x128xf32, #tpu.memory_space<hbm>>) target(%arg8 : memref<80x128xf32, #tpu.memory_space<vmem>>) offsets(%dma_start3A_187 : memref<80xi32, #tpu.memory_space<vmem>>) semaphore(%arg13 : memref<!tpu.dma_semaphore, #tpu.memory_space<semaphore_mem>>)
      } else {
      }
      %lt3A_164 = arith.constant 24 : i32
      %lt3A_165 = arith.cmpi slt, %add3A_69, %lt3A_164 : i32
      %convert_element_type3A_166 = arith.extui %lt3A_165 : i1 to i32
      %cond3A_167 = arith.constant 0 : i32
      %cond3A_168 = arith.cmpi ne, %convert_element_type3A_166, %cond3A_167 : i32
      scf.if %cond3A_168 {
        %dma_wait3A_174 = arith.constant 0 : i32
        %dma_wait3A_175 = arith.constant 0 : i32
        %dma_wait3A_176 = tpu.memref_slice %arg4[%dma_wait3A_174, %dma_wait3A_175] : memref<320000x128xf32, #tpu.memory_space<hbm>> -> memref<80x128xf32, #tpu.memory_space<hbm>>
        %dma_wait3A_177 = arith.constant 0 : i32
        %dma_wait3A_178 = arith.constant 0 : i32
        %dma_wait3A_179 = tpu.memref_slice %arg4[%dma_wait3A_177, %dma_wait3A_178] : memref<320000x128xf32, #tpu.memory_space<hbm>> -> memref<80x128xf32, #tpu.memory_space<hbm>>
        tpu.wait_dma2 semaphore(%arg19 : memref<!tpu.dma_semaphore, #tpu.memory_space<semaphore_mem>>) src(%arg9 : memref<80x128xf32, #tpu.memory_space<vmem>>) dst(%dma_wait3A_179 : memref<80x128xf32, #tpu.memory_space<hbm>>)
        %add3A_180 = arith.constant 5 : i32
        %add3A_181 = arith.addi %mul3A_71, %add3A_180 : i32
        %add3A_182 = arith.constant 3 : i32
        %add3A_183 = arith.addi %add3A_181, %add3A_182 : i32
        %mul3A_184 = arith.constant 80 : i32
        %mul3A_185 = arith.muli %add3A_183, %mul3A_184 : i32
        %multiple_of3A_186 = tpu.assume_multiple %mul3A_185, 80 : i32
        %dma_start3A_187 = tpu.memref_slice %arg5[%multiple_of3A_186] : memref<10000xi32, #tpu.memory_space<vmem>> -> memref<80xi32, #tpu.memory_space<vmem>>
        %dma_start3A_188 = arith.constant 0 : i32
        %dma_start3A_189 = arith.constant 0 : i32
        %dma_start3A_190 = tpu.memref_slice %arg2[%dma_start3A_188, %dma_start3A_189] : memref<10000x128xf32, #tpu.memory_space<hbm>> -> memref<10000x128xf32, #tpu.memory_space<hbm>>
        tpu.enqueue_indirect_dma source(%dma_start3A_190 : memref<10000x128xf32, #tpu.memory_space<hbm>>) target(%arg9 : memref<80x128xf32, #tpu.memory_space<vmem>>) offsets(%dma_start3A_187 : memref<80xi32, #tpu.memory_space<vmem>>) semaphore(%arg14 : memref<!tpu.dma_semaphore, #tpu.memory_space<semaphore_mem>>)
      } else {
      }
      %lt3A_169 = arith.constant 24 : i32
      %lt3A_170 = arith.cmpi slt, %add3A_69, %lt3A_169 : i32
      %convert_element_type3A_171 = arith.extui %lt3A_170 : i1 to i32
      %cond3A_172 = arith.constant 0 : i32
      %cond3A_173 = arith.cmpi ne, %convert_element_type3A_171, %cond3A_172 : i32
      scf.if %cond3A_173 {
        %dma_wait3A_174 = arith.constant 0 : i32
        %dma_wait3A_175 = arith.constant 0 : i32
        %dma_wait3A_176 = tpu.memref_slice %arg4[%dma_wait3A_174, %dma_wait3A_175] : memref<320000x128xf32, #tpu.memory_space<hbm>> -> memref<80x128xf32, #tpu.memory_space<hbm>>
        %dma_wait3A_177 = arith.constant 0 : i32
        %dma_wait3A_178 = arith.constant 0 : i32
        %dma_wait3A_179 = tpu.memref_slice %arg4[%dma_wait3A_177, %dma_wait3A_178] : memref<320000x128xf32, #tpu.memory_space<hbm>> -> memref<80x128xf32, #tpu.memory_space<hbm>>
        tpu.wait_dma2 semaphore(%arg20 : memref<!tpu.dma_semaphore, #tpu.memory_space<semaphore_mem>>) src(%arg10 : memref<80x128xf32, #tpu.memory_space<vmem>>) dst(%dma_wait3A_179 : memref<80x128xf32, #tpu.memory_space<hbm>>)
        %add3A_180 = arith.constant 5 : i32
        %add3A_181 = arith.addi %mul3A_71, %add3A_180 : i32
        %add3A_182 = arith.constant 4 : i32
        %add3A_183 = arith.addi %add3A_181, %add3A_182 : i32
        %mul3A_184 = arith.constant 80 : i32
        %mul3A_185 = arith.muli %add3A_183, %mul3A_184 : i32
        %multiple_of3A_186 = tpu.assume_multiple %mul3A_185, 80 : i32
        %dma_start3A_187 = tpu.memref_slice %arg5[%multiple_of3A_186] : memref<10000xi32, #tpu.memory_space<vmem>> -> memref<80xi32, #tpu.memory_space<vmem>>
        %dma_start3A_188 = arith.constant 0 : i32
        %dma_start3A_189 = arith.constant 0 : i32
        %dma_start3A_190 = tpu.memref_slice %arg2[%dma_start3A_188, %dma_start3A_189] : memref<10000x128xf32, #tpu.memory_space<hbm>> -> memref<10000x128xf32, #tpu.memory_space<hbm>>
        tpu.enqueue_indirect_dma source(%dma_start3A_190 : memref<10000x128xf32, #tpu.memory_space<hbm>>) target(%arg10 : memref<80x128xf32, #tpu.memory_space<vmem>>) offsets(%dma_start3A_187 : memref<80xi32, #tpu.memory_space<vmem>>) semaphore(%arg15 : memref<!tpu.dma_semaphore, #tpu.memory_space<semaphore_mem>>)
      } else {
      }
    }
    %scan3A_35 = arith.constant 25 : i32
    %dma_wait3A = arith.constant 0 : i32
    %dma_wait3A_36 = arith.constant 0 : i32
    %dma_wait3A_37 = tpu.memref_slice %arg4[%dma_wait3A, %dma_wait3A_36] : memref<320000x128xf32, #tpu.memory_space<hbm>> -> memref<80x128xf32, #tpu.memory_space<hbm>>
    %dma_wait3A_38 = arith.constant 0 : i32
    %dma_wait3A_39 = arith.constant 0 : i32
    %dma_wait3A_40 = tpu.memref_slice %arg4[%dma_wait3A_38, %dma_wait3A_39] : memref<320000x128xf32, #tpu.memory_space<hbm>> -> memref<80x128xf32, #tpu.memory_space<hbm>>
    tpu.wait_dma2 semaphore(%arg16 : memref<!tpu.dma_semaphore, #tpu.memory_space<semaphore_mem>>) src(%arg6 : memref<80x128xf32, #tpu.memory_space<vmem>>) dst(%dma_wait3A_40 : memref<80x128xf32, #tpu.memory_space<hbm>>)
    %dma_wait3A_41 = arith.constant 0 : i32
    %dma_wait3A_42 = arith.constant 0 : i32
    %dma_wait3A_43 = tpu.memref_slice %arg4[%dma_wait3A_41, %dma_wait3A_42] : memref<320000x128xf32, #tpu.memory_space<hbm>> -> memref<80x128xf32, #tpu.memory_space<hbm>>
    %dma_wait3A_44 = arith.constant 0 : i32
    %dma_wait3A_45 = arith.constant 0 : i32
    %dma_wait3A_46 = tpu.memref_slice %arg4[%dma_wait3A_44, %dma_wait3A_45] : memref<320000x128xf32, #tpu.memory_space<hbm>> -> memref<80x128xf32, #tpu.memory_space<hbm>>
    tpu.wait_dma2 semaphore(%arg17 : memref<!tpu.dma_semaphore, #tpu.memory_space<semaphore_mem>>) src(%arg7 : memref<80x128xf32, #tpu.memory_space<vmem>>) dst(%dma_wait3A_46 : memref<80x128xf32, #tpu.memory_space<hbm>>)
    %dma_wait3A_47 = arith.constant 0 : i32
    %dma_wait3A_48 = arith.constant 0 : i32
    %dma_wait3A_49 = tpu.memref_slice %arg4[%dma_wait3A_47, %dma_wait3A_48] : memref<320000x128xf32, #tpu.memory_space<hbm>> -> memref<80x128xf32, #tpu.memory_space<hbm>>
    %dma_wait3A_50 = arith.constant 0 : i32
    %dma_wait3A_51 = arith.constant 0 : i32
    %dma_wait3A_52 = tpu.memref_slice %arg4[%dma_wait3A_50, %dma_wait3A_51] : memref<320000x128xf32, #tpu.memory_space<hbm>> -> memref<80x128xf32, #tpu.memory_space<hbm>>
    tpu.wait_dma2 semaphore(%arg18 : memref<!tpu.dma_semaphore, #tpu.memory_space<semaphore_mem>>) src(%arg8 : memref<80x128xf32, #tpu.memory_space<vmem>>) dst(%dma_wait3A_52 : memref<80x128xf32, #tpu.memory_space<hbm>>)
    %dma_wait3A_53 = arith.constant 0 : i32
    %dma_wait3A_54 = arith.constant 0 : i32
    %dma_wait3A_55 = tpu.memref_slice %arg4[%dma_wait3A_53, %dma_wait3A_54] : memref<320000x128xf32, #tpu.memory_space<hbm>> -> memref<80x128xf32, #tpu.memory_space<hbm>>
    %dma_wait3A_56 = arith.constant 0 : i32
    %dma_wait3A_57 = arith.constant 0 : i32
    %dma_wait3A_58 = tpu.memref_slice %arg4[%dma_wait3A_56, %dma_wait3A_57] : memref<320000x128xf32, #tpu.memory_space<hbm>> -> memref<80x128xf32, #tpu.memory_space<hbm>>
    tpu.wait_dma2 semaphore(%arg19 : memref<!tpu.dma_semaphore, #tpu.memory_space<semaphore_mem>>) src(%arg9 : memref<80x128xf32, #tpu.memory_space<vmem>>) dst(%dma_wait3A_58 : memref<80x128xf32, #tpu.memory_space<hbm>>)
    %dma_wait3A_59 = arith.constant 0 : i32
    %dma_wait3A_60 = arith.constant 0 : i32
    %dma_wait3A_61 = tpu.memref_slice %arg4[%dma_wait3A_59, %dma_wait3A_60] : memref<320000x128xf32, #tpu.memory_space<hbm>> -> memref<80x128xf32, #tpu.memory_space<hbm>>
    %dma_wait3A_62 = arith.constant 0 : i32
    %dma_wait3A_63 = arith.constant 0 : i32
    %dma_wait3A_64 = tpu.memref_slice %arg4[%dma_wait3A_62, %dma_wait3A_63] : memref<320000x128xf32, #tpu.memory_space<hbm>> -> memref<80x128xf32, #tpu.memory_space<hbm>>
    tpu.wait_dma2 semaphore(%arg20 : memref<!tpu.dma_semaphore, #tpu.memory_space<semaphore_mem>>) src(%arg10 : memref<80x128xf32, #tpu.memory_space<vmem>>) dst(%dma_wait3A_64 : memref<80x128xf32, #tpu.memory_space<hbm>>)
    return
  }
}

#map = affine_map<(d0, d1) -> (0, 0)>
#map1 = affine_map<(d0, d1) -> (0, 0, 0)>
module attributes {stable_mosaic.version = 14 : i64} {
  func.func @sk(%arg0: i32, %arg1: i32, %arg2: memref<160000x128xf32, #tpu.memory_space<hbm>>, %arg3: memref<32x40x128xi32, #tpu.memory_space<hbm>>, %arg4: memref<10000x128xf32, #tpu.memory_space<hbm>>, %arg5: memref<2x10000x128xf32, #tpu.memory_space<hbm>>, %arg6: memref<40x128xi32, #tpu.memory_space<vmem>>, %arg7: memref<128x128xf32, #tpu.memory_space<vmem>>, %arg8: memref<128x128xf32, #tpu.memory_space<vmem>>, %arg9: memref<!tpu.dma_semaphore, #tpu.memory_space<semaphore_mem>>, %arg10: memref<!tpu.dma_semaphore, #tpu.memory_space<semaphore_mem>>, %arg11: memref<!tpu.dma_semaphore, #tpu.memory_space<semaphore_mem>>, %arg12: memref<!tpu.dma_semaphore, #tpu.memory_space<semaphore_mem>>, %arg13: memref<10000x128xf32, #tpu.memory_space<vmem_shared>>) attributes {dimension_semantics = [#tpu.dimension_semantics<core_parallel>, #tpu.dimension_semantics<subcore_parallel>], iteration_bounds = array<i64: 2, 16>, scalar_prefetch = 0 : i64, scratch_operands = 8 : i64, tpu.core_type = #tpu.core_type<sc_vector_subcore>, window_params = [{transform_indices = #map}, {transform_indices = #map1}, {transform_indices = #map}, {transform_indices = #map1}]} {
    %mul3A = arith.constant 16 : i32
    %mul3A_0 = arith.muli %arg0, %mul3A : i32
    %add3A = arith.addi %mul3A_0, %arg1 : i32
    %mul3A_1 = arith.constant 624 : i32
    %mul3A_2 = arith.muli %arg1, %mul3A_1 : i32
    %multiple_of3A = tpu.assume_multiple %mul3A_2, 8 : i32
    "tpu.region"() ({
      %run_scoped3A = tpu.sem_alloc : memref<!tpu.dma_semaphore, #tpu.memory_space<semaphore_mem>>
      %dma_start3A = arith.constant 0 : i32
      %dma_start3A_50 = tpu.memref_slice %arg13[%multiple_of3A, %dma_start3A] : memref<10000x128xf32, #tpu.memory_space<vmem_shared>> -> memref<624x128xf32, #tpu.memory_space<vmem_shared>>
      %dma_start3A_51 = arith.constant 0 : i32
      %dma_start3A_52 = tpu.memref_slice %arg4[%multiple_of3A, %dma_start3A_51] : memref<10000x128xf32, #tpu.memory_space<hbm>> -> memref<624x128xf32, #tpu.memory_space<hbm>>
      tpu.enqueue_dma source(%dma_start3A_52 : memref<624x128xf32, #tpu.memory_space<hbm>>) target(%dma_start3A_50 : memref<624x128xf32, #tpu.memory_space<vmem_shared>>) target_semaphore(%run_scoped3A : memref<!tpu.dma_semaphore, #tpu.memory_space<semaphore_mem>>)
      %dma_wait3A = arith.constant 0 : i32
      %dma_wait3A_53 = tpu.memref_slice %arg13[%multiple_of3A, %dma_wait3A] : memref<10000x128xf32, #tpu.memory_space<vmem_shared>> -> memref<624x128xf32, #tpu.memory_space<vmem_shared>>
      %dma_wait3A_54 = arith.constant 0 : i32
      %dma_wait3A_55 = tpu.memref_slice %arg4[%multiple_of3A, %dma_wait3A_54] : memref<10000x128xf32, #tpu.memory_space<hbm>> -> memref<624x128xf32, #tpu.memory_space<hbm>>
      tpu.wait_dma2 semaphore(%run_scoped3A : memref<!tpu.dma_semaphore, #tpu.memory_space<semaphore_mem>>) src(%dma_wait3A_55 : memref<624x128xf32, #tpu.memory_space<hbm>>) dst(%dma_wait3A_53 : memref<624x128xf32, #tpu.memory_space<vmem_shared>>)
      tpu.yield
    }) : () -> ()
    %eq3A = arith.constant 15 : i32
    %eq3A_3 = arith.cmpi eq, %arg1, %eq3A : i32
    %convert_element_type3A = arith.extui %eq3A_3 : i1 to i32
    %cond3A = arith.constant 0 : i32
    %cond3A_4 = arith.cmpi ne, %convert_element_type3A, %cond3A : i32
    scf.if %cond3A_4 {
      "tpu.region"() ({
        %run_scoped3A = tpu.sem_alloc : memref<!tpu.dma_semaphore, #tpu.memory_space<semaphore_mem>>
        %dma_start3A = arith.constant 9984 : i32
        %dma_start3A_50 = arith.constant 0 : i32
        %dma_start3A_51 = tpu.memref_slice %arg13[%dma_start3A, %dma_start3A_50] : memref<10000x128xf32, #tpu.memory_space<vmem_shared>> -> memref<16x128xf32, #tpu.memory_space<vmem_shared>>
        %dma_start3A_52 = arith.constant 9984 : i32
        %dma_start3A_53 = arith.constant 0 : i32
        %dma_start3A_54 = tpu.memref_slice %arg4[%dma_start3A_52, %dma_start3A_53] : memref<10000x128xf32, #tpu.memory_space<hbm>> -> memref<16x128xf32, #tpu.memory_space<hbm>>
        tpu.enqueue_dma source(%dma_start3A_54 : memref<16x128xf32, #tpu.memory_space<hbm>>) target(%dma_start3A_51 : memref<16x128xf32, #tpu.memory_space<vmem_shared>>) target_semaphore(%run_scoped3A : memref<!tpu.dma_semaphore, #tpu.memory_space<semaphore_mem>>)
        %dma_wait3A = arith.constant 9984 : i32
        %dma_wait3A_55 = arith.constant 0 : i32
        %dma_wait3A_56 = tpu.memref_slice %arg13[%dma_wait3A, %dma_wait3A_55] : memref<10000x128xf32, #tpu.memory_space<vmem_shared>> -> memref<16x128xf32, #tpu.memory_space<vmem_shared>>
        %dma_wait3A_57 = arith.constant 9984 : i32
        %dma_wait3A_58 = arith.constant 0 : i32
        %dma_wait3A_59 = tpu.memref_slice %arg4[%dma_wait3A_57, %dma_wait3A_58] : memref<10000x128xf32, #tpu.memory_space<hbm>> -> memref<16x128xf32, #tpu.memory_space<hbm>>
        tpu.wait_dma2 semaphore(%run_scoped3A : memref<!tpu.dma_semaphore, #tpu.memory_space<semaphore_mem>>) src(%dma_wait3A_59 : memref<16x128xf32, #tpu.memory_space<hbm>>) dst(%dma_wait3A_56 : memref<16x128xf32, #tpu.memory_space<vmem_shared>>)
        tpu.yield
      }) : () -> ()
    } else {
    }
    "tpu.region"() ({
      %run_scoped3A = tpu.sem_alloc : memref<!tpu.dma_semaphore, #tpu.memory_space<semaphore_mem>>
      %dma_start3A = arith.constant 0 : i32
      %dma_start3A_50 = arith.constant 0 : i32
      %dma_start3A_51 = tpu.memref_slice %arg3[%add3A, %dma_start3A, %dma_start3A_50] : memref<32x40x128xi32, #tpu.memory_space<hbm>> -> memref<1x40x128xi32, #tpu.memory_space<hbm>>
      %dma_start3A_52 = tpu.memref_squeeze %dma_start3A_51 : memref<1x40x128xi32, #tpu.memory_space<hbm>> -> memref<40x128xi32, #tpu.memory_space<hbm>>
      %dma_start3A_53 = arith.constant 0 : i32
      %dma_start3A_54 = arith.constant 0 : i32
      %dma_start3A_55 = tpu.memref_slice %arg3[%add3A, %dma_start3A_53, %dma_start3A_54] : memref<32x40x128xi32, #tpu.memory_space<hbm>> -> memref<1x40x128xi32, #tpu.memory_space<hbm>>
      %dma_start3A_56 = tpu.memref_squeeze %dma_start3A_55 : memref<1x40x128xi32, #tpu.memory_space<hbm>> -> memref<40x128xi32, #tpu.memory_space<hbm>>
      tpu.enqueue_dma source(%dma_start3A_56 : memref<40x128xi32, #tpu.memory_space<hbm>>) target(%arg6 : memref<40x128xi32, #tpu.memory_space<vmem>>) target_semaphore(%run_scoped3A : memref<!tpu.dma_semaphore, #tpu.memory_space<semaphore_mem>>)
      %dma_wait3A = arith.constant 0 : i32
      %dma_wait3A_57 = arith.constant 0 : i32
      %dma_wait3A_58 = tpu.memref_slice %arg3[%add3A, %dma_wait3A, %dma_wait3A_57] : memref<32x40x128xi32, #tpu.memory_space<hbm>> -> memref<1x40x128xi32, #tpu.memory_space<hbm>>
      %dma_wait3A_59 = tpu.memref_squeeze %dma_wait3A_58 : memref<1x40x128xi32, #tpu.memory_space<hbm>> -> memref<40x128xi32, #tpu.memory_space<hbm>>
      %dma_wait3A_60 = arith.constant 0 : i32
      %dma_wait3A_61 = arith.constant 0 : i32
      %dma_wait3A_62 = tpu.memref_slice %arg3[%add3A, %dma_wait3A_60, %dma_wait3A_61] : memref<32x40x128xi32, #tpu.memory_space<hbm>> -> memref<1x40x128xi32, #tpu.memory_space<hbm>>
      %dma_wait3A_63 = tpu.memref_squeeze %dma_wait3A_62 : memref<1x40x128xi32, #tpu.memory_space<hbm>> -> memref<40x128xi32, #tpu.memory_space<hbm>>
      tpu.wait_dma2 semaphore(%run_scoped3A : memref<!tpu.dma_semaphore, #tpu.memory_space<semaphore_mem>>) src(%dma_wait3A_63 : memref<40x128xi32, #tpu.memory_space<hbm>>) dst(%arg6 : memref<40x128xi32, #tpu.memory_space<vmem>>)
      tpu.yield
    }) : () -> ()
    %barrier3A = arith.constant 0 : index
    tpu.barrier barrier_id(%barrier3A)
    %mul3A_5 = arith.constant 40 : i32
    %mul3A_6 = arith.muli %add3A, %mul3A_5 : i32
    %add3A_7 = arith.constant 0 : i32
    %add3A_8 = arith.addi %mul3A_6, %add3A_7 : i32
    %lt3A = arith.constant 1250 : i32
    %lt3A_9 = arith.cmpi slt, %add3A_8, %lt3A : i32
    %convert_element_type3A_10 = arith.extui %lt3A_9 : i1 to i32
    %cond3A_11 = arith.constant 0 : i32
    %cond3A_12 = arith.cmpi ne, %convert_element_type3A_10, %cond3A_11 : i32
    scf.if %cond3A_12 {
      %mul3A_50 = arith.constant 40 : i32
      %mul3A_51 = arith.muli %add3A, %mul3A_50 : i32
      %add3A_52 = arith.constant 0 : i32
      %add3A_53 = arith.addi %mul3A_51, %add3A_52 : i32
      %mul3A_54 = arith.constant 128 : i32
      %mul3A_55 = arith.muli %add3A_53, %mul3A_54 : i32
      %multiple_of3A_56 = tpu.assume_multiple %mul3A_55, 128 : i32
      %dma_start3A = arith.constant 0 : i32
      %dma_start3A_57 = tpu.memref_slice %arg2[%multiple_of3A_56, %dma_start3A] : memref<160000x128xf32, #tpu.memory_space<hbm>> -> memref<128x128xf32, #tpu.memory_space<hbm>>
      %dma_start3A_58 = arith.constant 0 : i32
      %dma_start3A_59 = tpu.memref_slice %arg2[%multiple_of3A_56, %dma_start3A_58] : memref<160000x128xf32, #tpu.memory_space<hbm>> -> memref<128x128xf32, #tpu.memory_space<hbm>>
      tpu.enqueue_dma source(%dma_start3A_59 : memref<128x128xf32, #tpu.memory_space<hbm>>) target(%arg7 : memref<128x128xf32, #tpu.memory_space<vmem>>) target_semaphore(%arg9 : memref<!tpu.dma_semaphore, #tpu.memory_space<semaphore_mem>>)
    } else {
    }
    %mul3A_13 = arith.constant 40 : i32
    %mul3A_14 = arith.muli %add3A, %mul3A_13 : i32
    %add3A_15 = arith.constant 1 : i32
    %add3A_16 = arith.addi %mul3A_14, %add3A_15 : i32
    %lt3A_17 = arith.constant 1250 : i32
    %lt3A_18 = arith.cmpi slt, %add3A_16, %lt3A_17 : i32
    %convert_element_type3A_19 = arith.extui %lt3A_18 : i1 to i32
    %cond3A_20 = arith.constant 0 : i32
    %cond3A_21 = arith.cmpi ne, %convert_element_type3A_19, %cond3A_20 : i32
    scf.if %cond3A_21 {
      %mul3A_50 = arith.constant 40 : i32
      %mul3A_51 = arith.muli %add3A, %mul3A_50 : i32
      %add3A_52 = arith.constant 1 : i32
      %add3A_53 = arith.addi %mul3A_51, %add3A_52 : i32
      %mul3A_54 = arith.constant 128 : i32
      %mul3A_55 = arith.muli %add3A_53, %mul3A_54 : i32
      %multiple_of3A_56 = tpu.assume_multiple %mul3A_55, 128 : i32
      %dma_start3A = arith.constant 0 : i32
      %dma_start3A_57 = tpu.memref_slice %arg2[%multiple_of3A_56, %dma_start3A] : memref<160000x128xf32, #tpu.memory_space<hbm>> -> memref<128x128xf32, #tpu.memory_space<hbm>>
      %dma_start3A_58 = arith.constant 0 : i32
      %dma_start3A_59 = tpu.memref_slice %arg2[%multiple_of3A_56, %dma_start3A_58] : memref<160000x128xf32, #tpu.memory_space<hbm>> -> memref<128x128xf32, #tpu.memory_space<hbm>>
      tpu.enqueue_dma source(%dma_start3A_59 : memref<128x128xf32, #tpu.memory_space<hbm>>) target(%arg8 : memref<128x128xf32, #tpu.memory_space<vmem>>) target_semaphore(%arg10 : memref<!tpu.dma_semaphore, #tpu.memory_space<semaphore_mem>>)
    } else {
    }
    %scan3A = arith.constant 0 : i32
    %scan3A_22 = arith.constant 20 : i32
    %scan3A_23 = arith.addi %scan3A, %scan3A_22 : i32
    %scan3A_24 = arith.constant 1 : i32
    scf.for %scan3A_50 = %scan3A to %scan3A_23 step %scan3A_24  : i32 {
      %mul3A_51 = arith.constant 1 : i32
      %mul3A_52 = arith.muli %scan3A_50, %mul3A_51 : i32
      %add3A_53 = arith.constant 0 : i32
      %add3A_54 = arith.addi %add3A_53, %mul3A_52 : i32
      %mul3A_55 = arith.constant 2 : i32
      %mul3A_56 = arith.muli %add3A_54, %mul3A_55 : i32
      %add3A_57 = arith.constant 0 : i32
      %add3A_58 = arith.addi %mul3A_56, %add3A_57 : i32
      %mul3A_59 = arith.constant 40 : i32
      %mul3A_60 = arith.muli %add3A, %mul3A_59 : i32
      %add3A_61 = arith.addi %mul3A_60, %add3A_58 : i32
      %lt3A_62 = arith.constant 1250 : i32
      %lt3A_63 = arith.cmpi slt, %add3A_61, %lt3A_62 : i32
      %convert_element_type3A_64 = arith.extui %lt3A_63 : i1 to i32
      %cond3A_65 = arith.constant 0 : i32
      %cond3A_66 = arith.cmpi ne, %convert_element_type3A_64, %cond3A_65 : i32
      scf.if %cond3A_66 {
        %dma_wait3A = arith.constant 0 : i32
        %dma_wait3A_107 = arith.constant 0 : i32
        %dma_wait3A_108 = tpu.memref_slice %arg2[%dma_wait3A, %dma_wait3A_107] : memref<160000x128xf32, #tpu.memory_space<hbm>> -> memref<128x128xf32, #tpu.memory_space<hbm>>
        %dma_wait3A_109 = arith.constant 0 : i32
        %dma_wait3A_110 = arith.constant 0 : i32
        %dma_wait3A_111 = tpu.memref_slice %arg2[%dma_wait3A_109, %dma_wait3A_110] : memref<160000x128xf32, #tpu.memory_space<hbm>> -> memref<128x128xf32, #tpu.memory_space<hbm>>
        tpu.wait_dma2 semaphore(%arg9 : memref<!tpu.dma_semaphore, #tpu.memory_space<semaphore_mem>>) src(%dma_wait3A_111 : memref<128x128xf32, #tpu.memory_space<hbm>>) dst(%arg7 : memref<128x128xf32, #tpu.memory_space<vmem>>)
      } else {
      }
      %add3A_67 = arith.constant 0 : i32
      %add3A_68 = arith.addi %mul3A_56, %add3A_67 : i32
      %mul3A_69 = arith.constant 40 : i32
      %mul3A_70 = arith.muli %add3A, %mul3A_69 : i32
      %add3A_71 = arith.addi %mul3A_70, %add3A_68 : i32
      %lt3A_72 = arith.constant 1250 : i32
      %lt3A_73 = arith.cmpi slt, %add3A_71, %lt3A_72 : i32
      %convert_element_type3A_74 = arith.extui %lt3A_73 : i1 to i32
      %cond3A_75 = arith.constant 0 : i32
      %cond3A_76 = arith.cmpi ne, %convert_element_type3A_74, %cond3A_75 : i32
      scf.if %cond3A_76 {
        %dma_start3A = arith.constant 0 : i32
        %dma_start3A_107 = tpu.memref_slice %arg6[%add3A_68, %dma_start3A] : memref<40x128xi32, #tpu.memory_space<vmem>> -> memref<1x128xi32, #tpu.memory_space<vmem>>
        %dma_start3A_108 = tpu.memref_squeeze %dma_start3A_107 : memref<1x128xi32, #tpu.memory_space<vmem>> -> memref<128xi32, #tpu.memory_space<vmem>>
        %dma_start3A_109 = arith.constant 0 : i32
        %dma_start3A_110 = arith.constant 0 : i32
        %dma_start3A_111 = tpu.memref_slice %arg13[%dma_start3A_109, %dma_start3A_110] : memref<10000x128xf32, #tpu.memory_space<vmem_shared>> -> memref<10000x128xf32, #tpu.memory_space<vmem_shared>>
        tpu.enqueue_indirect_dma source(%arg7 : memref<128x128xf32, #tpu.memory_space<vmem>>) target(%dma_start3A_111 : memref<10000x128xf32, #tpu.memory_space<vmem_shared>>) offsets(%dma_start3A_108 : memref<128xi32, #tpu.memory_space<vmem>>) semaphore(%arg11 : memref<!tpu.dma_semaphore, #tpu.memory_space<semaphore_mem>>) {add = true}
      } else {
      }
      %add3A_77 = arith.constant 1 : i32
      %add3A_78 = arith.addi %mul3A_56, %add3A_77 : i32
      %mul3A_79 = arith.constant 40 : i32
      %mul3A_80 = arith.muli %add3A, %mul3A_79 : i32
      %add3A_81 = arith.addi %mul3A_80, %add3A_78 : i32
      %lt3A_82 = arith.constant 1250 : i32
      %lt3A_83 = arith.cmpi slt, %add3A_81, %lt3A_82 : i32
      %convert_element_type3A_84 = arith.extui %lt3A_83 : i1 to i32
      %cond3A_85 = arith.constant 0 : i32
      %cond3A_86 = arith.cmpi ne, %convert_element_type3A_84, %cond3A_85 : i32
      scf.if %cond3A_86 {
        %dma_wait3A = arith.constant 0 : i32
        %dma_wait3A_107 = arith.constant 0 : i32
        %dma_wait3A_108 = tpu.memref_slice %arg2[%dma_wait3A, %dma_wait3A_107] : memref<160000x128xf32, #tpu.memory_space<hbm>> -> memref<128x128xf32, #tpu.memory_space<hbm>>
        %dma_wait3A_109 = arith.constant 0 : i32
        %dma_wait3A_110 = arith.constant 0 : i32
        %dma_wait3A_111 = tpu.memref_slice %arg2[%dma_wait3A_109, %dma_wait3A_110] : memref<160000x128xf32, #tpu.memory_space<hbm>> -> memref<128x128xf32, #tpu.memory_space<hbm>>
        tpu.wait_dma2 semaphore(%arg10 : memref<!tpu.dma_semaphore, #tpu.memory_space<semaphore_mem>>) src(%dma_wait3A_111 : memref<128x128xf32, #tpu.memory_space<hbm>>) dst(%arg8 : memref<128x128xf32, #tpu.memory_space<vmem>>)
      } else {
      }
      %add3A_87 = arith.constant 1 : i32
      %add3A_88 = arith.addi %mul3A_56, %add3A_87 : i32
      %mul3A_89 = arith.constant 40 : i32
      %mul3A_90 = arith.muli %add3A, %mul3A_89 : i32
      %add3A_91 = arith.addi %mul3A_90, %add3A_88 : i32
      %lt3A_92 = arith.constant 1250 : i32
      %lt3A_93 = arith.cmpi slt, %add3A_91, %lt3A_92 : i32
      %convert_element_type3A_94 = arith.extui %lt3A_93 : i1 to i32
      %cond3A_95 = arith.constant 0 : i32
      %cond3A_96 = arith.cmpi ne, %convert_element_type3A_94, %cond3A_95 : i32
      scf.if %cond3A_96 {
        %dma_start3A = arith.constant 0 : i32
        %dma_start3A_107 = tpu.memref_slice %arg6[%add3A_88, %dma_start3A] : memref<40x128xi32, #tpu.memory_space<vmem>> -> memref<1x128xi32, #tpu.memory_space<vmem>>
        %dma_start3A_108 = tpu.memref_squeeze %dma_start3A_107 : memref<1x128xi32, #tpu.memory_space<vmem>> -> memref<128xi32, #tpu.memory_space<vmem>>
        %dma_start3A_109 = arith.constant 0 : i32
        %dma_start3A_110 = arith.constant 0 : i32
        %dma_start3A_111 = tpu.memref_slice %arg13[%dma_start3A_109, %dma_start3A_110] : memref<10000x128xf32, #tpu.memory_space<vmem_shared>> -> memref<10000x128xf32, #tpu.memory_space<vmem_shared>>
        tpu.enqueue_indirect_dma source(%arg8 : memref<128x128xf32, #tpu.memory_space<vmem>>) target(%dma_start3A_111 : memref<10000x128xf32, #tpu.memory_space<vmem_shared>>) offsets(%dma_start3A_108 : memref<128xi32, #tpu.memory_space<vmem>>) semaphore(%arg12 : memref<!tpu.dma_semaphore, #tpu.memory_space<semaphore_mem>>) {add = true}
      } else {
      }
      %lt3A_97 = arith.constant 19 : i32
      %lt3A_98 = arith.cmpi slt, %add3A_54, %lt3A_97 : i32
      %convert_element_type3A_99 = arith.extui %lt3A_98 : i1 to i32
      %cond3A_100 = arith.constant 0 : i32
      %cond3A_101 = arith.cmpi ne, %convert_element_type3A_99, %cond3A_100 : i32
      scf.if %cond3A_101 {
        %add3A_107 = arith.constant 0 : i32
        %add3A_108 = arith.addi %mul3A_56, %add3A_107 : i32
        %mul3A_109 = arith.constant 40 : i32
        %mul3A_110 = arith.muli %add3A, %mul3A_109 : i32
        %add3A_111 = arith.addi %mul3A_110, %add3A_108 : i32
        %lt3A_112 = arith.constant 1250 : i32
        %lt3A_113 = arith.cmpi slt, %add3A_111, %lt3A_112 : i32
        %convert_element_type3A_114 = arith.extui %lt3A_113 : i1 to i32
        %cond3A_115 = arith.constant 0 : i32
        %cond3A_116 = arith.cmpi ne, %convert_element_type3A_114, %cond3A_115 : i32
        scf.if %cond3A_116 {
          %dma_wait3A = arith.constant 0 : i32
          %dma_wait3A_129 = arith.constant 0 : i32
          %dma_wait3A_130 = tpu.memref_slice %arg2[%dma_wait3A, %dma_wait3A_129] : memref<160000x128xf32, #tpu.memory_space<hbm>> -> memref<128x128xf32, #tpu.memory_space<hbm>>
          %dma_wait3A_131 = arith.constant 0 : i32
          %dma_wait3A_132 = arith.constant 0 : i32
          %dma_wait3A_133 = tpu.memref_slice %arg2[%dma_wait3A_131, %dma_wait3A_132] : memref<160000x128xf32, #tpu.memory_space<hbm>> -> memref<128x128xf32, #tpu.memory_space<hbm>>
          tpu.wait_dma2 semaphore(%arg11 : memref<!tpu.dma_semaphore, #tpu.memory_space<semaphore_mem>>) src(%dma_wait3A_133 : memref<128x128xf32, #tpu.memory_space<hbm>>) dst(%arg7 : memref<128x128xf32, #tpu.memory_space<vmem>>)
        } else {
        }
        %add3A_117 = arith.constant 2 : i32
        %add3A_118 = arith.addi %mul3A_56, %add3A_117 : i32
        %add3A_119 = arith.constant 0 : i32
        %add3A_120 = arith.addi %add3A_118, %add3A_119 : i32
        %mul3A_121 = arith.constant 40 : i32
        %mul3A_122 = arith.muli %add3A, %mul3A_121 : i32
        %add3A_123 = arith.addi %mul3A_122, %add3A_120 : i32
        %lt3A_124 = arith.constant 1250 : i32
        %lt3A_125 = arith.cmpi slt, %add3A_123, %lt3A_124 : i32
        %convert_element_type3A_126 = arith.extui %lt3A_125 : i1 to i32
        %cond3A_127 = arith.constant 0 : i32
        %cond3A_128 = arith.cmpi ne, %convert_element_type3A_126, %cond3A_127 : i32
        scf.if %cond3A_128 {
          %mul3A_129 = arith.constant 40 : i32
          %mul3A_130 = arith.muli %add3A, %mul3A_129 : i32
          %add3A_131 = arith.addi %mul3A_130, %add3A_120 : i32
          %mul3A_132 = arith.constant 128 : i32
          %mul3A_133 = arith.muli %add3A_131, %mul3A_132 : i32
          %multiple_of3A_134 = tpu.assume_multiple %mul3A_133, 128 : i32
          %dma_start3A = arith.constant 0 : i32
          %dma_start3A_135 = tpu.memref_slice %arg2[%multiple_of3A_134, %dma_start3A] : memref<160000x128xf32, #tpu.memory_space<hbm>> -> memref<128x128xf32, #tpu.memory_space<hbm>>
          %dma_start3A_136 = arith.constant 0 : i32
          %dma_start3A_137 = tpu.memref_slice %arg2[%multiple_of3A_134, %dma_start3A_136] : memref<160000x128xf32, #tpu.memory_space<hbm>> -> memref<128x128xf32, #tpu.memory_space<hbm>>
          tpu.enqueue_dma source(%dma_start3A_137 : memref<128x128xf32, #tpu.memory_space<hbm>>) target(%arg7 : memref<128x128xf32, #tpu.memory_space<vmem>>) target_semaphore(%arg9 : memref<!tpu.dma_semaphore, #tpu.memory_space<semaphore_mem>>)
        } else {
        }
      } else {
      }
      %lt3A_102 = arith.constant 19 : i32
      %lt3A_103 = arith.cmpi slt, %add3A_54, %lt3A_102 : i32
      %convert_element_type3A_104 = arith.extui %lt3A_103 : i1 to i32
      %cond3A_105 = arith.constant 0 : i32
      %cond3A_106 = arith.cmpi ne, %convert_element_type3A_104, %cond3A_105 : i32
      scf.if %cond3A_106 {
        %add3A_107 = arith.constant 1 : i32
        %add3A_108 = arith.addi %mul3A_56, %add3A_107 : i32
        %mul3A_109 = arith.constant 40 : i32
        %mul3A_110 = arith.muli %add3A, %mul3A_109 : i32
        %add3A_111 = arith.addi %mul3A_110, %add3A_108 : i32
        %lt3A_112 = arith.constant 1250 : i32
        %lt3A_113 = arith.cmpi slt, %add3A_111, %lt3A_112 : i32
        %convert_element_type3A_114 = arith.extui %lt3A_113 : i1 to i32
        %cond3A_115 = arith.constant 0 : i32
        %cond3A_116 = arith.cmpi ne, %convert_element_type3A_114, %cond3A_115 : i32
        scf.if %cond3A_116 {
          %dma_wait3A = arith.constant 0 : i32
          %dma_wait3A_129 = arith.constant 0 : i32
          %dma_wait3A_130 = tpu.memref_slice %arg2[%dma_wait3A, %dma_wait3A_129] : memref<160000x128xf32, #tpu.memory_space<hbm>> -> memref<128x128xf32, #tpu.memory_space<hbm>>
          %dma_wait3A_131 = arith.constant 0 : i32
          %dma_wait3A_132 = arith.constant 0 : i32
          %dma_wait3A_133 = tpu.memref_slice %arg2[%dma_wait3A_131, %dma_wait3A_132] : memref<160000x128xf32, #tpu.memory_space<hbm>> -> memref<128x128xf32, #tpu.memory_space<hbm>>
          tpu.wait_dma2 semaphore(%arg12 : memref<!tpu.dma_semaphore, #tpu.memory_space<semaphore_mem>>) src(%dma_wait3A_133 : memref<128x128xf32, #tpu.memory_space<hbm>>) dst(%arg8 : memref<128x128xf32, #tpu.memory_space<vmem>>)
        } else {
        }
        %add3A_117 = arith.constant 2 : i32
        %add3A_118 = arith.addi %mul3A_56, %add3A_117 : i32
        %add3A_119 = arith.constant 1 : i32
        %add3A_120 = arith.addi %add3A_118, %add3A_119 : i32
        %mul3A_121 = arith.constant 40 : i32
        %mul3A_122 = arith.muli %add3A, %mul3A_121 : i32
        %add3A_123 = arith.addi %mul3A_122, %add3A_120 : i32
        %lt3A_124 = arith.constant 1250 : i32
        %lt3A_125 = arith.cmpi slt, %add3A_123, %lt3A_124 : i32
        %convert_element_type3A_126 = arith.extui %lt3A_125 : i1 to i32
        %cond3A_127 = arith.constant 0 : i32
        %cond3A_128 = arith.cmpi ne, %convert_element_type3A_126, %cond3A_127 : i32
        scf.if %cond3A_128 {
          %mul3A_129 = arith.constant 40 : i32
          %mul3A_130 = arith.muli %add3A, %mul3A_129 : i32
          %add3A_131 = arith.addi %mul3A_130, %add3A_120 : i32
          %mul3A_132 = arith.constant 128 : i32
          %mul3A_133 = arith.muli %add3A_131, %mul3A_132 : i32
          %multiple_of3A_134 = tpu.assume_multiple %mul3A_133, 128 : i32
          %dma_start3A = arith.constant 0 : i32
          %dma_start3A_135 = tpu.memref_slice %arg2[%multiple_of3A_134, %dma_start3A] : memref<160000x128xf32, #tpu.memory_space<hbm>> -> memref<128x128xf32, #tpu.memory_space<hbm>>
          %dma_start3A_136 = arith.constant 0 : i32
          %dma_start3A_137 = tpu.memref_slice %arg2[%multiple_of3A_134, %dma_start3A_136] : memref<160000x128xf32, #tpu.memory_space<hbm>> -> memref<128x128xf32, #tpu.memory_space<hbm>>
          tpu.enqueue_dma source(%dma_start3A_137 : memref<128x128xf32, #tpu.memory_space<hbm>>) target(%arg8 : memref<128x128xf32, #tpu.memory_space<vmem>>) target_semaphore(%arg10 : memref<!tpu.dma_semaphore, #tpu.memory_space<semaphore_mem>>)
        } else {
        }
      } else {
      }
    }
    %scan3A_25 = arith.constant 20 : i32
    %mul3A_26 = arith.constant 40 : i32
    %mul3A_27 = arith.muli %add3A, %mul3A_26 : i32
    %add3A_28 = arith.constant 38 : i32
    %add3A_29 = arith.addi %mul3A_27, %add3A_28 : i32
    %lt3A_30 = arith.constant 1250 : i32
    %lt3A_31 = arith.cmpi slt, %add3A_29, %lt3A_30 : i32
    %convert_element_type3A_32 = arith.extui %lt3A_31 : i1 to i32
    %cond3A_33 = arith.constant 0 : i32
    %cond3A_34 = arith.cmpi ne, %convert_element_type3A_32, %cond3A_33 : i32
    scf.if %cond3A_34 {
      %dma_wait3A = arith.constant 0 : i32
      %dma_wait3A_50 = arith.constant 0 : i32
      %dma_wait3A_51 = tpu.memref_slice %arg2[%dma_wait3A, %dma_wait3A_50] : memref<160000x128xf32, #tpu.memory_space<hbm>> -> memref<128x128xf32, #tpu.memory_space<hbm>>
      %dma_wait3A_52 = arith.constant 0 : i32
      %dma_wait3A_53 = arith.constant 0 : i32
      %dma_wait3A_54 = tpu.memref_slice %arg2[%dma_wait3A_52, %dma_wait3A_53] : memref<160000x128xf32, #tpu.memory_space<hbm>> -> memref<128x128xf32, #tpu.memory_space<hbm>>
      tpu.wait_dma2 semaphore(%arg11 : memref<!tpu.dma_semaphore, #tpu.memory_space<semaphore_mem>>) src(%dma_wait3A_54 : memref<128x128xf32, #tpu.memory_space<hbm>>) dst(%arg7 : memref<128x128xf32, #tpu.memory_space<vmem>>)
    } else {
    }
    %mul3A_35 = arith.constant 40 : i32
    %mul3A_36 = arith.muli %add3A, %mul3A_35 : i32
    %add3A_37 = arith.constant 39 : i32
    %add3A_38 = arith.addi %mul3A_36, %add3A_37 : i32
    %lt3A_39 = arith.constant 1250 : i32
    %lt3A_40 = arith.cmpi slt, %add3A_38, %lt3A_39 : i32
    %convert_element_type3A_41 = arith.extui %lt3A_40 : i1 to i32
    %cond3A_42 = arith.constant 0 : i32
    %cond3A_43 = arith.cmpi ne, %convert_element_type3A_41, %cond3A_42 : i32
    scf.if %cond3A_43 {
      %dma_wait3A = arith.constant 0 : i32
      %dma_wait3A_50 = arith.constant 0 : i32
      %dma_wait3A_51 = tpu.memref_slice %arg2[%dma_wait3A, %dma_wait3A_50] : memref<160000x128xf32, #tpu.memory_space<hbm>> -> memref<128x128xf32, #tpu.memory_space<hbm>>
      %dma_wait3A_52 = arith.constant 0 : i32
      %dma_wait3A_53 = arith.constant 0 : i32
      %dma_wait3A_54 = tpu.memref_slice %arg2[%dma_wait3A_52, %dma_wait3A_53] : memref<160000x128xf32, #tpu.memory_space<hbm>> -> memref<128x128xf32, #tpu.memory_space<hbm>>
      tpu.wait_dma2 semaphore(%arg12 : memref<!tpu.dma_semaphore, #tpu.memory_space<semaphore_mem>>) src(%dma_wait3A_54 : memref<128x128xf32, #tpu.memory_space<hbm>>) dst(%arg8 : memref<128x128xf32, #tpu.memory_space<vmem>>)
    } else {
    }
    %barrier3A_44 = arith.constant 0 : index
    tpu.barrier barrier_id(%barrier3A_44)
    "tpu.region"() ({
      %run_scoped3A = tpu.sem_alloc : memref<!tpu.dma_semaphore, #tpu.memory_space<semaphore_mem>>
      %dma_start3A = arith.constant 0 : i32
      %dma_start3A_50 = tpu.memref_slice %arg5[%arg0, %multiple_of3A, %dma_start3A] : memref<2x10000x128xf32, #tpu.memory_space<hbm>> -> memref<1x624x128xf32, #tpu.memory_space<hbm>>
      %dma_start3A_51 = tpu.memref_squeeze %dma_start3A_50 : memref<1x624x128xf32, #tpu.memory_space<hbm>> -> memref<624x128xf32, #tpu.memory_space<hbm>>
      %dma_start3A_52 = arith.constant 0 : i32
      %dma_start3A_53 = tpu.memref_slice %arg13[%multiple_of3A, %dma_start3A_52] : memref<10000x128xf32, #tpu.memory_space<vmem_shared>> -> memref<624x128xf32, #tpu.memory_space<vmem_shared>>
      tpu.enqueue_dma source(%dma_start3A_53 : memref<624x128xf32, #tpu.memory_space<vmem_shared>>) target(%dma_start3A_51 : memref<624x128xf32, #tpu.memory_space<hbm>>) target_semaphore(%run_scoped3A : memref<!tpu.dma_semaphore, #tpu.memory_space<semaphore_mem>>)
      %dma_wait3A = arith.constant 0 : i32
      %dma_wait3A_54 = tpu.memref_slice %arg5[%arg0, %multiple_of3A, %dma_wait3A] : memref<2x10000x128xf32, #tpu.memory_space<hbm>> -> memref<1x624x128xf32, #tpu.memory_space<hbm>>
      %dma_wait3A_55 = tpu.memref_squeeze %dma_wait3A_54 : memref<1x624x128xf32, #tpu.memory_space<hbm>> -> memref<624x128xf32, #tpu.memory_space<hbm>>
      %dma_wait3A_56 = arith.constant 0 : i32
      %dma_wait3A_57 = tpu.memref_slice %arg13[%multiple_of3A, %dma_wait3A_56] : memref<10000x128xf32, #tpu.memory_space<vmem_shared>> -> memref<624x128xf32, #tpu.memory_space<vmem_shared>>
      tpu.wait_dma2 semaphore(%run_scoped3A : memref<!tpu.dma_semaphore, #tpu.memory_space<semaphore_mem>>) src(%dma_wait3A_57 : memref<624x128xf32, #tpu.memory_space<vmem_shared>>) dst(%dma_wait3A_55 : memref<624x128xf32, #tpu.memory_space<hbm>>)
      tpu.yield
    }) : () -> ()
    %eq3A_45 = arith.constant 15 : i32
    %eq3A_46 = arith.cmpi eq, %arg1, %eq3A_45 : i32
    %convert_element_type3A_47 = arith.extui %eq3A_46 : i1 to i32
    %cond3A_48 = arith.constant 0 : i32
    %cond3A_49 = arith.cmpi ne, %convert_element_type3A_47, %cond3A_48 : i32
    scf.if %cond3A_49 {
      "tpu.region"() ({
        %run_scoped3A = tpu.sem_alloc : memref<!tpu.dma_semaphore, #tpu.memory_space<semaphore_mem>>
        %dma_start3A = arith.constant 9984 : i32
        %dma_start3A_50 = arith.constant 0 : i32
        %dma_start3A_51 = tpu.memref_slice %arg5[%arg0, %dma_start3A, %dma_start3A_50] : memref<2x10000x128xf32, #tpu.memory_space<hbm>> -> memref<1x16x128xf32, #tpu.memory_space<hbm>>
        %dma_start3A_52 = tpu.memref_squeeze %dma_start3A_51 : memref<1x16x128xf32, #tpu.memory_space<hbm>> -> memref<16x128xf32, #tpu.memory_space<hbm>>
        %dma_start3A_53 = arith.constant 9984 : i32
        %dma_start3A_54 = arith.constant 0 : i32
        %dma_start3A_55 = tpu.memref_slice %arg13[%dma_start3A_53, %dma_start3A_54] : memref<10000x128xf32, #tpu.memory_space<vmem_shared>> -> memref<16x128xf32, #tpu.memory_space<vmem_shared>>
        tpu.enqueue_dma source(%dma_start3A_55 : memref<16x128xf32, #tpu.memory_space<vmem_shared>>) target(%dma_start3A_52 : memref<16x128xf32, #tpu.memory_space<hbm>>) target_semaphore(%run_scoped3A : memref<!tpu.dma_semaphore, #tpu.memory_space<semaphore_mem>>)
        %dma_wait3A = arith.constant 9984 : i32
        %dma_wait3A_56 = arith.constant 0 : i32
        %dma_wait3A_57 = tpu.memref_slice %arg5[%arg0, %dma_wait3A, %dma_wait3A_56] : memref<2x10000x128xf32, #tpu.memory_space<hbm>> -> memref<1x16x128xf32, #tpu.memory_space<hbm>>
        %dma_wait3A_58 = tpu.memref_squeeze %dma_wait3A_57 : memref<1x16x128xf32, #tpu.memory_space<hbm>> -> memref<16x128xf32, #tpu.memory_space<hbm>>
        %dma_wait3A_59 = arith.constant 9984 : i32
        %dma_wait3A_60 = arith.constant 0 : i32
        %dma_wait3A_61 = tpu.memref_slice %arg13[%dma_wait3A_59, %dma_wait3A_60] : memref<10000x128xf32, #tpu.memory_space<vmem_shared>> -> memref<16x128xf32, #tpu.memory_space<vmem_shared>>
        tpu.wait_dma2 semaphore(%run_scoped3A : memref<!tpu.dma_semaphore, #tpu.memory_space<semaphore_mem>>) src(%dma_wait3A_61 : memref<16x128xf32, #tpu.memory_space<vmem_shared>>) dst(%dma_wait3A_58 : memref<16x128xf32, #tpu.memory_space<hbm>>)
        tpu.yield
      }) : () -> ()
    } else {
    }
    return
  }
}

#map = affine_map<(d0, d1) -> (0, 0)>
#map1 = affine_map<(d0, d1) -> (0)>
module attributes {stable_mosaic.version = 14 : i64} {
  func.func @gk(%arg0: i32, %arg1: i32, %arg2: memref<10000x128xf32, #tpu.memory_space<hbm>>, %arg3: memref<320000xi32, #tpu.memory_space<hbm>>, %arg4: memref<320000x128xf32, #tpu.memory_space<hbm>>, %arg5: memref<10000xi32, #tpu.memory_space<vmem>>, %arg6: memref<80x128xf32, #tpu.memory_space<vmem>>, %arg7: memref<80x128xf32, #tpu.memory_space<vmem>>, %arg8: memref<80x128xf32, #tpu.memory_space<vmem>>, %arg9: memref<80x128xf32, #tpu.memory_space<vmem>>, %arg10: memref<80x128xf32, #tpu.memory_space<vmem>>, %arg11: memref<!tpu.dma_semaphore, #tpu.memory_space<semaphore_mem>>, %arg12: memref<!tpu.dma_semaphore, #tpu.memory_space<semaphore_mem>>, %arg13: memref<!tpu.dma_semaphore, #tpu.memory_space<semaphore_mem>>, %arg14: memref<!tpu.dma_semaphore, #tpu.memory_space<semaphore_mem>>, %arg15: memref<!tpu.dma_semaphore, #tpu.memory_space<semaphore_mem>>, %arg16: memref<!tpu.dma_semaphore, #tpu.memory_space<semaphore_mem>>, %arg17: memref<!tpu.dma_semaphore, #tpu.memory_space<semaphore_mem>>, %arg18: memref<!tpu.dma_semaphore, #tpu.memory_space<semaphore_mem>>, %arg19: memref<!tpu.dma_semaphore, #tpu.memory_space<semaphore_mem>>, %arg20: memref<!tpu.dma_semaphore, #tpu.memory_space<semaphore_mem>>) attributes {dimension_semantics = [#tpu.dimension_semantics<core_parallel>, #tpu.dimension_semantics<subcore_parallel>], iteration_bounds = array<i64: 2, 16>, scalar_prefetch = 0 : i64, scratch_operands = 16 : i64, tpu.core_type = #tpu.core_type<sc_vector_subcore>, window_params = [{transform_indices = #map}, {transform_indices = #map1}, {transform_indices = #map}]} {
    %mul3A = arith.constant 2 : i32
    %mul3A_0 = arith.muli %arg1, %mul3A : i32
    %add3A = arith.addi %mul3A_0, %arg0 : i32
    %mul3A_1 = arith.constant 10000 : i32
    %mul3A_2 = arith.muli %add3A, %mul3A_1 : i32
    %multiple_of3A = tpu.assume_multiple %mul3A_2, 80 : i32
    "tpu.region"() ({
      %run_scoped3A = tpu.sem_alloc : memref<!tpu.dma_semaphore, #tpu.memory_space<semaphore_mem>>
      %dma_start3A_65 = tpu.memref_slice %arg3[%multiple_of3A] : memref<320000xi32, #tpu.memory_space<hbm>> -> memref<10000xi32, #tpu.memory_space<hbm>>
      %dma_start3A_66 = tpu.memref_slice %arg3[%multiple_of3A] : memref<320000xi32, #tpu.memory_space<hbm>> -> memref<10000xi32, #tpu.memory_space<hbm>>
      tpu.enqueue_dma source(%dma_start3A_66 : memref<10000xi32, #tpu.memory_space<hbm>>) target(%arg5 : memref<10000xi32, #tpu.memory_space<vmem>>) target_semaphore(%run_scoped3A : memref<!tpu.dma_semaphore, #tpu.memory_space<semaphore_mem>>)
      %dma_wait3A_67 = tpu.memref_slice %arg3[%multiple_of3A] : memref<320000xi32, #tpu.memory_space<hbm>> -> memref<10000xi32, #tpu.memory_space<hbm>>
      %dma_wait3A_68 = tpu.memref_slice %arg3[%multiple_of3A] : memref<320000xi32, #tpu.memory_space<hbm>> -> memref<10000xi32, #tpu.memory_space<hbm>>
      tpu.wait_dma2 semaphore(%run_scoped3A : memref<!tpu.dma_semaphore, #tpu.memory_space<semaphore_mem>>) src(%dma_wait3A_68 : memref<10000xi32, #tpu.memory_space<hbm>>) dst(%arg5 : memref<10000xi32, #tpu.memory_space<vmem>>)
      tpu.yield
    }) : () -> ()
    %multiple_of3A_3 = arith.constant 0 : i32
    %multiple_of3A_4 = tpu.assume_multiple %multiple_of3A_3, 80 : i32
    %dma_start3A = tpu.memref_slice %arg5[%multiple_of3A_4] : memref<10000xi32, #tpu.memory_space<vmem>> -> memref<80xi32, #tpu.memory_space<vmem>>
    %dma_start3A_5 = arith.constant 0 : i32
    %dma_start3A_6 = arith.constant 0 : i32
    %dma_start3A_7 = tpu.memref_slice %arg2[%dma_start3A_5, %dma_start3A_6] : memref<10000x128xf32, #tpu.memory_space<hbm>> -> memref<10000x128xf32, #tpu.memory_space<hbm>>
    tpu.enqueue_indirect_dma source(%dma_start3A_7 : memref<10000x128xf32, #tpu.memory_space<hbm>>) target(%arg6 : memref<80x128xf32, #tpu.memory_space<vmem>>) offsets(%dma_start3A : memref<80xi32, #tpu.memory_space<vmem>>) semaphore(%arg11 : memref<!tpu.dma_semaphore, #tpu.memory_space<semaphore_mem>>)
    %multiple_of3A_8 = arith.constant 80 : i32
    %multiple_of3A_9 = tpu.assume_multiple %multiple_of3A_8, 80 : i32
    %dma_start3A_10 = tpu.memref_slice %arg5[%multiple_of3A_9] : memref<10000xi32, #tpu.memory_space<vmem>> -> memref<80xi32, #tpu.memory_space<vmem>>
    %dma_start3A_11 = arith.constant 0 : i32
    %dma_start3A_12 = arith.constant 0 : i32
    %dma_start3A_13 = tpu.memref_slice %arg2[%dma_start3A_11, %dma_start3A_12] : memref<10000x128xf32, #tpu.memory_space<hbm>> -> memref<10000x128xf32, #tpu.memory_space<hbm>>
    tpu.enqueue_indirect_dma source(%dma_start3A_13 : memref<10000x128xf32, #tpu.memory_space<hbm>>) target(%arg7 : memref<80x128xf32, #tpu.memory_space<vmem>>) offsets(%dma_start3A_10 : memref<80xi32, #tpu.memory_space<vmem>>) semaphore(%arg12 : memref<!tpu.dma_semaphore, #tpu.memory_space<semaphore_mem>>)
    %multiple_of3A_14 = arith.constant 160 : i32
    %multiple_of3A_15 = tpu.assume_multiple %multiple_of3A_14, 80 : i32
    %dma_start3A_16 = tpu.memref_slice %arg5[%multiple_of3A_15] : memref<10000xi32, #tpu.memory_space<vmem>> -> memref<80xi32, #tpu.memory_space<vmem>>
    %dma_start3A_17 = arith.constant 0 : i32
    %dma_start3A_18 = arith.constant 0 : i32
    %dma_start3A_19 = tpu.memref_slice %arg2[%dma_start3A_17, %dma_start3A_18] : memref<10000x128xf32, #tpu.memory_space<hbm>> -> memref<10000x128xf32, #tpu.memory_space<hbm>>
    tpu.enqueue_indirect_dma source(%dma_start3A_19 : memref<10000x128xf32, #tpu.memory_space<hbm>>) target(%arg8 : memref<80x128xf32, #tpu.memory_space<vmem>>) offsets(%dma_start3A_16 : memref<80xi32, #tpu.memory_space<vmem>>) semaphore(%arg13 : memref<!tpu.dma_semaphore, #tpu.memory_space<semaphore_mem>>)
    %multiple_of3A_20 = arith.constant 240 : i32
    %multiple_of3A_21 = tpu.assume_multiple %multiple_of3A_20, 80 : i32
    %dma_start3A_22 = tpu.memref_slice %arg5[%multiple_of3A_21] : memref<10000xi32, #tpu.memory_space<vmem>> -> memref<80xi32, #tpu.memory_space<vmem>>
    %dma_start3A_23 = arith.constant 0 : i32
    %dma_start3A_24 = arith.constant 0 : i32
    %dma_start3A_25 = tpu.memref_slice %arg2[%dma_start3A_23, %dma_start3A_24] : memref<10000x128xf32, #tpu.memory_space<hbm>> -> memref<10000x128xf32, #tpu.memory_space<hbm>>
    tpu.enqueue_indirect_dma source(%dma_start3A_25 : memref<10000x128xf32, #tpu.memory_space<hbm>>) target(%arg9 : memref<80x128xf32, #tpu.memory_space<vmem>>) offsets(%dma_start3A_22 : memref<80xi32, #tpu.memory_space<vmem>>) semaphore(%arg14 : memref<!tpu.dma_semaphore, #tpu.memory_space<semaphore_mem>>)
    %multiple_of3A_26 = arith.constant 320 : i32
    %multiple_of3A_27 = tpu.assume_multiple %multiple_of3A_26, 80 : i32
    %dma_start3A_28 = tpu.memref_slice %arg5[%multiple_of3A_27] : memref<10000xi32, #tpu.memory_space<vmem>> -> memref<80xi32, #tpu.memory_space<vmem>>
    %dma_start3A_29 = arith.constant 0 : i32
    %dma_start3A_30 = arith.constant 0 : i32
    %dma_start3A_31 = tpu.memref_slice %arg2[%dma_start3A_29, %dma_start3A_30] : memref<10000x128xf32, #tpu.memory_space<hbm>> -> memref<10000x128xf32, #tpu.memory_space<hbm>>
    tpu.enqueue_indirect_dma source(%dma_start3A_31 : memref<10000x128xf32, #tpu.memory_space<hbm>>) target(%arg10 : memref<80x128xf32, #tpu.memory_space<vmem>>) offsets(%dma_start3A_28 : memref<80xi32, #tpu.memory_space<vmem>>) semaphore(%arg15 : memref<!tpu.dma_semaphore, #tpu.memory_space<semaphore_mem>>)
    %scan3A = arith.constant 0 : i32
    %scan3A_32 = arith.constant 25 : i32
    %scan3A_33 = arith.addi %scan3A, %scan3A_32 : i32
    %scan3A_34 = arith.constant 1 : i32
    scf.for %scan3A_65 = %scan3A to %scan3A_33 step %scan3A_34  : i32 {
      %mul3A_66 = arith.constant 1 : i32
      %mul3A_67 = arith.muli %scan3A_65, %mul3A_66 : i32
      %add3A_68 = arith.constant 0 : i32
      %add3A_69 = arith.addi %add3A_68, %mul3A_67 : i32
      %mul3A_70 = arith.constant 5 : i32
      %mul3A_71 = arith.muli %add3A_69, %mul3A_70 : i32
      %dma_wait3A_72 = arith.constant 0 : i32
      %dma_wait3A_73 = arith.constant 0 : i32
      %dma_wait3A_74 = tpu.memref_slice %arg2[%dma_wait3A_72, %dma_wait3A_73] : memref<10000x128xf32, #tpu.memory_space<hbm>> -> memref<80x128xf32, #tpu.memory_space<hbm>>
      %dma_wait3A_75 = arith.constant 0 : i32
      %dma_wait3A_76 = arith.constant 0 : i32
      %dma_wait3A_77 = tpu.memref_slice %arg2[%dma_wait3A_75, %dma_wait3A_76] : memref<10000x128xf32, #tpu.memory_space<hbm>> -> memref<80x128xf32, #tpu.memory_space<hbm>>
      tpu.wait_dma2 semaphore(%arg11 : memref<!tpu.dma_semaphore, #tpu.memory_space<semaphore_mem>>) src(%dma_wait3A_77 : memref<80x128xf32, #tpu.memory_space<hbm>>) dst(%arg6 : memref<80x128xf32, #tpu.memory_space<vmem>>)
      %add3A_78 = arith.constant 0 : i32
      %add3A_79 = arith.addi %mul3A_71, %add3A_78 : i32
      %mul3A_80 = arith.constant 80 : i32
      %mul3A_81 = arith.muli %add3A_79, %mul3A_80 : i32
      %add3A_82 = arith.addi %multiple_of3A, %mul3A_81 : i32
      %multiple_of3A_83 = tpu.assume_multiple %add3A_82, 80 : i32
      %dma_start3A_84 = arith.constant 0 : i32
      %dma_start3A_85 = tpu.memref_slice %arg4[%multiple_of3A_83, %dma_start3A_84] : memref<320000x128xf32, #tpu.memory_space<hbm>> -> memref<80x128xf32, #tpu.memory_space<hbm>>
      %dma_start3A_86 = arith.constant 0 : i32
      %dma_start3A_87 = tpu.memref_slice %arg4[%multiple_of3A_83, %dma_start3A_86] : memref<320000x128xf32, #tpu.memory_space<hbm>> -> memref<80x128xf32, #tpu.memory_space<hbm>>
      tpu.enqueue_dma source(%arg6 : memref<80x128xf32, #tpu.memory_space<vmem>>) target(%dma_start3A_87 : memref<80x128xf32, #tpu.memory_space<hbm>>) target_semaphore(%arg16 : memref<!tpu.dma_semaphore, #tpu.memory_space<semaphore_mem>>)
      %dma_wait3A_88 = arith.constant 0 : i32
      %dma_wait3A_89 = arith.constant 0 : i32
      %dma_wait3A_90 = tpu.memref_slice %arg2[%dma_wait3A_88, %dma_wait3A_89] : memref<10000x128xf32, #tpu.memory_space<hbm>> -> memref<80x128xf32, #tpu.memory_space<hbm>>
      %dma_wait3A_91 = arith.constant 0 : i32
      %dma_wait3A_92 = arith.constant 0 : i32
      %dma_wait3A_93 = tpu.memref_slice %arg2[%dma_wait3A_91, %dma_wait3A_92] : memref<10000x128xf32, #tpu.memory_space<hbm>> -> memref<80x128xf32, #tpu.memory_space<hbm>>
      tpu.wait_dma2 semaphore(%arg12 : memref<!tpu.dma_semaphore, #tpu.memory_space<semaphore_mem>>) src(%dma_wait3A_93 : memref<80x128xf32, #tpu.memory_space<hbm>>) dst(%arg7 : memref<80x128xf32, #tpu.memory_space<vmem>>)
      %add3A_94 = arith.constant 1 : i32
      %add3A_95 = arith.addi %mul3A_71, %add3A_94 : i32
      %mul3A_96 = arith.constant 80 : i32
      %mul3A_97 = arith.muli %add3A_95, %mul3A_96 : i32
      %add3A_98 = arith.addi %multiple_of3A, %mul3A_97 : i32
      %multiple_of3A_99 = tpu.assume_multiple %add3A_98, 80 : i32
      %dma_start3A_100 = arith.constant 0 : i32
      %dma_start3A_101 = tpu.memref_slice %arg4[%multiple_of3A_99, %dma_start3A_100] : memref<320000x128xf32, #tpu.memory_space<hbm>> -> memref<80x128xf32, #tpu.memory_space<hbm>>
      %dma_start3A_102 = arith.constant 0 : i32
      %dma_start3A_103 = tpu.memref_slice %arg4[%multiple_of3A_99, %dma_start3A_102] : memref<320000x128xf32, #tpu.memory_space<hbm>> -> memref<80x128xf32, #tpu.memory_space<hbm>>
      tpu.enqueue_dma source(%arg7 : memref<80x128xf32, #tpu.memory_space<vmem>>) target(%dma_start3A_103 : memref<80x128xf32, #tpu.memory_space<hbm>>) target_semaphore(%arg17 : memref<!tpu.dma_semaphore, #tpu.memory_space<semaphore_mem>>)
      %dma_wait3A_104 = arith.constant 0 : i32
      %dma_wait3A_105 = arith.constant 0 : i32
      %dma_wait3A_106 = tpu.memref_slice %arg2[%dma_wait3A_104, %dma_wait3A_105] : memref<10000x128xf32, #tpu.memory_space<hbm>> -> memref<80x128xf32, #tpu.memory_space<hbm>>
      %dma_wait3A_107 = arith.constant 0 : i32
      %dma_wait3A_108 = arith.constant 0 : i32
      %dma_wait3A_109 = tpu.memref_slice %arg2[%dma_wait3A_107, %dma_wait3A_108] : memref<10000x128xf32, #tpu.memory_space<hbm>> -> memref<80x128xf32, #tpu.memory_space<hbm>>
      tpu.wait_dma2 semaphore(%arg13 : memref<!tpu.dma_semaphore, #tpu.memory_space<semaphore_mem>>) src(%dma_wait3A_109 : memref<80x128xf32, #tpu.memory_space<hbm>>) dst(%arg8 : memref<80x128xf32, #tpu.memory_space<vmem>>)
      %add3A_110 = arith.constant 2 : i32
      %add3A_111 = arith.addi %mul3A_71, %add3A_110 : i32
      %mul3A_112 = arith.constant 80 : i32
      %mul3A_113 = arith.muli %add3A_111, %mul3A_112 : i32
      %add3A_114 = arith.addi %multiple_of3A, %mul3A_113 : i32
      %multiple_of3A_115 = tpu.assume_multiple %add3A_114, 80 : i32
      %dma_start3A_116 = arith.constant 0 : i32
      %dma_start3A_117 = tpu.memref_slice %arg4[%multiple_of3A_115, %dma_start3A_116] : memref<320000x128xf32, #tpu.memory_space<hbm>> -> memref<80x128xf32, #tpu.memory_space<hbm>>
      %dma_start3A_118 = arith.constant 0 : i32
      %dma_start3A_119 = tpu.memref_slice %arg4[%multiple_of3A_115, %dma_start3A_118] : memref<320000x128xf32, #tpu.memory_space<hbm>> -> memref<80x128xf32, #tpu.memory_space<hbm>>
      tpu.enqueue_dma source(%arg8 : memref<80x128xf32, #tpu.memory_space<vmem>>) target(%dma_start3A_119 : memref<80x128xf32, #tpu.memory_space<hbm>>) target_semaphore(%arg18 : memref<!tpu.dma_semaphore, #tpu.memory_space<semaphore_mem>>)
      %dma_wait3A_120 = arith.constant 0 : i32
      %dma_wait3A_121 = arith.constant 0 : i32
      %dma_wait3A_122 = tpu.memref_slice %arg2[%dma_wait3A_120, %dma_wait3A_121] : memref<10000x128xf32, #tpu.memory_space<hbm>> -> memref<80x128xf32, #tpu.memory_space<hbm>>
      %dma_wait3A_123 = arith.constant 0 : i32
      %dma_wait3A_124 = arith.constant 0 : i32
      %dma_wait3A_125 = tpu.memref_slice %arg2[%dma_wait3A_123, %dma_wait3A_124] : memref<10000x128xf32, #tpu.memory_space<hbm>> -> memref<80x128xf32, #tpu.memory_space<hbm>>
      tpu.wait_dma2 semaphore(%arg14 : memref<!tpu.dma_semaphore, #tpu.memory_space<semaphore_mem>>) src(%dma_wait3A_125 : memref<80x128xf32, #tpu.memory_space<hbm>>) dst(%arg9 : memref<80x128xf32, #tpu.memory_space<vmem>>)
      %add3A_126 = arith.constant 3 : i32
      %add3A_127 = arith.addi %mul3A_71, %add3A_126 : i32
      %mul3A_128 = arith.constant 80 : i32
      %mul3A_129 = arith.muli %add3A_127, %mul3A_128 : i32
      %add3A_130 = arith.addi %multiple_of3A, %mul3A_129 : i32
      %multiple_of3A_131 = tpu.assume_multiple %add3A_130, 80 : i32
      %dma_start3A_132 = arith.constant 0 : i32
      %dma_start3A_133 = tpu.memref_slice %arg4[%multiple_of3A_131, %dma_start3A_132] : memref<320000x128xf32, #tpu.memory_space<hbm>> -> memref<80x128xf32, #tpu.memory_space<hbm>>
      %dma_start3A_134 = arith.constant 0 : i32
      %dma_start3A_135 = tpu.memref_slice %arg4[%multiple_of3A_131, %dma_start3A_134] : memref<320000x128xf32, #tpu.memory_space<hbm>> -> memref<80x128xf32, #tpu.memory_space<hbm>>
      tpu.enqueue_dma source(%arg9 : memref<80x128xf32, #tpu.memory_space<vmem>>) target(%dma_start3A_135 : memref<80x128xf32, #tpu.memory_space<hbm>>) target_semaphore(%arg19 : memref<!tpu.dma_semaphore, #tpu.memory_space<semaphore_mem>>)
      %dma_wait3A_136 = arith.constant 0 : i32
      %dma_wait3A_137 = arith.constant 0 : i32
      %dma_wait3A_138 = tpu.memref_slice %arg2[%dma_wait3A_136, %dma_wait3A_137] : memref<10000x128xf32, #tpu.memory_space<hbm>> -> memref<80x128xf32, #tpu.memory_space<hbm>>
      %dma_wait3A_139 = arith.constant 0 : i32
      %dma_wait3A_140 = arith.constant 0 : i32
      %dma_wait3A_141 = tpu.memref_slice %arg2[%dma_wait3A_139, %dma_wait3A_140] : memref<10000x128xf32, #tpu.memory_space<hbm>> -> memref<80x128xf32, #tpu.memory_space<hbm>>
      tpu.wait_dma2 semaphore(%arg15 : memref<!tpu.dma_semaphore, #tpu.memory_space<semaphore_mem>>) src(%dma_wait3A_141 : memref<80x128xf32, #tpu.memory_space<hbm>>) dst(%arg10 : memref<80x128xf32, #tpu.memory_space<vmem>>)
      %add3A_142 = arith.constant 4 : i32
      %add3A_143 = arith.addi %mul3A_71, %add3A_142 : i32
      %mul3A_144 = arith.constant 80 : i32
      %mul3A_145 = arith.muli %add3A_143, %mul3A_144 : i32
      %add3A_146 = arith.addi %multiple_of3A, %mul3A_145 : i32
      %multiple_of3A_147 = tpu.assume_multiple %add3A_146, 80 : i32
      %dma_start3A_148 = arith.constant 0 : i32
      %dma_start3A_149 = tpu.memref_slice %arg4[%multiple_of3A_147, %dma_start3A_148] : memref<320000x128xf32, #tpu.memory_space<hbm>> -> memref<80x128xf32, #tpu.memory_space<hbm>>
      %dma_start3A_150 = arith.constant 0 : i32
      %dma_start3A_151 = tpu.memref_slice %arg4[%multiple_of3A_147, %dma_start3A_150] : memref<320000x128xf32, #tpu.memory_space<hbm>> -> memref<80x128xf32, #tpu.memory_space<hbm>>
      tpu.enqueue_dma source(%arg10 : memref<80x128xf32, #tpu.memory_space<vmem>>) target(%dma_start3A_151 : memref<80x128xf32, #tpu.memory_space<hbm>>) target_semaphore(%arg20 : memref<!tpu.dma_semaphore, #tpu.memory_space<semaphore_mem>>)
      %lt3A = arith.constant 24 : i32
      %lt3A_152 = arith.cmpi slt, %add3A_69, %lt3A : i32
      %convert_element_type3A = arith.extui %lt3A_152 : i1 to i32
      %cond3A = arith.constant 0 : i32
      %cond3A_153 = arith.cmpi ne, %convert_element_type3A, %cond3A : i32
      scf.if %cond3A_153 {
        %dma_wait3A_174 = arith.constant 0 : i32
        %dma_wait3A_175 = arith.constant 0 : i32
        %dma_wait3A_176 = tpu.memref_slice %arg4[%dma_wait3A_174, %dma_wait3A_175] : memref<320000x128xf32, #tpu.memory_space<hbm>> -> memref<80x128xf32, #tpu.memory_space<hbm>>
        %dma_wait3A_177 = arith.constant 0 : i32
        %dma_wait3A_178 = arith.constant 0 : i32
        %dma_wait3A_179 = tpu.memref_slice %arg4[%dma_wait3A_177, %dma_wait3A_178] : memref<320000x128xf32, #tpu.memory_space<hbm>> -> memref<80x128xf32, #tpu.memory_space<hbm>>
        tpu.wait_dma2 semaphore(%arg16 : memref<!tpu.dma_semaphore, #tpu.memory_space<semaphore_mem>>) src(%arg6 : memref<80x128xf32, #tpu.memory_space<vmem>>) dst(%dma_wait3A_179 : memref<80x128xf32, #tpu.memory_space<hbm>>)
        %add3A_180 = arith.constant 5 : i32
        %add3A_181 = arith.addi %mul3A_71, %add3A_180 : i32
        %add3A_182 = arith.constant 0 : i32
        %add3A_183 = arith.addi %add3A_181, %add3A_182 : i32
        %mul3A_184 = arith.constant 80 : i32
        %mul3A_185 = arith.muli %add3A_183, %mul3A_184 : i32
        %multiple_of3A_186 = tpu.assume_multiple %mul3A_185, 80 : i32
        %dma_start3A_187 = tpu.memref_slice %arg5[%multiple_of3A_186] : memref<10000xi32, #tpu.memory_space<vmem>> -> memref<80xi32, #tpu.memory_space<vmem>>
        %dma_start3A_188 = arith.constant 0 : i32
        %dma_start3A_189 = arith.constant 0 : i32
        %dma_start3A_190 = tpu.memref_slice %arg2[%dma_start3A_188, %dma_start3A_189] : memref<10000x128xf32, #tpu.memory_space<hbm>> -> memref<10000x128xf32, #tpu.memory_space<hbm>>
        tpu.enqueue_indirect_dma source(%dma_start3A_190 : memref<10000x128xf32, #tpu.memory_space<hbm>>) target(%arg6 : memref<80x128xf32, #tpu.memory_space<vmem>>) offsets(%dma_start3A_187 : memref<80xi32, #tpu.memory_space<vmem>>) semaphore(%arg11 : memref<!tpu.dma_semaphore, #tpu.memory_space<semaphore_mem>>)
      } else {
      }
      %lt3A_154 = arith.constant 24 : i32
      %lt3A_155 = arith.cmpi slt, %add3A_69, %lt3A_154 : i32
      %convert_element_type3A_156 = arith.extui %lt3A_155 : i1 to i32
      %cond3A_157 = arith.constant 0 : i32
      %cond3A_158 = arith.cmpi ne, %convert_element_type3A_156, %cond3A_157 : i32
      scf.if %cond3A_158 {
        %dma_wait3A_174 = arith.constant 0 : i32
        %dma_wait3A_175 = arith.constant 0 : i32
        %dma_wait3A_176 = tpu.memref_slice %arg4[%dma_wait3A_174, %dma_wait3A_175] : memref<320000x128xf32, #tpu.memory_space<hbm>> -> memref<80x128xf32, #tpu.memory_space<hbm>>
        %dma_wait3A_177 = arith.constant 0 : i32
        %dma_wait3A_178 = arith.constant 0 : i32
        %dma_wait3A_179 = tpu.memref_slice %arg4[%dma_wait3A_177, %dma_wait3A_178] : memref<320000x128xf32, #tpu.memory_space<hbm>> -> memref<80x128xf32, #tpu.memory_space<hbm>>
        tpu.wait_dma2 semaphore(%arg17 : memref<!tpu.dma_semaphore, #tpu.memory_space<semaphore_mem>>) src(%arg7 : memref<80x128xf32, #tpu.memory_space<vmem>>) dst(%dma_wait3A_179 : memref<80x128xf32, #tpu.memory_space<hbm>>)
        %add3A_180 = arith.constant 5 : i32
        %add3A_181 = arith.addi %mul3A_71, %add3A_180 : i32
        %add3A_182 = arith.constant 1 : i32
        %add3A_183 = arith.addi %add3A_181, %add3A_182 : i32
        %mul3A_184 = arith.constant 80 : i32
        %mul3A_185 = arith.muli %add3A_183, %mul3A_184 : i32
        %multiple_of3A_186 = tpu.assume_multiple %mul3A_185, 80 : i32
        %dma_start3A_187 = tpu.memref_slice %arg5[%multiple_of3A_186] : memref<10000xi32, #tpu.memory_space<vmem>> -> memref<80xi32, #tpu.memory_space<vmem>>
        %dma_start3A_188 = arith.constant 0 : i32
        %dma_start3A_189 = arith.constant 0 : i32
        %dma_start3A_190 = tpu.memref_slice %arg2[%dma_start3A_188, %dma_start3A_189] : memref<10000x128xf32, #tpu.memory_space<hbm>> -> memref<10000x128xf32, #tpu.memory_space<hbm>>
        tpu.enqueue_indirect_dma source(%dma_start3A_190 : memref<10000x128xf32, #tpu.memory_space<hbm>>) target(%arg7 : memref<80x128xf32, #tpu.memory_space<vmem>>) offsets(%dma_start3A_187 : memref<80xi32, #tpu.memory_space<vmem>>) semaphore(%arg12 : memref<!tpu.dma_semaphore, #tpu.memory_space<semaphore_mem>>)
      } else {
      }
      %lt3A_159 = arith.constant 24 : i32
      %lt3A_160 = arith.cmpi slt, %add3A_69, %lt3A_159 : i32
      %convert_element_type3A_161 = arith.extui %lt3A_160 : i1 to i32
      %cond3A_162 = arith.constant 0 : i32
      %cond3A_163 = arith.cmpi ne, %convert_element_type3A_161, %cond3A_162 : i32
      scf.if %cond3A_163 {
        %dma_wait3A_174 = arith.constant 0 : i32
        %dma_wait3A_175 = arith.constant 0 : i32
        %dma_wait3A_176 = tpu.memref_slice %arg4[%dma_wait3A_174, %dma_wait3A_175] : memref<320000x128xf32, #tpu.memory_space<hbm>> -> memref<80x128xf32, #tpu.memory_space<hbm>>
        %dma_wait3A_177 = arith.constant 0 : i32
        %dma_wait3A_178 = arith.constant 0 : i32
        %dma_wait3A_179 = tpu.memref_slice %arg4[%dma_wait3A_177, %dma_wait3A_178] : memref<320000x128xf32, #tpu.memory_space<hbm>> -> memref<80x128xf32, #tpu.memory_space<hbm>>
        tpu.wait_dma2 semaphore(%arg18 : memref<!tpu.dma_semaphore, #tpu.memory_space<semaphore_mem>>) src(%arg8 : memref<80x128xf32, #tpu.memory_space<vmem>>) dst(%dma_wait3A_179 : memref<80x128xf32, #tpu.memory_space<hbm>>)
        %add3A_180 = arith.constant 5 : i32
        %add3A_181 = arith.addi %mul3A_71, %add3A_180 : i32
        %add3A_182 = arith.constant 2 : i32
        %add3A_183 = arith.addi %add3A_181, %add3A_182 : i32
        %mul3A_184 = arith.constant 80 : i32
        %mul3A_185 = arith.muli %add3A_183, %mul3A_184 : i32
        %multiple_of3A_186 = tpu.assume_multiple %mul3A_185, 80 : i32
        %dma_start3A_187 = tpu.memref_slice %arg5[%multiple_of3A_186] : memref<10000xi32, #tpu.memory_space<vmem>> -> memref<80xi32, #tpu.memory_space<vmem>>
        %dma_start3A_188 = arith.constant 0 : i32
        %dma_start3A_189 = arith.constant 0 : i32
        %dma_start3A_190 = tpu.memref_slice %arg2[%dma_start3A_188, %dma_start3A_189] : memref<10000x128xf32, #tpu.memory_space<hbm>> -> memref<10000x128xf32, #tpu.memory_space<hbm>>
        tpu.enqueue_indirect_dma source(%dma_start3A_190 : memref<10000x128xf32, #tpu.memory_space<hbm>>) target(%arg8 : memref<80x128xf32, #tpu.memory_space<vmem>>) offsets(%dma_start3A_187 : memref<80xi32, #tpu.memory_space<vmem>>) semaphore(%arg13 : memref<!tpu.dma_semaphore, #tpu.memory_space<semaphore_mem>>)
      } else {
      }
      %lt3A_164 = arith.constant 24 : i32
      %lt3A_165 = arith.cmpi slt, %add3A_69, %lt3A_164 : i32
      %convert_element_type3A_166 = arith.extui %lt3A_165 : i1 to i32
      %cond3A_167 = arith.constant 0 : i32
      %cond3A_168 = arith.cmpi ne, %convert_element_type3A_166, %cond3A_167 : i32
      scf.if %cond3A_168 {
        %dma_wait3A_174 = arith.constant 0 : i32
        %dma_wait3A_175 = arith.constant 0 : i32
        %dma_wait3A_176 = tpu.memref_slice %arg4[%dma_wait3A_174, %dma_wait3A_175] : memref<320000x128xf32, #tpu.memory_space<hbm>> -> memref<80x128xf32, #tpu.memory_space<hbm>>
        %dma_wait3A_177 = arith.constant 0 : i32
        %dma_wait3A_178 = arith.constant 0 : i32
        %dma_wait3A_179 = tpu.memref_slice %arg4[%dma_wait3A_177, %dma_wait3A_178] : memref<320000x128xf32, #tpu.memory_space<hbm>> -> memref<80x128xf32, #tpu.memory_space<hbm>>
        tpu.wait_dma2 semaphore(%arg19 : memref<!tpu.dma_semaphore, #tpu.memory_space<semaphore_mem>>) src(%arg9 : memref<80x128xf32, #tpu.memory_space<vmem>>) dst(%dma_wait3A_179 : memref<80x128xf32, #tpu.memory_space<hbm>>)
        %add3A_180 = arith.constant 5 : i32
        %add3A_181 = arith.addi %mul3A_71, %add3A_180 : i32
        %add3A_182 = arith.constant 3 : i32
        %add3A_183 = arith.addi %add3A_181, %add3A_182 : i32
        %mul3A_184 = arith.constant 80 : i32
        %mul3A_185 = arith.muli %add3A_183, %mul3A_184 : i32
        %multiple_of3A_186 = tpu.assume_multiple %mul3A_185, 80 : i32
        %dma_start3A_187 = tpu.memref_slice %arg5[%multiple_of3A_186] : memref<10000xi32, #tpu.memory_space<vmem>> -> memref<80xi32, #tpu.memory_space<vmem>>
        %dma_start3A_188 = arith.constant 0 : i32
        %dma_start3A_189 = arith.constant 0 : i32
        %dma_start3A_190 = tpu.memref_slice %arg2[%dma_start3A_188, %dma_start3A_189] : memref<10000x128xf32, #tpu.memory_space<hbm>> -> memref<10000x128xf32, #tpu.memory_space<hbm>>
        tpu.enqueue_indirect_dma source(%dma_start3A_190 : memref<10000x128xf32, #tpu.memory_space<hbm>>) target(%arg9 : memref<80x128xf32, #tpu.memory_space<vmem>>) offsets(%dma_start3A_187 : memref<80xi32, #tpu.memory_space<vmem>>) semaphore(%arg14 : memref<!tpu.dma_semaphore, #tpu.memory_space<semaphore_mem>>)
      } else {
      }
      %lt3A_169 = arith.constant 24 : i32
      %lt3A_170 = arith.cmpi slt, %add3A_69, %lt3A_169 : i32
      %convert_element_type3A_171 = arith.extui %lt3A_170 : i1 to i32
      %cond3A_172 = arith.constant 0 : i32
      %cond3A_173 = arith.cmpi ne, %convert_element_type3A_171, %cond3A_172 : i32
      scf.if %cond3A_173 {
        %dma_wait3A_174 = arith.constant 0 : i32
        %dma_wait3A_175 = arith.constant 0 : i32
        %dma_wait3A_176 = tpu.memref_slice %arg4[%dma_wait3A_174, %dma_wait3A_175] : memref<320000x128xf32, #tpu.memory_space<hbm>> -> memref<80x128xf32, #tpu.memory_space<hbm>>
        %dma_wait3A_177 = arith.constant 0 : i32
        %dma_wait3A_178 = arith.constant 0 : i32
        %dma_wait3A_179 = tpu.memref_slice %arg4[%dma_wait3A_177, %dma_wait3A_178] : memref<320000x128xf32, #tpu.memory_space<hbm>> -> memref<80x128xf32, #tpu.memory_space<hbm>>
        tpu.wait_dma2 semaphore(%arg20 : memref<!tpu.dma_semaphore, #tpu.memory_space<semaphore_mem>>) src(%arg10 : memref<80x128xf32, #tpu.memory_space<vmem>>) dst(%dma_wait3A_179 : memref<80x128xf32, #tpu.memory_space<hbm>>)
        %add3A_180 = arith.constant 5 : i32
        %add3A_181 = arith.addi %mul3A_71, %add3A_180 : i32
        %add3A_182 = arith.constant 4 : i32
        %add3A_183 = arith.addi %add3A_181, %add3A_182 : i32
        %mul3A_184 = arith.constant 80 : i32
        %mul3A_185 = arith.muli %add3A_183, %mul3A_184 : i32
        %multiple_of3A_186 = tpu.assume_multiple %mul3A_185, 80 : i32
        %dma_start3A_187 = tpu.memref_slice %arg5[%multiple_of3A_186] : memref<10000xi32, #tpu.memory_space<vmem>> -> memref<80xi32, #tpu.memory_space<vmem>>
        %dma_start3A_188 = arith.constant 0 : i32
        %dma_start3A_189 = arith.constant 0 : i32
        %dma_start3A_190 = tpu.memref_slice %arg2[%dma_start3A_188, %dma_start3A_189] : memref<10000x128xf32, #tpu.memory_space<hbm>> -> memref<10000x128xf32, #tpu.memory_space<hbm>>
        tpu.enqueue_indirect_dma source(%dma_start3A_190 : memref<10000x128xf32, #tpu.memory_space<hbm>>) target(%arg10 : memref<80x128xf32, #tpu.memory_space<vmem>>) offsets(%dma_start3A_187 : memref<80xi32, #tpu.memory_space<vmem>>) semaphore(%arg15 : memref<!tpu.dma_semaphore, #tpu.memory_space<semaphore_mem>>)
      } else {
      }
    }
    %scan3A_35 = arith.constant 25 : i32
    %dma_wait3A = arith.constant 0 : i32
    %dma_wait3A_36 = arith.constant 0 : i32
    %dma_wait3A_37 = tpu.memref_slice %arg4[%dma_wait3A, %dma_wait3A_36] : memref<320000x128xf32, #tpu.memory_space<hbm>> -> memref<80x128xf32, #tpu.memory_space<hbm>>
    %dma_wait3A_38 = arith.constant 0 : i32
    %dma_wait3A_39 = arith.constant 0 : i32
    %dma_wait3A_40 = tpu.memref_slice %arg4[%dma_wait3A_38, %dma_wait3A_39] : memref<320000x128xf32, #tpu.memory_space<hbm>> -> memref<80x128xf32, #tpu.memory_space<hbm>>
    tpu.wait_dma2 semaphore(%arg16 : memref<!tpu.dma_semaphore, #tpu.memory_space<semaphore_mem>>) src(%arg6 : memref<80x128xf32, #tpu.memory_space<vmem>>) dst(%dma_wait3A_40 : memref<80x128xf32, #tpu.memory_space<hbm>>)
    %dma_wait3A_41 = arith.constant 0 : i32
    %dma_wait3A_42 = arith.constant 0 : i32
    %dma_wait3A_43 = tpu.memref_slice %arg4[%dma_wait3A_41, %dma_wait3A_42] : memref<320000x128xf32, #tpu.memory_space<hbm>> -> memref<80x128xf32, #tpu.memory_space<hbm>>
    %dma_wait3A_44 = arith.constant 0 : i32
    %dma_wait3A_45 = arith.constant 0 : i32
    %dma_wait3A_46 = tpu.memref_slice %arg4[%dma_wait3A_44, %dma_wait3A_45] : memref<320000x128xf32, #tpu.memory_space<hbm>> -> memref<80x128xf32, #tpu.memory_space<hbm>>
    tpu.wait_dma2 semaphore(%arg17 : memref<!tpu.dma_semaphore, #tpu.memory_space<semaphore_mem>>) src(%arg7 : memref<80x128xf32, #tpu.memory_space<vmem>>) dst(%dma_wait3A_46 : memref<80x128xf32, #tpu.memory_space<hbm>>)
    %dma_wait3A_47 = arith.constant 0 : i32
    %dma_wait3A_48 = arith.constant 0 : i32
    %dma_wait3A_49 = tpu.memref_slice %arg4[%dma_wait3A_47, %dma_wait3A_48] : memref<320000x128xf32, #tpu.memory_space<hbm>> -> memref<80x128xf32, #tpu.memory_space<hbm>>
    %dma_wait3A_50 = arith.constant 0 : i32
    %dma_wait3A_51 = arith.constant 0 : i32
    %dma_wait3A_52 = tpu.memref_slice %arg4[%dma_wait3A_50, %dma_wait3A_51] : memref<320000x128xf32, #tpu.memory_space<hbm>> -> memref<80x128xf32, #tpu.memory_space<hbm>>
    tpu.wait_dma2 semaphore(%arg18 : memref<!tpu.dma_semaphore, #tpu.memory_space<semaphore_mem>>) src(%arg8 : memref<80x128xf32, #tpu.memory_space<vmem>>) dst(%dma_wait3A_52 : memref<80x128xf32, #tpu.memory_space<hbm>>)
    %dma_wait3A_53 = arith.constant 0 : i32
    %dma_wait3A_54 = arith.constant 0 : i32
    %dma_wait3A_55 = tpu.memref_slice %arg4[%dma_wait3A_53, %dma_wait3A_54] : memref<320000x128xf32, #tpu.memory_space<hbm>> -> memref<80x128xf32, #tpu.memory_space<hbm>>
    %dma_wait3A_56 = arith.constant 0 : i32
    %dma_wait3A_57 = arith.constant 0 : i32
    %dma_wait3A_58 = tpu.memref_slice %arg4[%dma_wait3A_56, %dma_wait3A_57] : memref<320000x128xf32, #tpu.memory_space<hbm>> -> memref<80x128xf32, #tpu.memory_space<hbm>>
    tpu.wait_dma2 semaphore(%arg19 : memref<!tpu.dma_semaphore, #tpu.memory_space<semaphore_mem>>) src(%arg9 : memref<80x128xf32, #tpu.memory_space<vmem>>) dst(%dma_wait3A_58 : memref<80x128xf32, #tpu.memory_space<hbm>>)
    %dma_wait3A_59 = arith.constant 0 : i32
    %dma_wait3A_60 = arith.constant 0 : i32
    %dma_wait3A_61 = tpu.memref_slice %arg4[%dma_wait3A_59, %dma_wait3A_60] : memref<320000x128xf32, #tpu.memory_space<hbm>> -> memref<80x128xf32, #tpu.memory_space<hbm>>
    %dma_wait3A_62 = arith.constant 0 : i32
    %dma_wait3A_63 = arith.constant 0 : i32
    %dma_wait3A_64 = tpu.memref_slice %arg4[%dma_wait3A_62, %dma_wait3A_63] : memref<320000x128xf32, #tpu.memory_space<hbm>> -> memref<80x128xf32, #tpu.memory_space<hbm>>
    tpu.wait_dma2 semaphore(%arg20 : memref<!tpu.dma_semaphore, #tpu.memory_space<semaphore_mem>>) src(%arg10 : memref<80x128xf32, #tpu.memory_space<vmem>>) dst(%dma_wait3A_64 : memref<80x128xf32, #tpu.memory_space<hbm>>)
    return
  }
}

#map = affine_map<(d0, d1) -> (0, 0)>
#map1 = affine_map<(d0, d1) -> (0, 0, 0)>
module attributes {stable_mosaic.version = 14 : i64} {
  func.func @sk(%arg0: i32, %arg1: i32, %arg2: memref<160000x128xf32, #tpu.memory_space<hbm>>, %arg3: memref<32x40x128xi32, #tpu.memory_space<hbm>>, %arg4: memref<10000x128xf32, #tpu.memory_space<hbm>>, %arg5: memref<2x10000x128xf32, #tpu.memory_space<hbm>>, %arg6: memref<40x128xi32, #tpu.memory_space<vmem>>, %arg7: memref<128x128xf32, #tpu.memory_space<vmem>>, %arg8: memref<128x128xf32, #tpu.memory_space<vmem>>, %arg9: memref<!tpu.dma_semaphore, #tpu.memory_space<semaphore_mem>>, %arg10: memref<!tpu.dma_semaphore, #tpu.memory_space<semaphore_mem>>, %arg11: memref<!tpu.dma_semaphore, #tpu.memory_space<semaphore_mem>>, %arg12: memref<!tpu.dma_semaphore, #tpu.memory_space<semaphore_mem>>, %arg13: memref<10000x128xf32, #tpu.memory_space<vmem_shared>>) attributes {dimension_semantics = [#tpu.dimension_semantics<core_parallel>, #tpu.dimension_semantics<subcore_parallel>], iteration_bounds = array<i64: 2, 16>, scalar_prefetch = 0 : i64, scratch_operands = 8 : i64, tpu.core_type = #tpu.core_type<sc_vector_subcore>, window_params = [{transform_indices = #map}, {transform_indices = #map1}, {transform_indices = #map}, {transform_indices = #map1}]} {
    %mul3A = arith.constant 16 : i32
    %mul3A_0 = arith.muli %arg0, %mul3A : i32
    %add3A = arith.addi %mul3A_0, %arg1 : i32
    %mul3A_1 = arith.constant 624 : i32
    %mul3A_2 = arith.muli %arg1, %mul3A_1 : i32
    %multiple_of3A = tpu.assume_multiple %mul3A_2, 8 : i32
    "tpu.region"() ({
      %run_scoped3A = tpu.sem_alloc : memref<!tpu.dma_semaphore, #tpu.memory_space<semaphore_mem>>
      %dma_start3A = arith.constant 0 : i32
      %dma_start3A_50 = tpu.memref_slice %arg13[%multiple_of3A, %dma_start3A] : memref<10000x128xf32, #tpu.memory_space<vmem_shared>> -> memref<624x128xf32, #tpu.memory_space<vmem_shared>>
      %dma_start3A_51 = arith.constant 0 : i32
      %dma_start3A_52 = tpu.memref_slice %arg4[%multiple_of3A, %dma_start3A_51] : memref<10000x128xf32, #tpu.memory_space<hbm>> -> memref<624x128xf32, #tpu.memory_space<hbm>>
      tpu.enqueue_dma source(%dma_start3A_52 : memref<624x128xf32, #tpu.memory_space<hbm>>) target(%dma_start3A_50 : memref<624x128xf32, #tpu.memory_space<vmem_shared>>) target_semaphore(%run_scoped3A : memref<!tpu.dma_semaphore, #tpu.memory_space<semaphore_mem>>)
      %dma_wait3A = arith.constant 0 : i32
      %dma_wait3A_53 = tpu.memref_slice %arg13[%multiple_of3A, %dma_wait3A] : memref<10000x128xf32, #tpu.memory_space<vmem_shared>> -> memref<624x128xf32, #tpu.memory_space<vmem_shared>>
      %dma_wait3A_54 = arith.constant 0 : i32
      %dma_wait3A_55 = tpu.memref_slice %arg4[%multiple_of3A, %dma_wait3A_54] : memref<10000x128xf32, #tpu.memory_space<hbm>> -> memref<624x128xf32, #tpu.memory_space<hbm>>
      tpu.wait_dma2 semaphore(%run_scoped3A : memref<!tpu.dma_semaphore, #tpu.memory_space<semaphore_mem>>) src(%dma_wait3A_55 : memref<624x128xf32, #tpu.memory_space<hbm>>) dst(%dma_wait3A_53 : memref<624x128xf32, #tpu.memory_space<vmem_shared>>)
      tpu.yield
    }) : () -> ()
    %eq3A = arith.constant 15 : i32
    %eq3A_3 = arith.cmpi eq, %arg1, %eq3A : i32
    %convert_element_type3A = arith.extui %eq3A_3 : i1 to i32
    %cond3A = arith.constant 0 : i32
    %cond3A_4 = arith.cmpi ne, %convert_element_type3A, %cond3A : i32
    scf.if %cond3A_4 {
      "tpu.region"() ({
        %run_scoped3A = tpu.sem_alloc : memref<!tpu.dma_semaphore, #tpu.memory_space<semaphore_mem>>
        %dma_start3A = arith.constant 9984 : i32
        %dma_start3A_50 = arith.constant 0 : i32
        %dma_start3A_51 = tpu.memref_slice %arg13[%dma_start3A, %dma_start3A_50] : memref<10000x128xf32, #tpu.memory_space<vmem_shared>> -> memref<16x128xf32, #tpu.memory_space<vmem_shared>>
        %dma_start3A_52 = arith.constant 9984 : i32
        %dma_start3A_53 = arith.constant 0 : i32
        %dma_start3A_54 = tpu.memref_slice %arg4[%dma_start3A_52, %dma_start3A_53] : memref<10000x128xf32, #tpu.memory_space<hbm>> -> memref<16x128xf32, #tpu.memory_space<hbm>>
        tpu.enqueue_dma source(%dma_start3A_54 : memref<16x128xf32, #tpu.memory_space<hbm>>) target(%dma_start3A_51 : memref<16x128xf32, #tpu.memory_space<vmem_shared>>) target_semaphore(%run_scoped3A : memref<!tpu.dma_semaphore, #tpu.memory_space<semaphore_mem>>)
        %dma_wait3A = arith.constant 9984 : i32
        %dma_wait3A_55 = arith.constant 0 : i32
        %dma_wait3A_56 = tpu.memref_slice %arg13[%dma_wait3A, %dma_wait3A_55] : memref<10000x128xf32, #tpu.memory_space<vmem_shared>> -> memref<16x128xf32, #tpu.memory_space<vmem_shared>>
        %dma_wait3A_57 = arith.constant 9984 : i32
        %dma_wait3A_58 = arith.constant 0 : i32
        %dma_wait3A_59 = tpu.memref_slice %arg4[%dma_wait3A_57, %dma_wait3A_58] : memref<10000x128xf32, #tpu.memory_space<hbm>> -> memref<16x128xf32, #tpu.memory_space<hbm>>
        tpu.wait_dma2 semaphore(%run_scoped3A : memref<!tpu.dma_semaphore, #tpu.memory_space<semaphore_mem>>) src(%dma_wait3A_59 : memref<16x128xf32, #tpu.memory_space<hbm>>) dst(%dma_wait3A_56 : memref<16x128xf32, #tpu.memory_space<vmem_shared>>)
        tpu.yield
      }) : () -> ()
    } else {
    }
    "tpu.region"() ({
      %run_scoped3A = tpu.sem_alloc : memref<!tpu.dma_semaphore, #tpu.memory_space<semaphore_mem>>
      %dma_start3A = arith.constant 0 : i32
      %dma_start3A_50 = arith.constant 0 : i32
      %dma_start3A_51 = tpu.memref_slice %arg3[%add3A, %dma_start3A, %dma_start3A_50] : memref<32x40x128xi32, #tpu.memory_space<hbm>> -> memref<1x40x128xi32, #tpu.memory_space<hbm>>
      %dma_start3A_52 = tpu.memref_squeeze %dma_start3A_51 : memref<1x40x128xi32, #tpu.memory_space<hbm>> -> memref<40x128xi32, #tpu.memory_space<hbm>>
      %dma_start3A_53 = arith.constant 0 : i32
      %dma_start3A_54 = arith.constant 0 : i32
      %dma_start3A_55 = tpu.memref_slice %arg3[%add3A, %dma_start3A_53, %dma_start3A_54] : memref<32x40x128xi32, #tpu.memory_space<hbm>> -> memref<1x40x128xi32, #tpu.memory_space<hbm>>
      %dma_start3A_56 = tpu.memref_squeeze %dma_start3A_55 : memref<1x40x128xi32, #tpu.memory_space<hbm>> -> memref<40x128xi32, #tpu.memory_space<hbm>>
      tpu.enqueue_dma source(%dma_start3A_56 : memref<40x128xi32, #tpu.memory_space<hbm>>) target(%arg6 : memref<40x128xi32, #tpu.memory_space<vmem>>) target_semaphore(%run_scoped3A : memref<!tpu.dma_semaphore, #tpu.memory_space<semaphore_mem>>)
      %dma_wait3A = arith.constant 0 : i32
      %dma_wait3A_57 = arith.constant 0 : i32
      %dma_wait3A_58 = tpu.memref_slice %arg3[%add3A, %dma_wait3A, %dma_wait3A_57] : memref<32x40x128xi32, #tpu.memory_space<hbm>> -> memref<1x40x128xi32, #tpu.memory_space<hbm>>
      %dma_wait3A_59 = tpu.memref_squeeze %dma_wait3A_58 : memref<1x40x128xi32, #tpu.memory_space<hbm>> -> memref<40x128xi32, #tpu.memory_space<hbm>>
      %dma_wait3A_60 = arith.constant 0 : i32
      %dma_wait3A_61 = arith.constant 0 : i32
      %dma_wait3A_62 = tpu.memref_slice %arg3[%add3A, %dma_wait3A_60, %dma_wait3A_61] : memref<32x40x128xi32, #tpu.memory_space<hbm>> -> memref<1x40x128xi32, #tpu.memory_space<hbm>>
      %dma_wait3A_63 = tpu.memref_squeeze %dma_wait3A_62 : memref<1x40x128xi32, #tpu.memory_space<hbm>> -> memref<40x128xi32, #tpu.memory_space<hbm>>
      tpu.wait_dma2 semaphore(%run_scoped3A : memref<!tpu.dma_semaphore, #tpu.memory_space<semaphore_mem>>) src(%dma_wait3A_63 : memref<40x128xi32, #tpu.memory_space<hbm>>) dst(%arg6 : memref<40x128xi32, #tpu.memory_space<vmem>>)
      tpu.yield
    }) : () -> ()
    %barrier3A = arith.constant 0 : index
    tpu.barrier barrier_id(%barrier3A)
    %mul3A_5 = arith.constant 40 : i32
    %mul3A_6 = arith.muli %add3A, %mul3A_5 : i32
    %add3A_7 = arith.constant 0 : i32
    %add3A_8 = arith.addi %mul3A_6, %add3A_7 : i32
    %lt3A = arith.constant 1250 : i32
    %lt3A_9 = arith.cmpi slt, %add3A_8, %lt3A : i32
    %convert_element_type3A_10 = arith.extui %lt3A_9 : i1 to i32
    %cond3A_11 = arith.constant 0 : i32
    %cond3A_12 = arith.cmpi ne, %convert_element_type3A_10, %cond3A_11 : i32
    scf.if %cond3A_12 {
      %mul3A_50 = arith.constant 40 : i32
      %mul3A_51 = arith.muli %add3A, %mul3A_50 : i32
      %add3A_52 = arith.constant 0 : i32
      %add3A_53 = arith.addi %mul3A_51, %add3A_52 : i32
      %mul3A_54 = arith.constant 128 : i32
      %mul3A_55 = arith.muli %add3A_53, %mul3A_54 : i32
      %multiple_of3A_56 = tpu.assume_multiple %mul3A_55, 128 : i32
      %dma_start3A = arith.constant 0 : i32
      %dma_start3A_57 = tpu.memref_slice %arg2[%multiple_of3A_56, %dma_start3A] : memref<160000x128xf32, #tpu.memory_space<hbm>> -> memref<128x128xf32, #tpu.memory_space<hbm>>
      %dma_start3A_58 = arith.constant 0 : i32
      %dma_start3A_59 = tpu.memref_slice %arg2[%multiple_of3A_56, %dma_start3A_58] : memref<160000x128xf32, #tpu.memory_space<hbm>> -> memref<128x128xf32, #tpu.memory_space<hbm>>
      tpu.enqueue_dma source(%dma_start3A_59 : memref<128x128xf32, #tpu.memory_space<hbm>>) target(%arg7 : memref<128x128xf32, #tpu.memory_space<vmem>>) target_semaphore(%arg9 : memref<!tpu.dma_semaphore, #tpu.memory_space<semaphore_mem>>)
    } else {
    }
    %mul3A_13 = arith.constant 40 : i32
    %mul3A_14 = arith.muli %add3A, %mul3A_13 : i32
    %add3A_15 = arith.constant 1 : i32
    %add3A_16 = arith.addi %mul3A_14, %add3A_15 : i32
    %lt3A_17 = arith.constant 1250 : i32
    %lt3A_18 = arith.cmpi slt, %add3A_16, %lt3A_17 : i32
    %convert_element_type3A_19 = arith.extui %lt3A_18 : i1 to i32
    %cond3A_20 = arith.constant 0 : i32
    %cond3A_21 = arith.cmpi ne, %convert_element_type3A_19, %cond3A_20 : i32
    scf.if %cond3A_21 {
      %mul3A_50 = arith.constant 40 : i32
      %mul3A_51 = arith.muli %add3A, %mul3A_50 : i32
      %add3A_52 = arith.constant 1 : i32
      %add3A_53 = arith.addi %mul3A_51, %add3A_52 : i32
      %mul3A_54 = arith.constant 128 : i32
      %mul3A_55 = arith.muli %add3A_53, %mul3A_54 : i32
      %multiple_of3A_56 = tpu.assume_multiple %mul3A_55, 128 : i32
      %dma_start3A = arith.constant 0 : i32
      %dma_start3A_57 = tpu.memref_slice %arg2[%multiple_of3A_56, %dma_start3A] : memref<160000x128xf32, #tpu.memory_space<hbm>> -> memref<128x128xf32, #tpu.memory_space<hbm>>
      %dma_start3A_58 = arith.constant 0 : i32
      %dma_start3A_59 = tpu.memref_slice %arg2[%multiple_of3A_56, %dma_start3A_58] : memref<160000x128xf32, #tpu.memory_space<hbm>> -> memref<128x128xf32, #tpu.memory_space<hbm>>
      tpu.enqueue_dma source(%dma_start3A_59 : memref<128x128xf32, #tpu.memory_space<hbm>>) target(%arg8 : memref<128x128xf32, #tpu.memory_space<vmem>>) target_semaphore(%arg10 : memref<!tpu.dma_semaphore, #tpu.memory_space<semaphore_mem>>)
    } else {
    }
    %scan3A = arith.constant 0 : i32
    %scan3A_22 = arith.constant 20 : i32
    %scan3A_23 = arith.addi %scan3A, %scan3A_22 : i32
    %scan3A_24 = arith.constant 1 : i32
    scf.for %scan3A_50 = %scan3A to %scan3A_23 step %scan3A_24  : i32 {
      %mul3A_51 = arith.constant 1 : i32
      %mul3A_52 = arith.muli %scan3A_50, %mul3A_51 : i32
      %add3A_53 = arith.constant 0 : i32
      %add3A_54 = arith.addi %add3A_53, %mul3A_52 : i32
      %mul3A_55 = arith.constant 2 : i32
      %mul3A_56 = arith.muli %add3A_54, %mul3A_55 : i32
      %add3A_57 = arith.constant 0 : i32
      %add3A_58 = arith.addi %mul3A_56, %add3A_57 : i32
      %mul3A_59 = arith.constant 40 : i32
      %mul3A_60 = arith.muli %add3A, %mul3A_59 : i32
      %add3A_61 = arith.addi %mul3A_60, %add3A_58 : i32
      %lt3A_62 = arith.constant 1250 : i32
      %lt3A_63 = arith.cmpi slt, %add3A_61, %lt3A_62 : i32
      %convert_element_type3A_64 = arith.extui %lt3A_63 : i1 to i32
      %cond3A_65 = arith.constant 0 : i32
      %cond3A_66 = arith.cmpi ne, %convert_element_type3A_64, %cond3A_65 : i32
      scf.if %cond3A_66 {
        %dma_wait3A = arith.constant 0 : i32
        %dma_wait3A_107 = arith.constant 0 : i32
        %dma_wait3A_108 = tpu.memref_slice %arg2[%dma_wait3A, %dma_wait3A_107] : memref<160000x128xf32, #tpu.memory_space<hbm>> -> memref<128x128xf32, #tpu.memory_space<hbm>>
        %dma_wait3A_109 = arith.constant 0 : i32
        %dma_wait3A_110 = arith.constant 0 : i32
        %dma_wait3A_111 = tpu.memref_slice %arg2[%dma_wait3A_109, %dma_wait3A_110] : memref<160000x128xf32, #tpu.memory_space<hbm>> -> memref<128x128xf32, #tpu.memory_space<hbm>>
        tpu.wait_dma2 semaphore(%arg9 : memref<!tpu.dma_semaphore, #tpu.memory_space<semaphore_mem>>) src(%dma_wait3A_111 : memref<128x128xf32, #tpu.memory_space<hbm>>) dst(%arg7 : memref<128x128xf32, #tpu.memory_space<vmem>>)
      } else {
      }
      %add3A_67 = arith.constant 0 : i32
      %add3A_68 = arith.addi %mul3A_56, %add3A_67 : i32
      %mul3A_69 = arith.constant 40 : i32
      %mul3A_70 = arith.muli %add3A, %mul3A_69 : i32
      %add3A_71 = arith.addi %mul3A_70, %add3A_68 : i32
      %lt3A_72 = arith.constant 1250 : i32
      %lt3A_73 = arith.cmpi slt, %add3A_71, %lt3A_72 : i32
      %convert_element_type3A_74 = arith.extui %lt3A_73 : i1 to i32
      %cond3A_75 = arith.constant 0 : i32
      %cond3A_76 = arith.cmpi ne, %convert_element_type3A_74, %cond3A_75 : i32
      scf.if %cond3A_76 {
        %dma_start3A = arith.constant 0 : i32
        %dma_start3A_107 = tpu.memref_slice %arg6[%add3A_68, %dma_start3A] : memref<40x128xi32, #tpu.memory_space<vmem>> -> memref<1x128xi32, #tpu.memory_space<vmem>>
        %dma_start3A_108 = tpu.memref_squeeze %dma_start3A_107 : memref<1x128xi32, #tpu.memory_space<vmem>> -> memref<128xi32, #tpu.memory_space<vmem>>
        %dma_start3A_109 = arith.constant 0 : i32
        %dma_start3A_110 = arith.constant 0 : i32
        %dma_start3A_111 = tpu.memref_slice %arg13[%dma_start3A_109, %dma_start3A_110] : memref<10000x128xf32, #tpu.memory_space<vmem_shared>> -> memref<10000x128xf32, #tpu.memory_space<vmem_shared>>
        tpu.enqueue_indirect_dma source(%arg7 : memref<128x128xf32, #tpu.memory_space<vmem>>) target(%dma_start3A_111 : memref<10000x128xf32, #tpu.memory_space<vmem_shared>>) offsets(%dma_start3A_108 : memref<128xi32, #tpu.memory_space<vmem>>) semaphore(%arg11 : memref<!tpu.dma_semaphore, #tpu.memory_space<semaphore_mem>>) {add = true}
      } else {
      }
      %add3A_77 = arith.constant 1 : i32
      %add3A_78 = arith.addi %mul3A_56, %add3A_77 : i32
      %mul3A_79 = arith.constant 40 : i32
      %mul3A_80 = arith.muli %add3A, %mul3A_79 : i32
      %add3A_81 = arith.addi %mul3A_80, %add3A_78 : i32
      %lt3A_82 = arith.constant 1250 : i32
      %lt3A_83 = arith.cmpi slt, %add3A_81, %lt3A_82 : i32
      %convert_element_type3A_84 = arith.extui %lt3A_83 : i1 to i32
      %cond3A_85 = arith.constant 0 : i32
      %cond3A_86 = arith.cmpi ne, %convert_element_type3A_84, %cond3A_85 : i32
      scf.if %cond3A_86 {
        %dma_wait3A = arith.constant 0 : i32
        %dma_wait3A_107 = arith.constant 0 : i32
        %dma_wait3A_108 = tpu.memref_slice %arg2[%dma_wait3A, %dma_wait3A_107] : memref<160000x128xf32, #tpu.memory_space<hbm>> -> memref<128x128xf32, #tpu.memory_space<hbm>>
        %dma_wait3A_109 = arith.constant 0 : i32
        %dma_wait3A_110 = arith.constant 0 : i32
        %dma_wait3A_111 = tpu.memref_slice %arg2[%dma_wait3A_109, %dma_wait3A_110] : memref<160000x128xf32, #tpu.memory_space<hbm>> -> memref<128x128xf32, #tpu.memory_space<hbm>>
        tpu.wait_dma2 semaphore(%arg10 : memref<!tpu.dma_semaphore, #tpu.memory_space<semaphore_mem>>) src(%dma_wait3A_111 : memref<128x128xf32, #tpu.memory_space<hbm>>) dst(%arg8 : memref<128x128xf32, #tpu.memory_space<vmem>>)
      } else {
      }
      %add3A_87 = arith.constant 1 : i32
      %add3A_88 = arith.addi %mul3A_56, %add3A_87 : i32
      %mul3A_89 = arith.constant 40 : i32
      %mul3A_90 = arith.muli %add3A, %mul3A_89 : i32
      %add3A_91 = arith.addi %mul3A_90, %add3A_88 : i32
      %lt3A_92 = arith.constant 1250 : i32
      %lt3A_93 = arith.cmpi slt, %add3A_91, %lt3A_92 : i32
      %convert_element_type3A_94 = arith.extui %lt3A_93 : i1 to i32
      %cond3A_95 = arith.constant 0 : i32
      %cond3A_96 = arith.cmpi ne, %convert_element_type3A_94, %cond3A_95 : i32
      scf.if %cond3A_96 {
        %dma_start3A = arith.constant 0 : i32
        %dma_start3A_107 = tpu.memref_slice %arg6[%add3A_88, %dma_start3A] : memref<40x128xi32, #tpu.memory_space<vmem>> -> memref<1x128xi32, #tpu.memory_space<vmem>>
        %dma_start3A_108 = tpu.memref_squeeze %dma_start3A_107 : memref<1x128xi32, #tpu.memory_space<vmem>> -> memref<128xi32, #tpu.memory_space<vmem>>
        %dma_start3A_109 = arith.constant 0 : i32
        %dma_start3A_110 = arith.constant 0 : i32
        %dma_start3A_111 = tpu.memref_slice %arg13[%dma_start3A_109, %dma_start3A_110] : memref<10000x128xf32, #tpu.memory_space<vmem_shared>> -> memref<10000x128xf32, #tpu.memory_space<vmem_shared>>
        tpu.enqueue_indirect_dma source(%arg8 : memref<128x128xf32, #tpu.memory_space<vmem>>) target(%dma_start3A_111 : memref<10000x128xf32, #tpu.memory_space<vmem_shared>>) offsets(%dma_start3A_108 : memref<128xi32, #tpu.memory_space<vmem>>) semaphore(%arg12 : memref<!tpu.dma_semaphore, #tpu.memory_space<semaphore_mem>>) {add = true}
      } else {
      }
      %lt3A_97 = arith.constant 19 : i32
      %lt3A_98 = arith.cmpi slt, %add3A_54, %lt3A_97 : i32
      %convert_element_type3A_99 = arith.extui %lt3A_98 : i1 to i32
      %cond3A_100 = arith.constant 0 : i32
      %cond3A_101 = arith.cmpi ne, %convert_element_type3A_99, %cond3A_100 : i32
      scf.if %cond3A_101 {
        %add3A_107 = arith.constant 0 : i32
        %add3A_108 = arith.addi %mul3A_56, %add3A_107 : i32
        %mul3A_109 = arith.constant 40 : i32
        %mul3A_110 = arith.muli %add3A, %mul3A_109 : i32
        %add3A_111 = arith.addi %mul3A_110, %add3A_108 : i32
        %lt3A_112 = arith.constant 1250 : i32
        %lt3A_113 = arith.cmpi slt, %add3A_111, %lt3A_112 : i32
        %convert_element_type3A_114 = arith.extui %lt3A_113 : i1 to i32
        %cond3A_115 = arith.constant 0 : i32
        %cond3A_116 = arith.cmpi ne, %convert_element_type3A_114, %cond3A_115 : i32
        scf.if %cond3A_116 {
          %dma_wait3A = arith.constant 0 : i32
          %dma_wait3A_129 = arith.constant 0 : i32
          %dma_wait3A_130 = tpu.memref_slice %arg2[%dma_wait3A, %dma_wait3A_129] : memref<160000x128xf32, #tpu.memory_space<hbm>> -> memref<128x128xf32, #tpu.memory_space<hbm>>
          %dma_wait3A_131 = arith.constant 0 : i32
          %dma_wait3A_132 = arith.constant 0 : i32
          %dma_wait3A_133 = tpu.memref_slice %arg2[%dma_wait3A_131, %dma_wait3A_132] : memref<160000x128xf32, #tpu.memory_space<hbm>> -> memref<128x128xf32, #tpu.memory_space<hbm>>
          tpu.wait_dma2 semaphore(%arg11 : memref<!tpu.dma_semaphore, #tpu.memory_space<semaphore_mem>>) src(%dma_wait3A_133 : memref<128x128xf32, #tpu.memory_space<hbm>>) dst(%arg7 : memref<128x128xf32, #tpu.memory_space<vmem>>)
        } else {
        }
        %add3A_117 = arith.constant 2 : i32
        %add3A_118 = arith.addi %mul3A_56, %add3A_117 : i32
        %add3A_119 = arith.constant 0 : i32
        %add3A_120 = arith.addi %add3A_118, %add3A_119 : i32
        %mul3A_121 = arith.constant 40 : i32
        %mul3A_122 = arith.muli %add3A, %mul3A_121 : i32
        %add3A_123 = arith.addi %mul3A_122, %add3A_120 : i32
        %lt3A_124 = arith.constant 1250 : i32
        %lt3A_125 = arith.cmpi slt, %add3A_123, %lt3A_124 : i32
        %convert_element_type3A_126 = arith.extui %lt3A_125 : i1 to i32
        %cond3A_127 = arith.constant 0 : i32
        %cond3A_128 = arith.cmpi ne, %convert_element_type3A_126, %cond3A_127 : i32
        scf.if %cond3A_128 {
          %mul3A_129 = arith.constant 40 : i32
          %mul3A_130 = arith.muli %add3A, %mul3A_129 : i32
          %add3A_131 = arith.addi %mul3A_130, %add3A_120 : i32
          %mul3A_132 = arith.constant 128 : i32
          %mul3A_133 = arith.muli %add3A_131, %mul3A_132 : i32
          %multiple_of3A_134 = tpu.assume_multiple %mul3A_133, 128 : i32
          %dma_start3A = arith.constant 0 : i32
          %dma_start3A_135 = tpu.memref_slice %arg2[%multiple_of3A_134, %dma_start3A] : memref<160000x128xf32, #tpu.memory_space<hbm>> -> memref<128x128xf32, #tpu.memory_space<hbm>>
          %dma_start3A_136 = arith.constant 0 : i32
          %dma_start3A_137 = tpu.memref_slice %arg2[%multiple_of3A_134, %dma_start3A_136] : memref<160000x128xf32, #tpu.memory_space<hbm>> -> memref<128x128xf32, #tpu.memory_space<hbm>>
          tpu.enqueue_dma source(%dma_start3A_137 : memref<128x128xf32, #tpu.memory_space<hbm>>) target(%arg7 : memref<128x128xf32, #tpu.memory_space<vmem>>) target_semaphore(%arg9 : memref<!tpu.dma_semaphore, #tpu.memory_space<semaphore_mem>>)
        } else {
        }
      } else {
      }
      %lt3A_102 = arith.constant 19 : i32
      %lt3A_103 = arith.cmpi slt, %add3A_54, %lt3A_102 : i32
      %convert_element_type3A_104 = arith.extui %lt3A_103 : i1 to i32
      %cond3A_105 = arith.constant 0 : i32
      %cond3A_106 = arith.cmpi ne, %convert_element_type3A_104, %cond3A_105 : i32
      scf.if %cond3A_106 {
        %add3A_107 = arith.constant 1 : i32
        %add3A_108 = arith.addi %mul3A_56, %add3A_107 : i32
        %mul3A_109 = arith.constant 40 : i32
        %mul3A_110 = arith.muli %add3A, %mul3A_109 : i32
        %add3A_111 = arith.addi %mul3A_110, %add3A_108 : i32
        %lt3A_112 = arith.constant 1250 : i32
        %lt3A_113 = arith.cmpi slt, %add3A_111, %lt3A_112 : i32
        %convert_element_type3A_114 = arith.extui %lt3A_113 : i1 to i32
        %cond3A_115 = arith.constant 0 : i32
        %cond3A_116 = arith.cmpi ne, %convert_element_type3A_114, %cond3A_115 : i32
        scf.if %cond3A_116 {
          %dma_wait3A = arith.constant 0 : i32
          %dma_wait3A_129 = arith.constant 0 : i32
          %dma_wait3A_130 = tpu.memref_slice %arg2[%dma_wait3A, %dma_wait3A_129] : memref<160000x128xf32, #tpu.memory_space<hbm>> -> memref<128x128xf32, #tpu.memory_space<hbm>>
          %dma_wait3A_131 = arith.constant 0 : i32
          %dma_wait3A_132 = arith.constant 0 : i32
          %dma_wait3A_133 = tpu.memref_slice %arg2[%dma_wait3A_131, %dma_wait3A_132] : memref<160000x128xf32, #tpu.memory_space<hbm>> -> memref<128x128xf32, #tpu.memory_space<hbm>>
          tpu.wait_dma2 semaphore(%arg12 : memref<!tpu.dma_semaphore, #tpu.memory_space<semaphore_mem>>) src(%dma_wait3A_133 : memref<128x128xf32, #tpu.memory_space<hbm>>) dst(%arg8 : memref<128x128xf32, #tpu.memory_space<vmem>>)
        } else {
        }
        %add3A_117 = arith.constant 2 : i32
        %add3A_118 = arith.addi %mul3A_56, %add3A_117 : i32
        %add3A_119 = arith.constant 1 : i32
        %add3A_120 = arith.addi %add3A_118, %add3A_119 : i32
        %mul3A_121 = arith.constant 40 : i32
        %mul3A_122 = arith.muli %add3A, %mul3A_121 : i32
        %add3A_123 = arith.addi %mul3A_122, %add3A_120 : i32
        %lt3A_124 = arith.constant 1250 : i32
        %lt3A_125 = arith.cmpi slt, %add3A_123, %lt3A_124 : i32
        %convert_element_type3A_126 = arith.extui %lt3A_125 : i1 to i32
        %cond3A_127 = arith.constant 0 : i32
        %cond3A_128 = arith.cmpi ne, %convert_element_type3A_126, %cond3A_127 : i32
        scf.if %cond3A_128 {
          %mul3A_129 = arith.constant 40 : i32
          %mul3A_130 = arith.muli %add3A, %mul3A_129 : i32
          %add3A_131 = arith.addi %mul3A_130, %add3A_120 : i32
          %mul3A_132 = arith.constant 128 : i32
          %mul3A_133 = arith.muli %add3A_131, %mul3A_132 : i32
          %multiple_of3A_134 = tpu.assume_multiple %mul3A_133, 128 : i32
          %dma_start3A = arith.constant 0 : i32
          %dma_start3A_135 = tpu.memref_slice %arg2[%multiple_of3A_134, %dma_start3A] : memref<160000x128xf32, #tpu.memory_space<hbm>> -> memref<128x128xf32, #tpu.memory_space<hbm>>
          %dma_start3A_136 = arith.constant 0 : i32
          %dma_start3A_137 = tpu.memref_slice %arg2[%multiple_of3A_134, %dma_start3A_136] : memref<160000x128xf32, #tpu.memory_space<hbm>> -> memref<128x128xf32, #tpu.memory_space<hbm>>
          tpu.enqueue_dma source(%dma_start3A_137 : memref<128x128xf32, #tpu.memory_space<hbm>>) target(%arg8 : memref<128x128xf32, #tpu.memory_space<vmem>>) target_semaphore(%arg10 : memref<!tpu.dma_semaphore, #tpu.memory_space<semaphore_mem>>)
        } else {
        }
      } else {
      }
    }
    %scan3A_25 = arith.constant 20 : i32
    %mul3A_26 = arith.constant 40 : i32
    %mul3A_27 = arith.muli %add3A, %mul3A_26 : i32
    %add3A_28 = arith.constant 38 : i32
    %add3A_29 = arith.addi %mul3A_27, %add3A_28 : i32
    %lt3A_30 = arith.constant 1250 : i32
    %lt3A_31 = arith.cmpi slt, %add3A_29, %lt3A_30 : i32
    %convert_element_type3A_32 = arith.extui %lt3A_31 : i1 to i32
    %cond3A_33 = arith.constant 0 : i32
    %cond3A_34 = arith.cmpi ne, %convert_element_type3A_32, %cond3A_33 : i32
    scf.if %cond3A_34 {
      %dma_wait3A = arith.constant 0 : i32
      %dma_wait3A_50 = arith.constant 0 : i32
      %dma_wait3A_51 = tpu.memref_slice %arg2[%dma_wait3A, %dma_wait3A_50] : memref<160000x128xf32, #tpu.memory_space<hbm>> -> memref<128x128xf32, #tpu.memory_space<hbm>>
      %dma_wait3A_52 = arith.constant 0 : i32
      %dma_wait3A_53 = arith.constant 0 : i32
      %dma_wait3A_54 = tpu.memref_slice %arg2[%dma_wait3A_52, %dma_wait3A_53] : memref<160000x128xf32, #tpu.memory_space<hbm>> -> memref<128x128xf32, #tpu.memory_space<hbm>>
      tpu.wait_dma2 semaphore(%arg11 : memref<!tpu.dma_semaphore, #tpu.memory_space<semaphore_mem>>) src(%dma_wait3A_54 : memref<128x128xf32, #tpu.memory_space<hbm>>) dst(%arg7 : memref<128x128xf32, #tpu.memory_space<vmem>>)
    } else {
    }
    %mul3A_35 = arith.constant 40 : i32
    %mul3A_36 = arith.muli %add3A, %mul3A_35 : i32
    %add3A_37 = arith.constant 39 : i32
    %add3A_38 = arith.addi %mul3A_36, %add3A_37 : i32
    %lt3A_39 = arith.constant 1250 : i32
    %lt3A_40 = arith.cmpi slt, %add3A_38, %lt3A_39 : i32
    %convert_element_type3A_41 = arith.extui %lt3A_40 : i1 to i32
    %cond3A_42 = arith.constant 0 : i32
    %cond3A_43 = arith.cmpi ne, %convert_element_type3A_41, %cond3A_42 : i32
    scf.if %cond3A_43 {
      %dma_wait3A = arith.constant 0 : i32
      %dma_wait3A_50 = arith.constant 0 : i32
      %dma_wait3A_51 = tpu.memref_slice %arg2[%dma_wait3A, %dma_wait3A_50] : memref<160000x128xf32, #tpu.memory_space<hbm>> -> memref<128x128xf32, #tpu.memory_space<hbm>>
      %dma_wait3A_52 = arith.constant 0 : i32
      %dma_wait3A_53 = arith.constant 0 : i32
      %dma_wait3A_54 = tpu.memref_slice %arg2[%dma_wait3A_52, %dma_wait3A_53] : memref<160000x128xf32, #tpu.memory_space<hbm>> -> memref<128x128xf32, #tpu.memory_space<hbm>>
      tpu.wait_dma2 semaphore(%arg12 : memref<!tpu.dma_semaphore, #tpu.memory_space<semaphore_mem>>) src(%dma_wait3A_54 : memref<128x128xf32, #tpu.memory_space<hbm>>) dst(%arg8 : memref<128x128xf32, #tpu.memory_space<vmem>>)
    } else {
    }
    %barrier3A_44 = arith.constant 0 : index
    tpu.barrier barrier_id(%barrier3A_44)
    "tpu.region"() ({
      %run_scoped3A = tpu.sem_alloc : memref<!tpu.dma_semaphore, #tpu.memory_space<semaphore_mem>>
      %dma_start3A = arith.constant 0 : i32
      %dma_start3A_50 = tpu.memref_slice %arg5[%arg0, %multiple_of3A, %dma_start3A] : memref<2x10000x128xf32, #tpu.memory_space<hbm>> -> memref<1x624x128xf32, #tpu.memory_space<hbm>>
      %dma_start3A_51 = tpu.memref_squeeze %dma_start3A_50 : memref<1x624x128xf32, #tpu.memory_space<hbm>> -> memref<624x128xf32, #tpu.memory_space<hbm>>
      %dma_start3A_52 = arith.constant 0 : i32
      %dma_start3A_53 = tpu.memref_slice %arg13[%multiple_of3A, %dma_start3A_52] : memref<10000x128xf32, #tpu.memory_space<vmem_shared>> -> memref<624x128xf32, #tpu.memory_space<vmem_shared>>
      tpu.enqueue_dma source(%dma_start3A_53 : memref<624x128xf32, #tpu.memory_space<vmem_shared>>) target(%dma_start3A_51 : memref<624x128xf32, #tpu.memory_space<hbm>>) target_semaphore(%run_scoped3A : memref<!tpu.dma_semaphore, #tpu.memory_space<semaphore_mem>>)
      %dma_wait3A = arith.constant 0 : i32
      %dma_wait3A_54 = tpu.memref_slice %arg5[%arg0, %multiple_of3A, %dma_wait3A] : memref<2x10000x128xf32, #tpu.memory_space<hbm>> -> memref<1x624x128xf32, #tpu.memory_space<hbm>>
      %dma_wait3A_55 = tpu.memref_squeeze %dma_wait3A_54 : memref<1x624x128xf32, #tpu.memory_space<hbm>> -> memref<624x128xf32, #tpu.memory_space<hbm>>
      %dma_wait3A_56 = arith.constant 0 : i32
      %dma_wait3A_57 = tpu.memref_slice %arg13[%multiple_of3A, %dma_wait3A_56] : memref<10000x128xf32, #tpu.memory_space<vmem_shared>> -> memref<624x128xf32, #tpu.memory_space<vmem_shared>>
      tpu.wait_dma2 semaphore(%run_scoped3A : memref<!tpu.dma_semaphore, #tpu.memory_space<semaphore_mem>>) src(%dma_wait3A_57 : memref<624x128xf32, #tpu.memory_space<vmem_shared>>) dst(%dma_wait3A_55 : memref<624x128xf32, #tpu.memory_space<hbm>>)
      tpu.yield
    }) : () -> ()
    %eq3A_45 = arith.constant 15 : i32
    %eq3A_46 = arith.cmpi eq, %arg1, %eq3A_45 : i32
    %convert_element_type3A_47 = arith.extui %eq3A_46 : i1 to i32
    %cond3A_48 = arith.constant 0 : i32
    %cond3A_49 = arith.cmpi ne, %convert_element_type3A_47, %cond3A_48 : i32
    scf.if %cond3A_49 {
      "tpu.region"() ({
        %run_scoped3A = tpu.sem_alloc : memref<!tpu.dma_semaphore, #tpu.memory_space<semaphore_mem>>
        %dma_start3A = arith.constant 9984 : i32
        %dma_start3A_50 = arith.constant 0 : i32
        %dma_start3A_51 = tpu.memref_slice %arg5[%arg0, %dma_start3A, %dma_start3A_50] : memref<2x10000x128xf32, #tpu.memory_space<hbm>> -> memref<1x16x128xf32, #tpu.memory_space<hbm>>
        %dma_start3A_52 = tpu.memref_squeeze %dma_start3A_51 : memref<1x16x128xf32, #tpu.memory_space<hbm>> -> memref<16x128xf32, #tpu.memory_space<hbm>>
        %dma_start3A_53 = arith.constant 9984 : i32
        %dma_start3A_54 = arith.constant 0 : i32
        %dma_start3A_55 = tpu.memref_slice %arg13[%dma_start3A_53, %dma_start3A_54] : memref<10000x128xf32, #tpu.memory_space<vmem_shared>> -> memref<16x128xf32, #tpu.memory_space<vmem_shared>>
        tpu.enqueue_dma source(%dma_start3A_55 : memref<16x128xf32, #tpu.memory_space<vmem_shared>>) target(%dma_start3A_52 : memref<16x128xf32, #tpu.memory_space<hbm>>) target_semaphore(%run_scoped3A : memref<!tpu.dma_semaphore, #tpu.memory_space<semaphore_mem>>)
        %dma_wait3A = arith.constant 9984 : i32
        %dma_wait3A_56 = arith.constant 0 : i32
        %dma_wait3A_57 = tpu.memref_slice %arg5[%arg0, %dma_wait3A, %dma_wait3A_56] : memref<2x10000x128xf32, #tpu.memory_space<hbm>> -> memref<1x16x128xf32, #tpu.memory_space<hbm>>
        %dma_wait3A_58 = tpu.memref_squeeze %dma_wait3A_57 : memref<1x16x128xf32, #tpu.memory_space<hbm>> -> memref<16x128xf32, #tpu.memory_space<hbm>>
        %dma_wait3A_59 = arith.constant 9984 : i32
        %dma_wait3A_60 = arith.constant 0 : i32
        %dma_wait3A_61 = tpu.memref_slice %arg13[%dma_wait3A_59, %dma_wait3A_60] : memref<10000x128xf32, #tpu.memory_space<vmem_shared>> -> memref<16x128xf32, #tpu.memory_space<vmem_shared>>
        tpu.wait_dma2 semaphore(%run_scoped3A : memref<!tpu.dma_semaphore, #tpu.memory_space<semaphore_mem>>) src(%dma_wait3A_61 : memref<16x128xf32, #tpu.memory_space<vmem_shared>>) dst(%dma_wait3A_58 : memref<16x128xf32, #tpu.memory_space<hbm>>)
        tpu.yield
      }) : () -> ()
    } else {
    }
    return
  }
}

#map = affine_map<(d0, d1) -> (0, 0)>
#map1 = affine_map<(d0, d1) -> (0)>
module attributes {stable_mosaic.version = 14 : i64} {
  func.func @gk(%arg0: i32, %arg1: i32, %arg2: memref<10000x128xf32, #tpu.memory_space<hbm>>, %arg3: memref<320000xi32, #tpu.memory_space<hbm>>, %arg4: memref<320000x128xf32, #tpu.memory_space<hbm>>, %arg5: memref<10000xi32, #tpu.memory_space<vmem>>, %arg6: memref<80x128xf32, #tpu.memory_space<vmem>>, %arg7: memref<80x128xf32, #tpu.memory_space<vmem>>, %arg8: memref<80x128xf32, #tpu.memory_space<vmem>>, %arg9: memref<80x128xf32, #tpu.memory_space<vmem>>, %arg10: memref<80x128xf32, #tpu.memory_space<vmem>>, %arg11: memref<!tpu.dma_semaphore, #tpu.memory_space<semaphore_mem>>, %arg12: memref<!tpu.dma_semaphore, #tpu.memory_space<semaphore_mem>>, %arg13: memref<!tpu.dma_semaphore, #tpu.memory_space<semaphore_mem>>, %arg14: memref<!tpu.dma_semaphore, #tpu.memory_space<semaphore_mem>>, %arg15: memref<!tpu.dma_semaphore, #tpu.memory_space<semaphore_mem>>, %arg16: memref<!tpu.dma_semaphore, #tpu.memory_space<semaphore_mem>>, %arg17: memref<!tpu.dma_semaphore, #tpu.memory_space<semaphore_mem>>, %arg18: memref<!tpu.dma_semaphore, #tpu.memory_space<semaphore_mem>>, %arg19: memref<!tpu.dma_semaphore, #tpu.memory_space<semaphore_mem>>, %arg20: memref<!tpu.dma_semaphore, #tpu.memory_space<semaphore_mem>>) attributes {dimension_semantics = [#tpu.dimension_semantics<core_parallel>, #tpu.dimension_semantics<subcore_parallel>], iteration_bounds = array<i64: 2, 16>, scalar_prefetch = 0 : i64, scratch_operands = 16 : i64, tpu.core_type = #tpu.core_type<sc_vector_subcore>, window_params = [{transform_indices = #map}, {transform_indices = #map1}, {transform_indices = #map}]} {
    %mul3A = arith.constant 2 : i32
    %mul3A_0 = arith.muli %arg1, %mul3A : i32
    %add3A = arith.addi %mul3A_0, %arg0 : i32
    %mul3A_1 = arith.constant 10000 : i32
    %mul3A_2 = arith.muli %add3A, %mul3A_1 : i32
    %multiple_of3A = tpu.assume_multiple %mul3A_2, 80 : i32
    "tpu.region"() ({
      %run_scoped3A = tpu.sem_alloc : memref<!tpu.dma_semaphore, #tpu.memory_space<semaphore_mem>>
      %dma_start3A_65 = tpu.memref_slice %arg3[%multiple_of3A] : memref<320000xi32, #tpu.memory_space<hbm>> -> memref<10000xi32, #tpu.memory_space<hbm>>
      %dma_start3A_66 = tpu.memref_slice %arg3[%multiple_of3A] : memref<320000xi32, #tpu.memory_space<hbm>> -> memref<10000xi32, #tpu.memory_space<hbm>>
      tpu.enqueue_dma source(%dma_start3A_66 : memref<10000xi32, #tpu.memory_space<hbm>>) target(%arg5 : memref<10000xi32, #tpu.memory_space<vmem>>) target_semaphore(%run_scoped3A : memref<!tpu.dma_semaphore, #tpu.memory_space<semaphore_mem>>)
      %dma_wait3A_67 = tpu.memref_slice %arg3[%multiple_of3A] : memref<320000xi32, #tpu.memory_space<hbm>> -> memref<10000xi32, #tpu.memory_space<hbm>>
      %dma_wait3A_68 = tpu.memref_slice %arg3[%multiple_of3A] : memref<320000xi32, #tpu.memory_space<hbm>> -> memref<10000xi32, #tpu.memory_space<hbm>>
      tpu.wait_dma2 semaphore(%run_scoped3A : memref<!tpu.dma_semaphore, #tpu.memory_space<semaphore_mem>>) src(%dma_wait3A_68 : memref<10000xi32, #tpu.memory_space<hbm>>) dst(%arg5 : memref<10000xi32, #tpu.memory_space<vmem>>)
      tpu.yield
    }) : () -> ()
    %multiple_of3A_3 = arith.constant 0 : i32
    %multiple_of3A_4 = tpu.assume_multiple %multiple_of3A_3, 80 : i32
    %dma_start3A = tpu.memref_slice %arg5[%multiple_of3A_4] : memref<10000xi32, #tpu.memory_space<vmem>> -> memref<80xi32, #tpu.memory_space<vmem>>
    %dma_start3A_5 = arith.constant 0 : i32
    %dma_start3A_6 = arith.constant 0 : i32
    %dma_start3A_7 = tpu.memref_slice %arg2[%dma_start3A_5, %dma_start3A_6] : memref<10000x128xf32, #tpu.memory_space<hbm>> -> memref<10000x128xf32, #tpu.memory_space<hbm>>
    tpu.enqueue_indirect_dma source(%dma_start3A_7 : memref<10000x128xf32, #tpu.memory_space<hbm>>) target(%arg6 : memref<80x128xf32, #tpu.memory_space<vmem>>) offsets(%dma_start3A : memref<80xi32, #tpu.memory_space<vmem>>) semaphore(%arg11 : memref<!tpu.dma_semaphore, #tpu.memory_space<semaphore_mem>>)
    %multiple_of3A_8 = arith.constant 80 : i32
    %multiple_of3A_9 = tpu.assume_multiple %multiple_of3A_8, 80 : i32
    %dma_start3A_10 = tpu.memref_slice %arg5[%multiple_of3A_9] : memref<10000xi32, #tpu.memory_space<vmem>> -> memref<80xi32, #tpu.memory_space<vmem>>
    %dma_start3A_11 = arith.constant 0 : i32
    %dma_start3A_12 = arith.constant 0 : i32
    %dma_start3A_13 = tpu.memref_slice %arg2[%dma_start3A_11, %dma_start3A_12] : memref<10000x128xf32, #tpu.memory_space<hbm>> -> memref<10000x128xf32, #tpu.memory_space<hbm>>
    tpu.enqueue_indirect_dma source(%dma_start3A_13 : memref<10000x128xf32, #tpu.memory_space<hbm>>) target(%arg7 : memref<80x128xf32, #tpu.memory_space<vmem>>) offsets(%dma_start3A_10 : memref<80xi32, #tpu.memory_space<vmem>>) semaphore(%arg12 : memref<!tpu.dma_semaphore, #tpu.memory_space<semaphore_mem>>)
    %multiple_of3A_14 = arith.constant 160 : i32
    %multiple_of3A_15 = tpu.assume_multiple %multiple_of3A_14, 80 : i32
    %dma_start3A_16 = tpu.memref_slice %arg5[%multiple_of3A_15] : memref<10000xi32, #tpu.memory_space<vmem>> -> memref<80xi32, #tpu.memory_space<vmem>>
    %dma_start3A_17 = arith.constant 0 : i32
    %dma_start3A_18 = arith.constant 0 : i32
    %dma_start3A_19 = tpu.memref_slice %arg2[%dma_start3A_17, %dma_start3A_18] : memref<10000x128xf32, #tpu.memory_space<hbm>> -> memref<10000x128xf32, #tpu.memory_space<hbm>>
    tpu.enqueue_indirect_dma source(%dma_start3A_19 : memref<10000x128xf32, #tpu.memory_space<hbm>>) target(%arg8 : memref<80x128xf32, #tpu.memory_space<vmem>>) offsets(%dma_start3A_16 : memref<80xi32, #tpu.memory_space<vmem>>) semaphore(%arg13 : memref<!tpu.dma_semaphore, #tpu.memory_space<semaphore_mem>>)
    %multiple_of3A_20 = arith.constant 240 : i32
    %multiple_of3A_21 = tpu.assume_multiple %multiple_of3A_20, 80 : i32
    %dma_start3A_22 = tpu.memref_slice %arg5[%multiple_of3A_21] : memref<10000xi32, #tpu.memory_space<vmem>> -> memref<80xi32, #tpu.memory_space<vmem>>
    %dma_start3A_23 = arith.constant 0 : i32
    %dma_start3A_24 = arith.constant 0 : i32
    %dma_start3A_25 = tpu.memref_slice %arg2[%dma_start3A_23, %dma_start3A_24] : memref<10000x128xf32, #tpu.memory_space<hbm>> -> memref<10000x128xf32, #tpu.memory_space<hbm>>
    tpu.enqueue_indirect_dma source(%dma_start3A_25 : memref<10000x128xf32, #tpu.memory_space<hbm>>) target(%arg9 : memref<80x128xf32, #tpu.memory_space<vmem>>) offsets(%dma_start3A_22 : memref<80xi32, #tpu.memory_space<vmem>>) semaphore(%arg14 : memref<!tpu.dma_semaphore, #tpu.memory_space<semaphore_mem>>)
    %multiple_of3A_26 = arith.constant 320 : i32
    %multiple_of3A_27 = tpu.assume_multiple %multiple_of3A_26, 80 : i32
    %dma_start3A_28 = tpu.memref_slice %arg5[%multiple_of3A_27] : memref<10000xi32, #tpu.memory_space<vmem>> -> memref<80xi32, #tpu.memory_space<vmem>>
    %dma_start3A_29 = arith.constant 0 : i32
    %dma_start3A_30 = arith.constant 0 : i32
    %dma_start3A_31 = tpu.memref_slice %arg2[%dma_start3A_29, %dma_start3A_30] : memref<10000x128xf32, #tpu.memory_space<hbm>> -> memref<10000x128xf32, #tpu.memory_space<hbm>>
    tpu.enqueue_indirect_dma source(%dma_start3A_31 : memref<10000x128xf32, #tpu.memory_space<hbm>>) target(%arg10 : memref<80x128xf32, #tpu.memory_space<vmem>>) offsets(%dma_start3A_28 : memref<80xi32, #tpu.memory_space<vmem>>) semaphore(%arg15 : memref<!tpu.dma_semaphore, #tpu.memory_space<semaphore_mem>>)
    %scan3A = arith.constant 0 : i32
    %scan3A_32 = arith.constant 25 : i32
    %scan3A_33 = arith.addi %scan3A, %scan3A_32 : i32
    %scan3A_34 = arith.constant 1 : i32
    scf.for %scan3A_65 = %scan3A to %scan3A_33 step %scan3A_34  : i32 {
      %mul3A_66 = arith.constant 1 : i32
      %mul3A_67 = arith.muli %scan3A_65, %mul3A_66 : i32
      %add3A_68 = arith.constant 0 : i32
      %add3A_69 = arith.addi %add3A_68, %mul3A_67 : i32
      %mul3A_70 = arith.constant 5 : i32
      %mul3A_71 = arith.muli %add3A_69, %mul3A_70 : i32
      %dma_wait3A_72 = arith.constant 0 : i32
      %dma_wait3A_73 = arith.constant 0 : i32
      %dma_wait3A_74 = tpu.memref_slice %arg2[%dma_wait3A_72, %dma_wait3A_73] : memref<10000x128xf32, #tpu.memory_space<hbm>> -> memref<80x128xf32, #tpu.memory_space<hbm>>
      %dma_wait3A_75 = arith.constant 0 : i32
      %dma_wait3A_76 = arith.constant 0 : i32
      %dma_wait3A_77 = tpu.memref_slice %arg2[%dma_wait3A_75, %dma_wait3A_76] : memref<10000x128xf32, #tpu.memory_space<hbm>> -> memref<80x128xf32, #tpu.memory_space<hbm>>
      tpu.wait_dma2 semaphore(%arg11 : memref<!tpu.dma_semaphore, #tpu.memory_space<semaphore_mem>>) src(%dma_wait3A_77 : memref<80x128xf32, #tpu.memory_space<hbm>>) dst(%arg6 : memref<80x128xf32, #tpu.memory_space<vmem>>)
      %add3A_78 = arith.constant 0 : i32
      %add3A_79 = arith.addi %mul3A_71, %add3A_78 : i32
      %mul3A_80 = arith.constant 80 : i32
      %mul3A_81 = arith.muli %add3A_79, %mul3A_80 : i32
      %add3A_82 = arith.addi %multiple_of3A, %mul3A_81 : i32
      %multiple_of3A_83 = tpu.assume_multiple %add3A_82, 80 : i32
      %dma_start3A_84 = arith.constant 0 : i32
      %dma_start3A_85 = tpu.memref_slice %arg4[%multiple_of3A_83, %dma_start3A_84] : memref<320000x128xf32, #tpu.memory_space<hbm>> -> memref<80x128xf32, #tpu.memory_space<hbm>>
      %dma_start3A_86 = arith.constant 0 : i32
      %dma_start3A_87 = tpu.memref_slice %arg4[%multiple_of3A_83, %dma_start3A_86] : memref<320000x128xf32, #tpu.memory_space<hbm>> -> memref<80x128xf32, #tpu.memory_space<hbm>>
      tpu.enqueue_dma source(%arg6 : memref<80x128xf32, #tpu.memory_space<vmem>>) target(%dma_start3A_87 : memref<80x128xf32, #tpu.memory_space<hbm>>) target_semaphore(%arg16 : memref<!tpu.dma_semaphore, #tpu.memory_space<semaphore_mem>>)
      %dma_wait3A_88 = arith.constant 0 : i32
      %dma_wait3A_89 = arith.constant 0 : i32
      %dma_wait3A_90 = tpu.memref_slice %arg2[%dma_wait3A_88, %dma_wait3A_89] : memref<10000x128xf32, #tpu.memory_space<hbm>> -> memref<80x128xf32, #tpu.memory_space<hbm>>
      %dma_wait3A_91 = arith.constant 0 : i32
      %dma_wait3A_92 = arith.constant 0 : i32
      %dma_wait3A_93 = tpu.memref_slice %arg2[%dma_wait3A_91, %dma_wait3A_92] : memref<10000x128xf32, #tpu.memory_space<hbm>> -> memref<80x128xf32, #tpu.memory_space<hbm>>
      tpu.wait_dma2 semaphore(%arg12 : memref<!tpu.dma_semaphore, #tpu.memory_space<semaphore_mem>>) src(%dma_wait3A_93 : memref<80x128xf32, #tpu.memory_space<hbm>>) dst(%arg7 : memref<80x128xf32, #tpu.memory_space<vmem>>)
      %add3A_94 = arith.constant 1 : i32
      %add3A_95 = arith.addi %mul3A_71, %add3A_94 : i32
      %mul3A_96 = arith.constant 80 : i32
      %mul3A_97 = arith.muli %add3A_95, %mul3A_96 : i32
      %add3A_98 = arith.addi %multiple_of3A, %mul3A_97 : i32
      %multiple_of3A_99 = tpu.assume_multiple %add3A_98, 80 : i32
      %dma_start3A_100 = arith.constant 0 : i32
      %dma_start3A_101 = tpu.memref_slice %arg4[%multiple_of3A_99, %dma_start3A_100] : memref<320000x128xf32, #tpu.memory_space<hbm>> -> memref<80x128xf32, #tpu.memory_space<hbm>>
      %dma_start3A_102 = arith.constant 0 : i32
      %dma_start3A_103 = tpu.memref_slice %arg4[%multiple_of3A_99, %dma_start3A_102] : memref<320000x128xf32, #tpu.memory_space<hbm>> -> memref<80x128xf32, #tpu.memory_space<hbm>>
      tpu.enqueue_dma source(%arg7 : memref<80x128xf32, #tpu.memory_space<vmem>>) target(%dma_start3A_103 : memref<80x128xf32, #tpu.memory_space<hbm>>) target_semaphore(%arg17 : memref<!tpu.dma_semaphore, #tpu.memory_space<semaphore_mem>>)
      %dma_wait3A_104 = arith.constant 0 : i32
      %dma_wait3A_105 = arith.constant 0 : i32
      %dma_wait3A_106 = tpu.memref_slice %arg2[%dma_wait3A_104, %dma_wait3A_105] : memref<10000x128xf32, #tpu.memory_space<hbm>> -> memref<80x128xf32, #tpu.memory_space<hbm>>
      %dma_wait3A_107 = arith.constant 0 : i32
      %dma_wait3A_108 = arith.constant 0 : i32
      %dma_wait3A_109 = tpu.memref_slice %arg2[%dma_wait3A_107, %dma_wait3A_108] : memref<10000x128xf32, #tpu.memory_space<hbm>> -> memref<80x128xf32, #tpu.memory_space<hbm>>
      tpu.wait_dma2 semaphore(%arg13 : memref<!tpu.dma_semaphore, #tpu.memory_space<semaphore_mem>>) src(%dma_wait3A_109 : memref<80x128xf32, #tpu.memory_space<hbm>>) dst(%arg8 : memref<80x128xf32, #tpu.memory_space<vmem>>)
      %add3A_110 = arith.constant 2 : i32
      %add3A_111 = arith.addi %mul3A_71, %add3A_110 : i32
      %mul3A_112 = arith.constant 80 : i32
      %mul3A_113 = arith.muli %add3A_111, %mul3A_112 : i32
      %add3A_114 = arith.addi %multiple_of3A, %mul3A_113 : i32
      %multiple_of3A_115 = tpu.assume_multiple %add3A_114, 80 : i32
      %dma_start3A_116 = arith.constant 0 : i32
      %dma_start3A_117 = tpu.memref_slice %arg4[%multiple_of3A_115, %dma_start3A_116] : memref<320000x128xf32, #tpu.memory_space<hbm>> -> memref<80x128xf32, #tpu.memory_space<hbm>>
      %dma_start3A_118 = arith.constant 0 : i32
      %dma_start3A_119 = tpu.memref_slice %arg4[%multiple_of3A_115, %dma_start3A_118] : memref<320000x128xf32, #tpu.memory_space<hbm>> -> memref<80x128xf32, #tpu.memory_space<hbm>>
      tpu.enqueue_dma source(%arg8 : memref<80x128xf32, #tpu.memory_space<vmem>>) target(%dma_start3A_119 : memref<80x128xf32, #tpu.memory_space<hbm>>) target_semaphore(%arg18 : memref<!tpu.dma_semaphore, #tpu.memory_space<semaphore_mem>>)
      %dma_wait3A_120 = arith.constant 0 : i32
      %dma_wait3A_121 = arith.constant 0 : i32
      %dma_wait3A_122 = tpu.memref_slice %arg2[%dma_wait3A_120, %dma_wait3A_121] : memref<10000x128xf32, #tpu.memory_space<hbm>> -> memref<80x128xf32, #tpu.memory_space<hbm>>
      %dma_wait3A_123 = arith.constant 0 : i32
      %dma_wait3A_124 = arith.constant 0 : i32
      %dma_wait3A_125 = tpu.memref_slice %arg2[%dma_wait3A_123, %dma_wait3A_124] : memref<10000x128xf32, #tpu.memory_space<hbm>> -> memref<80x128xf32, #tpu.memory_space<hbm>>
      tpu.wait_dma2 semaphore(%arg14 : memref<!tpu.dma_semaphore, #tpu.memory_space<semaphore_mem>>) src(%dma_wait3A_125 : memref<80x128xf32, #tpu.memory_space<hbm>>) dst(%arg9 : memref<80x128xf32, #tpu.memory_space<vmem>>)
      %add3A_126 = arith.constant 3 : i32
      %add3A_127 = arith.addi %mul3A_71, %add3A_126 : i32
      %mul3A_128 = arith.constant 80 : i32
      %mul3A_129 = arith.muli %add3A_127, %mul3A_128 : i32
      %add3A_130 = arith.addi %multiple_of3A, %mul3A_129 : i32
      %multiple_of3A_131 = tpu.assume_multiple %add3A_130, 80 : i32
      %dma_start3A_132 = arith.constant 0 : i32
      %dma_start3A_133 = tpu.memref_slice %arg4[%multiple_of3A_131, %dma_start3A_132] : memref<320000x128xf32, #tpu.memory_space<hbm>> -> memref<80x128xf32, #tpu.memory_space<hbm>>
      %dma_start3A_134 = arith.constant 0 : i32
      %dma_start3A_135 = tpu.memref_slice %arg4[%multiple_of3A_131, %dma_start3A_134] : memref<320000x128xf32, #tpu.memory_space<hbm>> -> memref<80x128xf32, #tpu.memory_space<hbm>>
      tpu.enqueue_dma source(%arg9 : memref<80x128xf32, #tpu.memory_space<vmem>>) target(%dma_start3A_135 : memref<80x128xf32, #tpu.memory_space<hbm>>) target_semaphore(%arg19 : memref<!tpu.dma_semaphore, #tpu.memory_space<semaphore_mem>>)
      %dma_wait3A_136 = arith.constant 0 : i32
      %dma_wait3A_137 = arith.constant 0 : i32
      %dma_wait3A_138 = tpu.memref_slice %arg2[%dma_wait3A_136, %dma_wait3A_137] : memref<10000x128xf32, #tpu.memory_space<hbm>> -> memref<80x128xf32, #tpu.memory_space<hbm>>
      %dma_wait3A_139 = arith.constant 0 : i32
      %dma_wait3A_140 = arith.constant 0 : i32
      %dma_wait3A_141 = tpu.memref_slice %arg2[%dma_wait3A_139, %dma_wait3A_140] : memref<10000x128xf32, #tpu.memory_space<hbm>> -> memref<80x128xf32, #tpu.memory_space<hbm>>
      tpu.wait_dma2 semaphore(%arg15 : memref<!tpu.dma_semaphore, #tpu.memory_space<semaphore_mem>>) src(%dma_wait3A_141 : memref<80x128xf32, #tpu.memory_space<hbm>>) dst(%arg10 : memref<80x128xf32, #tpu.memory_space<vmem>>)
      %add3A_142 = arith.constant 4 : i32
      %add3A_143 = arith.addi %mul3A_71, %add3A_142 : i32
      %mul3A_144 = arith.constant 80 : i32
      %mul3A_145 = arith.muli %add3A_143, %mul3A_144 : i32
      %add3A_146 = arith.addi %multiple_of3A, %mul3A_145 : i32
      %multiple_of3A_147 = tpu.assume_multiple %add3A_146, 80 : i32
      %dma_start3A_148 = arith.constant 0 : i32
      %dma_start3A_149 = tpu.memref_slice %arg4[%multiple_of3A_147, %dma_start3A_148] : memref<320000x128xf32, #tpu.memory_space<hbm>> -> memref<80x128xf32, #tpu.memory_space<hbm>>
      %dma_start3A_150 = arith.constant 0 : i32
      %dma_start3A_151 = tpu.memref_slice %arg4[%multiple_of3A_147, %dma_start3A_150] : memref<320000x128xf32, #tpu.memory_space<hbm>> -> memref<80x128xf32, #tpu.memory_space<hbm>>
      tpu.enqueue_dma source(%arg10 : memref<80x128xf32, #tpu.memory_space<vmem>>) target(%dma_start3A_151 : memref<80x128xf32, #tpu.memory_space<hbm>>) target_semaphore(%arg20 : memref<!tpu.dma_semaphore, #tpu.memory_space<semaphore_mem>>)
      %lt3A = arith.constant 24 : i32
      %lt3A_152 = arith.cmpi slt, %add3A_69, %lt3A : i32
      %convert_element_type3A = arith.extui %lt3A_152 : i1 to i32
      %cond3A = arith.constant 0 : i32
      %cond3A_153 = arith.cmpi ne, %convert_element_type3A, %cond3A : i32
      scf.if %cond3A_153 {
        %dma_wait3A_174 = arith.constant 0 : i32
        %dma_wait3A_175 = arith.constant 0 : i32
        %dma_wait3A_176 = tpu.memref_slice %arg4[%dma_wait3A_174, %dma_wait3A_175] : memref<320000x128xf32, #tpu.memory_space<hbm>> -> memref<80x128xf32, #tpu.memory_space<hbm>>
        %dma_wait3A_177 = arith.constant 0 : i32
        %dma_wait3A_178 = arith.constant 0 : i32
        %dma_wait3A_179 = tpu.memref_slice %arg4[%dma_wait3A_177, %dma_wait3A_178] : memref<320000x128xf32, #tpu.memory_space<hbm>> -> memref<80x128xf32, #tpu.memory_space<hbm>>
        tpu.wait_dma2 semaphore(%arg16 : memref<!tpu.dma_semaphore, #tpu.memory_space<semaphore_mem>>) src(%arg6 : memref<80x128xf32, #tpu.memory_space<vmem>>) dst(%dma_wait3A_179 : memref<80x128xf32, #tpu.memory_space<hbm>>)
        %add3A_180 = arith.constant 5 : i32
        %add3A_181 = arith.addi %mul3A_71, %add3A_180 : i32
        %add3A_182 = arith.constant 0 : i32
        %add3A_183 = arith.addi %add3A_181, %add3A_182 : i32
        %mul3A_184 = arith.constant 80 : i32
        %mul3A_185 = arith.muli %add3A_183, %mul3A_184 : i32
        %multiple_of3A_186 = tpu.assume_multiple %mul3A_185, 80 : i32
        %dma_start3A_187 = tpu.memref_slice %arg5[%multiple_of3A_186] : memref<10000xi32, #tpu.memory_space<vmem>> -> memref<80xi32, #tpu.memory_space<vmem>>
        %dma_start3A_188 = arith.constant 0 : i32
        %dma_start3A_189 = arith.constant 0 : i32
        %dma_start3A_190 = tpu.memref_slice %arg2[%dma_start3A_188, %dma_start3A_189] : memref<10000x128xf32, #tpu.memory_space<hbm>> -> memref<10000x128xf32, #tpu.memory_space<hbm>>
        tpu.enqueue_indirect_dma source(%dma_start3A_190 : memref<10000x128xf32, #tpu.memory_space<hbm>>) target(%arg6 : memref<80x128xf32, #tpu.memory_space<vmem>>) offsets(%dma_start3A_187 : memref<80xi32, #tpu.memory_space<vmem>>) semaphore(%arg11 : memref<!tpu.dma_semaphore, #tpu.memory_space<semaphore_mem>>)
      } else {
      }
      %lt3A_154 = arith.constant 24 : i32
      %lt3A_155 = arith.cmpi slt, %add3A_69, %lt3A_154 : i32
      %convert_element_type3A_156 = arith.extui %lt3A_155 : i1 to i32
      %cond3A_157 = arith.constant 0 : i32
      %cond3A_158 = arith.cmpi ne, %convert_element_type3A_156, %cond3A_157 : i32
      scf.if %cond3A_158 {
        %dma_wait3A_174 = arith.constant 0 : i32
        %dma_wait3A_175 = arith.constant 0 : i32
        %dma_wait3A_176 = tpu.memref_slice %arg4[%dma_wait3A_174, %dma_wait3A_175] : memref<320000x128xf32, #tpu.memory_space<hbm>> -> memref<80x128xf32, #tpu.memory_space<hbm>>
        %dma_wait3A_177 = arith.constant 0 : i32
        %dma_wait3A_178 = arith.constant 0 : i32
        %dma_wait3A_179 = tpu.memref_slice %arg4[%dma_wait3A_177, %dma_wait3A_178] : memref<320000x128xf32, #tpu.memory_space<hbm>> -> memref<80x128xf32, #tpu.memory_space<hbm>>
        tpu.wait_dma2 semaphore(%arg17 : memref<!tpu.dma_semaphore, #tpu.memory_space<semaphore_mem>>) src(%arg7 : memref<80x128xf32, #tpu.memory_space<vmem>>) dst(%dma_wait3A_179 : memref<80x128xf32, #tpu.memory_space<hbm>>)
        %add3A_180 = arith.constant 5 : i32
        %add3A_181 = arith.addi %mul3A_71, %add3A_180 : i32
        %add3A_182 = arith.constant 1 : i32
        %add3A_183 = arith.addi %add3A_181, %add3A_182 : i32
        %mul3A_184 = arith.constant 80 : i32
        %mul3A_185 = arith.muli %add3A_183, %mul3A_184 : i32
        %multiple_of3A_186 = tpu.assume_multiple %mul3A_185, 80 : i32
        %dma_start3A_187 = tpu.memref_slice %arg5[%multiple_of3A_186] : memref<10000xi32, #tpu.memory_space<vmem>> -> memref<80xi32, #tpu.memory_space<vmem>>
        %dma_start3A_188 = arith.constant 0 : i32
        %dma_start3A_189 = arith.constant 0 : i32
        %dma_start3A_190 = tpu.memref_slice %arg2[%dma_start3A_188, %dma_start3A_189] : memref<10000x128xf32, #tpu.memory_space<hbm>> -> memref<10000x128xf32, #tpu.memory_space<hbm>>
        tpu.enqueue_indirect_dma source(%dma_start3A_190 : memref<10000x128xf32, #tpu.memory_space<hbm>>) target(%arg7 : memref<80x128xf32, #tpu.memory_space<vmem>>) offsets(%dma_start3A_187 : memref<80xi32, #tpu.memory_space<vmem>>) semaphore(%arg12 : memref<!tpu.dma_semaphore, #tpu.memory_space<semaphore_mem>>)
      } else {
      }
      %lt3A_159 = arith.constant 24 : i32
      %lt3A_160 = arith.cmpi slt, %add3A_69, %lt3A_159 : i32
      %convert_element_type3A_161 = arith.extui %lt3A_160 : i1 to i32
      %cond3A_162 = arith.constant 0 : i32
      %cond3A_163 = arith.cmpi ne, %convert_element_type3A_161, %cond3A_162 : i32
      scf.if %cond3A_163 {
        %dma_wait3A_174 = arith.constant 0 : i32
        %dma_wait3A_175 = arith.constant 0 : i32
        %dma_wait3A_176 = tpu.memref_slice %arg4[%dma_wait3A_174, %dma_wait3A_175] : memref<320000x128xf32, #tpu.memory_space<hbm>> -> memref<80x128xf32, #tpu.memory_space<hbm>>
        %dma_wait3A_177 = arith.constant 0 : i32
        %dma_wait3A_178 = arith.constant 0 : i32
        %dma_wait3A_179 = tpu.memref_slice %arg4[%dma_wait3A_177, %dma_wait3A_178] : memref<320000x128xf32, #tpu.memory_space<hbm>> -> memref<80x128xf32, #tpu.memory_space<hbm>>
        tpu.wait_dma2 semaphore(%arg18 : memref<!tpu.dma_semaphore, #tpu.memory_space<semaphore_mem>>) src(%arg8 : memref<80x128xf32, #tpu.memory_space<vmem>>) dst(%dma_wait3A_179 : memref<80x128xf32, #tpu.memory_space<hbm>>)
        %add3A_180 = arith.constant 5 : i32
        %add3A_181 = arith.addi %mul3A_71, %add3A_180 : i32
        %add3A_182 = arith.constant 2 : i32
        %add3A_183 = arith.addi %add3A_181, %add3A_182 : i32
        %mul3A_184 = arith.constant 80 : i32
        %mul3A_185 = arith.muli %add3A_183, %mul3A_184 : i32
        %multiple_of3A_186 = tpu.assume_multiple %mul3A_185, 80 : i32
        %dma_start3A_187 = tpu.memref_slice %arg5[%multiple_of3A_186] : memref<10000xi32, #tpu.memory_space<vmem>> -> memref<80xi32, #tpu.memory_space<vmem>>
        %dma_start3A_188 = arith.constant 0 : i32
        %dma_start3A_189 = arith.constant 0 : i32
        %dma_start3A_190 = tpu.memref_slice %arg2[%dma_start3A_188, %dma_start3A_189] : memref<10000x128xf32, #tpu.memory_space<hbm>> -> memref<10000x128xf32, #tpu.memory_space<hbm>>
        tpu.enqueue_indirect_dma source(%dma_start3A_190 : memref<10000x128xf32, #tpu.memory_space<hbm>>) target(%arg8 : memref<80x128xf32, #tpu.memory_space<vmem>>) offsets(%dma_start3A_187 : memref<80xi32, #tpu.memory_space<vmem>>) semaphore(%arg13 : memref<!tpu.dma_semaphore, #tpu.memory_space<semaphore_mem>>)
      } else {
      }
      %lt3A_164 = arith.constant 24 : i32
      %lt3A_165 = arith.cmpi slt, %add3A_69, %lt3A_164 : i32
      %convert_element_type3A_166 = arith.extui %lt3A_165 : i1 to i32
      %cond3A_167 = arith.constant 0 : i32
      %cond3A_168 = arith.cmpi ne, %convert_element_type3A_166, %cond3A_167 : i32
      scf.if %cond3A_168 {
        %dma_wait3A_174 = arith.constant 0 : i32
        %dma_wait3A_175 = arith.constant 0 : i32
        %dma_wait3A_176 = tpu.memref_slice %arg4[%dma_wait3A_174, %dma_wait3A_175] : memref<320000x128xf32, #tpu.memory_space<hbm>> -> memref<80x128xf32, #tpu.memory_space<hbm>>
        %dma_wait3A_177 = arith.constant 0 : i32
        %dma_wait3A_178 = arith.constant 0 : i32
        %dma_wait3A_179 = tpu.memref_slice %arg4[%dma_wait3A_177, %dma_wait3A_178] : memref<320000x128xf32, #tpu.memory_space<hbm>> -> memref<80x128xf32, #tpu.memory_space<hbm>>
        tpu.wait_dma2 semaphore(%arg19 : memref<!tpu.dma_semaphore, #tpu.memory_space<semaphore_mem>>) src(%arg9 : memref<80x128xf32, #tpu.memory_space<vmem>>) dst(%dma_wait3A_179 : memref<80x128xf32, #tpu.memory_space<hbm>>)
        %add3A_180 = arith.constant 5 : i32
        %add3A_181 = arith.addi %mul3A_71, %add3A_180 : i32
        %add3A_182 = arith.constant 3 : i32
        %add3A_183 = arith.addi %add3A_181, %add3A_182 : i32
        %mul3A_184 = arith.constant 80 : i32
        %mul3A_185 = arith.muli %add3A_183, %mul3A_184 : i32
        %multiple_of3A_186 = tpu.assume_multiple %mul3A_185, 80 : i32
        %dma_start3A_187 = tpu.memref_slice %arg5[%multiple_of3A_186] : memref<10000xi32, #tpu.memory_space<vmem>> -> memref<80xi32, #tpu.memory_space<vmem>>
        %dma_start3A_188 = arith.constant 0 : i32
        %dma_start3A_189 = arith.constant 0 : i32
        %dma_start3A_190 = tpu.memref_slice %arg2[%dma_start3A_188, %dma_start3A_189] : memref<10000x128xf32, #tpu.memory_space<hbm>> -> memref<10000x128xf32, #tpu.memory_space<hbm>>
        tpu.enqueue_indirect_dma source(%dma_start3A_190 : memref<10000x128xf32, #tpu.memory_space<hbm>>) target(%arg9 : memref<80x128xf32, #tpu.memory_space<vmem>>) offsets(%dma_start3A_187 : memref<80xi32, #tpu.memory_space<vmem>>) semaphore(%arg14 : memref<!tpu.dma_semaphore, #tpu.memory_space<semaphore_mem>>)
      } else {
      }
      %lt3A_169 = arith.constant 24 : i32
      %lt3A_170 = arith.cmpi slt, %add3A_69, %lt3A_169 : i32
      %convert_element_type3A_171 = arith.extui %lt3A_170 : i1 to i32
      %cond3A_172 = arith.constant 0 : i32
      %cond3A_173 = arith.cmpi ne, %convert_element_type3A_171, %cond3A_172 : i32
      scf.if %cond3A_173 {
        %dma_wait3A_174 = arith.constant 0 : i32
        %dma_wait3A_175 = arith.constant 0 : i32
        %dma_wait3A_176 = tpu.memref_slice %arg4[%dma_wait3A_174, %dma_wait3A_175] : memref<320000x128xf32, #tpu.memory_space<hbm>> -> memref<80x128xf32, #tpu.memory_space<hbm>>
        %dma_wait3A_177 = arith.constant 0 : i32
        %dma_wait3A_178 = arith.constant 0 : i32
        %dma_wait3A_179 = tpu.memref_slice %arg4[%dma_wait3A_177, %dma_wait3A_178] : memref<320000x128xf32, #tpu.memory_space<hbm>> -> memref<80x128xf32, #tpu.memory_space<hbm>>
        tpu.wait_dma2 semaphore(%arg20 : memref<!tpu.dma_semaphore, #tpu.memory_space<semaphore_mem>>) src(%arg10 : memref<80x128xf32, #tpu.memory_space<vmem>>) dst(%dma_wait3A_179 : memref<80x128xf32, #tpu.memory_space<hbm>>)
        %add3A_180 = arith.constant 5 : i32
        %add3A_181 = arith.addi %mul3A_71, %add3A_180 : i32
        %add3A_182 = arith.constant 4 : i32
        %add3A_183 = arith.addi %add3A_181, %add3A_182 : i32
        %mul3A_184 = arith.constant 80 : i32
        %mul3A_185 = arith.muli %add3A_183, %mul3A_184 : i32
        %multiple_of3A_186 = tpu.assume_multiple %mul3A_185, 80 : i32
        %dma_start3A_187 = tpu.memref_slice %arg5[%multiple_of3A_186] : memref<10000xi32, #tpu.memory_space<vmem>> -> memref<80xi32, #tpu.memory_space<vmem>>
        %dma_start3A_188 = arith.constant 0 : i32
        %dma_start3A_189 = arith.constant 0 : i32
        %dma_start3A_190 = tpu.memref_slice %arg2[%dma_start3A_188, %dma_start3A_189] : memref<10000x128xf32, #tpu.memory_space<hbm>> -> memref<10000x128xf32, #tpu.memory_space<hbm>>
        tpu.enqueue_indirect_dma source(%dma_start3A_190 : memref<10000x128xf32, #tpu.memory_space<hbm>>) target(%arg10 : memref<80x128xf32, #tpu.memory_space<vmem>>) offsets(%dma_start3A_187 : memref<80xi32, #tpu.memory_space<vmem>>) semaphore(%arg15 : memref<!tpu.dma_semaphore, #tpu.memory_space<semaphore_mem>>)
      } else {
      }
    }
    %scan3A_35 = arith.constant 25 : i32
    %dma_wait3A = arith.constant 0 : i32
    %dma_wait3A_36 = arith.constant 0 : i32
    %dma_wait3A_37 = tpu.memref_slice %arg4[%dma_wait3A, %dma_wait3A_36] : memref<320000x128xf32, #tpu.memory_space<hbm>> -> memref<80x128xf32, #tpu.memory_space<hbm>>
    %dma_wait3A_38 = arith.constant 0 : i32
    %dma_wait3A_39 = arith.constant 0 : i32
    %dma_wait3A_40 = tpu.memref_slice %arg4[%dma_wait3A_38, %dma_wait3A_39] : memref<320000x128xf32, #tpu.memory_space<hbm>> -> memref<80x128xf32, #tpu.memory_space<hbm>>
    tpu.wait_dma2 semaphore(%arg16 : memref<!tpu.dma_semaphore, #tpu.memory_space<semaphore_mem>>) src(%arg6 : memref<80x128xf32, #tpu.memory_space<vmem>>) dst(%dma_wait3A_40 : memref<80x128xf32, #tpu.memory_space<hbm>>)
    %dma_wait3A_41 = arith.constant 0 : i32
    %dma_wait3A_42 = arith.constant 0 : i32
    %dma_wait3A_43 = tpu.memref_slice %arg4[%dma_wait3A_41, %dma_wait3A_42] : memref<320000x128xf32, #tpu.memory_space<hbm>> -> memref<80x128xf32, #tpu.memory_space<hbm>>
    %dma_wait3A_44 = arith.constant 0 : i32
    %dma_wait3A_45 = arith.constant 0 : i32
    %dma_wait3A_46 = tpu.memref_slice %arg4[%dma_wait3A_44, %dma_wait3A_45] : memref<320000x128xf32, #tpu.memory_space<hbm>> -> memref<80x128xf32, #tpu.memory_space<hbm>>
    tpu.wait_dma2 semaphore(%arg17 : memref<!tpu.dma_semaphore, #tpu.memory_space<semaphore_mem>>) src(%arg7 : memref<80x128xf32, #tpu.memory_space<vmem>>) dst(%dma_wait3A_46 : memref<80x128xf32, #tpu.memory_space<hbm>>)
    %dma_wait3A_47 = arith.constant 0 : i32
    %dma_wait3A_48 = arith.constant 0 : i32
    %dma_wait3A_49 = tpu.memref_slice %arg4[%dma_wait3A_47, %dma_wait3A_48] : memref<320000x128xf32, #tpu.memory_space<hbm>> -> memref<80x128xf32, #tpu.memory_space<hbm>>
    %dma_wait3A_50 = arith.constant 0 : i32
    %dma_wait3A_51 = arith.constant 0 : i32
    %dma_wait3A_52 = tpu.memref_slice %arg4[%dma_wait3A_50, %dma_wait3A_51] : memref<320000x128xf32, #tpu.memory_space<hbm>> -> memref<80x128xf32, #tpu.memory_space<hbm>>
    tpu.wait_dma2 semaphore(%arg18 : memref<!tpu.dma_semaphore, #tpu.memory_space<semaphore_mem>>) src(%arg8 : memref<80x128xf32, #tpu.memory_space<vmem>>) dst(%dma_wait3A_52 : memref<80x128xf32, #tpu.memory_space<hbm>>)
    %dma_wait3A_53 = arith.constant 0 : i32
    %dma_wait3A_54 = arith.constant 0 : i32
    %dma_wait3A_55 = tpu.memref_slice %arg4[%dma_wait3A_53, %dma_wait3A_54] : memref<320000x128xf32, #tpu.memory_space<hbm>> -> memref<80x128xf32, #tpu.memory_space<hbm>>
    %dma_wait3A_56 = arith.constant 0 : i32
    %dma_wait3A_57 = arith.constant 0 : i32
    %dma_wait3A_58 = tpu.memref_slice %arg4[%dma_wait3A_56, %dma_wait3A_57] : memref<320000x128xf32, #tpu.memory_space<hbm>> -> memref<80x128xf32, #tpu.memory_space<hbm>>
    tpu.wait_dma2 semaphore(%arg19 : memref<!tpu.dma_semaphore, #tpu.memory_space<semaphore_mem>>) src(%arg9 : memref<80x128xf32, #tpu.memory_space<vmem>>) dst(%dma_wait3A_58 : memref<80x128xf32, #tpu.memory_space<hbm>>)
    %dma_wait3A_59 = arith.constant 0 : i32
    %dma_wait3A_60 = arith.constant 0 : i32
    %dma_wait3A_61 = tpu.memref_slice %arg4[%dma_wait3A_59, %dma_wait3A_60] : memref<320000x128xf32, #tpu.memory_space<hbm>> -> memref<80x128xf32, #tpu.memory_space<hbm>>
    %dma_wait3A_62 = arith.constant 0 : i32
    %dma_wait3A_63 = arith.constant 0 : i32
    %dma_wait3A_64 = tpu.memref_slice %arg4[%dma_wait3A_62, %dma_wait3A_63] : memref<320000x128xf32, #tpu.memory_space<hbm>> -> memref<80x128xf32, #tpu.memory_space<hbm>>
    tpu.wait_dma2 semaphore(%arg20 : memref<!tpu.dma_semaphore, #tpu.memory_space<semaphore_mem>>) src(%arg10 : memref<80x128xf32, #tpu.memory_space<vmem>>) dst(%dma_wait3A_64 : memref<80x128xf32, #tpu.memory_space<hbm>>)
    return
  }
}

#map = affine_map<(d0, d1) -> (0, 0)>
#map1 = affine_map<(d0, d1) -> (0, 0, 0)>
module attributes {stable_mosaic.version = 14 : i64} {
  func.func @sk(%arg0: i32, %arg1: i32, %arg2: memref<160000x128xf32, #tpu.memory_space<hbm>>, %arg3: memref<32x40x128xi32, #tpu.memory_space<hbm>>, %arg4: memref<10000x128xf32, #tpu.memory_space<hbm>>, %arg5: memref<2x10000x128xf32, #tpu.memory_space<hbm>>, %arg6: memref<40x128xi32, #tpu.memory_space<vmem>>, %arg7: memref<128x128xf32, #tpu.memory_space<vmem>>, %arg8: memref<128x128xf32, #tpu.memory_space<vmem>>, %arg9: memref<!tpu.dma_semaphore, #tpu.memory_space<semaphore_mem>>, %arg10: memref<!tpu.dma_semaphore, #tpu.memory_space<semaphore_mem>>, %arg11: memref<!tpu.dma_semaphore, #tpu.memory_space<semaphore_mem>>, %arg12: memref<!tpu.dma_semaphore, #tpu.memory_space<semaphore_mem>>, %arg13: memref<10000x128xf32, #tpu.memory_space<vmem_shared>>) attributes {dimension_semantics = [#tpu.dimension_semantics<core_parallel>, #tpu.dimension_semantics<subcore_parallel>], iteration_bounds = array<i64: 2, 16>, scalar_prefetch = 0 : i64, scratch_operands = 8 : i64, tpu.core_type = #tpu.core_type<sc_vector_subcore>, window_params = [{transform_indices = #map}, {transform_indices = #map1}, {transform_indices = #map}, {transform_indices = #map1}]} {
    %mul3A = arith.constant 16 : i32
    %mul3A_0 = arith.muli %arg0, %mul3A : i32
    %add3A = arith.addi %mul3A_0, %arg1 : i32
    %mul3A_1 = arith.constant 624 : i32
    %mul3A_2 = arith.muli %arg1, %mul3A_1 : i32
    %multiple_of3A = tpu.assume_multiple %mul3A_2, 8 : i32
    "tpu.region"() ({
      %run_scoped3A = tpu.sem_alloc : memref<!tpu.dma_semaphore, #tpu.memory_space<semaphore_mem>>
      %dma_start3A = arith.constant 0 : i32
      %dma_start3A_50 = tpu.memref_slice %arg13[%multiple_of3A, %dma_start3A] : memref<10000x128xf32, #tpu.memory_space<vmem_shared>> -> memref<624x128xf32, #tpu.memory_space<vmem_shared>>
      %dma_start3A_51 = arith.constant 0 : i32
      %dma_start3A_52 = tpu.memref_slice %arg4[%multiple_of3A, %dma_start3A_51] : memref<10000x128xf32, #tpu.memory_space<hbm>> -> memref<624x128xf32, #tpu.memory_space<hbm>>
      tpu.enqueue_dma source(%dma_start3A_52 : memref<624x128xf32, #tpu.memory_space<hbm>>) target(%dma_start3A_50 : memref<624x128xf32, #tpu.memory_space<vmem_shared>>) target_semaphore(%run_scoped3A : memref<!tpu.dma_semaphore, #tpu.memory_space<semaphore_mem>>)
      %dma_wait3A = arith.constant 0 : i32
      %dma_wait3A_53 = tpu.memref_slice %arg13[%multiple_of3A, %dma_wait3A] : memref<10000x128xf32, #tpu.memory_space<vmem_shared>> -> memref<624x128xf32, #tpu.memory_space<vmem_shared>>
      %dma_wait3A_54 = arith.constant 0 : i32
      %dma_wait3A_55 = tpu.memref_slice %arg4[%multiple_of3A, %dma_wait3A_54] : memref<10000x128xf32, #tpu.memory_space<hbm>> -> memref<624x128xf32, #tpu.memory_space<hbm>>
      tpu.wait_dma2 semaphore(%run_scoped3A : memref<!tpu.dma_semaphore, #tpu.memory_space<semaphore_mem>>) src(%dma_wait3A_55 : memref<624x128xf32, #tpu.memory_space<hbm>>) dst(%dma_wait3A_53 : memref<624x128xf32, #tpu.memory_space<vmem_shared>>)
      tpu.yield
    }) : () -> ()
    %eq3A = arith.constant 15 : i32
    %eq3A_3 = arith.cmpi eq, %arg1, %eq3A : i32
    %convert_element_type3A = arith.extui %eq3A_3 : i1 to i32
    %cond3A = arith.constant 0 : i32
    %cond3A_4 = arith.cmpi ne, %convert_element_type3A, %cond3A : i32
    scf.if %cond3A_4 {
      "tpu.region"() ({
        %run_scoped3A = tpu.sem_alloc : memref<!tpu.dma_semaphore, #tpu.memory_space<semaphore_mem>>
        %dma_start3A = arith.constant 9984 : i32
        %dma_start3A_50 = arith.constant 0 : i32
        %dma_start3A_51 = tpu.memref_slice %arg13[%dma_start3A, %dma_start3A_50] : memref<10000x128xf32, #tpu.memory_space<vmem_shared>> -> memref<16x128xf32, #tpu.memory_space<vmem_shared>>
        %dma_start3A_52 = arith.constant 9984 : i32
        %dma_start3A_53 = arith.constant 0 : i32
        %dma_start3A_54 = tpu.memref_slice %arg4[%dma_start3A_52, %dma_start3A_53] : memref<10000x128xf32, #tpu.memory_space<hbm>> -> memref<16x128xf32, #tpu.memory_space<hbm>>
        tpu.enqueue_dma source(%dma_start3A_54 : memref<16x128xf32, #tpu.memory_space<hbm>>) target(%dma_start3A_51 : memref<16x128xf32, #tpu.memory_space<vmem_shared>>) target_semaphore(%run_scoped3A : memref<!tpu.dma_semaphore, #tpu.memory_space<semaphore_mem>>)
        %dma_wait3A = arith.constant 9984 : i32
        %dma_wait3A_55 = arith.constant 0 : i32
        %dma_wait3A_56 = tpu.memref_slice %arg13[%dma_wait3A, %dma_wait3A_55] : memref<10000x128xf32, #tpu.memory_space<vmem_shared>> -> memref<16x128xf32, #tpu.memory_space<vmem_shared>>
        %dma_wait3A_57 = arith.constant 9984 : i32
        %dma_wait3A_58 = arith.constant 0 : i32
        %dma_wait3A_59 = tpu.memref_slice %arg4[%dma_wait3A_57, %dma_wait3A_58] : memref<10000x128xf32, #tpu.memory_space<hbm>> -> memref<16x128xf32, #tpu.memory_space<hbm>>
        tpu.wait_dma2 semaphore(%run_scoped3A : memref<!tpu.dma_semaphore, #tpu.memory_space<semaphore_mem>>) src(%dma_wait3A_59 : memref<16x128xf32, #tpu.memory_space<hbm>>) dst(%dma_wait3A_56 : memref<16x128xf32, #tpu.memory_space<vmem_shared>>)
        tpu.yield
      }) : () -> ()
    } else {
    }
    "tpu.region"() ({
      %run_scoped3A = tpu.sem_alloc : memref<!tpu.dma_semaphore, #tpu.memory_space<semaphore_mem>>
      %dma_start3A = arith.constant 0 : i32
      %dma_start3A_50 = arith.constant 0 : i32
      %dma_start3A_51 = tpu.memref_slice %arg3[%add3A, %dma_start3A, %dma_start3A_50] : memref<32x40x128xi32, #tpu.memory_space<hbm>> -> memref<1x40x128xi32, #tpu.memory_space<hbm>>
      %dma_start3A_52 = tpu.memref_squeeze %dma_start3A_51 : memref<1x40x128xi32, #tpu.memory_space<hbm>> -> memref<40x128xi32, #tpu.memory_space<hbm>>
      %dma_start3A_53 = arith.constant 0 : i32
      %dma_start3A_54 = arith.constant 0 : i32
      %dma_start3A_55 = tpu.memref_slice %arg3[%add3A, %dma_start3A_53, %dma_start3A_54] : memref<32x40x128xi32, #tpu.memory_space<hbm>> -> memref<1x40x128xi32, #tpu.memory_space<hbm>>
      %dma_start3A_56 = tpu.memref_squeeze %dma_start3A_55 : memref<1x40x128xi32, #tpu.memory_space<hbm>> -> memref<40x128xi32, #tpu.memory_space<hbm>>
      tpu.enqueue_dma source(%dma_start3A_56 : memref<40x128xi32, #tpu.memory_space<hbm>>) target(%arg6 : memref<40x128xi32, #tpu.memory_space<vmem>>) target_semaphore(%run_scoped3A : memref<!tpu.dma_semaphore, #tpu.memory_space<semaphore_mem>>)
      %dma_wait3A = arith.constant 0 : i32
      %dma_wait3A_57 = arith.constant 0 : i32
      %dma_wait3A_58 = tpu.memref_slice %arg3[%add3A, %dma_wait3A, %dma_wait3A_57] : memref<32x40x128xi32, #tpu.memory_space<hbm>> -> memref<1x40x128xi32, #tpu.memory_space<hbm>>
      %dma_wait3A_59 = tpu.memref_squeeze %dma_wait3A_58 : memref<1x40x128xi32, #tpu.memory_space<hbm>> -> memref<40x128xi32, #tpu.memory_space<hbm>>
      %dma_wait3A_60 = arith.constant 0 : i32
      %dma_wait3A_61 = arith.constant 0 : i32
      %dma_wait3A_62 = tpu.memref_slice %arg3[%add3A, %dma_wait3A_60, %dma_wait3A_61] : memref<32x40x128xi32, #tpu.memory_space<hbm>> -> memref<1x40x128xi32, #tpu.memory_space<hbm>>
      %dma_wait3A_63 = tpu.memref_squeeze %dma_wait3A_62 : memref<1x40x128xi32, #tpu.memory_space<hbm>> -> memref<40x128xi32, #tpu.memory_space<hbm>>
      tpu.wait_dma2 semaphore(%run_scoped3A : memref<!tpu.dma_semaphore, #tpu.memory_space<semaphore_mem>>) src(%dma_wait3A_63 : memref<40x128xi32, #tpu.memory_space<hbm>>) dst(%arg6 : memref<40x128xi32, #tpu.memory_space<vmem>>)
      tpu.yield
    }) : () -> ()
    %barrier3A = arith.constant 0 : index
    tpu.barrier barrier_id(%barrier3A)
    %mul3A_5 = arith.constant 40 : i32
    %mul3A_6 = arith.muli %add3A, %mul3A_5 : i32
    %add3A_7 = arith.constant 0 : i32
    %add3A_8 = arith.addi %mul3A_6, %add3A_7 : i32
    %lt3A = arith.constant 1250 : i32
    %lt3A_9 = arith.cmpi slt, %add3A_8, %lt3A : i32
    %convert_element_type3A_10 = arith.extui %lt3A_9 : i1 to i32
    %cond3A_11 = arith.constant 0 : i32
    %cond3A_12 = arith.cmpi ne, %convert_element_type3A_10, %cond3A_11 : i32
    scf.if %cond3A_12 {
      %mul3A_50 = arith.constant 40 : i32
      %mul3A_51 = arith.muli %add3A, %mul3A_50 : i32
      %add3A_52 = arith.constant 0 : i32
      %add3A_53 = arith.addi %mul3A_51, %add3A_52 : i32
      %mul3A_54 = arith.constant 128 : i32
      %mul3A_55 = arith.muli %add3A_53, %mul3A_54 : i32
      %multiple_of3A_56 = tpu.assume_multiple %mul3A_55, 128 : i32
      %dma_start3A = arith.constant 0 : i32
      %dma_start3A_57 = tpu.memref_slice %arg2[%multiple_of3A_56, %dma_start3A] : memref<160000x128xf32, #tpu.memory_space<hbm>> -> memref<128x128xf32, #tpu.memory_space<hbm>>
      %dma_start3A_58 = arith.constant 0 : i32
      %dma_start3A_59 = tpu.memref_slice %arg2[%multiple_of3A_56, %dma_start3A_58] : memref<160000x128xf32, #tpu.memory_space<hbm>> -> memref<128x128xf32, #tpu.memory_space<hbm>>
      tpu.enqueue_dma source(%dma_start3A_59 : memref<128x128xf32, #tpu.memory_space<hbm>>) target(%arg7 : memref<128x128xf32, #tpu.memory_space<vmem>>) target_semaphore(%arg9 : memref<!tpu.dma_semaphore, #tpu.memory_space<semaphore_mem>>)
    } else {
    }
    %mul3A_13 = arith.constant 40 : i32
    %mul3A_14 = arith.muli %add3A, %mul3A_13 : i32
    %add3A_15 = arith.constant 1 : i32
    %add3A_16 = arith.addi %mul3A_14, %add3A_15 : i32
    %lt3A_17 = arith.constant 1250 : i32
    %lt3A_18 = arith.cmpi slt, %add3A_16, %lt3A_17 : i32
    %convert_element_type3A_19 = arith.extui %lt3A_18 : i1 to i32
    %cond3A_20 = arith.constant 0 : i32
    %cond3A_21 = arith.cmpi ne, %convert_element_type3A_19, %cond3A_20 : i32
    scf.if %cond3A_21 {
      %mul3A_50 = arith.constant 40 : i32
      %mul3A_51 = arith.muli %add3A, %mul3A_50 : i32
      %add3A_52 = arith.constant 1 : i32
      %add3A_53 = arith.addi %mul3A_51, %add3A_52 : i32
      %mul3A_54 = arith.constant 128 : i32
      %mul3A_55 = arith.muli %add3A_53, %mul3A_54 : i32
      %multiple_of3A_56 = tpu.assume_multiple %mul3A_55, 128 : i32
      %dma_start3A = arith.constant 0 : i32
      %dma_start3A_57 = tpu.memref_slice %arg2[%multiple_of3A_56, %dma_start3A] : memref<160000x128xf32, #tpu.memory_space<hbm>> -> memref<128x128xf32, #tpu.memory_space<hbm>>
      %dma_start3A_58 = arith.constant 0 : i32
      %dma_start3A_59 = tpu.memref_slice %arg2[%multiple_of3A_56, %dma_start3A_58] : memref<160000x128xf32, #tpu.memory_space<hbm>> -> memref<128x128xf32, #tpu.memory_space<hbm>>
      tpu.enqueue_dma source(%dma_start3A_59 : memref<128x128xf32, #tpu.memory_space<hbm>>) target(%arg8 : memref<128x128xf32, #tpu.memory_space<vmem>>) target_semaphore(%arg10 : memref<!tpu.dma_semaphore, #tpu.memory_space<semaphore_mem>>)
    } else {
    }
    %scan3A = arith.constant 0 : i32
    %scan3A_22 = arith.constant 20 : i32
    %scan3A_23 = arith.addi %scan3A, %scan3A_22 : i32
    %scan3A_24 = arith.constant 1 : i32
    scf.for %scan3A_50 = %scan3A to %scan3A_23 step %scan3A_24  : i32 {
      %mul3A_51 = arith.constant 1 : i32
      %mul3A_52 = arith.muli %scan3A_50, %mul3A_51 : i32
      %add3A_53 = arith.constant 0 : i32
      %add3A_54 = arith.addi %add3A_53, %mul3A_52 : i32
      %mul3A_55 = arith.constant 2 : i32
      %mul3A_56 = arith.muli %add3A_54, %mul3A_55 : i32
      %add3A_57 = arith.constant 0 : i32
      %add3A_58 = arith.addi %mul3A_56, %add3A_57 : i32
      %mul3A_59 = arith.constant 40 : i32
      %mul3A_60 = arith.muli %add3A, %mul3A_59 : i32
      %add3A_61 = arith.addi %mul3A_60, %add3A_58 : i32
      %lt3A_62 = arith.constant 1250 : i32
      %lt3A_63 = arith.cmpi slt, %add3A_61, %lt3A_62 : i32
      %convert_element_type3A_64 = arith.extui %lt3A_63 : i1 to i32
      %cond3A_65 = arith.constant 0 : i32
      %cond3A_66 = arith.cmpi ne, %convert_element_type3A_64, %cond3A_65 : i32
      scf.if %cond3A_66 {
        %dma_wait3A = arith.constant 0 : i32
        %dma_wait3A_107 = arith.constant 0 : i32
        %dma_wait3A_108 = tpu.memref_slice %arg2[%dma_wait3A, %dma_wait3A_107] : memref<160000x128xf32, #tpu.memory_space<hbm>> -> memref<128x128xf32, #tpu.memory_space<hbm>>
        %dma_wait3A_109 = arith.constant 0 : i32
        %dma_wait3A_110 = arith.constant 0 : i32
        %dma_wait3A_111 = tpu.memref_slice %arg2[%dma_wait3A_109, %dma_wait3A_110] : memref<160000x128xf32, #tpu.memory_space<hbm>> -> memref<128x128xf32, #tpu.memory_space<hbm>>
        tpu.wait_dma2 semaphore(%arg9 : memref<!tpu.dma_semaphore, #tpu.memory_space<semaphore_mem>>) src(%dma_wait3A_111 : memref<128x128xf32, #tpu.memory_space<hbm>>) dst(%arg7 : memref<128x128xf32, #tpu.memory_space<vmem>>)
      } else {
      }
      %add3A_67 = arith.constant 0 : i32
      %add3A_68 = arith.addi %mul3A_56, %add3A_67 : i32
      %mul3A_69 = arith.constant 40 : i32
      %mul3A_70 = arith.muli %add3A, %mul3A_69 : i32
      %add3A_71 = arith.addi %mul3A_70, %add3A_68 : i32
      %lt3A_72 = arith.constant 1250 : i32
      %lt3A_73 = arith.cmpi slt, %add3A_71, %lt3A_72 : i32
      %convert_element_type3A_74 = arith.extui %lt3A_73 : i1 to i32
      %cond3A_75 = arith.constant 0 : i32
      %cond3A_76 = arith.cmpi ne, %convert_element_type3A_74, %cond3A_75 : i32
      scf.if %cond3A_76 {
        %dma_start3A = arith.constant 0 : i32
        %dma_start3A_107 = tpu.memref_slice %arg6[%add3A_68, %dma_start3A] : memref<40x128xi32, #tpu.memory_space<vmem>> -> memref<1x128xi32, #tpu.memory_space<vmem>>
        %dma_start3A_108 = tpu.memref_squeeze %dma_start3A_107 : memref<1x128xi32, #tpu.memory_space<vmem>> -> memref<128xi32, #tpu.memory_space<vmem>>
        %dma_start3A_109 = arith.constant 0 : i32
        %dma_start3A_110 = arith.constant 0 : i32
        %dma_start3A_111 = tpu.memref_slice %arg13[%dma_start3A_109, %dma_start3A_110] : memref<10000x128xf32, #tpu.memory_space<vmem_shared>> -> memref<10000x128xf32, #tpu.memory_space<vmem_shared>>
        tpu.enqueue_indirect_dma source(%arg7 : memref<128x128xf32, #tpu.memory_space<vmem>>) target(%dma_start3A_111 : memref<10000x128xf32, #tpu.memory_space<vmem_shared>>) offsets(%dma_start3A_108 : memref<128xi32, #tpu.memory_space<vmem>>) semaphore(%arg11 : memref<!tpu.dma_semaphore, #tpu.memory_space<semaphore_mem>>) {add = true}
      } else {
      }
      %add3A_77 = arith.constant 1 : i32
      %add3A_78 = arith.addi %mul3A_56, %add3A_77 : i32
      %mul3A_79 = arith.constant 40 : i32
      %mul3A_80 = arith.muli %add3A, %mul3A_79 : i32
      %add3A_81 = arith.addi %mul3A_80, %add3A_78 : i32
      %lt3A_82 = arith.constant 1250 : i32
      %lt3A_83 = arith.cmpi slt, %add3A_81, %lt3A_82 : i32
      %convert_element_type3A_84 = arith.extui %lt3A_83 : i1 to i32
      %cond3A_85 = arith.constant 0 : i32
      %cond3A_86 = arith.cmpi ne, %convert_element_type3A_84, %cond3A_85 : i32
      scf.if %cond3A_86 {
        %dma_wait3A = arith.constant 0 : i32
        %dma_wait3A_107 = arith.constant 0 : i32
        %dma_wait3A_108 = tpu.memref_slice %arg2[%dma_wait3A, %dma_wait3A_107] : memref<160000x128xf32, #tpu.memory_space<hbm>> -> memref<128x128xf32, #tpu.memory_space<hbm>>
        %dma_wait3A_109 = arith.constant 0 : i32
        %dma_wait3A_110 = arith.constant 0 : i32
        %dma_wait3A_111 = tpu.memref_slice %arg2[%dma_wait3A_109, %dma_wait3A_110] : memref<160000x128xf32, #tpu.memory_space<hbm>> -> memref<128x128xf32, #tpu.memory_space<hbm>>
        tpu.wait_dma2 semaphore(%arg10 : memref<!tpu.dma_semaphore, #tpu.memory_space<semaphore_mem>>) src(%dma_wait3A_111 : memref<128x128xf32, #tpu.memory_space<hbm>>) dst(%arg8 : memref<128x128xf32, #tpu.memory_space<vmem>>)
      } else {
      }
      %add3A_87 = arith.constant 1 : i32
      %add3A_88 = arith.addi %mul3A_56, %add3A_87 : i32
      %mul3A_89 = arith.constant 40 : i32
      %mul3A_90 = arith.muli %add3A, %mul3A_89 : i32
      %add3A_91 = arith.addi %mul3A_90, %add3A_88 : i32
      %lt3A_92 = arith.constant 1250 : i32
      %lt3A_93 = arith.cmpi slt, %add3A_91, %lt3A_92 : i32
      %convert_element_type3A_94 = arith.extui %lt3A_93 : i1 to i32
      %cond3A_95 = arith.constant 0 : i32
      %cond3A_96 = arith.cmpi ne, %convert_element_type3A_94, %cond3A_95 : i32
      scf.if %cond3A_96 {
        %dma_start3A = arith.constant 0 : i32
        %dma_start3A_107 = tpu.memref_slice %arg6[%add3A_88, %dma_start3A] : memref<40x128xi32, #tpu.memory_space<vmem>> -> memref<1x128xi32, #tpu.memory_space<vmem>>
        %dma_start3A_108 = tpu.memref_squeeze %dma_start3A_107 : memref<1x128xi32, #tpu.memory_space<vmem>> -> memref<128xi32, #tpu.memory_space<vmem>>
        %dma_start3A_109 = arith.constant 0 : i32
        %dma_start3A_110 = arith.constant 0 : i32
        %dma_start3A_111 = tpu.memref_slice %arg13[%dma_start3A_109, %dma_start3A_110] : memref<10000x128xf32, #tpu.memory_space<vmem_shared>> -> memref<10000x128xf32, #tpu.memory_space<vmem_shared>>
        tpu.enqueue_indirect_dma source(%arg8 : memref<128x128xf32, #tpu.memory_space<vmem>>) target(%dma_start3A_111 : memref<10000x128xf32, #tpu.memory_space<vmem_shared>>) offsets(%dma_start3A_108 : memref<128xi32, #tpu.memory_space<vmem>>) semaphore(%arg12 : memref<!tpu.dma_semaphore, #tpu.memory_space<semaphore_mem>>) {add = true}
      } else {
      }
      %lt3A_97 = arith.constant 19 : i32
      %lt3A_98 = arith.cmpi slt, %add3A_54, %lt3A_97 : i32
      %convert_element_type3A_99 = arith.extui %lt3A_98 : i1 to i32
      %cond3A_100 = arith.constant 0 : i32
      %cond3A_101 = arith.cmpi ne, %convert_element_type3A_99, %cond3A_100 : i32
      scf.if %cond3A_101 {
        %add3A_107 = arith.constant 0 : i32
        %add3A_108 = arith.addi %mul3A_56, %add3A_107 : i32
        %mul3A_109 = arith.constant 40 : i32
        %mul3A_110 = arith.muli %add3A, %mul3A_109 : i32
        %add3A_111 = arith.addi %mul3A_110, %add3A_108 : i32
        %lt3A_112 = arith.constant 1250 : i32
        %lt3A_113 = arith.cmpi slt, %add3A_111, %lt3A_112 : i32
        %convert_element_type3A_114 = arith.extui %lt3A_113 : i1 to i32
        %cond3A_115 = arith.constant 0 : i32
        %cond3A_116 = arith.cmpi ne, %convert_element_type3A_114, %cond3A_115 : i32
        scf.if %cond3A_116 {
          %dma_wait3A = arith.constant 0 : i32
          %dma_wait3A_129 = arith.constant 0 : i32
          %dma_wait3A_130 = tpu.memref_slice %arg2[%dma_wait3A, %dma_wait3A_129] : memref<160000x128xf32, #tpu.memory_space<hbm>> -> memref<128x128xf32, #tpu.memory_space<hbm>>
          %dma_wait3A_131 = arith.constant 0 : i32
          %dma_wait3A_132 = arith.constant 0 : i32
          %dma_wait3A_133 = tpu.memref_slice %arg2[%dma_wait3A_131, %dma_wait3A_132] : memref<160000x128xf32, #tpu.memory_space<hbm>> -> memref<128x128xf32, #tpu.memory_space<hbm>>
          tpu.wait_dma2 semaphore(%arg11 : memref<!tpu.dma_semaphore, #tpu.memory_space<semaphore_mem>>) src(%dma_wait3A_133 : memref<128x128xf32, #tpu.memory_space<hbm>>) dst(%arg7 : memref<128x128xf32, #tpu.memory_space<vmem>>)
        } else {
        }
        %add3A_117 = arith.constant 2 : i32
        %add3A_118 = arith.addi %mul3A_56, %add3A_117 : i32
        %add3A_119 = arith.constant 0 : i32
        %add3A_120 = arith.addi %add3A_118, %add3A_119 : i32
        %mul3A_121 = arith.constant 40 : i32
        %mul3A_122 = arith.muli %add3A, %mul3A_121 : i32
        %add3A_123 = arith.addi %mul3A_122, %add3A_120 : i32
        %lt3A_124 = arith.constant 1250 : i32
        %lt3A_125 = arith.cmpi slt, %add3A_123, %lt3A_124 : i32
        %convert_element_type3A_126 = arith.extui %lt3A_125 : i1 to i32
        %cond3A_127 = arith.constant 0 : i32
        %cond3A_128 = arith.cmpi ne, %convert_element_type3A_126, %cond3A_127 : i32
        scf.if %cond3A_128 {
          %mul3A_129 = arith.constant 40 : i32
          %mul3A_130 = arith.muli %add3A, %mul3A_129 : i32
          %add3A_131 = arith.addi %mul3A_130, %add3A_120 : i32
          %mul3A_132 = arith.constant 128 : i32
          %mul3A_133 = arith.muli %add3A_131, %mul3A_132 : i32
          %multiple_of3A_134 = tpu.assume_multiple %mul3A_133, 128 : i32
          %dma_start3A = arith.constant 0 : i32
          %dma_start3A_135 = tpu.memref_slice %arg2[%multiple_of3A_134, %dma_start3A] : memref<160000x128xf32, #tpu.memory_space<hbm>> -> memref<128x128xf32, #tpu.memory_space<hbm>>
          %dma_start3A_136 = arith.constant 0 : i32
          %dma_start3A_137 = tpu.memref_slice %arg2[%multiple_of3A_134, %dma_start3A_136] : memref<160000x128xf32, #tpu.memory_space<hbm>> -> memref<128x128xf32, #tpu.memory_space<hbm>>
          tpu.enqueue_dma source(%dma_start3A_137 : memref<128x128xf32, #tpu.memory_space<hbm>>) target(%arg7 : memref<128x128xf32, #tpu.memory_space<vmem>>) target_semaphore(%arg9 : memref<!tpu.dma_semaphore, #tpu.memory_space<semaphore_mem>>)
        } else {
        }
      } else {
      }
      %lt3A_102 = arith.constant 19 : i32
      %lt3A_103 = arith.cmpi slt, %add3A_54, %lt3A_102 : i32
      %convert_element_type3A_104 = arith.extui %lt3A_103 : i1 to i32
      %cond3A_105 = arith.constant 0 : i32
      %cond3A_106 = arith.cmpi ne, %convert_element_type3A_104, %cond3A_105 : i32
      scf.if %cond3A_106 {
        %add3A_107 = arith.constant 1 : i32
        %add3A_108 = arith.addi %mul3A_56, %add3A_107 : i32
        %mul3A_109 = arith.constant 40 : i32
        %mul3A_110 = arith.muli %add3A, %mul3A_109 : i32
        %add3A_111 = arith.addi %mul3A_110, %add3A_108 : i32
        %lt3A_112 = arith.constant 1250 : i32
        %lt3A_113 = arith.cmpi slt, %add3A_111, %lt3A_112 : i32
        %convert_element_type3A_114 = arith.extui %lt3A_113 : i1 to i32
        %cond3A_115 = arith.constant 0 : i32
        %cond3A_116 = arith.cmpi ne, %convert_element_type3A_114, %cond3A_115 : i32
        scf.if %cond3A_116 {
          %dma_wait3A = arith.constant 0 : i32
          %dma_wait3A_129 = arith.constant 0 : i32
          %dma_wait3A_130 = tpu.memref_slice %arg2[%dma_wait3A, %dma_wait3A_129] : memref<160000x128xf32, #tpu.memory_space<hbm>> -> memref<128x128xf32, #tpu.memory_space<hbm>>
          %dma_wait3A_131 = arith.constant 0 : i32
          %dma_wait3A_132 = arith.constant 0 : i32
          %dma_wait3A_133 = tpu.memref_slice %arg2[%dma_wait3A_131, %dma_wait3A_132] : memref<160000x128xf32, #tpu.memory_space<hbm>> -> memref<128x128xf32, #tpu.memory_space<hbm>>
          tpu.wait_dma2 semaphore(%arg12 : memref<!tpu.dma_semaphore, #tpu.memory_space<semaphore_mem>>) src(%dma_wait3A_133 : memref<128x128xf32, #tpu.memory_space<hbm>>) dst(%arg8 : memref<128x128xf32, #tpu.memory_space<vmem>>)
        } else {
        }
        %add3A_117 = arith.constant 2 : i32
        %add3A_118 = arith.addi %mul3A_56, %add3A_117 : i32
        %add3A_119 = arith.constant 1 : i32
        %add3A_120 = arith.addi %add3A_118, %add3A_119 : i32
        %mul3A_121 = arith.constant 40 : i32
        %mul3A_122 = arith.muli %add3A, %mul3A_121 : i32
        %add3A_123 = arith.addi %mul3A_122, %add3A_120 : i32
        %lt3A_124 = arith.constant 1250 : i32
        %lt3A_125 = arith.cmpi slt, %add3A_123, %lt3A_124 : i32
        %convert_element_type3A_126 = arith.extui %lt3A_125 : i1 to i32
        %cond3A_127 = arith.constant 0 : i32
        %cond3A_128 = arith.cmpi ne, %convert_element_type3A_126, %cond3A_127 : i32
        scf.if %cond3A_128 {
          %mul3A_129 = arith.constant 40 : i32
          %mul3A_130 = arith.muli %add3A, %mul3A_129 : i32
          %add3A_131 = arith.addi %mul3A_130, %add3A_120 : i32
          %mul3A_132 = arith.constant 128 : i32
          %mul3A_133 = arith.muli %add3A_131, %mul3A_132 : i32
          %multiple_of3A_134 = tpu.assume_multiple %mul3A_133, 128 : i32
          %dma_start3A = arith.constant 0 : i32
          %dma_start3A_135 = tpu.memref_slice %arg2[%multiple_of3A_134, %dma_start3A] : memref<160000x128xf32, #tpu.memory_space<hbm>> -> memref<128x128xf32, #tpu.memory_space<hbm>>
          %dma_start3A_136 = arith.constant 0 : i32
          %dma_start3A_137 = tpu.memref_slice %arg2[%multiple_of3A_134, %dma_start3A_136] : memref<160000x128xf32, #tpu.memory_space<hbm>> -> memref<128x128xf32, #tpu.memory_space<hbm>>
          tpu.enqueue_dma source(%dma_start3A_137 : memref<128x128xf32, #tpu.memory_space<hbm>>) target(%arg8 : memref<128x128xf32, #tpu.memory_space<vmem>>) target_semaphore(%arg10 : memref<!tpu.dma_semaphore, #tpu.memory_space<semaphore_mem>>)
        } else {
        }
      } else {
      }
    }
    %scan3A_25 = arith.constant 20 : i32
    %mul3A_26 = arith.constant 40 : i32
    %mul3A_27 = arith.muli %add3A, %mul3A_26 : i32
    %add3A_28 = arith.constant 38 : i32
    %add3A_29 = arith.addi %mul3A_27, %add3A_28 : i32
    %lt3A_30 = arith.constant 1250 : i32
    %lt3A_31 = arith.cmpi slt, %add3A_29, %lt3A_30 : i32
    %convert_element_type3A_32 = arith.extui %lt3A_31 : i1 to i32
    %cond3A_33 = arith.constant 0 : i32
    %cond3A_34 = arith.cmpi ne, %convert_element_type3A_32, %cond3A_33 : i32
    scf.if %cond3A_34 {
      %dma_wait3A = arith.constant 0 : i32
      %dma_wait3A_50 = arith.constant 0 : i32
      %dma_wait3A_51 = tpu.memref_slice %arg2[%dma_wait3A, %dma_wait3A_50] : memref<160000x128xf32, #tpu.memory_space<hbm>> -> memref<128x128xf32, #tpu.memory_space<hbm>>
      %dma_wait3A_52 = arith.constant 0 : i32
      %dma_wait3A_53 = arith.constant 0 : i32
      %dma_wait3A_54 = tpu.memref_slice %arg2[%dma_wait3A_52, %dma_wait3A_53] : memref<160000x128xf32, #tpu.memory_space<hbm>> -> memref<128x128xf32, #tpu.memory_space<hbm>>
      tpu.wait_dma2 semaphore(%arg11 : memref<!tpu.dma_semaphore, #tpu.memory_space<semaphore_mem>>) src(%dma_wait3A_54 : memref<128x128xf32, #tpu.memory_space<hbm>>) dst(%arg7 : memref<128x128xf32, #tpu.memory_space<vmem>>)
    } else {
    }
    %mul3A_35 = arith.constant 40 : i32
    %mul3A_36 = arith.muli %add3A, %mul3A_35 : i32
    %add3A_37 = arith.constant 39 : i32
    %add3A_38 = arith.addi %mul3A_36, %add3A_37 : i32
    %lt3A_39 = arith.constant 1250 : i32
    %lt3A_40 = arith.cmpi slt, %add3A_38, %lt3A_39 : i32
    %convert_element_type3A_41 = arith.extui %lt3A_40 : i1 to i32
    %cond3A_42 = arith.constant 0 : i32
    %cond3A_43 = arith.cmpi ne, %convert_element_type3A_41, %cond3A_42 : i32
    scf.if %cond3A_43 {
      %dma_wait3A = arith.constant 0 : i32
      %dma_wait3A_50 = arith.constant 0 : i32
      %dma_wait3A_51 = tpu.memref_slice %arg2[%dma_wait3A, %dma_wait3A_50] : memref<160000x128xf32, #tpu.memory_space<hbm>> -> memref<128x128xf32, #tpu.memory_space<hbm>>
      %dma_wait3A_52 = arith.constant 0 : i32
      %dma_wait3A_53 = arith.constant 0 : i32
      %dma_wait3A_54 = tpu.memref_slice %arg2[%dma_wait3A_52, %dma_wait3A_53] : memref<160000x128xf32, #tpu.memory_space<hbm>> -> memref<128x128xf32, #tpu.memory_space<hbm>>
      tpu.wait_dma2 semaphore(%arg12 : memref<!tpu.dma_semaphore, #tpu.memory_space<semaphore_mem>>) src(%dma_wait3A_54 : memref<128x128xf32, #tpu.memory_space<hbm>>) dst(%arg8 : memref<128x128xf32, #tpu.memory_space<vmem>>)
    } else {
    }
    %barrier3A_44 = arith.constant 0 : index
    tpu.barrier barrier_id(%barrier3A_44)
    "tpu.region"() ({
      %run_scoped3A = tpu.sem_alloc : memref<!tpu.dma_semaphore, #tpu.memory_space<semaphore_mem>>
      %dma_start3A = arith.constant 0 : i32
      %dma_start3A_50 = tpu.memref_slice %arg5[%arg0, %multiple_of3A, %dma_start3A] : memref<2x10000x128xf32, #tpu.memory_space<hbm>> -> memref<1x624x128xf32, #tpu.memory_space<hbm>>
      %dma_start3A_51 = tpu.memref_squeeze %dma_start3A_50 : memref<1x624x128xf32, #tpu.memory_space<hbm>> -> memref<624x128xf32, #tpu.memory_space<hbm>>
      %dma_start3A_52 = arith.constant 0 : i32
      %dma_start3A_53 = tpu.memref_slice %arg13[%multiple_of3A, %dma_start3A_52] : memref<10000x128xf32, #tpu.memory_space<vmem_shared>> -> memref<624x128xf32, #tpu.memory_space<vmem_shared>>
      tpu.enqueue_dma source(%dma_start3A_53 : memref<624x128xf32, #tpu.memory_space<vmem_shared>>) target(%dma_start3A_51 : memref<624x128xf32, #tpu.memory_space<hbm>>) target_semaphore(%run_scoped3A : memref<!tpu.dma_semaphore, #tpu.memory_space<semaphore_mem>>)
      %dma_wait3A = arith.constant 0 : i32
      %dma_wait3A_54 = tpu.memref_slice %arg5[%arg0, %multiple_of3A, %dma_wait3A] : memref<2x10000x128xf32, #tpu.memory_space<hbm>> -> memref<1x624x128xf32, #tpu.memory_space<hbm>>
      %dma_wait3A_55 = tpu.memref_squeeze %dma_wait3A_54 : memref<1x624x128xf32, #tpu.memory_space<hbm>> -> memref<624x128xf32, #tpu.memory_space<hbm>>
      %dma_wait3A_56 = arith.constant 0 : i32
      %dma_wait3A_57 = tpu.memref_slice %arg13[%multiple_of3A, %dma_wait3A_56] : memref<10000x128xf32, #tpu.memory_space<vmem_shared>> -> memref<624x128xf32, #tpu.memory_space<vmem_shared>>
      tpu.wait_dma2 semaphore(%run_scoped3A : memref<!tpu.dma_semaphore, #tpu.memory_space<semaphore_mem>>) src(%dma_wait3A_57 : memref<624x128xf32, #tpu.memory_space<vmem_shared>>) dst(%dma_wait3A_55 : memref<624x128xf32, #tpu.memory_space<hbm>>)
      tpu.yield
    }) : () -> ()
    %eq3A_45 = arith.constant 15 : i32
    %eq3A_46 = arith.cmpi eq, %arg1, %eq3A_45 : i32
    %convert_element_type3A_47 = arith.extui %eq3A_46 : i1 to i32
    %cond3A_48 = arith.constant 0 : i32
    %cond3A_49 = arith.cmpi ne, %convert_element_type3A_47, %cond3A_48 : i32
    scf.if %cond3A_49 {
      "tpu.region"() ({
        %run_scoped3A = tpu.sem_alloc : memref<!tpu.dma_semaphore, #tpu.memory_space<semaphore_mem>>
        %dma_start3A = arith.constant 9984 : i32
        %dma_start3A_50 = arith.constant 0 : i32
        %dma_start3A_51 = tpu.memref_slice %arg5[%arg0, %dma_start3A, %dma_start3A_50] : memref<2x10000x128xf32, #tpu.memory_space<hbm>> -> memref<1x16x128xf32, #tpu.memory_space<hbm>>
        %dma_start3A_52 = tpu.memref_squeeze %dma_start3A_51 : memref<1x16x128xf32, #tpu.memory_space<hbm>> -> memref<16x128xf32, #tpu.memory_space<hbm>>
        %dma_start3A_53 = arith.constant 9984 : i32
        %dma_start3A_54 = arith.constant 0 : i32
        %dma_start3A_55 = tpu.memref_slice %arg13[%dma_start3A_53, %dma_start3A_54] : memref<10000x128xf32, #tpu.memory_space<vmem_shared>> -> memref<16x128xf32, #tpu.memory_space<vmem_shared>>
        tpu.enqueue_dma source(%dma_start3A_55 : memref<16x128xf32, #tpu.memory_space<vmem_shared>>) target(%dma_start3A_52 : memref<16x128xf32, #tpu.memory_space<hbm>>) target_semaphore(%run_scoped3A : memref<!tpu.dma_semaphore, #tpu.memory_space<semaphore_mem>>)
        %dma_wait3A = arith.constant 9984 : i32
        %dma_wait3A_56 = arith.constant 0 : i32
        %dma_wait3A_57 = tpu.memref_slice %arg5[%arg0, %dma_wait3A, %dma_wait3A_56] : memref<2x10000x128xf32, #tpu.memory_space<hbm>> -> memref<1x16x128xf32, #tpu.memory_space<hbm>>
        %dma_wait3A_58 = tpu.memref_squeeze %dma_wait3A_57 : memref<1x16x128xf32, #tpu.memory_space<hbm>> -> memref<16x128xf32, #tpu.memory_space<hbm>>
        %dma_wait3A_59 = arith.constant 9984 : i32
        %dma_wait3A_60 = arith.constant 0 : i32
        %dma_wait3A_61 = tpu.memref_slice %arg13[%dma_wait3A_59, %dma_wait3A_60] : memref<10000x128xf32, #tpu.memory_space<vmem_shared>> -> memref<16x128xf32, #tpu.memory_space<vmem_shared>>
        tpu.wait_dma2 semaphore(%run_scoped3A : memref<!tpu.dma_semaphore, #tpu.memory_space<semaphore_mem>>) src(%dma_wait3A_61 : memref<16x128xf32, #tpu.memory_space<vmem_shared>>) dst(%dma_wait3A_58 : memref<16x128xf32, #tpu.memory_space<hbm>>)
        tpu.yield
      }) : () -> ()
    } else {
    }
    return
  }
}

module attributes {stable_mosaic.version = 14 : i64} {
  func.func @body(%arg0: i32, %arg1: memref<1000x128xf32, #tpu.memory_space<vmem>>, %arg2: memref<128x128xf32, #tpu.memory_space<vmem>>, %arg3: memref<1x128xf32, #tpu.memory_space<vmem>>, %arg4: memref<128x128xf32, #tpu.memory_space<vmem>>, %arg5: memref<1x128xf32, #tpu.memory_space<vmem>>, %arg6: memref<128x128xf32, #tpu.memory_space<vmem>>, %arg7: memref<1x128xf32, #tpu.memory_space<vmem>>, %arg8: memref<1x128xf32, #tpu.memory_space<vmem>>, %arg9: memref<1x128xf32, #tpu.memory_space<vmem>>, %arg10: memref<1000x128xf32, #tpu.memory_space<vmem>>) attributes {dimension_semantics = [#tpu.dimension_semantics<arbitrary>], iteration_bounds = array<i64: 10>, scalar_prefetch = 0 : i64, scratch_operands = 0 : i64, tpu.core_type = #tpu.core_type<tc>, window_params = [{transform_indices = @transform_0, window_bounds = array<i64: 1000, 128>}, {pipeline_mode = #tpu.pipeline_mode<synchronous>, transform_indices = @transform_1, window_bounds = array<i64: 128, 128>}, {pipeline_mode = #tpu.pipeline_mode<synchronous>, transform_indices = @transform_2, window_bounds = array<i64: 1, 128>}, {pipeline_mode = #tpu.pipeline_mode<synchronous>, transform_indices = @transform_3, window_bounds = array<i64: 128, 128>}, {pipeline_mode = #tpu.pipeline_mode<synchronous>, transform_indices = @transform_4, window_bounds = array<i64: 1, 128>}, {pipeline_mode = #tpu.pipeline_mode<synchronous>, transform_indices = @transform_5, window_bounds = array<i64: 128, 128>}, {pipeline_mode = #tpu.pipeline_mode<synchronous>, transform_indices = @transform_6, window_bounds = array<i64: 1, 128>}, {pipeline_mode = #tpu.pipeline_mode<synchronous>, transform_indices = @transform_7, window_bounds = array<i64: 1, 128>}, {pipeline_mode = #tpu.pipeline_mode<synchronous>, transform_indices = @transform_8, window_bounds = array<i64: 1, 128>}, {transform_indices = @transform_9, window_bounds = array<i64: 1000, 128>}]} {
    %get3A = arith.constant 0 : index
    %get3A_0 = arith.constant 0 : index
    %get3A_1 = vector.load %arg1[%get3A, %get3A_0] : memref<1000x128xf32, #tpu.memory_space<vmem>>, vector<1000x128xf32>
    %get3A_2 = arith.constant 0 : index
    %get3A_3 = arith.constant 0 : index
    %get3A_4 = vector.load %arg2[%get3A_2, %get3A_3] : memref<128x128xf32, #tpu.memory_space<vmem>>, vector<128x128xf32>
    %convert_element_type3A = arith.truncf %get3A_1 : vector<1000x128xf32> to vector<1000x128xbf16>
    %convert_element_type3A_5 = arith.truncf %get3A_4 : vector<128x128xf32> to vector<128x128xbf16>
    %dot_general3A = arith.constant dense<0.000000e+00> : vector<1000x128xf32>
    %dot_general3A_6 = tpu.matmul %convert_element_type3A, %convert_element_type3A_5, %dot_general3A {dimension_numbers = #tpu.dot_dimension_numbers<[1], [0], [0], [1], [0, 0, 1, 1], [], []>, transpose_lhs_hint = false} : vector<1000x128xbf16>, vector<128x128xbf16>, vector<1000x128xf32> -> vector<1000x128xf32>
    %get3A_7 = arith.constant 0 : index
    %get3A_8 = arith.constant 0 : index
    %get3A_9 = vector.load %arg3[%get3A_7, %get3A_8] : memref<1x128xf32, #tpu.memory_space<vmem>>, vector<1x128xf32>
    %add3A = vector.broadcast %get3A_9 : vector<1x128xf32> to vector<1000x128xf32>
    %add3A_10 = arith.addf %dot_general3A_6, %add3A : vector<1000x128xf32>
    %max3A = arith.constant 0.000000e+00 : f32
    %max3A_11 = vector.broadcast %max3A : f32 to vector<1000x128xf32>
    %max3A_12 = arith.maximumf %add3A_10, %max3A_11 : vector<1000x128xf32>
    %get3A_13 = arith.constant 0 : index
    %get3A_14 = arith.constant 0 : index
    %get3A_15 = vector.load %arg4[%get3A_13, %get3A_14] : memref<128x128xf32, #tpu.memory_space<vmem>>, vector<128x128xf32>
    %convert_element_type3A_16 = arith.truncf %max3A_12 : vector<1000x128xf32> to vector<1000x128xbf16>
    %convert_element_type3A_17 = arith.truncf %get3A_15 : vector<128x128xf32> to vector<128x128xbf16>
    %dot_general3A_18 = arith.constant dense<0.000000e+00> : vector<1000x128xf32>
    %dot_general3A_19 = tpu.matmul %convert_element_type3A_16, %convert_element_type3A_17, %dot_general3A_18 {dimension_numbers = #tpu.dot_dimension_numbers<[1], [0], [0], [1], [0, 0, 1, 1], [], []>, transpose_lhs_hint = false} : vector<1000x128xbf16>, vector<128x128xbf16>, vector<1000x128xf32> -> vector<1000x128xf32>
    %get3A_20 = arith.constant 0 : index
    %get3A_21 = arith.constant 0 : index
    %get3A_22 = vector.load %arg5[%get3A_20, %get3A_21] : memref<1x128xf32, #tpu.memory_space<vmem>>, vector<1x128xf32>
    %add3A_23 = vector.broadcast %get3A_22 : vector<1x128xf32> to vector<1000x128xf32>
    %add3A_24 = arith.addf %dot_general3A_19, %add3A_23 : vector<1000x128xf32>
    %max3A_25 = arith.constant 0.000000e+00 : f32
    %max3A_26 = vector.broadcast %max3A_25 : f32 to vector<1000x128xf32>
    %max3A_27 = arith.maximumf %add3A_24, %max3A_26 : vector<1000x128xf32>
    %get3A_28 = arith.constant 0 : index
    %get3A_29 = arith.constant 0 : index
    %get3A_30 = vector.load %arg6[%get3A_28, %get3A_29] : memref<128x128xf32, #tpu.memory_space<vmem>>, vector<128x128xf32>
    %convert_element_type3A_31 = arith.truncf %max3A_27 : vector<1000x128xf32> to vector<1000x128xbf16>
    %convert_element_type3A_32 = arith.truncf %get3A_30 : vector<128x128xf32> to vector<128x128xbf16>
    %dot_general3A_33 = arith.constant dense<0.000000e+00> : vector<1000x128xf32>
    %dot_general3A_34 = tpu.matmul %convert_element_type3A_31, %convert_element_type3A_32, %dot_general3A_33 {dimension_numbers = #tpu.dot_dimension_numbers<[1], [0], [0], [1], [0, 0, 1, 1], [], []>, transpose_lhs_hint = false} : vector<1000x128xbf16>, vector<128x128xbf16>, vector<1000x128xf32> -> vector<1000x128xf32>
    %get3A_35 = arith.constant 0 : index
    %get3A_36 = arith.constant 0 : index
    %get3A_37 = vector.load %arg7[%get3A_35, %get3A_36] : memref<1x128xf32, #tpu.memory_space<vmem>>, vector<1x128xf32>
    %add3A_38 = vector.broadcast %get3A_37 : vector<1x128xf32> to vector<1000x128xf32>
    %add3A_39 = arith.addf %dot_general3A_34, %add3A_38 : vector<1000x128xf32>
    %reduce_sum3A = arith.constant dense<0.000000e+00> : vector<1000xf32>
    %reduce_sum3A_40 = vector.multi_reduction <add>, %add3A_39, %reduce_sum3A [1] : vector<1000x128xf32> to vector<1000xf32>
    %broadcast_in_dim3A = vector.shape_cast %reduce_sum3A_40 : vector<1000xf32> to vector<1000x1xf32>
    %mul3A = arith.constant 7.812500e-03 : f32
    %mul3A_41 = vector.broadcast %mul3A : f32 to vector<1000x1xf32>
    %mul3A_42 = arith.mulf %broadcast_in_dim3A, %mul3A_41 : vector<1000x1xf32>
    %sub3A = vector.broadcast %mul3A_42 : vector<1000x1xf32> to vector<1000x128xf32>
    %sub3A_43 = arith.subf %add3A_39, %sub3A : vector<1000x128xf32>
    %mul3A_44 = arith.mulf %sub3A_43, %sub3A_43 : vector<1000x128xf32>
    %reduce_sum3A_45 = arith.constant dense<0.000000e+00> : vector<1000xf32>
    %reduce_sum3A_46 = vector.multi_reduction <add>, %mul3A_44, %reduce_sum3A_45 [1] : vector<1000x128xf32> to vector<1000xf32>
    %broadcast_in_dim3A_47 = vector.shape_cast %reduce_sum3A_46 : vector<1000xf32> to vector<1000x1xf32>
    %mul3A_48 = arith.constant 7.812500e-03 : f32
    %mul3A_49 = vector.broadcast %mul3A_48 : f32 to vector<1000x1xf32>
    %mul3A_50 = arith.mulf %broadcast_in_dim3A_47, %mul3A_49 : vector<1000x1xf32>
    %add3A_51 = arith.constant 9.99999974E-6 : f32
    %add3A_52 = vector.broadcast %add3A_51 : f32 to vector<1000x1xf32>
    %add3A_53 = arith.addf %mul3A_50, %add3A_52 : vector<1000x1xf32>
    %sqrt3A = math.sqrt %add3A_53 : vector<1000x1xf32>
    %div3A = vector.broadcast %sqrt3A : vector<1000x1xf32> to vector<1000x128xf32>
    %div3A_54 = arith.divf %sub3A_43, %div3A : vector<1000x128xf32>
    %get3A_55 = arith.constant 0 : index
    %get3A_56 = arith.constant 0 : index
    %get3A_57 = vector.load %arg8[%get3A_55, %get3A_56] : memref<1x128xf32, #tpu.memory_space<vmem>>, vector<1x128xf32>
    %mul3A_58 = vector.broadcast %get3A_57 : vector<1x128xf32> to vector<1000x128xf32>
    %mul3A_59 = arith.mulf %div3A_54, %mul3A_58 : vector<1000x128xf32>
    %get3A_60 = arith.constant 0 : index
    %get3A_61 = arith.constant 0 : index
    %get3A_62 = vector.load %arg9[%get3A_60, %get3A_61] : memref<1x128xf32, #tpu.memory_space<vmem>>, vector<1x128xf32>
    %add3A_63 = vector.broadcast %get3A_62 : vector<1x128xf32> to vector<1000x128xf32>
    %add3A_64 = arith.addf %mul3A_59, %add3A_63 : vector<1000x128xf32>
    %swap3A = arith.constant 0 : index
    %swap3A_65 = arith.constant 0 : index
    %swap3A_66 = vector.load %arg10[%swap3A, %swap3A_65] : memref<1000x128xf32, #tpu.memory_space<vmem>>, vector<1000x128xf32>
    tpu.vector_store %arg10[%swap3A, %swap3A_65], %add3A_64 {strides = array<i32>} : memref<1000x128xf32, #tpu.memory_space<vmem>>, vector<1000x128xf32>,
    return
  }
  func.func @transform_0(%arg0: i32) -> (i32, i32) {
    %add3A = arith.constant 0 : i32
    %add3A_0 = arith.addi %arg0, %add3A : i32
    %c0_i32 = arith.constant 0 : i32
    %c0_i32_1 = arith.constant 0 : i32
    return %add3A_0, %c0_i32 : i32, i32
  }
  func.func @transform_1(%arg0: i32) -> (i32, i32) {
    %c0_i32 = arith.constant 0 : i32
    %c0_i32_0 = arith.constant 0 : i32
    %c0_i32_1 = arith.constant 0 : i32
    return %c0_i32, %c0_i32_0 : i32, i32
  }
  func.func @transform_2(%arg0: i32) -> (i32, i32) {
    %c0_i32 = arith.constant 0 : i32
    %c0_i32_0 = arith.constant 0 : i32
    %c0_i32_1 = arith.constant 0 : i32
    return %c0_i32, %c0_i32_0 : i32, i32
  }
  func.func @transform_3(%arg0: i32) -> (i32, i32) {
    %c0_i32 = arith.constant 0 : i32
    %c0_i32_0 = arith.constant 0 : i32
    %c0_i32_1 = arith.constant 0 : i32
    return %c0_i32, %c0_i32_0 : i32, i32
  }
  func.func @transform_4(%arg0: i32) -> (i32, i32) {
    %c0_i32 = arith.constant 0 : i32
    %c0_i32_0 = arith.constant 0 : i32
    %c0_i32_1 = arith.constant 0 : i32
    return %c0_i32, %c0_i32_0 : i32, i32
  }
  func.func @transform_5(%arg0: i32) -> (i32, i32) {
    %c0_i32 = arith.constant 0 : i32
    %c0_i32_0 = arith.constant 0 : i32
    %c0_i32_1 = arith.constant 0 : i32
    return %c0_i32, %c0_i32_0 : i32, i32
  }
  func.func @transform_6(%arg0: i32) -> (i32, i32) {
    %c0_i32 = arith.constant 0 : i32
    %c0_i32_0 = arith.constant 0 : i32
    %c0_i32_1 = arith.constant 0 : i32
    return %c0_i32, %c0_i32_0 : i32, i32
  }
  func.func @transform_7(%arg0: i32) -> (i32, i32) {
    %c0_i32 = arith.constant 0 : i32
    %c0_i32_0 = arith.constant 0 : i32
    %c0_i32_1 = arith.constant 0 : i32
    return %c0_i32, %c0_i32_0 : i32, i32
  }
  func.func @transform_8(%arg0: i32) -> (i32, i32) {
    %c0_i32 = arith.constant 0 : i32
    %c0_i32_0 = arith.constant 0 : i32
    %c0_i32_1 = arith.constant 0 : i32
    return %c0_i32, %c0_i32_0 : i32, i32
  }
  func.func @transform_9(%arg0: i32) -> (i32, i32) {
    %c0_i32 = arith.constant 0 : i32
    %c0_i32_0 = arith.constant 0 : i32
    return %arg0, %c0_i32 : i32, i32
  }
}

module attributes {stable_mosaic.version = 14 : i64} {
  func.func @body(%arg0: i32, %arg1: memref<2x2000x128xf32, #tpu.memory_space<vmem>>, %arg2: memref<2000x128xf32, #tpu.memory_space<vmem>>, %arg3: memref<384x128xf32, #tpu.memory_space<vmem>>, %arg4: memref<1x128xf32, #tpu.memory_space<vmem>>, %arg5: memref<128x128xf32, #tpu.memory_space<vmem>>, %arg6: memref<1x128xf32, #tpu.memory_space<vmem>>, %arg7: memref<128x128xf32, #tpu.memory_space<vmem>>, %arg8: memref<1x128xf32, #tpu.memory_space<vmem>>, %arg9: memref<1x128xf32, #tpu.memory_space<vmem>>, %arg10: memref<1x128xf32, #tpu.memory_space<vmem>>, %arg11: memref<2000x128xf32, #tpu.memory_space<vmem>>, %arg12: memref<2000x128xf32, #tpu.memory_space<vmem>>) attributes {dimension_semantics = [#tpu.dimension_semantics<arbitrary>], iteration_bounds = array<i64: 80>, scalar_prefetch = 0 : i64, scratch_operands = 0 : i64, tpu.core_type = #tpu.core_type<tc>, window_params = [{transform_indices = @transform_0, window_bounds = array<i64: 2, 2000, 128>}, {transform_indices = @transform_1, window_bounds = array<i64: 2000, 128>}, {pipeline_mode = #tpu.pipeline_mode<synchronous>, transform_indices = @transform_2, window_bounds = array<i64: 384, 128>}, {pipeline_mode = #tpu.pipeline_mode<synchronous>, transform_indices = @transform_3, window_bounds = array<i64: 1, 128>}, {pipeline_mode = #tpu.pipeline_mode<synchronous>, transform_indices = @transform_4, window_bounds = array<i64: 128, 128>}, {pipeline_mode = #tpu.pipeline_mode<synchronous>, transform_indices = @transform_5, window_bounds = array<i64: 1, 128>}, {pipeline_mode = #tpu.pipeline_mode<synchronous>, transform_indices = @transform_6, window_bounds = array<i64: 128, 128>}, {pipeline_mode = #tpu.pipeline_mode<synchronous>, transform_indices = @transform_7, window_bounds = array<i64: 1, 128>}, {pipeline_mode = #tpu.pipeline_mode<synchronous>, transform_indices = @transform_8, window_bounds = array<i64: 1, 128>}, {pipeline_mode = #tpu.pipeline_mode<synchronous>, transform_indices = @transform_9, window_bounds = array<i64: 1, 128>}, {transform_indices = @transform_10, window_bounds = array<i64: 2000, 128>}, {transform_indices = @transform_11, window_bounds = array<i64: 2000, 128>}]} {
    %get3A = arith.constant 0 : index
    %get3A_0 = arith.constant 0 : index
    %get3A_1 = arith.constant 0 : index
    %get3A_2 = vector.load %arg1[%get3A, %get3A_0, %get3A_1] : memref<2x2000x128xf32, #tpu.memory_space<vmem>>, vector<1x2000x128xf32>
    %get3A_3 = vector.shape_cast %get3A_2 : vector<1x2000x128xf32> to vector<2000x128xf32>
    %get3A_4 = arith.constant 1 : index
    %get3A_5 = arith.constant 0 : index
    %get3A_6 = arith.constant 0 : index
    %get3A_7 = vector.load %arg1[%get3A_4, %get3A_5, %get3A_6] : memref<2x2000x128xf32, #tpu.memory_space<vmem>>, vector<1x2000x128xf32>
    %get3A_8 = vector.shape_cast %get3A_7 : vector<1x2000x128xf32> to vector<2000x128xf32>
    %get3A_9 = arith.constant 0 : index
    %get3A_10 = arith.constant 0 : index
    %get3A_11 = vector.load %arg2[%get3A_9, %get3A_10] : memref<2000x128xf32, #tpu.memory_space<vmem>>, vector<2000x128xf32>
    %concatenate3A = tpu.concatenate %get3A_3, %get3A_8, %get3A_11 in 1 : vector<2000x128xf32>, vector<2000x128xf32>, vector<2000x128xf32> -> vector<2000x384xf32>
    %get3A_12 = arith.constant 0 : index
    %get3A_13 = arith.constant 0 : index
    %get3A_14 = vector.load %arg3[%get3A_12, %get3A_13] : memref<384x128xf32, #tpu.memory_space<vmem>>, vector<384x128xf32>
    %convert_element_type3A = arith.truncf %concatenate3A : vector<2000x384xf32> to vector<2000x384xbf16>
    %convert_element_type3A_15 = arith.truncf %get3A_14 : vector<384x128xf32> to vector<384x128xbf16>
    %dot_general3A = arith.constant dense<0.000000e+00> : vector<2000x128xf32>
    %dot_general3A_16 = tpu.matmul %convert_element_type3A, %convert_element_type3A_15, %dot_general3A {dimension_numbers = #tpu.dot_dimension_numbers<[1], [0], [0], [1], [0, 0, 1, 1], [], []>, transpose_lhs_hint = false} : vector<2000x384xbf16>, vector<384x128xbf16>, vector<2000x128xf32> -> vector<2000x128xf32>
    %get3A_17 = arith.constant 0 : index
    %get3A_18 = arith.constant 0 : index
    %get3A_19 = vector.load %arg4[%get3A_17, %get3A_18] : memref<1x128xf32, #tpu.memory_space<vmem>>, vector<1x128xf32>
    %add3A = vector.broadcast %get3A_19 : vector<1x128xf32> to vector<2000x128xf32>
    %add3A_20 = arith.addf %dot_general3A_16, %add3A : vector<2000x128xf32>
    %max3A = arith.constant 0.000000e+00 : f32
    %max3A_21 = vector.broadcast %max3A : f32 to vector<2000x128xf32>
    %max3A_22 = arith.maximumf %add3A_20, %max3A_21 : vector<2000x128xf32>
    %get3A_23 = arith.constant 0 : index
    %get3A_24 = arith.constant 0 : index
    %get3A_25 = vector.load %arg5[%get3A_23, %get3A_24] : memref<128x128xf32, #tpu.memory_space<vmem>>, vector<128x128xf32>
    %convert_element_type3A_26 = arith.truncf %max3A_22 : vector<2000x128xf32> to vector<2000x128xbf16>
    %convert_element_type3A_27 = arith.truncf %get3A_25 : vector<128x128xf32> to vector<128x128xbf16>
    %dot_general3A_28 = arith.constant dense<0.000000e+00> : vector<2000x128xf32>
    %dot_general3A_29 = tpu.matmul %convert_element_type3A_26, %convert_element_type3A_27, %dot_general3A_28 {dimension_numbers = #tpu.dot_dimension_numbers<[1], [0], [0], [1], [0, 0, 1, 1], [], []>, transpose_lhs_hint = false} : vector<2000x128xbf16>, vector<128x128xbf16>, vector<2000x128xf32> -> vector<2000x128xf32>
    %get3A_30 = arith.constant 0 : index
    %get3A_31 = arith.constant 0 : index
    %get3A_32 = vector.load %arg6[%get3A_30, %get3A_31] : memref<1x128xf32, #tpu.memory_space<vmem>>, vector<1x128xf32>
    %add3A_33 = vector.broadcast %get3A_32 : vector<1x128xf32> to vector<2000x128xf32>
    %add3A_34 = arith.addf %dot_general3A_29, %add3A_33 : vector<2000x128xf32>
    %max3A_35 = arith.constant 0.000000e+00 : f32
    %max3A_36 = vector.broadcast %max3A_35 : f32 to vector<2000x128xf32>
    %max3A_37 = arith.maximumf %add3A_34, %max3A_36 : vector<2000x128xf32>
    %get3A_38 = arith.constant 0 : index
    %get3A_39 = arith.constant 0 : index
    %get3A_40 = vector.load %arg7[%get3A_38, %get3A_39] : memref<128x128xf32, #tpu.memory_space<vmem>>, vector<128x128xf32>
    %convert_element_type3A_41 = arith.truncf %max3A_37 : vector<2000x128xf32> to vector<2000x128xbf16>
    %convert_element_type3A_42 = arith.truncf %get3A_40 : vector<128x128xf32> to vector<128x128xbf16>
    %dot_general3A_43 = arith.constant dense<0.000000e+00> : vector<2000x128xf32>
    %dot_general3A_44 = tpu.matmul %convert_element_type3A_41, %convert_element_type3A_42, %dot_general3A_43 {dimension_numbers = #tpu.dot_dimension_numbers<[1], [0], [0], [1], [0, 0, 1, 1], [], []>, transpose_lhs_hint = false} : vector<2000x128xbf16>, vector<128x128xbf16>, vector<2000x128xf32> -> vector<2000x128xf32>
    %get3A_45 = arith.constant 0 : index
    %get3A_46 = arith.constant 0 : index
    %get3A_47 = vector.load %arg8[%get3A_45, %get3A_46] : memref<1x128xf32, #tpu.memory_space<vmem>>, vector<1x128xf32>
    %add3A_48 = vector.broadcast %get3A_47 : vector<1x128xf32> to vector<2000x128xf32>
    %add3A_49 = arith.addf %dot_general3A_44, %add3A_48 : vector<2000x128xf32>
    %reduce_sum3A = arith.constant dense<0.000000e+00> : vector<2000xf32>
    %reduce_sum3A_50 = vector.multi_reduction <add>, %add3A_49, %reduce_sum3A [1] : vector<2000x128xf32> to vector<2000xf32>
    %broadcast_in_dim3A = vector.shape_cast %reduce_sum3A_50 : vector<2000xf32> to vector<2000x1xf32>
    %mul3A = arith.constant 7.812500e-03 : f32
    %mul3A_51 = vector.broadcast %mul3A : f32 to vector<2000x1xf32>
    %mul3A_52 = arith.mulf %broadcast_in_dim3A, %mul3A_51 : vector<2000x1xf32>
    %sub3A = vector.broadcast %mul3A_52 : vector<2000x1xf32> to vector<2000x128xf32>
    %sub3A_53 = arith.subf %add3A_49, %sub3A : vector<2000x128xf32>
    %mul3A_54 = arith.mulf %sub3A_53, %sub3A_53 : vector<2000x128xf32>
    %reduce_sum3A_55 = arith.constant dense<0.000000e+00> : vector<2000xf32>
    %reduce_sum3A_56 = vector.multi_reduction <add>, %mul3A_54, %reduce_sum3A_55 [1] : vector<2000x128xf32> to vector<2000xf32>
    %broadcast_in_dim3A_57 = vector.shape_cast %reduce_sum3A_56 : vector<2000xf32> to vector<2000x1xf32>
    %mul3A_58 = arith.constant 7.812500e-03 : f32
    %mul3A_59 = vector.broadcast %mul3A_58 : f32 to vector<2000x1xf32>
    %mul3A_60 = arith.mulf %broadcast_in_dim3A_57, %mul3A_59 : vector<2000x1xf32>
    %add3A_61 = arith.constant 9.99999974E-6 : f32
    %add3A_62 = vector.broadcast %add3A_61 : f32 to vector<2000x1xf32>
    %add3A_63 = arith.addf %mul3A_60, %add3A_62 : vector<2000x1xf32>
    %sqrt3A = math.sqrt %add3A_63 : vector<2000x1xf32>
    %div3A = vector.broadcast %sqrt3A : vector<2000x1xf32> to vector<2000x128xf32>
    %div3A_64 = arith.divf %sub3A_53, %div3A : vector<2000x128xf32>
    %get3A_65 = arith.constant 0 : index
    %get3A_66 = arith.constant 0 : index
    %get3A_67 = vector.load %arg9[%get3A_65, %get3A_66] : memref<1x128xf32, #tpu.memory_space<vmem>>, vector<1x128xf32>
    %mul3A_68 = vector.broadcast %get3A_67 : vector<1x128xf32> to vector<2000x128xf32>
    %mul3A_69 = arith.mulf %div3A_64, %mul3A_68 : vector<2000x128xf32>
    %get3A_70 = arith.constant 0 : index
    %get3A_71 = arith.constant 0 : index
    %get3A_72 = vector.load %arg10[%get3A_70, %get3A_71] : memref<1x128xf32, #tpu.memory_space<vmem>>, vector<1x128xf32>
    %add3A_73 = vector.broadcast %get3A_72 : vector<1x128xf32> to vector<2000x128xf32>
    %add3A_74 = arith.addf %mul3A_69, %add3A_73 : vector<2000x128xf32>
    %swap3A = arith.constant 0 : index
    %swap3A_75 = arith.constant 0 : index
    %swap3A_76 = vector.load %arg11[%swap3A, %swap3A_75] : memref<2000x128xf32, #tpu.memory_space<vmem>>, vector<2000x128xf32>
    tpu.vector_store %arg11[%swap3A, %swap3A_75], %add3A_74 {strides = array<i32>} : memref<2000x128xf32, #tpu.memory_space<vmem>>, vector<2000x128xf32>,
    %get3A_77 = arith.constant 0 : index
    %get3A_78 = arith.constant 0 : index
    %get3A_79 = vector.load %arg2[%get3A_77, %get3A_78] : memref<2000x128xf32, #tpu.memory_space<vmem>>, vector<2000x128xf32>
    %add3A_80 = arith.addf %get3A_79, %add3A_74 : vector<2000x128xf32>
    %swap3A_81 = arith.constant 0 : index
    %swap3A_82 = arith.constant 0 : index
    %swap3A_83 = vector.load %arg12[%swap3A_81, %swap3A_82] : memref<2000x128xf32, #tpu.memory_space<vmem>>, vector<2000x128xf32>
    tpu.vector_store %arg12[%swap3A_81, %swap3A_82], %add3A_80 {strides = array<i32>} : memref<2000x128xf32, #tpu.memory_space<vmem>>, vector<2000x128xf32>,
    return
  }
  func.func @transform_0(%arg0: i32) -> (i32, i32, i32) {
    %c0_i32 = arith.constant 0 : i32
    %c0_i32_0 = arith.constant 0 : i32
    %c0_i32_1 = arith.constant 0 : i32
    return %c0_i32, %arg0, %c0_i32_0 : i32, i32, i32
  }
  func.func @transform_1(%arg0: i32) -> (i32, i32) {
    %c0_i32 = arith.constant 0 : i32
    %c0_i32_0 = arith.constant 0 : i32
    return %arg0, %c0_i32 : i32, i32
  }
  func.func @transform_2(%arg0: i32) -> (i32, i32) {
    %c0_i32 = arith.constant 0 : i32
    %c0_i32_0 = arith.constant 0 : i32
    %c0_i32_1 = arith.constant 0 : i32
    return %c0_i32, %c0_i32_0 : i32, i32
  }
  func.func @transform_3(%arg0: i32) -> (i32, i32) {
    %c0_i32 = arith.constant 0 : i32
    %c0_i32_0 = arith.constant 0 : i32
    %c0_i32_1 = arith.constant 0 : i32
    return %c0_i32, %c0_i32_0 : i32, i32
  }
  func.func @transform_4(%arg0: i32) -> (i32, i32) {
    %c0_i32 = arith.constant 0 : i32
    %c0_i32_0 = arith.constant 0 : i32
    %c0_i32_1 = arith.constant 0 : i32
    return %c0_i32, %c0_i32_0 : i32, i32
  }
  func.func @transform_5(%arg0: i32) -> (i32, i32) {
    %c0_i32 = arith.constant 0 : i32
    %c0_i32_0 = arith.constant 0 : i32
    %c0_i32_1 = arith.constant 0 : i32
    return %c0_i32, %c0_i32_0 : i32, i32
  }
  func.func @transform_6(%arg0: i32) -> (i32, i32) {
    %c0_i32 = arith.constant 0 : i32
    %c0_i32_0 = arith.constant 0 : i32
    %c0_i32_1 = arith.constant 0 : i32
    return %c0_i32, %c0_i32_0 : i32, i32
  }
  func.func @transform_7(%arg0: i32) -> (i32, i32) {
    %c0_i32 = arith.constant 0 : i32
    %c0_i32_0 = arith.constant 0 : i32
    %c0_i32_1 = arith.constant 0 : i32
    return %c0_i32, %c0_i32_0 : i32, i32
  }
  func.func @transform_8(%arg0: i32) -> (i32, i32) {
    %c0_i32 = arith.constant 0 : i32
    %c0_i32_0 = arith.constant 0 : i32
    %c0_i32_1 = arith.constant 0 : i32
    return %c0_i32, %c0_i32_0 : i32, i32
  }
  func.func @transform_9(%arg0: i32) -> (i32, i32) {
    %c0_i32 = arith.constant 0 : i32
    %c0_i32_0 = arith.constant 0 : i32
    %c0_i32_1 = arith.constant 0 : i32
    return %c0_i32, %c0_i32_0 : i32, i32
  }
  func.func @transform_10(%arg0: i32) -> (i32, i32) {
    %c0_i32 = arith.constant 0 : i32
    %c0_i32_0 = arith.constant 0 : i32
    return %arg0, %c0_i32 : i32, i32
  }
  func.func @transform_11(%arg0: i32) -> (i32, i32) {
    %c0_i32 = arith.constant 0 : i32
    %c0_i32_0 = arith.constant 0 : i32
    return %arg0, %c0_i32 : i32, i32
  }
}

module attributes {stable_mosaic.version = 14 : i64} {
  func.func @body(%arg0: i32, %arg1: memref<1000x16xf32, #tpu.memory_space<vmem>>, %arg2: memref<16x128xf32, #tpu.memory_space<vmem>>, %arg3: memref<1x128xf32, #tpu.memory_space<vmem>>, %arg4: memref<128x128xf32, #tpu.memory_space<vmem>>, %arg5: memref<1x128xf32, #tpu.memory_space<vmem>>, %arg6: memref<128x128xf32, #tpu.memory_space<vmem>>, %arg7: memref<1x128xf32, #tpu.memory_space<vmem>>, %arg8: memref<1x128xf32, #tpu.memory_space<vmem>>, %arg9: memref<1x128xf32, #tpu.memory_space<vmem>>, %arg10: memref<1000x128xf32, #tpu.memory_space<vmem>>) attributes {dimension_semantics = [#tpu.dimension_semantics<arbitrary>], iteration_bounds = array<i64: 160>, scalar_prefetch = 0 : i64, scratch_operands = 0 : i64, tpu.core_type = #tpu.core_type<tc>, window_params = [{transform_indices = @transform_0, window_bounds = array<i64: 1000, 16>}, {pipeline_mode = #tpu.pipeline_mode<synchronous>, transform_indices = @transform_1, window_bounds = array<i64: 16, 128>}, {pipeline_mode = #tpu.pipeline_mode<synchronous>, transform_indices = @transform_2, window_bounds = array<i64: 1, 128>}, {pipeline_mode = #tpu.pipeline_mode<synchronous>, transform_indices = @transform_3, window_bounds = array<i64: 128, 128>}, {pipeline_mode = #tpu.pipeline_mode<synchronous>, transform_indices = @transform_4, window_bounds = array<i64: 1, 128>}, {pipeline_mode = #tpu.pipeline_mode<synchronous>, transform_indices = @transform_5, window_bounds = array<i64: 128, 128>}, {pipeline_mode = #tpu.pipeline_mode<synchronous>, transform_indices = @transform_6, window_bounds = array<i64: 1, 128>}, {pipeline_mode = #tpu.pipeline_mode<synchronous>, transform_indices = @transform_7, window_bounds = array<i64: 1, 128>}, {pipeline_mode = #tpu.pipeline_mode<synchronous>, transform_indices = @transform_8, window_bounds = array<i64: 1, 128>}, {transform_indices = @transform_9, window_bounds = array<i64: 1000, 128>}]} {
    %get3A = arith.constant 0 : index
    %get3A_0 = arith.constant 0 : index
    %get3A_1 = vector.load %arg1[%get3A, %get3A_0] : memref<1000x16xf32, #tpu.memory_space<vmem>>, vector<1000x16xf32>
    %get3A_2 = arith.constant 0 : index
    %get3A_3 = arith.constant 0 : index
    %get3A_4 = vector.load %arg2[%get3A_2, %get3A_3] : memref<16x128xf32, #tpu.memory_space<vmem>>, vector<16x128xf32>
    %convert_element_type3A = arith.truncf %get3A_1 : vector<1000x16xf32> to vector<1000x16xbf16>
    %convert_element_type3A_5 = arith.truncf %get3A_4 : vector<16x128xf32> to vector<16x128xbf16>
    %dot_general3A = arith.constant dense<0.000000e+00> : vector<1000x128xf32>
    %dot_general3A_6 = tpu.matmul %convert_element_type3A, %convert_element_type3A_5, %dot_general3A {dimension_numbers = #tpu.dot_dimension_numbers<[1], [0], [0], [1], [0, 0, 1, 1], [], []>, transpose_lhs_hint = false} : vector<1000x16xbf16>, vector<16x128xbf16>, vector<1000x128xf32> -> vector<1000x128xf32>
    %get3A_7 = arith.constant 0 : index
    %get3A_8 = arith.constant 0 : index
    %get3A_9 = vector.load %arg3[%get3A_7, %get3A_8] : memref<1x128xf32, #tpu.memory_space<vmem>>, vector<1x128xf32>
    %add3A = vector.broadcast %get3A_9 : vector<1x128xf32> to vector<1000x128xf32>
    %add3A_10 = arith.addf %dot_general3A_6, %add3A : vector<1000x128xf32>
    %max3A = arith.constant 0.000000e+00 : f32
    %max3A_11 = vector.broadcast %max3A : f32 to vector<1000x128xf32>
    %max3A_12 = arith.maximumf %add3A_10, %max3A_11 : vector<1000x128xf32>
    %get3A_13 = arith.constant 0 : index
    %get3A_14 = arith.constant 0 : index
    %get3A_15 = vector.load %arg4[%get3A_13, %get3A_14] : memref<128x128xf32, #tpu.memory_space<vmem>>, vector<128x128xf32>
    %convert_element_type3A_16 = arith.truncf %max3A_12 : vector<1000x128xf32> to vector<1000x128xbf16>
    %convert_element_type3A_17 = arith.truncf %get3A_15 : vector<128x128xf32> to vector<128x128xbf16>
    %dot_general3A_18 = arith.constant dense<0.000000e+00> : vector<1000x128xf32>
    %dot_general3A_19 = tpu.matmul %convert_element_type3A_16, %convert_element_type3A_17, %dot_general3A_18 {dimension_numbers = #tpu.dot_dimension_numbers<[1], [0], [0], [1], [0, 0, 1, 1], [], []>, transpose_lhs_hint = false} : vector<1000x128xbf16>, vector<128x128xbf16>, vector<1000x128xf32> -> vector<1000x128xf32>
    %get3A_20 = arith.constant 0 : index
    %get3A_21 = arith.constant 0 : index
    %get3A_22 = vector.load %arg5[%get3A_20, %get3A_21] : memref<1x128xf32, #tpu.memory_space<vmem>>, vector<1x128xf32>
    %add3A_23 = vector.broadcast %get3A_22 : vector<1x128xf32> to vector<1000x128xf32>
    %add3A_24 = arith.addf %dot_general3A_19, %add3A_23 : vector<1000x128xf32>
    %max3A_25 = arith.constant 0.000000e+00 : f32
    %max3A_26 = vector.broadcast %max3A_25 : f32 to vector<1000x128xf32>
    %max3A_27 = arith.maximumf %add3A_24, %max3A_26 : vector<1000x128xf32>
    %get3A_28 = arith.constant 0 : index
    %get3A_29 = arith.constant 0 : index
    %get3A_30 = vector.load %arg6[%get3A_28, %get3A_29] : memref<128x128xf32, #tpu.memory_space<vmem>>, vector<128x128xf32>
    %convert_element_type3A_31 = arith.truncf %max3A_27 : vector<1000x128xf32> to vector<1000x128xbf16>
    %convert_element_type3A_32 = arith.truncf %get3A_30 : vector<128x128xf32> to vector<128x128xbf16>
    %dot_general3A_33 = arith.constant dense<0.000000e+00> : vector<1000x128xf32>
    %dot_general3A_34 = tpu.matmul %convert_element_type3A_31, %convert_element_type3A_32, %dot_general3A_33 {dimension_numbers = #tpu.dot_dimension_numbers<[1], [0], [0], [1], [0, 0, 1, 1], [], []>, transpose_lhs_hint = false} : vector<1000x128xbf16>, vector<128x128xbf16>, vector<1000x128xf32> -> vector<1000x128xf32>
    %get3A_35 = arith.constant 0 : index
    %get3A_36 = arith.constant 0 : index
    %get3A_37 = vector.load %arg7[%get3A_35, %get3A_36] : memref<1x128xf32, #tpu.memory_space<vmem>>, vector<1x128xf32>
    %add3A_38 = vector.broadcast %get3A_37 : vector<1x128xf32> to vector<1000x128xf32>
    %add3A_39 = arith.addf %dot_general3A_34, %add3A_38 : vector<1000x128xf32>
    %reduce_sum3A = arith.constant dense<0.000000e+00> : vector<1000xf32>
    %reduce_sum3A_40 = vector.multi_reduction <add>, %add3A_39, %reduce_sum3A [1] : vector<1000x128xf32> to vector<1000xf32>
    %broadcast_in_dim3A = vector.shape_cast %reduce_sum3A_40 : vector<1000xf32> to vector<1000x1xf32>
    %mul3A = arith.constant 7.812500e-03 : f32
    %mul3A_41 = vector.broadcast %mul3A : f32 to vector<1000x1xf32>
    %mul3A_42 = arith.mulf %broadcast_in_dim3A, %mul3A_41 : vector<1000x1xf32>
    %sub3A = vector.broadcast %mul3A_42 : vector<1000x1xf32> to vector<1000x128xf32>
    %sub3A_43 = arith.subf %add3A_39, %sub3A : vector<1000x128xf32>
    %mul3A_44 = arith.mulf %sub3A_43, %sub3A_43 : vector<1000x128xf32>
    %reduce_sum3A_45 = arith.constant dense<0.000000e+00> : vector<1000xf32>
    %reduce_sum3A_46 = vector.multi_reduction <add>, %mul3A_44, %reduce_sum3A_45 [1] : vector<1000x128xf32> to vector<1000xf32>
    %broadcast_in_dim3A_47 = vector.shape_cast %reduce_sum3A_46 : vector<1000xf32> to vector<1000x1xf32>
    %mul3A_48 = arith.constant 7.812500e-03 : f32
    %mul3A_49 = vector.broadcast %mul3A_48 : f32 to vector<1000x1xf32>
    %mul3A_50 = arith.mulf %broadcast_in_dim3A_47, %mul3A_49 : vector<1000x1xf32>
    %add3A_51 = arith.constant 9.99999974E-6 : f32
    %add3A_52 = vector.broadcast %add3A_51 : f32 to vector<1000x1xf32>
    %add3A_53 = arith.addf %mul3A_50, %add3A_52 : vector<1000x1xf32>
    %sqrt3A = math.sqrt %add3A_53 : vector<1000x1xf32>
    %div3A = vector.broadcast %sqrt3A : vector<1000x1xf32> to vector<1000x128xf32>
    %div3A_54 = arith.divf %sub3A_43, %div3A : vector<1000x128xf32>
    %get3A_55 = arith.constant 0 : index
    %get3A_56 = arith.constant 0 : index
    %get3A_57 = vector.load %arg8[%get3A_55, %get3A_56] : memref<1x128xf32, #tpu.memory_space<vmem>>, vector<1x128xf32>
    %mul3A_58 = vector.broadcast %get3A_57 : vector<1x128xf32> to vector<1000x128xf32>
    %mul3A_59 = arith.mulf %div3A_54, %mul3A_58 : vector<1000x128xf32>
    %get3A_60 = arith.constant 0 : index
    %get3A_61 = arith.constant 0 : index
    %get3A_62 = vector.load %arg9[%get3A_60, %get3A_61] : memref<1x128xf32, #tpu.memory_space<vmem>>, vector<1x128xf32>
    %add3A_63 = vector.broadcast %get3A_62 : vector<1x128xf32> to vector<1000x128xf32>
    %add3A_64 = arith.addf %mul3A_59, %add3A_63 : vector<1000x128xf32>
    %swap3A = arith.constant 0 : index
    %swap3A_65 = arith.constant 0 : index
    %swap3A_66 = vector.load %arg10[%swap3A, %swap3A_65] : memref<1000x128xf32, #tpu.memory_space<vmem>>, vector<1000x128xf32>
    tpu.vector_store %arg10[%swap3A, %swap3A_65], %add3A_64 {strides = array<i32>} : memref<1000x128xf32, #tpu.memory_space<vmem>>, vector<1000x128xf32>,
    return
  }
  func.func @transform_0(%arg0: i32) -> (i32, i32) {
    %add3A = arith.constant 0 : i32
    %add3A_0 = arith.addi %arg0, %add3A : i32
    %c0_i32 = arith.constant 0 : i32
    %c0_i32_1 = arith.constant 0 : i32
    return %add3A_0, %c0_i32 : i32, i32
  }
  func.func @transform_1(%arg0: i32) -> (i32, i32) {
    %c0_i32 = arith.constant 0 : i32
    %c0_i32_0 = arith.constant 0 : i32
    %c0_i32_1 = arith.constant 0 : i32
    return %c0_i32, %c0_i32_0 : i32, i32
  }
  func.func @transform_2(%arg0: i32) -> (i32, i32) {
    %c0_i32 = arith.constant 0 : i32
    %c0_i32_0 = arith.constant 0 : i32
    %c0_i32_1 = arith.constant 0 : i32
    return %c0_i32, %c0_i32_0 : i32, i32
  }
  func.func @transform_3(%arg0: i32) -> (i32, i32) {
    %c0_i32 = arith.constant 0 : i32
    %c0_i32_0 = arith.constant 0 : i32
    %c0_i32_1 = arith.constant 0 : i32
    return %c0_i32, %c0_i32_0 : i32, i32
  }
  func.func @transform_4(%arg0: i32) -> (i32, i32) {
    %c0_i32 = arith.constant 0 : i32
    %c0_i32_0 = arith.constant 0 : i32
    %c0_i32_1 = arith.constant 0 : i32
    return %c0_i32, %c0_i32_0 : i32, i32
  }
  func.func @transform_5(%arg0: i32) -> (i32, i32) {
    %c0_i32 = arith.constant 0 : i32
    %c0_i32_0 = arith.constant 0 : i32
    %c0_i32_1 = arith.constant 0 : i32
    return %c0_i32, %c0_i32_0 : i32, i32
  }
  func.func @transform_6(%arg0: i32) -> (i32, i32) {
    %c0_i32 = arith.constant 0 : i32
    %c0_i32_0 = arith.constant 0 : i32
    %c0_i32_1 = arith.constant 0 : i32
    return %c0_i32, %c0_i32_0 : i32, i32
  }
  func.func @transform_7(%arg0: i32) -> (i32, i32) {
    %c0_i32 = arith.constant 0 : i32
    %c0_i32_0 = arith.constant 0 : i32
    %c0_i32_1 = arith.constant 0 : i32
    return %c0_i32, %c0_i32_0 : i32, i32
  }
  func.func @transform_8(%arg0: i32) -> (i32, i32) {
    %c0_i32 = arith.constant 0 : i32
    %c0_i32_0 = arith.constant 0 : i32
    %c0_i32_1 = arith.constant 0 : i32
    return %c0_i32, %c0_i32_0 : i32, i32
  }
  func.func @transform_9(%arg0: i32) -> (i32, i32) {
    %c0_i32 = arith.constant 0 : i32
    %c0_i32_0 = arith.constant 0 : i32
    return %arg0, %c0_i32 : i32, i32
  }
}

module attributes {stable_mosaic.version = 14 : i64} {
  func.func @body(%arg0: i32, %arg1: memref<1000x128xf32, #tpu.memory_space<vmem>>, %arg2: memref<1000x128xf32, #tpu.memory_space<vmem>>, %arg3: memref<1000x128xf32, #tpu.memory_space<vmem>>, %arg4: memref<256x128xf32, #tpu.memory_space<vmem>>, %arg5: memref<1x128xf32, #tpu.memory_space<vmem>>, %arg6: memref<128x128xf32, #tpu.memory_space<vmem>>, %arg7: memref<1x128xf32, #tpu.memory_space<vmem>>, %arg8: memref<128x128xf32, #tpu.memory_space<vmem>>, %arg9: memref<1x128xf32, #tpu.memory_space<vmem>>, %arg10: memref<1x128xf32, #tpu.memory_space<vmem>>, %arg11: memref<1x128xf32, #tpu.memory_space<vmem>>, %arg12: memref<1000x128xf32, #tpu.memory_space<vmem>>) attributes {dimension_semantics = [#tpu.dimension_semantics<arbitrary>], iteration_bounds = array<i64: 10>, scalar_prefetch = 0 : i64, scratch_operands = 0 : i64, tpu.core_type = #tpu.core_type<tc>, window_params = [{transform_indices = @transform_0, window_bounds = array<i64: 1000, 128>}, {transform_indices = @transform_1, window_bounds = array<i64: 1000, 128>}, {transform_indices = @transform_2, window_bounds = array<i64: 1000, 128>}, {pipeline_mode = #tpu.pipeline_mode<synchronous>, transform_indices = @transform_3, window_bounds = array<i64: 256, 128>}, {pipeline_mode = #tpu.pipeline_mode<synchronous>, transform_indices = @transform_4, window_bounds = array<i64: 1, 128>}, {pipeline_mode = #tpu.pipeline_mode<synchronous>, transform_indices = @transform_5, window_bounds = array<i64: 128, 128>}, {pipeline_mode = #tpu.pipeline_mode<synchronous>, transform_indices = @transform_6, window_bounds = array<i64: 1, 128>}, {pipeline_mode = #tpu.pipeline_mode<synchronous>, transform_indices = @transform_7, window_bounds = array<i64: 128, 128>}, {pipeline_mode = #tpu.pipeline_mode<synchronous>, transform_indices = @transform_8, window_bounds = array<i64: 1, 128>}, {pipeline_mode = #tpu.pipeline_mode<synchronous>, transform_indices = @transform_9, window_bounds = array<i64: 1, 128>}, {pipeline_mode = #tpu.pipeline_mode<synchronous>, transform_indices = @transform_10, window_bounds = array<i64: 1, 128>}, {transform_indices = @transform_11, window_bounds = array<i64: 1000, 128>}]} {
    %get3A = arith.constant 0 : index
    %get3A_0 = arith.constant 0 : index
    %get3A_1 = vector.load %arg1[%get3A, %get3A_0] : memref<1000x128xf32, #tpu.memory_space<vmem>>, vector<1000x128xf32>
    %get3A_2 = arith.constant 0 : index
    %get3A_3 = arith.constant 0 : index
    %get3A_4 = vector.load %arg2[%get3A_2, %get3A_3] : memref<1000x128xf32, #tpu.memory_space<vmem>>, vector<1000x128xf32>
    %get3A_5 = arith.constant 0 : index
    %get3A_6 = arith.constant 0 : index
    %get3A_7 = vector.load %arg3[%get3A_5, %get3A_6] : memref<1000x128xf32, #tpu.memory_space<vmem>>, vector<1000x128xf32>
    %add3A = arith.addf %get3A_4, %get3A_7 : vector<1000x128xf32>
    %concatenate3A = tpu.concatenate %get3A_1, %add3A in 1 : vector<1000x128xf32>, vector<1000x128xf32> -> vector<1000x256xf32>
    %get3A_8 = arith.constant 0 : index
    %get3A_9 = arith.constant 0 : index
    %get3A_10 = vector.load %arg4[%get3A_8, %get3A_9] : memref<256x128xf32, #tpu.memory_space<vmem>>, vector<256x128xf32>
    %convert_element_type3A = arith.truncf %concatenate3A : vector<1000x256xf32> to vector<1000x256xbf16>
    %convert_element_type3A_11 = arith.truncf %get3A_10 : vector<256x128xf32> to vector<256x128xbf16>
    %dot_general3A = arith.constant dense<0.000000e+00> : vector<1000x128xf32>
    %dot_general3A_12 = tpu.matmul %convert_element_type3A, %convert_element_type3A_11, %dot_general3A {dimension_numbers = #tpu.dot_dimension_numbers<[1], [0], [0], [1], [0, 0, 1, 1], [], []>, transpose_lhs_hint = false} : vector<1000x256xbf16>, vector<256x128xbf16>, vector<1000x128xf32> -> vector<1000x128xf32>
    %get3A_13 = arith.constant 0 : index
    %get3A_14 = arith.constant 0 : index
    %get3A_15 = vector.load %arg5[%get3A_13, %get3A_14] : memref<1x128xf32, #tpu.memory_space<vmem>>, vector<1x128xf32>
    %add3A_16 = vector.broadcast %get3A_15 : vector<1x128xf32> to vector<1000x128xf32>
    %add3A_17 = arith.addf %dot_general3A_12, %add3A_16 : vector<1000x128xf32>
    %max3A = arith.constant 0.000000e+00 : f32
    %max3A_18 = vector.broadcast %max3A : f32 to vector<1000x128xf32>
    %max3A_19 = arith.maximumf %add3A_17, %max3A_18 : vector<1000x128xf32>
    %get3A_20 = arith.constant 0 : index
    %get3A_21 = arith.constant 0 : index
    %get3A_22 = vector.load %arg6[%get3A_20, %get3A_21] : memref<128x128xf32, #tpu.memory_space<vmem>>, vector<128x128xf32>
    %convert_element_type3A_23 = arith.truncf %max3A_19 : vector<1000x128xf32> to vector<1000x128xbf16>
    %convert_element_type3A_24 = arith.truncf %get3A_22 : vector<128x128xf32> to vector<128x128xbf16>
    %dot_general3A_25 = arith.constant dense<0.000000e+00> : vector<1000x128xf32>
    %dot_general3A_26 = tpu.matmul %convert_element_type3A_23, %convert_element_type3A_24, %dot_general3A_25 {dimension_numbers = #tpu.dot_dimension_numbers<[1], [0], [0], [1], [0, 0, 1, 1], [], []>, transpose_lhs_hint = false} : vector<1000x128xbf16>, vector<128x128xbf16>, vector<1000x128xf32> -> vector<1000x128xf32>
    %get3A_27 = arith.constant 0 : index
    %get3A_28 = arith.constant 0 : index
    %get3A_29 = vector.load %arg7[%get3A_27, %get3A_28] : memref<1x128xf32, #tpu.memory_space<vmem>>, vector<1x128xf32>
    %add3A_30 = vector.broadcast %get3A_29 : vector<1x128xf32> to vector<1000x128xf32>
    %add3A_31 = arith.addf %dot_general3A_26, %add3A_30 : vector<1000x128xf32>
    %max3A_32 = arith.constant 0.000000e+00 : f32
    %max3A_33 = vector.broadcast %max3A_32 : f32 to vector<1000x128xf32>
    %max3A_34 = arith.maximumf %add3A_31, %max3A_33 : vector<1000x128xf32>
    %get3A_35 = arith.constant 0 : index
    %get3A_36 = arith.constant 0 : index
    %get3A_37 = vector.load %arg8[%get3A_35, %get3A_36] : memref<128x128xf32, #tpu.memory_space<vmem>>, vector<128x128xf32>
    %convert_element_type3A_38 = arith.truncf %max3A_34 : vector<1000x128xf32> to vector<1000x128xbf16>
    %convert_element_type3A_39 = arith.truncf %get3A_37 : vector<128x128xf32> to vector<128x128xbf16>
    %dot_general3A_40 = arith.constant dense<0.000000e+00> : vector<1000x128xf32>
    %dot_general3A_41 = tpu.matmul %convert_element_type3A_38, %convert_element_type3A_39, %dot_general3A_40 {dimension_numbers = #tpu.dot_dimension_numbers<[1], [0], [0], [1], [0, 0, 1, 1], [], []>, transpose_lhs_hint = false} : vector<1000x128xbf16>, vector<128x128xbf16>, vector<1000x128xf32> -> vector<1000x128xf32>
    %get3A_42 = arith.constant 0 : index
    %get3A_43 = arith.constant 0 : index
    %get3A_44 = vector.load %arg9[%get3A_42, %get3A_43] : memref<1x128xf32, #tpu.memory_space<vmem>>, vector<1x128xf32>
    %add3A_45 = vector.broadcast %get3A_44 : vector<1x128xf32> to vector<1000x128xf32>
    %add3A_46 = arith.addf %dot_general3A_41, %add3A_45 : vector<1000x128xf32>
    %reduce_sum3A = arith.constant dense<0.000000e+00> : vector<1000xf32>
    %reduce_sum3A_47 = vector.multi_reduction <add>, %add3A_46, %reduce_sum3A [1] : vector<1000x128xf32> to vector<1000xf32>
    %broadcast_in_dim3A = vector.shape_cast %reduce_sum3A_47 : vector<1000xf32> to vector<1000x1xf32>
    %mul3A = arith.constant 7.812500e-03 : f32
    %mul3A_48 = vector.broadcast %mul3A : f32 to vector<1000x1xf32>
    %mul3A_49 = arith.mulf %broadcast_in_dim3A, %mul3A_48 : vector<1000x1xf32>
    %sub3A = vector.broadcast %mul3A_49 : vector<1000x1xf32> to vector<1000x128xf32>
    %sub3A_50 = arith.subf %add3A_46, %sub3A : vector<1000x128xf32>
    %mul3A_51 = arith.mulf %sub3A_50, %sub3A_50 : vector<1000x128xf32>
    %reduce_sum3A_52 = arith.constant dense<0.000000e+00> : vector<1000xf32>
    %reduce_sum3A_53 = vector.multi_reduction <add>, %mul3A_51, %reduce_sum3A_52 [1] : vector<1000x128xf32> to vector<1000xf32>
    %broadcast_in_dim3A_54 = vector.shape_cast %reduce_sum3A_53 : vector<1000xf32> to vector<1000x1xf32>
    %mul3A_55 = arith.constant 7.812500e-03 : f32
    %mul3A_56 = vector.broadcast %mul3A_55 : f32 to vector<1000x1xf32>
    %mul3A_57 = arith.mulf %broadcast_in_dim3A_54, %mul3A_56 : vector<1000x1xf32>
    %add3A_58 = arith.constant 9.99999974E-6 : f32
    %add3A_59 = vector.broadcast %add3A_58 : f32 to vector<1000x1xf32>
    %add3A_60 = arith.addf %mul3A_57, %add3A_59 : vector<1000x1xf32>
    %sqrt3A = math.sqrt %add3A_60 : vector<1000x1xf32>
    %div3A = vector.broadcast %sqrt3A : vector<1000x1xf32> to vector<1000x128xf32>
    %div3A_61 = arith.divf %sub3A_50, %div3A : vector<1000x128xf32>
    %get3A_62 = arith.constant 0 : index
    %get3A_63 = arith.constant 0 : index
    %get3A_64 = vector.load %arg10[%get3A_62, %get3A_63] : memref<1x128xf32, #tpu.memory_space<vmem>>, vector<1x128xf32>
    %mul3A_65 = vector.broadcast %get3A_64 : vector<1x128xf32> to vector<1000x128xf32>
    %mul3A_66 = arith.mulf %div3A_61, %mul3A_65 : vector<1000x128xf32>
    %get3A_67 = arith.constant 0 : index
    %get3A_68 = arith.constant 0 : index
    %get3A_69 = vector.load %arg11[%get3A_67, %get3A_68] : memref<1x128xf32, #tpu.memory_space<vmem>>, vector<1x128xf32>
    %add3A_70 = vector.broadcast %get3A_69 : vector<1x128xf32> to vector<1000x128xf32>
    %add3A_71 = arith.addf %mul3A_66, %add3A_70 : vector<1000x128xf32>
    %get3A_72 = arith.constant 0 : index
    %get3A_73 = arith.constant 0 : index
    %get3A_74 = vector.load %arg1[%get3A_72, %get3A_73] : memref<1000x128xf32, #tpu.memory_space<vmem>>, vector<1000x128xf32>
    %add3A_75 = arith.addf %get3A_74, %add3A_71 : vector<1000x128xf32>
    %swap3A = arith.constant 0 : index
    %swap3A_76 = arith.constant 0 : index
    %swap3A_77 = vector.load %arg12[%swap3A, %swap3A_76] : memref<1000x128xf32, #tpu.memory_space<vmem>>, vector<1000x128xf32>
    tpu.vector_store %arg12[%swap3A, %swap3A_76], %add3A_75 {strides = array<i32>} : memref<1000x128xf32, #tpu.memory_space<vmem>>, vector<1000x128xf32>,
    return
  }
  func.func @transform_0(%arg0: i32) -> (i32, i32) {
    %add3A = arith.constant 0 : i32
    %add3A_0 = arith.addi %arg0, %add3A : i32
    %c0_i32 = arith.constant 0 : i32
    %c0_i32_1 = arith.constant 0 : i32
    return %add3A_0, %c0_i32 : i32, i32
  }
  func.func @transform_1(%arg0: i32) -> (i32, i32) {
    %add3A = arith.constant 0 : i32
    %add3A_0 = arith.addi %arg0, %add3A : i32
    %c0_i32 = arith.constant 0 : i32
    %c0_i32_1 = arith.constant 0 : i32
    return %add3A_0, %c0_i32 : i32, i32
  }
  func.func @transform_2(%arg0: i32) -> (i32, i32) {
    %add3A = arith.constant 10 : i32
    %add3A_0 = arith.addi %arg0, %add3A : i32
    %c0_i32 = arith.constant 0 : i32
    %c0_i32_1 = arith.constant 0 : i32
    return %add3A_0, %c0_i32 : i32, i32
  }
  func.func @transform_3(%arg0: i32) -> (i32, i32) {
    %c0_i32 = arith.constant 0 : i32
    %c0_i32_0 = arith.constant 0 : i32
    %c0_i32_1 = arith.constant 0 : i32
    return %c0_i32, %c0_i32_0 : i32, i32
  }
  func.func @transform_4(%arg0: i32) -> (i32, i32) {
    %c0_i32 = arith.constant 0 : i32
    %c0_i32_0 = arith.constant 0 : i32
    %c0_i32_1 = arith.constant 0 : i32
    return %c0_i32, %c0_i32_0 : i32, i32
  }
  func.func @transform_5(%arg0: i32) -> (i32, i32) {
    %c0_i32 = arith.constant 0 : i32
    %c0_i32_0 = arith.constant 0 : i32
    %c0_i32_1 = arith.constant 0 : i32
    return %c0_i32, %c0_i32_0 : i32, i32
  }
  func.func @transform_6(%arg0: i32) -> (i32, i32) {
    %c0_i32 = arith.constant 0 : i32
    %c0_i32_0 = arith.constant 0 : i32
    %c0_i32_1 = arith.constant 0 : i32
    return %c0_i32, %c0_i32_0 : i32, i32
  }
  func.func @transform_7(%arg0: i32) -> (i32, i32) {
    %c0_i32 = arith.constant 0 : i32
    %c0_i32_0 = arith.constant 0 : i32
    %c0_i32_1 = arith.constant 0 : i32
    return %c0_i32, %c0_i32_0 : i32, i32
  }
  func.func @transform_8(%arg0: i32) -> (i32, i32) {
    %c0_i32 = arith.constant 0 : i32
    %c0_i32_0 = arith.constant 0 : i32
    %c0_i32_1 = arith.constant 0 : i32
    return %c0_i32, %c0_i32_0 : i32, i32
  }
  func.func @transform_9(%arg0: i32) -> (i32, i32) {
    %c0_i32 = arith.constant 0 : i32
    %c0_i32_0 = arith.constant 0 : i32
    %c0_i32_1 = arith.constant 0 : i32
    return %c0_i32, %c0_i32_0 : i32, i32
  }
  func.func @transform_10(%arg0: i32) -> (i32, i32) {
    %c0_i32 = arith.constant 0 : i32
    %c0_i32_0 = arith.constant 0 : i32
    %c0_i32_1 = arith.constant 0 : i32
    return %c0_i32, %c0_i32_0 : i32, i32
  }
  func.func @transform_11(%arg0: i32) -> (i32, i32) {
    %c0_i32 = arith.constant 0 : i32
    %c0_i32_0 = arith.constant 0 : i32
    return %arg0, %c0_i32 : i32, i32
  }
}

module attributes {stable_mosaic.version = 14 : i64} {
  func.func @body(%arg0: i32, %arg1: memref<1000x128xf32, #tpu.memory_space<vmem>>, %arg2: memref<128x128xf32, #tpu.memory_space<vmem>>, %arg3: memref<1x128xf32, #tpu.memory_space<vmem>>, %arg4: memref<128x128xf32, #tpu.memory_space<vmem>>, %arg5: memref<1x128xf32, #tpu.memory_space<vmem>>, %arg6: memref<128x1xf32, #tpu.memory_space<vmem>>, %arg7: memref<1x1xf32, #tpu.memory_space<vmem>>, %arg8: memref<1000x1xf32, #tpu.memory_space<vmem>>) attributes {dimension_semantics = [#tpu.dimension_semantics<arbitrary>], iteration_bounds = array<i64: 160>, scalar_prefetch = 0 : i64, scratch_operands = 0 : i64, tpu.core_type = #tpu.core_type<tc>, window_params = [{transform_indices = @transform_0, window_bounds = array<i64: 1000, 128>}, {pipeline_mode = #tpu.pipeline_mode<synchronous>, transform_indices = @transform_1, window_bounds = array<i64: 128, 128>}, {pipeline_mode = #tpu.pipeline_mode<synchronous>, transform_indices = @transform_2, window_bounds = array<i64: 1, 128>}, {pipeline_mode = #tpu.pipeline_mode<synchronous>, transform_indices = @transform_3, window_bounds = array<i64: 128, 128>}, {pipeline_mode = #tpu.pipeline_mode<synchronous>, transform_indices = @transform_4, window_bounds = array<i64: 1, 128>}, {pipeline_mode = #tpu.pipeline_mode<synchronous>, transform_indices = @transform_5, window_bounds = array<i64: 128, 1>}, {pipeline_mode = #tpu.pipeline_mode<synchronous>, transform_indices = @transform_6, window_bounds = array<i64: 1, 1>}, {transform_indices = @transform_7, window_bounds = array<i64: 1000, 1>}]} {
    %get3A = arith.constant 0 : index
    %get3A_0 = arith.constant 0 : index
    %get3A_1 = vector.load %arg1[%get3A, %get3A_0] : memref<1000x128xf32, #tpu.memory_space<vmem>>, vector<1000x128xf32>
    %get3A_2 = arith.constant 0 : index
    %get3A_3 = arith.constant 0 : index
    %get3A_4 = vector.load %arg2[%get3A_2, %get3A_3] : memref<128x128xf32, #tpu.memory_space<vmem>>, vector<128x128xf32>
    %convert_element_type3A = arith.truncf %get3A_1 : vector<1000x128xf32> to vector<1000x128xbf16>
    %convert_element_type3A_5 = arith.truncf %get3A_4 : vector<128x128xf32> to vector<128x128xbf16>
    %dot_general3A = arith.constant dense<0.000000e+00> : vector<1000x128xf32>
    %dot_general3A_6 = tpu.matmul %convert_element_type3A, %convert_element_type3A_5, %dot_general3A {dimension_numbers = #tpu.dot_dimension_numbers<[1], [0], [0], [1], [0, 0, 1, 1], [], []>, transpose_lhs_hint = false} : vector<1000x128xbf16>, vector<128x128xbf16>, vector<1000x128xf32> -> vector<1000x128xf32>
    %get3A_7 = arith.constant 0 : index
    %get3A_8 = arith.constant 0 : index
    %get3A_9 = vector.load %arg3[%get3A_7, %get3A_8] : memref<1x128xf32, #tpu.memory_space<vmem>>, vector<1x128xf32>
    %add3A = vector.broadcast %get3A_9 : vector<1x128xf32> to vector<1000x128xf32>
    %add3A_10 = arith.addf %dot_general3A_6, %add3A : vector<1000x128xf32>
    %max3A = arith.constant 0.000000e+00 : f32
    %max3A_11 = vector.broadcast %max3A : f32 to vector<1000x128xf32>
    %max3A_12 = arith.maximumf %add3A_10, %max3A_11 : vector<1000x128xf32>
    %get3A_13 = arith.constant 0 : index
    %get3A_14 = arith.constant 0 : index
    %get3A_15 = vector.load %arg4[%get3A_13, %get3A_14] : memref<128x128xf32, #tpu.memory_space<vmem>>, vector<128x128xf32>
    %convert_element_type3A_16 = arith.truncf %max3A_12 : vector<1000x128xf32> to vector<1000x128xbf16>
    %convert_element_type3A_17 = arith.truncf %get3A_15 : vector<128x128xf32> to vector<128x128xbf16>
    %dot_general3A_18 = arith.constant dense<0.000000e+00> : vector<1000x128xf32>
    %dot_general3A_19 = tpu.matmul %convert_element_type3A_16, %convert_element_type3A_17, %dot_general3A_18 {dimension_numbers = #tpu.dot_dimension_numbers<[1], [0], [0], [1], [0, 0, 1, 1], [], []>, transpose_lhs_hint = false} : vector<1000x128xbf16>, vector<128x128xbf16>, vector<1000x128xf32> -> vector<1000x128xf32>
    %get3A_20 = arith.constant 0 : index
    %get3A_21 = arith.constant 0 : index
    %get3A_22 = vector.load %arg5[%get3A_20, %get3A_21] : memref<1x128xf32, #tpu.memory_space<vmem>>, vector<1x128xf32>
    %add3A_23 = vector.broadcast %get3A_22 : vector<1x128xf32> to vector<1000x128xf32>
    %add3A_24 = arith.addf %dot_general3A_19, %add3A_23 : vector<1000x128xf32>
    %max3A_25 = arith.constant 0.000000e+00 : f32
    %max3A_26 = vector.broadcast %max3A_25 : f32 to vector<1000x128xf32>
    %max3A_27 = arith.maximumf %add3A_24, %max3A_26 : vector<1000x128xf32>
    %get3A_28 = arith.constant 0 : index
    %get3A_29 = arith.constant 0 : index
    %get3A_30 = vector.load %arg6[%get3A_28, %get3A_29] : memref<128x1xf32, #tpu.memory_space<vmem>>, vector<128x1xf32>
    %convert_element_type3A_31 = arith.truncf %max3A_27 : vector<1000x128xf32> to vector<1000x128xbf16>
    %convert_element_type3A_32 = arith.truncf %get3A_30 : vector<128x1xf32> to vector<128x1xbf16>
    %dot_general3A_33 = arith.constant dense<0.000000e+00> : vector<1000x1xf32>
    %dot_general3A_34 = tpu.matmul %convert_element_type3A_31, %convert_element_type3A_32, %dot_general3A_33 {dimension_numbers = #tpu.dot_dimension_numbers<[1], [0], [0], [1], [0, 0, 1, 1], [], []>, transpose_lhs_hint = false} : vector<1000x128xbf16>, vector<128x1xbf16>, vector<1000x1xf32> -> vector<1000x1xf32>
    %get3A_35 = arith.constant 0 : index
    %get3A_36 = arith.constant 0 : index
    %get3A_37 = vector.load %arg7[%get3A_35, %get3A_36] : memref<1x1xf32, #tpu.memory_space<vmem>>, vector<1x1xf32>
    %add3A_38 = vector.broadcast %get3A_37 : vector<1x1xf32> to vector<1000x1xf32>
    %add3A_39 = arith.addf %dot_general3A_34, %add3A_38 : vector<1000x1xf32>
    %swap3A = arith.constant 0 : index
    %swap3A_40 = arith.constant 0 : index
    %swap3A_41 = vector.load %arg8[%swap3A, %swap3A_40] : memref<1000x1xf32, #tpu.memory_space<vmem>>, vector<1000x1xf32>
    tpu.vector_store %arg8[%swap3A, %swap3A_40], %add3A_39 {strides = array<i32>} : memref<1000x1xf32, #tpu.memory_space<vmem>>, vector<1000x1xf32>,
    return
  }
  func.func @transform_0(%arg0: i32) -> (i32, i32) {
    %add3A = arith.constant 0 : i32
    %add3A_0 = arith.addi %arg0, %add3A : i32
    %c0_i32 = arith.constant 0 : i32
    %c0_i32_1 = arith.constant 0 : i32
    return %add3A_0, %c0_i32 : i32, i32
  }
  func.func @transform_1(%arg0: i32) -> (i32, i32) {
    %c0_i32 = arith.constant 0 : i32
    %c0_i32_0 = arith.constant 0 : i32
    %c0_i32_1 = arith.constant 0 : i32
    return %c0_i32, %c0_i32_0 : i32, i32
  }
  func.func @transform_2(%arg0: i32) -> (i32, i32) {
    %c0_i32 = arith.constant 0 : i32
    %c0_i32_0 = arith.constant 0 : i32
    %c0_i32_1 = arith.constant 0 : i32
    return %c0_i32, %c0_i32_0 : i32, i32
  }
  func.func @transform_3(%arg0: i32) -> (i32, i32) {
    %c0_i32 = arith.constant 0 : i32
    %c0_i32_0 = arith.constant 0 : i32
    %c0_i32_1 = arith.constant 0 : i32
    return %c0_i32, %c0_i32_0 : i32, i32
  }
  func.func @transform_4(%arg0: i32) -> (i32, i32) {
    %c0_i32 = arith.constant 0 : i32
    %c0_i32_0 = arith.constant 0 : i32
    %c0_i32_1 = arith.constant 0 : i32
    return %c0_i32, %c0_i32_0 : i32, i32
  }
  func.func @transform_5(%arg0: i32) -> (i32, i32) {
    %c0_i32 = arith.constant 0 : i32
    %c0_i32_0 = arith.constant 0 : i32
    %c0_i32_1 = arith.constant 0 : i32
    return %c0_i32, %c0_i32_0 : i32, i32
  }
  func.func @transform_6(%arg0: i32) -> (i32, i32) {
    %c0_i32 = arith.constant 0 : i32
    %c0_i32_0 = arith.constant 0 : i32
    %c0_i32_1 = arith.constant 0 : i32
    return %c0_i32, %c0_i32_0 : i32, i32
  }
  func.func @transform_7(%arg0: i32) -> (i32, i32) {
    %c0_i32 = arith.constant 0 : i32
    %c0_i32_0 = arith.constant 0 : i32
    return %arg0, %c0_i32 : i32, i32
  }
}

module attributes {stable_mosaic.version = 14 : i64} {
  func.func @body(%arg0: i32, %arg1: memref<1000x128xf32, #tpu.memory_space<vmem>>, %arg2: memref<128x128xf32, #tpu.memory_space<vmem>>, %arg3: memref<1x128xf32, #tpu.memory_space<vmem>>, %arg4: memref<128x128xf32, #tpu.memory_space<vmem>>, %arg5: memref<1x128xf32, #tpu.memory_space<vmem>>, %arg6: memref<128x3xf32, #tpu.memory_space<vmem>>, %arg7: memref<1x3xf32, #tpu.memory_space<vmem>>, %arg8: memref<1000x3xf32, #tpu.memory_space<vmem>>) attributes {dimension_semantics = [#tpu.dimension_semantics<arbitrary>], iteration_bounds = array<i64: 10>, scalar_prefetch = 0 : i64, scratch_operands = 0 : i64, tpu.core_type = #tpu.core_type<tc>, window_params = [{transform_indices = @transform_0, window_bounds = array<i64: 1000, 128>}, {pipeline_mode = #tpu.pipeline_mode<synchronous>, transform_indices = @transform_1, window_bounds = array<i64: 128, 128>}, {pipeline_mode = #tpu.pipeline_mode<synchronous>, transform_indices = @transform_2, window_bounds = array<i64: 1, 128>}, {pipeline_mode = #tpu.pipeline_mode<synchronous>, transform_indices = @transform_3, window_bounds = array<i64: 128, 128>}, {pipeline_mode = #tpu.pipeline_mode<synchronous>, transform_indices = @transform_4, window_bounds = array<i64: 1, 128>}, {pipeline_mode = #tpu.pipeline_mode<synchronous>, transform_indices = @transform_5, window_bounds = array<i64: 128, 3>}, {pipeline_mode = #tpu.pipeline_mode<synchronous>, transform_indices = @transform_6, window_bounds = array<i64: 1, 3>}, {transform_indices = @transform_7, window_bounds = array<i64: 1000, 3>}]} {
    %get3A = arith.constant 0 : index
    %get3A_0 = arith.constant 0 : index
    %get3A_1 = vector.load %arg1[%get3A, %get3A_0] : memref<1000x128xf32, #tpu.memory_space<vmem>>, vector<1000x128xf32>
    %get3A_2 = arith.constant 0 : index
    %get3A_3 = arith.constant 0 : index
    %get3A_4 = vector.load %arg2[%get3A_2, %get3A_3] : memref<128x128xf32, #tpu.memory_space<vmem>>, vector<128x128xf32>
    %convert_element_type3A = arith.truncf %get3A_1 : vector<1000x128xf32> to vector<1000x128xbf16>
    %convert_element_type3A_5 = arith.truncf %get3A_4 : vector<128x128xf32> to vector<128x128xbf16>
    %dot_general3A = arith.constant dense<0.000000e+00> : vector<1000x128xf32>
    %dot_general3A_6 = tpu.matmul %convert_element_type3A, %convert_element_type3A_5, %dot_general3A {dimension_numbers = #tpu.dot_dimension_numbers<[1], [0], [0], [1], [0, 0, 1, 1], [], []>, transpose_lhs_hint = false} : vector<1000x128xbf16>, vector<128x128xbf16>, vector<1000x128xf32> -> vector<1000x128xf32>
    %get3A_7 = arith.constant 0 : index
    %get3A_8 = arith.constant 0 : index
    %get3A_9 = vector.load %arg3[%get3A_7, %get3A_8] : memref<1x128xf32, #tpu.memory_space<vmem>>, vector<1x128xf32>
    %add3A = vector.broadcast %get3A_9 : vector<1x128xf32> to vector<1000x128xf32>
    %add3A_10 = arith.addf %dot_general3A_6, %add3A : vector<1000x128xf32>
    %max3A = arith.constant 0.000000e+00 : f32
    %max3A_11 = vector.broadcast %max3A : f32 to vector<1000x128xf32>
    %max3A_12 = arith.maximumf %add3A_10, %max3A_11 : vector<1000x128xf32>
    %get3A_13 = arith.constant 0 : index
    %get3A_14 = arith.constant 0 : index
    %get3A_15 = vector.load %arg4[%get3A_13, %get3A_14] : memref<128x128xf32, #tpu.memory_space<vmem>>, vector<128x128xf32>
    %convert_element_type3A_16 = arith.truncf %max3A_12 : vector<1000x128xf32> to vector<1000x128xbf16>
    %convert_element_type3A_17 = arith.truncf %get3A_15 : vector<128x128xf32> to vector<128x128xbf16>
    %dot_general3A_18 = arith.constant dense<0.000000e+00> : vector<1000x128xf32>
    %dot_general3A_19 = tpu.matmul %convert_element_type3A_16, %convert_element_type3A_17, %dot_general3A_18 {dimension_numbers = #tpu.dot_dimension_numbers<[1], [0], [0], [1], [0, 0, 1, 1], [], []>, transpose_lhs_hint = false} : vector<1000x128xbf16>, vector<128x128xbf16>, vector<1000x128xf32> -> vector<1000x128xf32>
    %get3A_20 = arith.constant 0 : index
    %get3A_21 = arith.constant 0 : index
    %get3A_22 = vector.load %arg5[%get3A_20, %get3A_21] : memref<1x128xf32, #tpu.memory_space<vmem>>, vector<1x128xf32>
    %add3A_23 = vector.broadcast %get3A_22 : vector<1x128xf32> to vector<1000x128xf32>
    %add3A_24 = arith.addf %dot_general3A_19, %add3A_23 : vector<1000x128xf32>
    %max3A_25 = arith.constant 0.000000e+00 : f32
    %max3A_26 = vector.broadcast %max3A_25 : f32 to vector<1000x128xf32>
    %max3A_27 = arith.maximumf %add3A_24, %max3A_26 : vector<1000x128xf32>
    %get3A_28 = arith.constant 0 : index
    %get3A_29 = arith.constant 0 : index
    %get3A_30 = vector.load %arg6[%get3A_28, %get3A_29] : memref<128x3xf32, #tpu.memory_space<vmem>>, vector<128x3xf32>
    %convert_element_type3A_31 = arith.truncf %max3A_27 : vector<1000x128xf32> to vector<1000x128xbf16>
    %convert_element_type3A_32 = arith.truncf %get3A_30 : vector<128x3xf32> to vector<128x3xbf16>
    %dot_general3A_33 = arith.constant dense<0.000000e+00> : vector<1000x3xf32>
    %dot_general3A_34 = tpu.matmul %convert_element_type3A_31, %convert_element_type3A_32, %dot_general3A_33 {dimension_numbers = #tpu.dot_dimension_numbers<[1], [0], [0], [1], [0, 0, 1, 1], [], []>, transpose_lhs_hint = false} : vector<1000x128xbf16>, vector<128x3xbf16>, vector<1000x3xf32> -> vector<1000x3xf32>
    %get3A_35 = arith.constant 0 : index
    %get3A_36 = arith.constant 0 : index
    %get3A_37 = vector.load %arg7[%get3A_35, %get3A_36] : memref<1x3xf32, #tpu.memory_space<vmem>>, vector<1x3xf32>
    %add3A_38 = vector.broadcast %get3A_37 : vector<1x3xf32> to vector<1000x3xf32>
    %add3A_39 = arith.addf %dot_general3A_34, %add3A_38 : vector<1000x3xf32>
    %swap3A = arith.constant 0 : index
    %swap3A_40 = arith.constant 0 : index
    %swap3A_41 = vector.load %arg8[%swap3A, %swap3A_40] : memref<1000x3xf32, #tpu.memory_space<vmem>>, vector<1000x3xf32>
    tpu.vector_store %arg8[%swap3A, %swap3A_40], %add3A_39 {strides = array<i32>} : memref<1000x3xf32, #tpu.memory_space<vmem>>, vector<1000x3xf32>,
    return
  }
  func.func @transform_0(%arg0: i32) -> (i32, i32) {
    %add3A = arith.constant 0 : i32
    %add3A_0 = arith.addi %arg0, %add3A : i32
    %c0_i32 = arith.constant 0 : i32
    %c0_i32_1 = arith.constant 0 : i32
    return %add3A_0, %c0_i32 : i32, i32
  }
  func.func @transform_1(%arg0: i32) -> (i32, i32) {
    %c0_i32 = arith.constant 0 : i32
    %c0_i32_0 = arith.constant 0 : i32
    %c0_i32_1 = arith.constant 0 : i32
    return %c0_i32, %c0_i32_0 : i32, i32
  }
  func.func @transform_2(%arg0: i32) -> (i32, i32) {
    %c0_i32 = arith.constant 0 : i32
    %c0_i32_0 = arith.constant 0 : i32
    %c0_i32_1 = arith.constant 0 : i32
    return %c0_i32, %c0_i32_0 : i32, i32
  }
  func.func @transform_3(%arg0: i32) -> (i32, i32) {
    %c0_i32 = arith.constant 0 : i32
    %c0_i32_0 = arith.constant 0 : i32
    %c0_i32_1 = arith.constant 0 : i32
    return %c0_i32, %c0_i32_0 : i32, i32
  }
  func.func @transform_4(%arg0: i32) -> (i32, i32) {
    %c0_i32 = arith.constant 0 : i32
    %c0_i32_0 = arith.constant 0 : i32
    %c0_i32_1 = arith.constant 0 : i32
    return %c0_i32, %c0_i32_0 : i32, i32
  }
  func.func @transform_5(%arg0: i32) -> (i32, i32) {
    %c0_i32 = arith.constant 0 : i32
    %c0_i32_0 = arith.constant 0 : i32
    %c0_i32_1 = arith.constant 0 : i32
    return %c0_i32, %c0_i32_0 : i32, i32
  }
  func.func @transform_6(%arg0: i32) -> (i32, i32) {
    %c0_i32 = arith.constant 0 : i32
    %c0_i32_0 = arith.constant 0 : i32
    %c0_i32_1 = arith.constant 0 : i32
    return %c0_i32, %c0_i32_0 : i32, i32
  }
  func.func @transform_7(%arg0: i32) -> (i32, i32) {
    %c0_i32 = arith.constant 0 : i32
    %c0_i32_0 = arith.constant 0 : i32
    return %arg0, %c0_i32 : i32, i32
  }
}

</mosaic_0001>

<sc_bundles>
// kernel: kernel.22.cloned.1.call-start
scs
__scs_entry_jumppad:
0x0: {  	(pc) =	sbr.rel $0x88, $3  }
0x1: {  	(tag) =	ssettag $0x0;
	lr =	simm.s32 $0x1  }
0x2: {  	[smem:$0x3F42] =	sst lr;
	_ =	strace $0xD0000000  }
0x3: {  	_ = 	snop  }
0x4: {  	_ = 	snop  }
0x5: {  	_ = 	snop  }
0x6: {  	_ = 	snop  }
0x7: {  	_ = 	snop  }
__scs_overlays_trampoline_lowered:
0x8: {  	[smem:$0x3F51] =	sst s0  }
0x9: {  	[smem:$0x3F52] =	sst s1  }
0xa: {  	[smem:$0x3F53] =	sst s2  }
0xb: {  	[smem:$0x3F54] =	sst s3  }
0xc: {  	[smem:$0x3F55] =	sst s4  }
0xd: {  	[smem:$0x3F56] =	sst s5  }
0xe: {  	[smem:$0x3F57] =	sst s6  }
0xf: {  	[smem:$0x3F58] =	sst s7  }
0x10: {  	[smem:$0x3F59] =	sst s8  }
0x11: {  	[smem:$0x3F5A] =	sst s9;
	s0 =	simm.s32 @!p0 $0x0  }
0x12: {  	s1 =	sld [smem:$0x3F40];
	s0 =	simm.s32 @p0 $0x1  }
0x13: {  	[smem:$0x3F5B] =	sst s0;
	s0 =	simm.s32 @!p1 $0x0  }
0x14: {  	s2 =	sld [smem:$0x3F3F];
	s0 =	simm.s32 @p1 $0x1  }
0x15: {  	[smem:$0x3F5C] =	sst s0;
	s0 =	simm.s32 @!p2 $0x0  }
0x16: {  	s3 =	sld [smem:$0x3FDB];
	s0 =	simm.s32 @p2 $0x1  }
0x17: {  	s4 =	simm.s32 $0x1BF5;
	[smem:$0x3F5E] =	sst s0  }
0x18: {  	s0 =	sld [smem:$0x3F41];
	_ =	swait.ge [sflag:s4], $0x0  }
0x19: {  	s7 =	sld [smem:$0x3F42]  }
0x1a: {  	s8 =	sadd.s32 $0xFFFFE003, lr  }
0x1b: {  	s9 =	sadd.s32 $0xFFFFFEF7, lr;
	s5 =	simm.s32 $0xFFFFFFFF;
	p2 =	slt.u32 s8, $0xFFFFF086  }
0x1c: {  	p1 =	slt.u32 s9, $0xF7A;
	s5 =	simm.s32 @!p2 $0x0  }
0x1d: {  	s5 =	simm.s32 @p1 $0x1;
	p0 =	seq.s32 s7, s2  }
0x1e: {  	s7 =	smul.u32 @!p0 $0xF7A, s2;
	p2 =	seq.s32 @!p0 s5, $0x0  }
0x1f: {  	s9 =	smul.u32 $0xF7A, s1;
	s8 =	simm.s32 @!p0 $0x1BF5;
	p2 =	por !p2, p0  }
0x20: {  	[sflag:s8] =	ssyncset.s32 @!p0 $0xFFFFF086;
	s6 =	sadd.s32 @!p0 s3, s7;
	s7 =	simm.s32 @!p0 $0x108  }
0x21: {  	s3 =	sadd.s32 s3, s9;
	s6 =	sadd.s32 @!p0 $0x88, s6;
	s7 =	simm.s32 @p2 $0x1082  }
0x22: {  	[simem:s7], [sflag:s8] =	dma.local @!p0 [hbm:s6], $0xF7A  }
0x23: {  	s9 =	sor.u32 $0xD0000000, s2;
	s6 =	simm.s32 $0x108;
	_ =	swait.ge @!p0 [sflag:s8], $0x0  }
0x24: {  	s3 =	sadd.s32 $0x88, s3;
	s6 =	simm.s32 @!p1 $0x1082;
	[sflag:s4] =	ssyncset.s32 $0xFFFFF086  }
0x25: {  	[simem:s6], [sflag:s4] =	dma.local [hbm:s3], $0xF7A  }
0x26: {  	[smem:$0x3F42] =	sst s1;
	(tag) =	ssettag s2;
	_ =	strace s9  }
0x27: {  	s1 =	sld [smem:$0x3F52]  }
0x28: {  	s2 =	sld [smem:$0x3F53]  }
0x29: {  	s4 =	sld [smem:$0x3F55]  }
0x2a: {  	p0 =	seq.s32 s5, $0x0;
	s5 =	sld [smem:$0x3F56]  }
0x2b: {  	s6 =	sld [smem:$0x3F57]  }
0x2c: {  	s7 =	sld [smem:$0x3F58]  }
0x2d: {  	s3 =	simm.s32 $0x108;
	s8 =	sld [smem:$0x3F59]  }
0x2e: {  	s3 =	simm.s32 @!p0 $0x1082;
	s9 =	sld [smem:$0x3F5A]  }
0x2f: {  	lr =	sadd.s32 s0, s3;
	s0 =	sld [smem:$0x3F51]  }
0x30: {  	s3 =	sld [smem:$0x3F54]  }
0x31: {  	[smem:$0x3F5D] =	sst s10  }
0x32: {  	s10 =	sld [smem:$0x3F5B];
	_ =	sdelay $0x3  }
0x33: {  	p0 =	seq.s32 s10, $0x1;
	s10 =	sld [smem:$0x3F5D];
	_ =	sdelay $0x3  }
0x34: {  	[smem:$0x3F5D] =	sst s10  }
0x35: {  	s10 =	sld [smem:$0x3F5C];
	_ =	sdelay $0x3  }
0x36: {  	p1 =	seq.s32 s10, $0x1;
	s10 =	sld [smem:$0x3F5D];
	_ =	sdelay $0x3  }
0x37: {  	[smem:$0x3F5D] =	sst s10  }
0x38: {  	s10 =	sld [smem:$0x3F5E]  }
0x39: {  	_ = 	snop;
	(pc) =	sbr.ind lr, $3  }
0x3a: {  	_ = 	snop  }
0x3b: {  	_ = 	snop  }
0x3c: {  	p2 =	seq.s32 s10, $0x1;
	s10 =	sld [smem:$0x3F5D]  }
0x3d: {  	_ =	shalt  }
0x3e: {  	_ =	shalt  }
0x3f: {  	_ =	shalt  }
0x40: {  	_ =	shalt  }
0x41: {  	_ =	shalt  }
0x42: {  	_ =	shalt  }
0x43: {  	_ =	shalt  }
0x44: {  	_ =	shalt  }
0x45: {  	_ =	shalt  }
0x46: {  	_ =	shalt  }
0x47: {  	_ =	shalt  }
0x48: {  	_ =	shalt  }
0x49: {  	_ =	shalt  }
0x4a: {  	_ =	shalt  }
0x4b: {  	_ =	shalt  }
0x4c: {  	_ =	shalt  }
0x4d: {  	_ =	shalt  }
0x4e: {  	_ =	shalt  }
0x4f: {  	_ =	shalt  }
0x50: {  	_ =	shalt  }
0x51: {  	_ =	shalt  }
0x52: {  	_ =	shalt  }
0x53: {  	_ =	shalt  }
0x54: {  	_ =	shalt  }
0x55: {  	_ =	shalt  }
0x56: {  	_ =	shalt  }
0x57: {  	_ =	shalt  }
0x58: {  	_ =	shalt  }
0x59: {  	_ =	shalt  }
0x5a: {  	_ =	shalt  }
0x5b: {  	_ =	shalt  }
0x5c: {  	_ =	shalt  }
0x5d: {  	_ =	shalt  }
0x5e: {  	_ =	shalt  }
0x5f: {  	_ =	shalt  }
0x60: {  	_ =	shalt  }
0x61: {  	_ =	shalt  }
0x62: {  	_ =	shalt  }
0x63: {  	_ =	shalt  }
0x64: {  	_ =	shalt  }
0x65: {  	_ =	shalt  }
0x66: {  	_ =	shalt  }
0x67: {  	_ =	shalt  }
0x68: {  	_ =	shalt  }
0x69: {  	_ =	shalt  }
0x6a: {  	_ =	shalt  }
0x6b: {  	_ =	shalt  }
0x6c: {  	_ =	shalt  }
0x6d: {  	_ =	shalt  }
0x6e: {  	_ =	shalt  }
0x6f: {  	_ =	shalt  }
0x70: {  	_ =	shalt  }
0x71: {  	_ =	shalt  }
0x72: {  	_ =	shalt  }
0x73: {  	_ =	shalt  }
0x74: {  	_ =	shalt  }
0x75: {  	_ =	shalt  }
0x76: {  	_ =	shalt  }
0x77: {  	_ =	shalt  }
0x78: {  	_ =	shalt  }
0x79: {  	_ =	shalt  }
0x7a: {  	_ =	shalt  }
0x7b: {  	_ =	shalt  }
0x7c: {  	_ =	shalt  }
0x7d: {  	_ =	shalt  }
0x7e: {  	_ =	shalt  }
0x7f: {  	_ =	shalt  }
0x80: {  	_ =	shalt  }
0x81: {  	_ =	shalt  }
0x82: {  	_ =	shalt  }
0x83: {  	_ =	shalt  }
0x84: {  	_ =	shalt  }
0x85: {  	_ =	shalt  }
0x86: {  	_ =	shalt  }
0x87: {  	_ =	shalt  }
.Lfunc_end0:
.L_simem_size_0:
called_computation_lowered:
.L_overlay_start_0:
0x88: {  	s2 =	sld [smem:$0x3FD9]  }
0x89: {  	s3 =	sld [smem:$0x3FFE];
	_ =	sdelay $0x1  }
0x8a: {  	s1 =	srdreg.scid  }
0x8b: {  	s0 =	sand.u32 $0x1, s1  }
0x8c: {  	s16 =	sshll.u32 s0, $0xA;
	s2 =	sadd.s32 s3, s2  }
0x8d: {  	s2 =	sadd.s32 s2, s16  }
0x8e: {  	[smem:$0x3F69] =	sst s2  }
0x8f: {  	_ = 	snop  }
0x90: {  	(tm) =	ssettm $0x1  }
0x91: {  	s17 =	sld [smem:$0x3FFB];
	_ =	sdelay $0x3  }
0x92: {  	_ =	strace s17  }
0x93: {  	s2 =	sld [smem:$0x3FFC];
	_ =	sdelay $0x3  }
0x94: {  	_ =	strace s2  }
0x95: {  	s2 =	sld [smem:$0x3FFD];
	_ =	sdelay $0x3  }
0x96: {  	_ =	strace s2  }
0x97: {  	_ =	strace $0x8FFFFFFF  }
0x98: {  	s18 =	sld [smem:$0x3FDB];
	_ =	sdelay $0x1  }
0x99: {  	s19 =	simm.s32 $_scs_section_size  }
0x9a: {  	s4 =	simm.s32 $_size__tile_overlayer_lowered;
	s5 =	simm.s32 $_tile_overlayer_lowered  }
0x9b: {  	s22 =	simm.s32 $0x1BFF;
	s21 =	sshll.u32 s5, $0x1;
	s2 =	sadd.s32 s19, s18  }
0x9c: {  	s6 =	simm.s32 $0x0;
	s20 =	sshll.u32 s4, $0x1;
	s4 =	sadd.s32 s21, s2  }
0x9d: {  	[timem:s6], [sflag:s22] =	dma.local [hbm:s4], s20  }
0x9e: {  	_ =	swait.ge [sflag:s22], s20  }
0x9f: {  	s3 =	ssub.s32 $0x0, s20;
	[sflag:s22] =	ssyncset.done $0x0  }
0xa0: {  	[sflag:s22] =	ssyncadd.s32 s3;
	_ =	sdelay $0x1  }
0xa1: {  	s23 =	simm.s32 $0x1B8B  }
0xa2: {  	_ =	swait.ge [sflag:s23], $0x1  }
0xa3: {  	[sflag:s23] =	ssyncset.done $0x0  }
0xa4: {  	s25 =	simm.s32 $0x1B8E;
	s24 =	sld [smem:$0x3FFE];
	[sflag:s23] =	ssyncadd.s32 $0xFFFFFFFF  }
0xa5: {  	s26 =	simm.s32 $execute0_lowered;
	[smem:$0x3FD2] =	sst s25  }
0xa6: {  	s4 =	sshll.u32 s26, $0x1;
	_ =	strace $0x80000046;
	[dreg:$0x1] =	wrdreg $0xFFFFFFFF  }
0xa7: {  	s28 =	simm.s32 $_size_execute0_lowered;
	s2 =	sadd.s32 s2, s4;
	[dreg:$0x0] =	wrdreg $0x0  }
0xa8: {  	s4 =	sshll.u32 s28, $0x1;
	[dreg:$0x2] =	wrdreg s2  }
0xa9: {  	[dreg:$0x3] =	wrdreg s4  }
0xaa: {  	[dreg:$0x4] =	wrdreg $0xC0  }
0xab: {  	_ =	task [dreg:s6], $0x5FFFF  }
0xac: {  	[dreg:$0x1] =	wrdreg $0xFFFFFFFF  }
0xad: {  	[dreg:$0x0] =	wrdreg $0x60  }
0xae: {  	[dreg:$0x2] =	wrdreg s24  }
0xaf: {  	[dreg:$0x3] =	wrdreg $0x9  }
0xb0: {  	_ =	task.clear_ibuf [dreg:s6], $0x4FFFF;
	_ =	strace $0x90000046  }
0xb1: {  	s29 =	simm.s32 $0x9;
	_ =	strace $0x80000048  }
0xb2: {  	_ =	swait.ge [sflag:s29], $0x1  }
0xb3: {  	[sflag:s29] =	ssyncadd.s32 $0xFFFFFFFF  }
0xb4: {  	_ =	strace $0x90000048  }
0xb5: {  	_ =	sfence  }
0xb6: {  	s30 =	sld [smem:$0x0];
	_ =	sdelay $0x2  }
0xb7: {  	s31 =	sshll.u32 s1, $0xD;
	s1 =	sshrl.u32 s1, $0x2  }
0xb8: {  	s3 =	sand.u32 $0x4000, s31;
	s1 =	sadd.s32 s1, s30  }
0xb9: {  	s0 =	sor.u32 s3, s0;
	s1 =	sshll.u32 s1, $0x11  }
0xba: {  	s0 =	sor.u32 s1, s0  }
0xbb: {  	s0 =	sadd.s32 $0x8F2B, s0  }
0xbc: {  	[sflag:s0] =	ssyncadd.remote.s32 $0x1  }
0xbd: {  	_ =	sfence.sel $0xFFFF  }
0xbe: {  	[dreg:$0x0] =	wrdreg $0xFFFFFFFF;
	(pc) =	sbr.abs _section_cstart, $3  }
0xbf: {  	[dreg:$0x1] =	wrdreg $0xFFFFFFFF  }
0xc0: {  	_ =	task.clear_ibuf [dreg:s6], $0x2FFFF;
	_ =	strace $0x9FFFFFFF  }
0xc1: {  	(tm) =	ssettm $0x7FFFFFFF  }
tec
execute0_lowered:
.L_overlay_start_1:
0x0: {  	(tag) =	ssettag $0x1  }
0x1: {  	s1 =	srdreg.scid  }
0x2: {  	s0 =	stileid.u32;
	s4 =	rddreg [dreg:$0x0]  }
0x3: {  	s2 =	simm.s32 $0x0;
	s10 =	simm.s32 $0x4F80;
	s11 =	simm.s32 $0xA0  }
0x4: {  	s12 =	simm.s32 $0x7780;
	s13 =	simm.s32 $0xF0;
	s14 =	simm.s32 $0x9F80  }
0x5: {  	s15 =	simm.s32 $0x140;
	s16 =	simm.s32 $0xC780;
	s17 =	simm.s32 $0x1  }
0x6: {  	s18 =	simm.s32 $0x2;
	s19 =	simm.s32 $0x3;
	s20 =	simm.s32 $0x4  }
0x7: {  	s21 =	simm.s32 $0x5;
	s22 =	simm.s32 $0x6;
	s23 =	simm.s32 $0x7  }
0x8: {  	s24 =	simm.s32 $0x8;
	s25 =	simm.s32 $0x9;
	s26 =	simm.s32 $0xA  }
0x9: {  	s5 =	sand.u32 $0x1, s1;
	s3 =	sshll.u32 s0, $0x1;
	s7 =	smul.u32 $0x4E200, s0  }
0xa: {  	s3 =	sor.u32 s5, s3;
	s8 =	ssub.s32 $0x2, s5;
	s5 =	smul.u32 $0x27100, s5  }
0xb: {  	s28 =	simm.s32 $0x0;
	[smem:$0x7FF] =	sst s2;
	s6 =	smul.u32 $0x2710, s3  }
.Ltmp0:
0xc: {  	_ =	strace $0x80000047;
	s9 =	sshrl.u32 s8, $0x1;
	(pc) =	sbr.rel .LBB2_1-.Ltmp0, $4  }
0xd: {  	s3 =	sadd.s32 $0x1EA00, s4;
	s7 =	sadd.s32 s7, s4;
	s31 =	ssub.s32 s8, s9  }
0xe: {  	s7 =	sadd.s32 s5, s7;
	s8 =	simm.s32 $0x50;
	s6 =	sshrl.u32 s6, $0x3  }
0xf: {  	s9 =	simm.s32 $0x2780;
	s5 =	smax.u32 s31, $0x1;
	s4 =	sadd.s32 s6, s4  }
0x10: {  	s6 =	sadd.s32 $0x47000, s7;
	s7 =	simm.s32 $0xB;
	s4 =	sadd.s32 $0x14C00, s4  }
.LBB2_4:
0x11: {  	_ =	swait.ge [sflag:s23], $0x2800  }
0x12: {  	[sflag:s23] =	ssyncset.done $0x0  }
0x13: {  	[sflag:s23] =	ssyncadd.s32 $0xFFFFD800  }
0x14: {  	_ =	swait.ge [sflag:s24], $0x2800  }
0x15: {  	[sflag:s24] =	ssyncset.done $0x0  }
0x16: {  	s28 =	sadd.s32 $0x1, s28;
	[sflag:s24] =	ssyncadd.s32 $0xFFFFD800  }
0x17: {  	p0 =	sne.s32 s28, s5;
	_ =	swait.ge [sflag:s25], $0x2800  }
.Ltmp1:
0x18: {  	[sflag:s25] =	ssyncset.done $0x0;
	(pc) =	sbr.rel @!p0 .LBB2_5-.Ltmp1, $4  }
0x19: {  	[sflag:s25] =	ssyncadd.s32 $0xFFFFD800  }
0x1a: {  	_ =	swait.ge [sflag:s26], $0x2800  }
0x1b: {  	[sflag:s26] =	ssyncset.done $0x0  }
0x1c: {  	[sflag:s26] =	ssyncadd.s32 $0xFFFFD800  }
.LBB2_1:
0x1d: {  	[tilespmem:s2], [sflag:$0xB] =	stream.linear.gather [hbm4b:s4+s2], $0x2710, $0x38;
	[tilespmem:$0xEF80] =	vst v63  }
0x1e: {  	_ =	swait.ge [sflag:s7], $0x2710  }
0x1f: {  	[sflag:s7] =	ssyncset.done $0x0  }
0x20: {  	[sflag:s7] =	ssyncadd.s32 $0xFFFFD8F0  }
0x21: {  	[tilespmem:s9], [sflag:$0x1] =	stream.indirect.gather [hbm4b:s3+s8], $0x80, s2, s8, $0xb8;
	[tilespmem:$0xEF80] =	vst v63  }
0x22: {  	_ = 	snop  }
0x23: {  	[tilespmem:s10], [sflag:$0x2] =	stream.indirect.gather [hbm4b:s3+s8], $0x80, s8, s8, $0xb8;
	[tilespmem:$0xEF80] =	vst v63  }
0x24: {  	_ = 	snop  }
0x25: {  	[tilespmem:s12], [sflag:$0x3] =	stream.indirect.gather [hbm4b:s3+s8], $0x80, s11, s8, $0xb8;
	[tilespmem:$0xEF80] =	vst v63  }
0x26: {  	_ = 	snop  }
0x27: {  	[tilespmem:s14], [sflag:$0x4] =	stream.indirect.gather [hbm4b:s3+s8], $0x80, s13, s8, $0xb8;
	[tilespmem:$0xEF80] =	vst v63  }
0x28: {  	s29 =	smov.u32 s6;
	s30 =	simm.s32 $0x0  }
0x29: {  	[tilespmem:s16], [sflag:$0x5] =	stream.indirect.gather [hbm4b:s3+s8], $0x80, s15, s8, $0xb8;
	[tilespmem:$0xEF80] =	vst v63  }
.LBB2_2:
0x2a: {  	_ =	swait.ge [sflag:s17], $0x2800  }
0x2b: {  	[sflag:s17] =	ssyncset.done $0x0  }
0x2c: {  	s31 =	sadd.s32 $0xFFFFEC00, s29;
	[sflag:s17] =	ssyncadd.s32 $0xFFFFD800  }
0x2d: {  	[hbm4b:s31+s2] =	stream.linear.scatter [tilespmem:s9], [sflag:$0x6], $0x2800, $0x38;
	[tilespmem:$0xEF80] =	vst v63  }
0x2e: {  	_ =	swait.ge [sflag:s18], $0x2800  }
0x2f: {  	[sflag:s18] =	ssyncset.done $0x0  }
0x30: {  	s1 =	sadd.s32 $0xFFFFF100, s29;
	[sflag:s18] =	ssyncadd.s32 $0xFFFFD800  }
0x31: {  	[hbm4b:s1+s2] =	stream.linear.scatter [tilespmem:s10], [sflag:$0x7], $0x2800, $0x38;
	[tilespmem:$0xEF80] =	vst v63  }
0x32: {  	_ =	swait.ge [sflag:s19], $0x2800  }
0x33: {  	[sflag:s19] =	ssyncset.done $0x0  }
0x34: {  	s1 =	sadd.s32 $0xFFFFF600, s29;
	[sflag:s19] =	ssyncadd.s32 $0xFFFFD800  }
0x35: {  	[hbm4b:s1+s2] =	stream.linear.scatter [tilespmem:s12], [sflag:$0x8], $0x2800, $0x38;
	[tilespmem:$0xEF80] =	vst v63  }
0x36: {  	_ =	swait.ge [sflag:s20], $0x2800  }
0x37: {  	[sflag:s20] =	ssyncset.done $0x0  }
0x38: {  	s1 =	sadd.s32 $0xFFFFFB00, s29;
	[sflag:s20] =	ssyncadd.s32 $0xFFFFD800  }
0x39: {  	[hbm4b:s1+s2] =	stream.linear.scatter [tilespmem:s14], [sflag:$0x9], $0x2800, $0x38;
	[tilespmem:$0xEF80] =	vst v63  }
0x3a: {  	_ =	swait.ge [sflag:s21], $0x2800  }
0x3b: {  	p0 =	seq.s32 s30, $0x9600;
	[sflag:s21] =	ssyncset.done $0x0  }
.Ltmp2:
0x3c: {  	[sflag:s21] =	ssyncadd.s32 $0xFFFFD800;
	(pc) =	sbr.rel @p0 .LBB2_4-.Ltmp2, $4  }
0x3d: {  	[hbm4b:s29+s2] =	stream.linear.scatter [tilespmem:s16], [sflag:$0xA], $0x2800, $0x38;
	[tilespmem:$0xEF80] =	vst v63  }
0x3e: {  	_ =	swait.ge [sflag:s22], $0x2800  }
0x3f: {  	[sflag:s22] =	ssyncset.done $0x0  }
0x40: {  	[sflag:s22] =	ssyncadd.s32 $0xFFFFD800  }
0x41: {  	s31 =	sshra.s32 s30, $0x2  }
0x42: {  	s1 =	sadd.s32 $0x190, s31  }
0x43: {  	[tilespmem:s9], [sflag:$0x1] =	stream.indirect.gather [hbm4b:s3+s8], $0x80, s1, s8, $0xb8;
	[tilespmem:$0xEF80] =	vst v63  }
0x44: {  	_ =	swait.ge [sflag:s23], $0x2800  }
0x45: {  	[sflag:s23] =	ssyncset.done $0x0  }
0x46: {  	s1 =	sadd.s32 $0x1E0, s31;
	[sflag:s23] =	ssyncadd.s32 $0xFFFFD800  }
0x47: {  	[tilespmem:s10], [sflag:$0x2] =	stream.indirect.gather [hbm4b:s3+s8], $0x80, s1, s8, $0xb8;
	[tilespmem:$0xEF80] =	vst v63  }
0x48: {  	_ =	swait.ge [sflag:s24], $0x2800  }
0x49: {  	[sflag:s24] =	ssyncset.done $0x0  }
0x4a: {  	s1 =	sadd.s32 $0x230, s31;
	[sflag:s24] =	ssyncadd.s32 $0xFFFFD800  }
0x4b: {  	[tilespmem:s12], [sflag:$0x3] =	stream.indirect.gather [hbm4b:s3+s8], $0x80, s1, s8, $0xb8;
	[tilespmem:$0xEF80] =	vst v63  }
0x4c: {  	_ =	swait.ge [sflag:s25], $0x2800  }
0x4d: {  	[sflag:s25] =	ssyncset.done $0x0  }
0x4e: {  	s1 =	sadd.s32 $0x280, s31;
	[sflag:s25] =	ssyncadd.s32 $0xFFFFD800  }
0x4f: {  	[tilespmem:s14], [sflag:$0x4] =	stream.indirect.gather [hbm4b:s3+s8], $0x80, s1, s8, $0xb8;
	[tilespmem:$0xEF80] =	vst v63  }
.Ltmp3:
0x50: {  	_ = 	snop;
	(pc) =	sbr.rel .LBB2_2-.Ltmp3, $4  }
0x51: {  	_ =	swait.ge [sflag:s26], $0x2800  }
0x52: {  	s30 =	sadd.s32 $0x640, s30;
	[sflag:s26] =	ssyncset.done $0x0  }
0x53: {  	s29 =	sadd.s32 $0x1900, s29;
	s31 =	sadd.s32 $0x2D0, s31;
	[sflag:s26] =	ssyncadd.s32 $0xFFFFD800  }
0x54: {  	[tilespmem:s16], [sflag:$0x5] =	stream.indirect.gather [hbm4b:s3+s8], $0x80, s31, s8, $0xb8;
	[tilespmem:$0xEF80] =	vst v63  }
.LBB2_5:
0x55: {  	_ =	sfence.sel $0x180000  }
0x56: {  	[bflag:$0x0] =	sbarrier.arrive $0xFFFF  }
0x57: {  	_ =	strace $0x90000047  }
0x58: {  	[bflag:$0x2] =	sbarrier.arrive $0xFFFF  }
0x59: {  	p0 =	sne.s32 s0, $0x0;
	s0 =	rddreg [dreg:$0x1]  }
0x5a: {  	s0 =	sadd.s32 @!p0 $0x100000, s0  }
0x5b: {  	[sflag:s0] =	ssyncadd.tile.s32 @!p0 $0x1;
	_ =	shalt  }
.Lfunc_end2:
_tile_overlayer_lowered:
.L_overlay_start_2:
0x5c: {  	(tag) =	ssettag $0x2  }
0x5d: {  	s0 =	rddreg [dreg:$0x0];
	s2 =	stileid.u32  }
0x5e: {  	s1 =	rddreg [dreg:$0x1];
	p0 =	sne.s32 s2, $0x0  }
0x5f: {  	s3 =	rddreg [dreg:$0x2];
	[bflag:$0x3] =	sbarrier.arrive $0xFFFF;
	s2 =	simm.s32 @!p0 $0x1C0B  }
0x60: {  	[timem:s3], [sflag:s2] =	dma.local @!p0 [hbm:s0], s1  }
0x61: {  	s0 =	simm.s32 @!p0 $0xB  }
0x62: {  	_ =	swait.ge @!p0 [sflag:s0], s1  }
0x63: {  	s1 =	ssub.s32 @!p0 $0x0, s1;
	[sflag:s0] =	ssyncset.done @!p0 $0x0  }
0x64: {  	[sflag:s0] =	ssyncadd.s32 @!p0 s1  }
0x65: {  	[bflag:$0x3] =	sbarrier.arrive $0xFFFF  }
0x66: {  	_ =	shalt  }

// kernel: kernel.25.cloned.1.call-start
scs
__scs_entry_jumppad:
0x0: {  	(pc) =	sbr.rel $0x88, $3  }
0x1: {  	(tag) =	ssettag $0x0;
	lr =	simm.s32 $0x1  }
0x2: {  	[smem:$0x3F42] =	sst lr;
	_ =	strace $0xD0000000  }
0x3: {  	_ = 	snop  }
0x4: {  	_ = 	snop  }
0x5: {  	_ = 	snop  }
0x6: {  	_ = 	snop  }
0x7: {  	_ = 	snop  }
__scs_overlays_trampoline_lowered:
0x8: {  	[smem:$0x3F51] =	sst s0  }
0x9: {  	[smem:$0x3F52] =	sst s1  }
0xa: {  	[smem:$0x3F53] =	sst s2  }
0xb: {  	[smem:$0x3F54] =	sst s3  }
0xc: {  	[smem:$0x3F55] =	sst s4  }
0xd: {  	[smem:$0x3F56] =	sst s5  }
0xe: {  	[smem:$0x3F57] =	sst s6  }
0xf: {  	[smem:$0x3F58] =	sst s7  }
0x10: {  	[smem:$0x3F59] =	sst s8  }
0x11: {  	[smem:$0x3F5A] =	sst s9;
	s0 =	simm.s32 @!p0 $0x0  }
0x12: {  	s1 =	sld [smem:$0x3F40];
	s0 =	simm.s32 @p0 $0x1  }
0x13: {  	[smem:$0x3F5B] =	sst s0;
	s0 =	simm.s32 @!p1 $0x0  }
0x14: {  	s2 =	sld [smem:$0x3F3F];
	s0 =	simm.s32 @p1 $0x1  }
0x15: {  	[smem:$0x3F5C] =	sst s0;
	s0 =	simm.s32 @!p2 $0x0  }
0x16: {  	s3 =	sld [smem:$0x3FDB];
	s0 =	simm.s32 @p2 $0x1  }
0x17: {  	s4 =	simm.s32 $0x1BF5;
	[smem:$0x3F5E] =	sst s0  }
0x18: {  	s0 =	sld [smem:$0x3F41];
	_ =	swait.ge [sflag:s4], $0x0  }
0x19: {  	s7 =	sld [smem:$0x3F42]  }
0x1a: {  	s8 =	sadd.s32 $0xFFFFE003, lr  }
0x1b: {  	s9 =	sadd.s32 $0xFFFFFEF7, lr;
	s5 =	simm.s32 $0xFFFFFFFF;
	p2 =	slt.u32 s8, $0xFFFFF086  }
0x1c: {  	p1 =	slt.u32 s9, $0xF7A;
	s5 =	simm.s32 @!p2 $0x0  }
0x1d: {  	s5 =	simm.s32 @p1 $0x1;
	p0 =	seq.s32 s7, s2  }
0x1e: {  	s7 =	smul.u32 @!p0 $0xF7A, s2;
	p2 =	seq.s32 @!p0 s5, $0x0  }
0x1f: {  	s9 =	smul.u32 $0xF7A, s1;
	s8 =	simm.s32 @!p0 $0x1BF5;
	p2 =	por !p2, p0  }
0x20: {  	[sflag:s8] =	ssyncset.s32 @!p0 $0xFFFFF086;
	s6 =	sadd.s32 @!p0 s3, s7;
	s7 =	simm.s32 @!p0 $0x108  }
0x21: {  	s3 =	sadd.s32 s3, s9;
	s6 =	sadd.s32 @!p0 $0x88, s6;
	s7 =	simm.s32 @p2 $0x1082  }
0x22: {  	[simem:s7], [sflag:s8] =	dma.local @!p0 [hbm:s6], $0xF7A  }
0x23: {  	s9 =	sor.u32 $0xD0000000, s2;
	s6 =	simm.s32 $0x108;
	_ =	swait.ge @!p0 [sflag:s8], $0x0  }
0x24: {  	s3 =	sadd.s32 $0x88, s3;
	s6 =	simm.s32 @!p1 $0x1082;
	[sflag:s4] =	ssyncset.s32 $0xFFFFF086  }
0x25: {  	[simem:s6], [sflag:s4] =	dma.local [hbm:s3], $0xF7A  }
0x26: {  	[smem:$0x3F42] =	sst s1;
	(tag) =	ssettag s2;
	_ =	strace s9  }
0x27: {  	s1 =	sld [smem:$0x3F52]  }
0x28: {  	s2 =	sld [smem:$0x3F53]  }
0x29: {  	s4 =	sld [smem:$0x3F55]  }
0x2a: {  	p0 =	seq.s32 s5, $0x0;
	s5 =	sld [smem:$0x3F56]  }
0x2b: {  	s6 =	sld [smem:$0x3F57]  }
0x2c: {  	s7 =	sld [smem:$0x3F58]  }
0x2d: {  	s3 =	simm.s32 $0x108;
	s8 =	sld [smem:$0x3F59]  }
0x2e: {  	s3 =	simm.s32 @!p0 $0x1082;
	s9 =	sld [smem:$0x3F5A]  }
0x2f: {  	lr =	sadd.s32 s0, s3;
	s0 =	sld [smem:$0x3F51]  }
0x30: {  	s3 =	sld [smem:$0x3F54]  }
0x31: {  	[smem:$0x3F5D] =	sst s10  }
0x32: {  	s10 =	sld [smem:$0x3F5B];
	_ =	sdelay $0x3  }
0x33: {  	p0 =	seq.s32 s10, $0x1;
	s10 =	sld [smem:$0x3F5D];
	_ =	sdelay $0x3  }
0x34: {  	[smem:$0x3F5D] =	sst s10  }
0x35: {  	s10 =	sld [smem:$0x3F5C];
	_ =	sdelay $0x3  }
0x36: {  	p1 =	seq.s32 s10, $0x1;
	s10 =	sld [smem:$0x3F5D];
	_ =	sdelay $0x3  }
0x37: {  	[smem:$0x3F5D] =	sst s10  }
0x38: {  	s10 =	sld [smem:$0x3F5E]  }
0x39: {  	_ = 	snop;
	(pc) =	sbr.ind lr, $3  }
0x3a: {  	_ = 	snop  }
0x3b: {  	_ = 	snop  }
0x3c: {  	p2 =	seq.s32 s10, $0x1;
	s10 =	sld [smem:$0x3F5D]  }
0x3d: {  	_ =	shalt  }
0x3e: {  	_ =	shalt  }
0x3f: {  	_ =	shalt  }
0x40: {  	_ =	shalt  }
0x41: {  	_ =	shalt  }
0x42: {  	_ =	shalt  }
0x43: {  	_ =	shalt  }
0x44: {  	_ =	shalt  }
0x45: {  	_ =	shalt  }
0x46: {  	_ =	shalt  }
0x47: {  	_ =	shalt  }
0x48: {  	_ =	shalt  }
0x49: {  	_ =	shalt  }
0x4a: {  	_ =	shalt  }
0x4b: {  	_ =	shalt  }
0x4c: {  	_ =	shalt  }
0x4d: {  	_ =	shalt  }
0x4e: {  	_ =	shalt  }
0x4f: {  	_ =	shalt  }
0x50: {  	_ =	shalt  }
0x51: {  	_ =	shalt  }
0x52: {  	_ =	shalt  }
0x53: {  	_ =	shalt  }
0x54: {  	_ =	shalt  }
0x55: {  	_ =	shalt  }
0x56: {  	_ =	shalt  }
0x57: {  	_ =	shalt  }
0x58: {  	_ =	shalt  }
0x59: {  	_ =	shalt  }
0x5a: {  	_ =	shalt  }
0x5b: {  	_ =	shalt  }
0x5c: {  	_ =	shalt  }
0x5d: {  	_ =	shalt  }
0x5e: {  	_ =	shalt  }
0x5f: {  	_ =	shalt  }
0x60: {  	_ =	shalt  }
0x61: {  	_ =	shalt  }
0x62: {  	_ =	shalt  }
0x63: {  	_ =	shalt  }
0x64: {  	_ =	shalt  }
0x65: {  	_ =	shalt  }
0x66: {  	_ =	shalt  }
0x67: {  	_ =	shalt  }
0x68: {  	_ =	shalt  }
0x69: {  	_ =	shalt  }
0x6a: {  	_ =	shalt  }
0x6b: {  	_ =	shalt  }
0x6c: {  	_ =	shalt  }
0x6d: {  	_ =	shalt  }
0x6e: {  	_ =	shalt  }
0x6f: {  	_ =	shalt  }
0x70: {  	_ =	shalt  }
0x71: {  	_ =	shalt  }
0x72: {  	_ =	shalt  }
0x73: {  	_ =	shalt  }
0x74: {  	_ =	shalt  }
0x75: {  	_ =	shalt  }
0x76: {  	_ =	shalt  }
0x77: {  	_ =	shalt  }
0x78: {  	_ =	shalt  }
0x79: {  	_ =	shalt  }
0x7a: {  	_ =	shalt  }
0x7b: {  	_ =	shalt  }
0x7c: {  	_ =	shalt  }
0x7d: {  	_ =	shalt  }
0x7e: {  	_ =	shalt  }
0x7f: {  	_ =	shalt  }
0x80: {  	_ =	shalt  }
0x81: {  	_ =	shalt  }
0x82: {  	_ =	shalt  }
0x83: {  	_ =	shalt  }
0x84: {  	_ =	shalt  }
0x85: {  	_ =	shalt  }
0x86: {  	_ =	shalt  }
0x87: {  	_ =	shalt  }
.Lfunc_end0:
.L_simem_size_0:
called_computation.1_lowered:
.L_overlay_start_0:
0x88: {  	s2 =	sld [smem:$0x3FD9]  }
0x89: {  	s3 =	sld [smem:$0x3FFE];
	_ =	sdelay $0x1  }
0x8a: {  	s1 =	srdreg.scid  }
0x8b: {  	s0 =	sand.u32 $0x1, s1  }
0x8c: {  	s16 =	sshll.u32 s0, $0xA;
	s2 =	sadd.s32 s3, s2  }
0x8d: {  	s2 =	sadd.s32 s2, s16  }
0x8e: {  	[smem:$0x3F69] =	sst s2  }
0x8f: {  	_ = 	snop  }
0x90: {  	(tm) =	ssettm $0x1  }
0x91: {  	s17 =	sld [smem:$0x3FFB];
	_ =	sdelay $0x3  }
0x92: {  	_ =	strace s17  }
0x93: {  	s2 =	sld [smem:$0x3FFC];
	_ =	sdelay $0x3  }
0x94: {  	_ =	strace s2  }
0x95: {  	s2 =	sld [smem:$0x3FFD];
	_ =	sdelay $0x3  }
0x96: {  	_ =	strace s2  }
0x97: {  	_ =	strace $0x8FFFFFFF  }
0x98: {  	s18 =	sld [smem:$0x3FDB];
	_ =	sdelay $0x1  }
0x99: {  	s19 =	simm.s32 $_scs_section_size  }
0x9a: {  	s4 =	simm.s32 $_size__tile_overlayer_lowered;
	s5 =	simm.s32 $_tile_overlayer_lowered  }
0x9b: {  	s22 =	simm.s32 $0x1BFF;
	s21 =	sshll.u32 s5, $0x1;
	s2 =	sadd.s32 s19, s18  }
0x9c: {  	s6 =	simm.s32 $0x0;
	s20 =	sshll.u32 s4, $0x1;
	s4 =	sadd.s32 s21, s2  }
0x9d: {  	[timem:s6], [sflag:s22] =	dma.local [hbm:s4], s20  }
0x9e: {  	_ =	swait.ge [sflag:s22], s20  }
0x9f: {  	s3 =	ssub.s32 $0x0, s20;
	[sflag:s22] =	ssyncset.done $0x0  }
0xa0: {  	[sflag:s22] =	ssyncadd.s32 s3;
	_ =	sdelay $0x1  }
0xa1: {  	s23 =	simm.s32 $0x1B8B  }
0xa2: {  	_ =	swait.ge [sflag:s23], $0x1  }
0xa3: {  	[sflag:s23] =	ssyncset.done $0x0  }
0xa4: {  	s25 =	simm.s32 $0x1B8E;
	s24 =	sld [smem:$0x3FFE];
	[sflag:s23] =	ssyncadd.s32 $0xFFFFFFFF  }
0xa5: {  	s26 =	simm.s32 $execute0_lowered;
	[smem:$0x3FD2] =	sst s25  }
0xa6: {  	s4 =	sshll.u32 s26, $0x1;
	_ =	strace $0x80000049;
	[dreg:$0x1] =	wrdreg $0xFFFFFFFF  }
0xa7: {  	s28 =	simm.s32 $_size_execute0_lowered;
	s2 =	sadd.s32 s2, s4;
	[dreg:$0x0] =	wrdreg $0x0  }
0xa8: {  	s4 =	sshll.u32 s28, $0x1;
	[dreg:$0x2] =	wrdreg s2  }
0xa9: {  	[dreg:$0x3] =	wrdreg s4  }
0xaa: {  	[dreg:$0x4] =	wrdreg $0xC0  }
0xab: {  	_ =	task [dreg:s6], $0x5FFFF  }
0xac: {  	[dreg:$0x1] =	wrdreg $0xFFFFFFFF  }
0xad: {  	[dreg:$0x0] =	wrdreg $0x60  }
0xae: {  	[dreg:$0x2] =	wrdreg s24  }
0xaf: {  	[dreg:$0x3] =	wrdreg $0x94000  }
0xb0: {  	[dreg:$0x4] =	wrdreg $0x9  }
0xb1: {  	_ =	task.clear_ibuf [dreg:s6], $0x5FFFF;
	_ =	strace $0x90000049  }
0xb2: {  	s29 =	simm.s32 $0x9;
	_ =	strace $0x8000004B  }
0xb3: {  	_ =	swait.ge [sflag:s29], $0x1  }
0xb4: {  	[sflag:s29] =	ssyncadd.s32 $0xFFFFFFFF  }
0xb5: {  	_ =	strace $0x9000004B  }
0xb6: {  	_ =	sfence  }
0xb7: {  	s30 =	sld [smem:$0x0];
	_ =	sdelay $0x2  }
0xb8: {  	s31 =	sshll.u32 s1, $0xD;
	s1 =	sshrl.u32 s1, $0x2  }
0xb9: {  	s3 =	sand.u32 $0x4000, s31;
	s1 =	sadd.s32 s1, s30  }
0xba: {  	s0 =	sor.u32 s3, s0;
	s1 =	sshll.u32 s1, $0x11  }
0xbb: {  	s0 =	sor.u32 s1, s0  }
0xbc: {  	s0 =	sadd.s32 $0x8F2B, s0  }
0xbd: {  	[sflag:s0] =	ssyncadd.remote.s32 $0x1  }
0xbe: {  	_ =	sfence.sel $0xFFFF  }
0xbf: {  	[dreg:$0x0] =	wrdreg $0xFFFFFFFF;
	(pc) =	sbr.abs _section_cstart, $3  }
0xc0: {  	[dreg:$0x1] =	wrdreg $0xFFFFFFFF  }
0xc1: {  	_ =	task.clear_ibuf [dreg:s6], $0x2FFFF;
	_ =	strace $0x9FFFFFFF  }
0xc2: {  	(tm) =	ssettm $0x7FFFFFFF  }
0xc3: {  	_ =	shalt  }
tec
execute0_lowered:
.L_overlay_start_1:
0x0: {  	(tag) =	ssettag $0x1  }
0x1: {  	s0 =	srdreg.scid  }
0x2: {  	s6 =	rddreg [dreg:$0x0];
	s1 =	stileid.u32  }
0x3: {  	s2 =	rddreg [dreg:$0x1];
	s8 =	smul.u32 $0x13800, s1  }
0x4: {  	s3 =	simm.s32 $0x0;
	s11 =	sand.u32 $0x1, s0;
	s5 =	smul.u32 $0x4E000, s1  }
0x5: {  	[smem:$0x7FF] =	sst s3;
	s12 =	sadd.s32 $0x527C00, s6;
	s19 =	smul.u32 $0x14000, s1  }
0x6: {  	s13 =	sadd.s32 $0x7C4E00, s6;
	s24 =	sshll.u32 s1, $0x6;
	s31 =	smul.u32 $0x28, s1  }
0x7: {  	s17 =	sadd.s32 $0x138000, s2;
	p0 =	sne.s32 s1, $0xF;
	s16 =	smul.u32 $0x138800, s11  }
0x8: {  	s4 =	sshll.u32 s11, $0x4;
	_ =	strace $0x8000004A;
	s18 =	smul.u32 $0x140000, s11  }
0x9: {  	s9 =	ssub.s32 $0x2, s11;
	s28 =	smul.u32 $0x280, s11;
	s17 =	sshrl.u32 @!p0 s17, $0x3  }
0xa: {  	s20 =	sor.u32 s1, s4;
	s23 =	sshrl.u32 s8, $0x3;
	s10 =	sshrl.u32 s9, $0x1  }
0xb: {  	s5 =	sshrl.u32 s5, $0x2;
	s4 =	smul.u32 $0x280, s20;
	s14 =	ssub.s32 s9, s10  }
0xc: {  	s15 =	sadd.s32 s5, s2;
	s5 =	sor.u32 $0x1C05, s24;
	s25 =	smul.u32 $0x14000, s20  }
0xd: {  	s26 =	sadd.s32 s8, s16;
	s16 =	sshrl.u32 s16, $0x3;
	p1 =	seq.s32 s20, $0x1F  }
0xe: {  	s20 =	simm.s32 $0x0;
	s10 =	sshrl.u32 s26, $0x3;
	s29 =	sadd.s32 s13, s16  }
0xf: {  	s15 =	sshrl.u32 s15, $0x3;
	s16 =	simm.s32 $0x5;
	s7 =	sadd.s32 s4, s6  }
0x10: {  	s4 =	sadd.s32 s23, s6;
	s6 =	sadd.s32 $0x7C4C00, s6;
	s8 =	sadd.s32 s12, s25  }
0x11: {  	s12 =	sadd.s32 s18, s12;
	s11 =	sadd.s32 $0x27000, s29;
	s18 =	simm.s32 $0x1400  }
0x12: {  	s10 =	sadd.s32 s13, s10;
	s4 =	sadd.s32 $0x79DC00, s4;
	s7 =	sadd.s32 $0x798C00, s7  }
0x13: {  	s9 =	sadd.s32 $0x800, s8;
	s30 =	sadd.s32 s19, s12;
	s12 =	smax.u32 s14, $0x1  }
0x14: {  	s14 =	sadd.s32 s31, s28;
	s19 =	simm.s32 $0x5400;
	s13 =	sadd.s32 $0x1800, s30  }
.LBB2_1:
0x15: {  	[spmem:s15], [sflag:s5] =	dma.local [hbm:s4], $0x2700  }
0x16: {  	_ =	swait.ge [sflag:s16], $0x2700  }
0x17: {  	[sflag:s16] =	ssyncset.done $0x0  }
0x18: {  	s21 =	simm.s32 @!p0 $0x5;
	[sflag:s16] =	ssyncadd.s32 $0xFFFFD900  }
0x19: {  	[spmem:s17], [sflag:s5] =	dma.local @!p0 [hbm:s6], $0x100  }
0x1a: {  	_ =	swait.ge @!p0 [sflag:s21], $0x100  }
0x1b: {  	[sflag:s21] =	ssyncset.done @!p0 $0x0  }
0x1c: {  	[sflag:s21] =	ssyncadd.s32 @!p0 $0xFFFFFF00  }
0x1d: {  	[tilespmem:s3], [sflag:$0x5] =	stream.linear.gather [hbm4b:s7+s3], $0x1400, $0x38;
	[tilespmem:$0x1CC80] =	vst v63  }
0x1e: {  	_ =	swait.ge [sflag:s16], $0x1400  }
0x1f: {  	[sflag:s16] =	ssyncset.done $0x0  }
0x20: {  	s25 =	sadd.s32 $0x0, s14;
	[sflag:s16] =	ssyncadd.s32 $0xFFFFEC00  }
0x21: {  	p2 =	sgt.u32 s25, $0x4E1;
	[bflag:$0x0] =	sbarrier.arrive $0xFFFF  }
0x22: {  	[tilespmem:s18], [sflag:$0x1] =	stream.linear.gather [hbm4b:s8+s3], $0x4000, $0x38;
	[tilespmem:$0x1CC80] =	vst v63  }
0x23: {  	s21 =	simm.s32 @!p2 $0x1  }
0x24: {  	[tilespmem:s19], [sflag:$0x2] =	stream.linear.gather [hbm4b:s9+s3], $0x4000, $0x38;
	[tilespmem:$0x1CC80] =	vst v63  }
0x25: {  	_ =	swait.ge @!p2 [sflag:s21], $0x4000  }
0x26: {  	s22 =	simm.s32 @!p2 $0x1400;
	s23 =	simm.s32 @!p2 $0x2;
	[sflag:s21] =	ssyncset.done @!p2 $0x0  }
0x27: {  	s24 =	simm.s32 @!p2 $0x0;
	s26 =	simm.s32 @!p2 $0x80;
	[sflag:s21] =	ssyncadd.s32 @!p2 $0xFFFFC000  }
0x28: {  	[spmem:s2] =	stream.indirect.scatter.add.f32 @!p2 [tilespmem:s22], [sflag:$0x3], $0x80, s24, s26, $0xb8;
	[tilespmem:$0x1CC80] =	vst v63  }
0x29: {  	_ =	swait.ge @!p2 [sflag:s23], $0x4000;
	p2 =	por p2, p2  }
0x2a: {  	s31 =	sadd.s32 $0x2, s25;
	s21 =	simm.s32 $0x80;
	[sflag:s23] =	ssyncset.done @!p2 $0x0  }
0x2b: {  	s22 =	simm.s32 @!p2 $0x5400;
	s28 =	simm.s32 @!p2 $0x3;
	[sflag:s23] =	ssyncadd.s32 @!p2 $0xFFFFC000  }
0x2c: {  	[spmem:s2] =	stream.indirect.scatter.add.f32 @!p2 [tilespmem:s22], [sflag:$0x4], $0x80, s21, s26, $0xb8;
	[tilespmem:$0x1CC80] =	vst v63  }
0x2d: {  	p3 =	sgt.u32 s31, $0x4E1;
	s24 =	simm.s32 $0x4;
	_ =	swait.ge @!p2 [sflag:s28], $0x4000  }
0x2e: {  	s23 =	simm.s32 @!p3 $0x1400;
	s21 =	sadd.s32 @!p3 $0xFFFFF800, s13;
	[sflag:s28] =	ssyncset.done @!p2 $0x0  }
0x2f: {  	s22 =	simm.s32 @!p3 $0x0;
	s26 =	simm.s32 @!p2 $0x4;
	[sflag:s28] =	ssyncadd.s32 @!p2 $0xFFFFC000  }
0x30: {  	[tilespmem:s23], [sflag:$0x1] =	stream.linear.gather @!p3 [hbm4b:s21+s22], $0x4000, $0x38;
	[tilespmem:$0x1CC80] =	vst v63  }
0x31: {  	s28 =	sadd.s32 $0x3, s25;
	s25 =	smov.u32 s13;
	s21 =	sadd.s32 $0x1000, s13  }
0x32: {  	s23 =	simm.s32 $0x180;
	s22 =	sadd.s32 $0x2, s14;
	_ =	swait.ge @!p2 [sflag:s26], $0x4000  }
.LBB2_2:
0x33: {  	p4 =	sgt.u32 s22, $0x4E1;
	[sflag:s26] =	ssyncset.done @!p2 $0x0;
	p3 =	sgt.u32 s28, $0x4E1  }
0x34: {  	s28 =	simm.s32 @!p4 $0x1;
	[sflag:s26] =	ssyncadd.s32 @!p2 $0xFFFFC000;
	s26 =	simm.s32 @!p3 $0x0  }
0x35: {  	s30 =	smov.u32 s24;
	s24 =	sadd.s32 $0x2, s24;
	s29 =	simm.s32 @!p3 $0x5400  }
0x36: {  	[tilespmem:s29], [sflag:$0x2] =	stream.linear.gather @!p3 [hbm4b:s25+s26], $0x4000, $0x38;
	[tilespmem:$0x1CC80] =	vst v63  }
0x37: {  	s26 =	simm.s32 @!p4 $0x1400;
	s29 =	simm.s32 @!p4 $0x2;
	_ =	swait.ge @!p4 [sflag:s28], $0x4000  }
0x38: {  	s31 =	sadd.s32 @!p4 $0xFFFFFF80, s23;
	s0 =	simm.s32 @!p4 $0x80;
	[sflag:s28] =	ssyncset.done @!p4 $0x0  }
0x39: {  	p3 =	sne.s32 s24, $0x26;
	s25 =	smov.u32 s21;
	[sflag:s28] =	ssyncadd.s32 @!p4 $0xFFFFC000  }
0x3a: {  	[spmem:s2] =	stream.indirect.scatter.add.f32 @!p4 [tilespmem:s26], [sflag:$0x3], $0x80, s31, s0, $0xb8;
	[tilespmem:$0x1CC80] =	vst v63  }
0x3b: {  	p2 =	por p4, p4;
	_ =	swait.ge @!p4 [sflag:s29], $0x4000  }
0x3c: {  	s28 =	simm.s32 @!p2 $0x3;
	s26 =	simm.s32 @!p2 $0x5400;
	[sflag:s29] =	ssyncset.done @!p2 $0x0  }
0x3d: {  	s21 =	sadd.s32 $0x1000, s21;
	[sflag:s29] =	ssyncadd.s32 @!p2 $0xFFFFC000;
	s29 =	sadd.s32 $0x2, s22  }
0x3e: {  	[spmem:s2] =	stream.indirect.scatter.add.f32 @!p2 [tilespmem:s26], [sflag:$0x4], $0x80, s23, s0, $0xb8;
	[tilespmem:$0x1CC80] =	vst v63  }
0x3f: {  	p4 =	sgt.u32 s29, $0x4E1  }
.Ltmp0:
0x40: {  	s23 =	sadd.s32 $0x100, s23;
	_ =	swait.ge @!p2 [sflag:s28], $0x4000;
	(pc) =	sbr.rel @p3 .LBB2_2-.Ltmp0, $4  }
0x41: {  	s0 =	sadd.s32 @!p4 $0xFFFFF800, s25;
	s29 =	simm.s32 @!p4 $0x0;
	[sflag:s28] =	ssyncset.done @!p2 $0x0  }
0x42: {  	s26 =	simm.s32 @!p2 $0x4;
	[sflag:s28] =	ssyncadd.s32 @!p2 $0xFFFFC000;
	s28 =	simm.s32 @!p4 $0x1400  }
0x43: {  	[tilespmem:s28], [sflag:$0x1] =	stream.linear.gather @!p4 [hbm4b:s0+s29], $0x4000, $0x38;
	[tilespmem:$0x1CC80] =	vst v63  }
0x44: {  	s28 =	sadd.s32 $0x3, s22;
	s22 =	sadd.s32 s30, s14;
	_ =	swait.ge @!p2 [sflag:s26], $0x4000  }
0x45: {  	p3 =	sgt.u32 s22, $0x4E1  }
0x46: {  	[sflag:s26] =	ssyncset.done @!p2 $0x0;
	p4 =	sgt.u32 s28, $0x4E1;
	s0 =	simm.s32 @!p3 $0x1  }
0x47: {  	[sflag:s26] =	ssyncadd.s32 @!p2 $0xFFFFC000;
	s24 =	simm.s32 @!p4 $0x0;
	s26 =	simm.s32 @!p4 $0x5400  }
0x48: {  	[tilespmem:s26], [sflag:$0x2] =	stream.linear.gather @!p4 [hbm4b:s25+s24], $0x4000, $0x38;
	[tilespmem:$0x1CC80] =	vst v63  }
0x49: {  	_ =	swait.ge @!p3 [sflag:s0], $0x4000  }
0x4a: {  	s28 =	simm.s32 @!p3 $0x80;
	s24 =	simm.s32 @!p3 $0x1400;
	[sflag:s0] =	ssyncset.done @!p3 $0x0  }
0x4b: {  	s25 =	simm.s32 @!p3 $0x2;
	s26 =	sadd.s32 @!p3 $0xFFFFFF80, s23;
	[sflag:s0] =	ssyncadd.s32 @!p3 $0xFFFFC000  }
0x4c: {  	[spmem:s2] =	stream.indirect.scatter.add.f32 @!p3 [tilespmem:s24], [sflag:$0x3], $0x80, s26, s28, $0xb8;
	[tilespmem:$0x1CC80] =	vst v63  }
0x4d: {  	p2 =	por p3, p3;
	_ =	swait.ge @!p3 [sflag:s25], $0x4000  }
0x4e: {  	s30 =	sadd.s32 $0x2, s22;
	[sflag:s25] =	ssyncset.done @!p2 $0x0  }
0x4f: {  	s0 =	simm.s32 @!p2 $0x5400;
	s24 =	simm.s32 @!p2 $0x3;
	[sflag:s25] =	ssyncadd.s32 @!p2 $0xFFFFC000  }
0x50: {  	[spmem:s2] =	stream.indirect.scatter.add.f32 @!p2 [tilespmem:s0], [sflag:$0x4], $0x80, s23, s28, $0xb8;
	[tilespmem:$0x1CC80] =	vst v63  }
0x51: {  	p3 =	sgt.u32 s30, $0x4E1;
	_ =	swait.ge @!p2 [sflag:s24], $0x4000  }
0x52: {  	s25 =	simm.s32 @!p2 $0x4;
	s0 =	sadd.s32 @!p3 $0xFFFFF800, s21;
	[sflag:s24] =	ssyncset.done @!p2 $0x0  }
0x53: {  	s23 =	simm.s32 @!p3 $0x0;
	[sflag:s24] =	ssyncadd.s32 @!p2 $0xFFFFC000;
	s24 =	simm.s32 @!p3 $0x1400  }
0x54: {  	[tilespmem:s24], [sflag:$0x1] =	stream.linear.gather @!p3 [hbm4b:s0+s23], $0x4000, $0x38;
	[tilespmem:$0x1CC80] =	vst v63  }
0x55: {  	s31 =	sadd.s32 $0x3, s22;
	_ =	swait.ge @!p2 [sflag:s25], $0x4000  }
0x56: {  	p3 =	sgt.u32 s31, $0x4E1;
	[sflag:s25] =	ssyncset.done @!p2 $0x0  }
0x57: {  	s0 =	simm.s32 @!p3 $0x0;
	s22 =	simm.s32 @!p3 $0x5400;
	[sflag:s25] =	ssyncadd.s32 @!p2 $0xFFFFC000  }
0x58: {  	[tilespmem:s22], [sflag:$0x2] =	stream.linear.gather @!p3 [hbm4b:s21+s0], $0x4000, $0x38;
	[tilespmem:$0x1CC80] =	vst v63  }
0x59: {  	s0 =	simm.s32 @!p1 $0x1  }
0x5a: {  	_ =	swait.ge @!p1 [sflag:s0], $0x4000  }
0x5b: {  	s21 =	simm.s32 @!p1 $0x1300;
	[sflag:s0] =	ssyncset.done @!p1 $0x0  }
0x5c: {  	s22 =	simm.s32 @!p1 $0x1400;
	[sflag:s0] =	ssyncadd.s32 @!p1 $0xFFFFC000;
	s0 =	simm.s32 @!p1 $0x80  }
0x5d: {  	[spmem:s2] =	stream.indirect.scatter.add.f32 @!p1 [tilespmem:s22], [sflag:$0x3], $0x80, s21, s0, $0xb8;
	[tilespmem:$0x1CC80] =	vst v63  }
0x5e: {  	s21 =	simm.s32 @!p1 $0x2  }
0x5f: {  	_ =	swait.ge @!p1 [sflag:s21], $0x4000  }
0x60: {  	[sflag:s21] =	ssyncset.done @!p1 $0x0  }
0x61: {  	s22 =	simm.s32 @!p1 $0x5400;
	[sflag:s21] =	ssyncadd.s32 @!p1 $0xFFFFC000;
	s21 =	simm.s32 @!p1 $0x1380  }
0x62: {  	[spmem:s2] =	stream.indirect.scatter.add.f32 @!p1 [tilespmem:s22], [sflag:$0x4], $0x80, s21, s0, $0xb8;
	[tilespmem:$0x1CC80] =	vst v63  }
0x63: {  	s0 =	simm.s32 @!p1 $0x3  }
0x64: {  	_ =	swait.ge @!p1 [sflag:s0], $0x4000  }
0x65: {  	[sflag:s0] =	ssyncset.done @!p1 $0x0  }
0x66: {  	[sflag:s0] =	ssyncadd.s32 @!p1 $0xFFFFC000;
	s0 =	simm.s32 @!p1 $0x4  }
0x67: {  	_ =	swait.ge @!p1 [sflag:s0], $0x4000  }
0x68: {  	[sflag:s0] =	ssyncset.done @!p1 $0x0  }
0x69: {  	[sflag:s0] =	ssyncadd.s32 @!p1 $0xFFFFC000  }
0x6a: {  	[bflag:$0x0] =	sbarrier.arrive $0xFFFF  }
0x6b: {  	[hbm:s10], [sflag:s5] =	dma.local [spmem:s15], $0x2700  }
0x6c: {  	s20 =	sadd.s32 $0x1, s20;
	_ =	swait.ge [sflag:s16], $0x2700  }
0x6d: {  	p2 =	sne.s32 s20, s12;
	[sflag:s16] =	ssyncset.done $0x0  }
.Ltmp1:
0x6e: {  	s0 =	simm.s32 @!p0 $0x5;
	[sflag:s16] =	ssyncadd.s32 $0xFFFFD900;
	(pc) =	sbr.rel @p2 .LBB2_1-.Ltmp1, $4  }
0x6f: {  	[hbm:s11], [sflag:s5] =	dma.local @!p0 [spmem:s17], $0x100  }
0x70: {  	_ =	swait.ge @!p0 [sflag:s0], $0x100  }
0x71: {  	[sflag:s0] =	ssyncset.done @!p0 $0x0  }
0x72: {  	[sflag:s0] =	ssyncadd.s32 @!p0 $0xFFFFFF00  }
0x73: {  	_ =	sfence.sel $0x180000  }
0x74: {  	[bflag:$0x0] =	sbarrier.arrive $0xFFFF  }
0x75: {  	_ =	strace $0x9000004A  }
0x76: {  	[bflag:$0x2] =	sbarrier.arrive $0xFFFF  }
0x77: {  	p0 =	sne.s32 s1, $0x0;
	s0 =	rddreg [dreg:$0x2]  }
0x78: {  	s0 =	sadd.s32 @!p0 $0x100000, s0  }
0x79: {  	[sflag:s0] =	ssyncadd.tile.s32 @!p0 $0x1;
	_ =	shalt  }
.Lfunc_end2:
_tile_overlayer_lowered:
.L_overlay_start_2:
0x7a: {  	(tag) =	ssettag $0x2  }
0x7b: {  	s0 =	rddreg [dreg:$0x0];
	s2 =	stileid.u32  }
0x7c: {  	s1 =	rddreg [dreg:$0x1];
	p0 =	sne.s32 s2, $0x0  }
0x7d: {  	s3 =	rddreg [dreg:$0x2];
	[bflag:$0x3] =	sbarrier.arrive $0xFFFF;
	s2 =	simm.s32 @!p0 $0x1C05  }
0x7e: {  	[timem:s3], [sflag:s2] =	dma.local @!p0 [hbm:s0], s1  }
0x7f: {  	s0 =	simm.s32 @!p0 $0x5  }
0x80: {  	_ =	swait.ge @!p0 [sflag:s0], s1  }
0x81: {  	s1 =	ssub.s32 @!p0 $0x0, s1;
	[sflag:s0] =	ssyncset.done @!p0 $0x0  }
0x82: {  	[sflag:s0] =	ssyncadd.s32 @!p0 s1  }
0x83: {  	[bflag:$0x3] =	sbarrier.arrive $0xFFFF  }
0x84: {  	_ =	shalt  }

// kernel: kernel.28.cloned.1.call-start
scs
__scs_entry_jumppad:
0x0: {  	(pc) =	sbr.rel $0x88, $3  }
0x1: {  	(tag) =	ssettag $0x0;
	lr =	simm.s32 $0x1  }
0x2: {  	[smem:$0x3F42] =	sst lr;
	_ =	strace $0xD0000000  }
0x3: {  	_ = 	snop  }
0x4: {  	_ = 	snop  }
0x5: {  	_ = 	snop  }
0x6: {  	_ = 	snop  }
0x7: {  	_ = 	snop  }
__scs_overlays_trampoline_lowered:
0x8: {  	[smem:$0x3F51] =	sst s0  }
0x9: {  	[smem:$0x3F52] =	sst s1  }
0xa: {  	[smem:$0x3F53] =	sst s2  }
0xb: {  	[smem:$0x3F54] =	sst s3  }
0xc: {  	[smem:$0x3F55] =	sst s4  }
0xd: {  	[smem:$0x3F56] =	sst s5  }
0xe: {  	[smem:$0x3F57] =	sst s6  }
0xf: {  	[smem:$0x3F58] =	sst s7  }
0x10: {  	[smem:$0x3F59] =	sst s8  }
0x11: {  	[smem:$0x3F5A] =	sst s9;
	s0 =	simm.s32 @!p0 $0x0  }
0x12: {  	s1 =	sld [smem:$0x3F40];
	s0 =	simm.s32 @p0 $0x1  }
0x13: {  	[smem:$0x3F5B] =	sst s0;
	s0 =	simm.s32 @!p1 $0x0  }
0x14: {  	s2 =	sld [smem:$0x3F3F];
	s0 =	simm.s32 @p1 $0x1  }
0x15: {  	[smem:$0x3F5C] =	sst s0;
	s0 =	simm.s32 @!p2 $0x0  }
0x16: {  	s3 =	sld [smem:$0x3FDB];
	s0 =	simm.s32 @p2 $0x1  }
0x17: {  	s4 =	simm.s32 $0x1BF5;
	[smem:$0x3F5E] =	sst s0  }
0x18: {  	s0 =	sld [smem:$0x3F41];
	_ =	swait.ge [sflag:s4], $0x0  }
0x19: {  	s7 =	sld [smem:$0x3F42]  }
0x1a: {  	s8 =	sadd.s32 $0xFFFFE003, lr  }
0x1b: {  	s9 =	sadd.s32 $0xFFFFFEF7, lr;
	s5 =	simm.s32 $0xFFFFFFFF;
	p2 =	slt.u32 s8, $0xFFFFF086  }
0x1c: {  	p1 =	slt.u32 s9, $0xF7A;
	s5 =	simm.s32 @!p2 $0x0  }
0x1d: {  	s5 =	simm.s32 @p1 $0x1;
	p0 =	seq.s32 s7, s2  }
0x1e: {  	s7 =	smul.u32 @!p0 $0xF7A, s2;
	p2 =	seq.s32 @!p0 s5, $0x0  }
0x1f: {  	s9 =	smul.u32 $0xF7A, s1;
	s8 =	simm.s32 @!p0 $0x1BF5;
	p2 =	por !p2, p0  }
0x20: {  	[sflag:s8] =	ssyncset.s32 @!p0 $0xFFFFF086;
	s6 =	sadd.s32 @!p0 s3, s7;
	s7 =	simm.s32 @!p0 $0x108  }
0x21: {  	s3 =	sadd.s32 s3, s9;
	s6 =	sadd.s32 @!p0 $0x88, s6;
	s7 =	simm.s32 @p2 $0x1082  }
0x22: {  	[simem:s7], [sflag:s8] =	dma.local @!p0 [hbm:s6], $0xF7A  }
0x23: {  	s9 =	sor.u32 $0xD0000000, s2;
	s6 =	simm.s32 $0x108;
	_ =	swait.ge @!p0 [sflag:s8], $0x0  }
0x24: {  	s3 =	sadd.s32 $0x88, s3;
	s6 =	simm.s32 @!p1 $0x1082;
	[sflag:s4] =	ssyncset.s32 $0xFFFFF086  }
0x25: {  	[simem:s6], [sflag:s4] =	dma.local [hbm:s3], $0xF7A  }
0x26: {  	[smem:$0x3F42] =	sst s1;
	(tag) =	ssettag s2;
	_ =	strace s9  }
0x27: {  	s1 =	sld [smem:$0x3F52]  }
0x28: {  	s2 =	sld [smem:$0x3F53]  }
0x29: {  	s4 =	sld [smem:$0x3F55]  }
0x2a: {  	p0 =	seq.s32 s5, $0x0;
	s5 =	sld [smem:$0x3F56]  }
0x2b: {  	s6 =	sld [smem:$0x3F57]  }
0x2c: {  	s7 =	sld [smem:$0x3F58]  }
0x2d: {  	s3 =	simm.s32 $0x108;
	s8 =	sld [smem:$0x3F59]  }
0x2e: {  	s3 =	simm.s32 @!p0 $0x1082;
	s9 =	sld [smem:$0x3F5A]  }
0x2f: {  	lr =	sadd.s32 s0, s3;
	s0 =	sld [smem:$0x3F51]  }
0x30: {  	s3 =	sld [smem:$0x3F54]  }
0x31: {  	[smem:$0x3F5D] =	sst s10  }
0x32: {  	s10 =	sld [smem:$0x3F5B];
	_ =	sdelay $0x3  }
0x33: {  	p0 =	seq.s32 s10, $0x1;
	s10 =	sld [smem:$0x3F5D];
	_ =	sdelay $0x3  }
0x34: {  	[smem:$0x3F5D] =	sst s10  }
0x35: {  	s10 =	sld [smem:$0x3F5C];
	_ =	sdelay $0x3  }
0x36: {  	p1 =	seq.s32 s10, $0x1;
	s10 =	sld [smem:$0x3F5D];
	_ =	sdelay $0x3  }
0x37: {  	[smem:$0x3F5D] =	sst s10  }
0x38: {  	s10 =	sld [smem:$0x3F5E]  }
0x39: {  	_ = 	snop;
	(pc) =	sbr.ind lr, $3  }
0x3a: {  	_ = 	snop  }
0x3b: {  	_ = 	snop  }
0x3c: {  	p2 =	seq.s32 s10, $0x1;
	s10 =	sld [smem:$0x3F5D]  }
0x3d: {  	_ =	shalt  }
0x3e: {  	_ =	shalt  }
0x3f: {  	_ =	shalt  }
0x40: {  	_ =	shalt  }
0x41: {  	_ =	shalt  }
0x42: {  	_ =	shalt  }
0x43: {  	_ =	shalt  }
0x44: {  	_ =	shalt  }
0x45: {  	_ =	shalt  }
0x46: {  	_ =	shalt  }
0x47: {  	_ =	shalt  }
0x48: {  	_ =	shalt  }
0x49: {  	_ =	shalt  }
0x4a: {  	_ =	shalt  }
0x4b: {  	_ =	shalt  }
0x4c: {  	_ =	shalt  }
0x4d: {  	_ =	shalt  }
0x4e: {  	_ =	shalt  }
0x4f: {  	_ =	shalt  }
0x50: {  	_ =	shalt  }
0x51: {  	_ =	shalt  }
0x52: {  	_ =	shalt  }
0x53: {  	_ =	shalt  }
0x54: {  	_ =	shalt  }
0x55: {  	_ =	shalt  }
0x56: {  	_ =	shalt  }
0x57: {  	_ =	shalt  }
0x58: {  	_ =	shalt  }
0x59: {  	_ =	shalt  }
0x5a: {  	_ =	shalt  }
0x5b: {  	_ =	shalt  }
0x5c: {  	_ =	shalt  }
0x5d: {  	_ =	shalt  }
0x5e: {  	_ =	shalt  }
0x5f: {  	_ =	shalt  }
0x60: {  	_ =	shalt  }
0x61: {  	_ =	shalt  }
0x62: {  	_ =	shalt  }
0x63: {  	_ =	shalt  }
0x64: {  	_ =	shalt  }
0x65: {  	_ =	shalt  }
0x66: {  	_ =	shalt  }
0x67: {  	_ =	shalt  }
0x68: {  	_ =	shalt  }
0x69: {  	_ =	shalt  }
0x6a: {  	_ =	shalt  }
0x6b: {  	_ =	shalt  }
0x6c: {  	_ =	shalt  }
0x6d: {  	_ =	shalt  }
0x6e: {  	_ =	shalt  }
0x6f: {  	_ =	shalt  }
0x70: {  	_ =	shalt  }
0x71: {  	_ =	shalt  }
0x72: {  	_ =	shalt  }
0x73: {  	_ =	shalt  }
0x74: {  	_ =	shalt  }
0x75: {  	_ =	shalt  }
0x76: {  	_ =	shalt  }
0x77: {  	_ =	shalt  }
0x78: {  	_ =	shalt  }
0x79: {  	_ =	shalt  }
0x7a: {  	_ =	shalt  }
0x7b: {  	_ =	shalt  }
0x7c: {  	_ =	shalt  }
0x7d: {  	_ =	shalt  }
0x7e: {  	_ =	shalt  }
0x7f: {  	_ =	shalt  }
0x80: {  	_ =	shalt  }
0x81: {  	_ =	shalt  }
0x82: {  	_ =	shalt  }
0x83: {  	_ =	shalt  }
0x84: {  	_ =	shalt  }
0x85: {  	_ =	shalt  }
0x86: {  	_ =	shalt  }
0x87: {  	_ =	shalt  }
.Lfunc_end0:
.L_simem_size_0:
called_computation.2_lowered:
.L_overlay_start_0:
0x88: {  	s2 =	sld [smem:$0x3FD9]  }
0x89: {  	s3 =	sld [smem:$0x3FFE];
	_ =	sdelay $0x1  }
0x8a: {  	s1 =	srdreg.scid  }
0x8b: {  	s0 =	sand.u32 $0x1, s1  }
0x8c: {  	s16 =	sshll.u32 s0, $0xA;
	s2 =	sadd.s32 s3, s2  }
0x8d: {  	s2 =	sadd.s32 s2, s16  }
0x8e: {  	[smem:$0x3F69] =	sst s2  }
0x8f: {  	_ = 	snop  }
0x90: {  	(tm) =	ssettm $0x1  }
0x91: {  	s17 =	sld [smem:$0x3FFB];
	_ =	sdelay $0x3  }
0x92: {  	_ =	strace s17  }
0x93: {  	s2 =	sld [smem:$0x3FFC];
	_ =	sdelay $0x3  }
0x94: {  	_ =	strace s2  }
0x95: {  	s2 =	sld [smem:$0x3FFD];
	_ =	sdelay $0x3  }
0x96: {  	_ =	strace s2  }
0x97: {  	_ =	strace $0x8FFFFFFF  }
0x98: {  	s18 =	sld [smem:$0x3FDB];
	_ =	sdelay $0x1  }
0x99: {  	s19 =	simm.s32 $_scs_section_size  }
0x9a: {  	s4 =	simm.s32 $_size__tile_overlayer_lowered;
	s5 =	simm.s32 $_tile_overlayer_lowered  }
0x9b: {  	s22 =	simm.s32 $0x1BFF;
	s21 =	sshll.u32 s5, $0x1;
	s2 =	sadd.s32 s19, s18  }
0x9c: {  	s6 =	simm.s32 $0x0;
	s20 =	sshll.u32 s4, $0x1;
	s4 =	sadd.s32 s21, s2  }
0x9d: {  	[timem:s6], [sflag:s22] =	dma.local [hbm:s4], s20  }
0x9e: {  	_ =	swait.ge [sflag:s22], s20  }
0x9f: {  	s3 =	ssub.s32 $0x0, s20;
	[sflag:s22] =	ssyncset.done $0x0  }
0xa0: {  	[sflag:s22] =	ssyncadd.s32 s3;
	_ =	sdelay $0x1  }
0xa1: {  	s23 =	simm.s32 $0x1B8B  }
0xa2: {  	_ =	swait.ge [sflag:s23], $0x1  }
0xa3: {  	[sflag:s23] =	ssyncset.done $0x0  }
0xa4: {  	s25 =	simm.s32 $0x1B8E;
	s24 =	sld [smem:$0x3FFE];
	[sflag:s23] =	ssyncadd.s32 $0xFFFFFFFF  }
0xa5: {  	s26 =	simm.s32 $execute0_lowered;
	[smem:$0x3FD2] =	sst s25  }
0xa6: {  	s4 =	sshll.u32 s26, $0x1;
	_ =	strace $0x8000004C;
	[dreg:$0x1] =	wrdreg $0xFFFFFFFF  }
0xa7: {  	s28 =	simm.s32 $_size_execute0_lowered;
	s2 =	sadd.s32 s2, s4;
	[dreg:$0x0] =	wrdreg $0x0  }
0xa8: {  	s4 =	sshll.u32 s28, $0x1;
	[dreg:$0x2] =	wrdreg s2  }
0xa9: {  	[dreg:$0x3] =	wrdreg s4  }
0xaa: {  	[dreg:$0x4] =	wrdreg $0xC0  }
0xab: {  	_ =	task [dreg:s6], $0x5FFFF  }
0xac: {  	[dreg:$0x1] =	wrdreg $0xFFFFFFFF  }
0xad: {  	[dreg:$0x0] =	wrdreg $0x60  }
0xae: {  	[dreg:$0x2] =	wrdreg s24  }
0xaf: {  	[dreg:$0x3] =	wrdreg $0x9  }
0xb0: {  	_ =	task.clear_ibuf [dreg:s6], $0x4FFFF;
	_ =	strace $0x9000004C  }
0xb1: {  	s29 =	simm.s32 $0x9;
	_ =	strace $0x8000004E  }
0xb2: {  	_ =	swait.ge [sflag:s29], $0x1  }
0xb3: {  	[sflag:s29] =	ssyncadd.s32 $0xFFFFFFFF  }
0xb4: {  	_ =	strace $0x9000004E  }
0xb5: {  	_ =	sfence  }
0xb6: {  	s30 =	sld [smem:$0x0];
	_ =	sdelay $0x2  }
0xb7: {  	s31 =	sshll.u32 s1, $0xD;
	s1 =	sshrl.u32 s1, $0x2  }
0xb8: {  	s3 =	sand.u32 $0x4000, s31;
	s1 =	sadd.s32 s1, s30  }
0xb9: {  	s0 =	sor.u32 s3, s0;
	s1 =	sshll.u32 s1, $0x11  }
0xba: {  	s0 =	sor.u32 s1, s0  }
0xbb: {  	s0 =	sadd.s32 $0x8F2B, s0  }
0xbc: {  	[sflag:s0] =	ssyncadd.remote.s32 $0x1  }
0xbd: {  	_ =	sfence.sel $0xFFFF  }
0xbe: {  	[dreg:$0x0] =	wrdreg $0xFFFFFFFF;
	(pc) =	sbr.abs _section_cstart, $3  }
0xbf: {  	[dreg:$0x1] =	wrdreg $0xFFFFFFFF  }
0xc0: {  	_ =	task.clear_ibuf [dreg:s6], $0x2FFFF;
	_ =	strace $0x9FFFFFFF  }
0xc1: {  	(tm) =	ssettm $0x7FFFFFFF  }
tec
execute0_lowered:
.L_overlay_start_1:
0x0: {  	(tag) =	ssettag $0x1  }
0x1: {  	s1 =	srdreg.scid  }
0x2: {  	s0 =	stileid.u32;
	s4 =	rddreg [dreg:$0x0]  }
0x3: {  	s2 =	simm.s32 $0x0;
	s10 =	simm.s32 $0x4F80;
	s11 =	simm.s32 $0xA0  }
0x4: {  	s12 =	simm.s32 $0x7780;
	s13 =	simm.s32 $0xF0;
	s14 =	simm.s32 $0x9F80  }
0x5: {  	s15 =	simm.s32 $0x140;
	s16 =	simm.s32 $0xC780;
	s17 =	simm.s32 $0x1  }
0x6: {  	s18 =	simm.s32 $0x2;
	s19 =	simm.s32 $0x3;
	s20 =	simm.s32 $0x4  }
0x7: {  	s21 =	simm.s32 $0x5;
	s22 =	simm.s32 $0x6;
	s23 =	simm.s32 $0x7  }
0x8: {  	s24 =	simm.s32 $0x8;
	s25 =	simm.s32 $0x9;
	s26 =	simm.s32 $0xA  }
0x9: {  	s5 =	sand.u32 $0x1, s1;
	s3 =	sshll.u32 s0, $0x1;
	s7 =	smul.u32 $0x4E200, s0  }
0xa: {  	s3 =	sor.u32 s5, s3;
	s8 =	ssub.s32 $0x2, s5;
	s5 =	smul.u32 $0x27100, s5  }
0xb: {  	s28 =	simm.s32 $0x0;
	[smem:$0x7FF] =	sst s2;
	s6 =	smul.u32 $0x2710, s3  }
.Ltmp0:
0xc: {  	_ =	strace $0x8000004D;
	s9 =	sshrl.u32 s8, $0x1;
	(pc) =	sbr.rel .LBB2_1-.Ltmp0, $4  }
0xd: {  	s3 =	sadd.s32 $0x7C4E00, s4;
	s7 =	sadd.s32 s7, s4;
	s31 =	ssub.s32 s8, s9  }
0xe: {  	s7 =	sadd.s32 s5, s7;
	s8 =	simm.s32 $0x50;
	s6 =	sshrl.u32 s6, $0x3  }
0xf: {  	s9 =	simm.s32 $0x2780;
	s5 =	smax.u32 s31, $0x1;
	s4 =	sadd.s32 s6, s4  }
0x10: {  	s6 =	sadd.s32 $0x1FE00, s7;
	s7 =	simm.s32 $0xB;
	s4 =	sadd.s32 $0x14C00, s4  }
.LBB2_4:
0x11: {  	_ =	swait.ge [sflag:s23], $0x2800  }
0x12: {  	[sflag:s23] =	ssyncset.done $0x0  }
0x13: {  	[sflag:s23] =	ssyncadd.s32 $0xFFFFD800  }
0x14: {  	_ =	swait.ge [sflag:s24], $0x2800  }
0x15: {  	[sflag:s24] =	ssyncset.done $0x0  }
0x16: {  	s28 =	sadd.s32 $0x1, s28;
	[sflag:s24] =	ssyncadd.s32 $0xFFFFD800  }
0x17: {  	p0 =	sne.s32 s28, s5;
	_ =	swait.ge [sflag:s25], $0x2800  }
.Ltmp1:
0x18: {  	[sflag:s25] =	ssyncset.done $0x0;
	(pc) =	sbr.rel @!p0 .LBB2_5-.Ltmp1, $4  }
0x19: {  	[sflag:s25] =	ssyncadd.s32 $0xFFFFD800  }
0x1a: {  	_ =	swait.ge [sflag:s26], $0x2800  }
0x1b: {  	[sflag:s26] =	ssyncset.done $0x0  }
0x1c: {  	[sflag:s26] =	ssyncadd.s32 $0xFFFFD800  }
.LBB2_1:
0x1d: {  	[tilespmem:s2], [sflag:$0xB] =	stream.linear.gather [hbm4b:s4+s2], $0x2710, $0x38;
	[tilespmem:$0xEF80] =	vst v63  }
0x1e: {  	_ =	swait.ge [sflag:s7], $0x2710  }
0x1f: {  	[sflag:s7] =	ssyncset.done $0x0  }
0x20: {  	[sflag:s7] =	ssyncadd.s32 $0xFFFFD8F0  }
0x21: {  	[tilespmem:s9], [sflag:$0x1] =	stream.indirect.gather [hbm4b:s3+s8], $0x80, s2, s8, $0xb8;
	[tilespmem:$0xEF80] =	vst v63  }
0x22: {  	_ = 	snop  }
0x23: {  	[tilespmem:s10], [sflag:$0x2] =	stream.indirect.gather [hbm4b:s3+s8], $0x80, s8, s8, $0xb8;
	[tilespmem:$0xEF80] =	vst v63  }
0x24: {  	_ = 	snop  }
0x25: {  	[tilespmem:s12], [sflag:$0x3] =	stream.indirect.gather [hbm4b:s3+s8], $0x80, s11, s8, $0xb8;
	[tilespmem:$0xEF80] =	vst v63  }
0x26: {  	_ = 	snop  }
0x27: {  	[tilespmem:s14], [sflag:$0x4] =	stream.indirect.gather [hbm4b:s3+s8], $0x80, s13, s8, $0xb8;
	[tilespmem:$0xEF80] =	vst v63  }
0x28: {  	s29 =	smov.u32 s6;
	s30 =	simm.s32 $0x0  }
0x29: {  	[tilespmem:s16], [sflag:$0x5] =	stream.indirect.gather [hbm4b:s3+s8], $0x80, s15, s8, $0xb8;
	[tilespmem:$0xEF80] =	vst v63  }
.LBB2_2:
0x2a: {  	_ =	swait.ge [sflag:s17], $0x2800  }
0x2b: {  	[sflag:s17] =	ssyncset.done $0x0  }
0x2c: {  	s31 =	sadd.s32 $0xFFFFEC00, s29;
	[sflag:s17] =	ssyncadd.s32 $0xFFFFD800  }
0x2d: {  	[hbm4b:s31+s2] =	stream.linear.scatter [tilespmem:s9], [sflag:$0x6], $0x2800, $0x38;
	[tilespmem:$0xEF80] =	vst v63  }
0x2e: {  	_ =	swait.ge [sflag:s18], $0x2800  }
0x2f: {  	[sflag:s18] =	ssyncset.done $0x0  }
0x30: {  	s1 =	sadd.s32 $0xFFFFF100, s29;
	[sflag:s18] =	ssyncadd.s32 $0xFFFFD800  }
0x31: {  	[hbm4b:s1+s2] =	stream.linear.scatter [tilespmem:s10], [sflag:$0x7], $0x2800, $0x38;
	[tilespmem:$0xEF80] =	vst v63  }
0x32: {  	_ =	swait.ge [sflag:s19], $0x2800  }
0x33: {  	[sflag:s19] =	ssyncset.done $0x0  }
0x34: {  	s1 =	sadd.s32 $0xFFFFF600, s29;
	[sflag:s19] =	ssyncadd.s32 $0xFFFFD800  }
0x35: {  	[hbm4b:s1+s2] =	stream.linear.scatter [tilespmem:s12], [sflag:$0x8], $0x2800, $0x38;
	[tilespmem:$0xEF80] =	vst v63  }
0x36: {  	_ =	swait.ge [sflag:s20], $0x2800  }
0x37: {  	[sflag:s20] =	ssyncset.done $0x0  }
0x38: {  	s1 =	sadd.s32 $0xFFFFFB00, s29;
	[sflag:s20] =	ssyncadd.s32 $0xFFFFD800  }
0x39: {  	[hbm4b:s1+s2] =	stream.linear.scatter [tilespmem:s14], [sflag:$0x9], $0x2800, $0x38;
	[tilespmem:$0xEF80] =	vst v63  }
0x3a: {  	_ =	swait.ge [sflag:s21], $0x2800  }
0x3b: {  	p0 =	seq.s32 s30, $0x9600;
	[sflag:s21] =	ssyncset.done $0x0  }
.Ltmp2:
0x3c: {  	[sflag:s21] =	ssyncadd.s32 $0xFFFFD800;
	(pc) =	sbr.rel @p0 .LBB2_4-.Ltmp2, $4  }
0x3d: {  	[hbm4b:s29+s2] =	stream.linear.scatter [tilespmem:s16], [sflag:$0xA], $0x2800, $0x38;
	[tilespmem:$0xEF80] =	vst v63  }
0x3e: {  	_ =	swait.ge [sflag:s22], $0x2800  }
0x3f: {  	[sflag:s22] =	ssyncset.done $0x0  }
0x40: {  	[sflag:s22] =	ssyncadd.s32 $0xFFFFD800  }
0x41: {  	s31 =	sshra.s32 s30, $0x2  }
0x42: {  	s1 =	sadd.s32 $0x190, s31  }
0x43: {  	[tilespmem:s9], [sflag:$0x1] =	stream.indirect.gather [hbm4b:s3+s8], $0x80, s1, s8, $0xb8;
	[tilespmem:$0xEF80] =	vst v63  }
0x44: {  	_ =	swait.ge [sflag:s23], $0x2800  }
0x45: {  	[sflag:s23] =	ssyncset.done $0x0  }
0x46: {  	s1 =	sadd.s32 $0x1E0, s31;
	[sflag:s23] =	ssyncadd.s32 $0xFFFFD800  }
0x47: {  	[tilespmem:s10], [sflag:$0x2] =	stream.indirect.gather [hbm4b:s3+s8], $0x80, s1, s8, $0xb8;
	[tilespmem:$0xEF80] =	vst v63  }
0x48: {  	_ =	swait.ge [sflag:s24], $0x2800  }
0x49: {  	[sflag:s24] =	ssyncset.done $0x0  }
0x4a: {  	s1 =	sadd.s32 $0x230, s31;
	[sflag:s24] =	ssyncadd.s32 $0xFFFFD800  }
0x4b: {  	[tilespmem:s12], [sflag:$0x3] =	stream.indirect.gather [hbm4b:s3+s8], $0x80, s1, s8, $0xb8;
	[tilespmem:$0xEF80] =	vst v63  }
0x4c: {  	_ =	swait.ge [sflag:s25], $0x2800  }
0x4d: {  	[sflag:s25] =	ssyncset.done $0x0  }
0x4e: {  	s1 =	sadd.s32 $0x280, s31;
	[sflag:s25] =	ssyncadd.s32 $0xFFFFD800  }
0x4f: {  	[tilespmem:s14], [sflag:$0x4] =	stream.indirect.gather [hbm4b:s3+s8], $0x80, s1, s8, $0xb8;
	[tilespmem:$0xEF80] =	vst v63  }
.Ltmp3:
0x50: {  	_ = 	snop;
	(pc) =	sbr.rel .LBB2_2-.Ltmp3, $4  }
0x51: {  	_ =	swait.ge [sflag:s26], $0x2800  }
0x52: {  	s30 =	sadd.s32 $0x640, s30;
	[sflag:s26] =	ssyncset.done $0x0  }
0x53: {  	s29 =	sadd.s32 $0x1900, s29;
	s31 =	sadd.s32 $0x2D0, s31;
	[sflag:s26] =	ssyncadd.s32 $0xFFFFD800  }
0x54: {  	[tilespmem:s16], [sflag:$0x5] =	stream.indirect.gather [hbm4b:s3+s8], $0x80, s31, s8, $0xb8;
	[tilespmem:$0xEF80] =	vst v63  }
.LBB2_5:
0x55: {  	_ =	sfence.sel $0x180000  }
0x56: {  	[bflag:$0x0] =	sbarrier.arrive $0xFFFF  }
0x57: {  	_ =	strace $0x9000004D  }
0x58: {  	[bflag:$0x2] =	sbarrier.arrive $0xFFFF  }
0x59: {  	p0 =	sne.s32 s0, $0x0;
	s0 =	rddreg [dreg:$0x1]  }
0x5a: {  	s0 =	sadd.s32 @!p0 $0x100000, s0  }
0x5b: {  	[sflag:s0] =	ssyncadd.tile.s32 @!p0 $0x1;
	_ =	shalt  }
.Lfunc_end2:
_tile_overlayer_lowered:
.L_overlay_start_2:
0x5c: {  	(tag) =	ssettag $0x2  }
0x5d: {  	s0 =	rddreg [dreg:$0x0];
	s2 =	stileid.u32  }
0x5e: {  	s1 =	rddreg [dreg:$0x1];
	p0 =	sne.s32 s2, $0x0  }
0x5f: {  	s3 =	rddreg [dreg:$0x2];
	[bflag:$0x3] =	sbarrier.arrive $0xFFFF;
	s2 =	simm.s32 @!p0 $0x1C0B  }
0x60: {  	[timem:s3], [sflag:s2] =	dma.local @!p0 [hbm:s0], s1  }
0x61: {  	s0 =	simm.s32 @!p0 $0xB  }
0x62: {  	_ =	swait.ge @!p0 [sflag:s0], s1  }
0x63: {  	s1 =	ssub.s32 @!p0 $0x0, s1;
	[sflag:s0] =	ssyncset.done @!p0 $0x0  }
0x64: {  	[sflag:s0] =	ssyncadd.s32 @!p0 s1  }
0x65: {  	[bflag:$0x3] =	sbarrier.arrive $0xFFFF  }
0x66: {  	_ =	shalt  }

// kernel: kernel.31.cloned.1.call-start
scs
__scs_entry_jumppad:
0x0: {  	(pc) =	sbr.rel $0x88, $3  }
0x1: {  	(tag) =	ssettag $0x0;
	lr =	simm.s32 $0x1  }
0x2: {  	[smem:$0x3F42] =	sst lr;
	_ =	strace $0xD0000000  }
0x3: {  	_ = 	snop  }
0x4: {  	_ = 	snop  }
0x5: {  	_ = 	snop  }
0x6: {  	_ = 	snop  }
0x7: {  	_ = 	snop  }
__scs_overlays_trampoline_lowered:
0x8: {  	[smem:$0x3F51] =	sst s0  }
0x9: {  	[smem:$0x3F52] =	sst s1  }
0xa: {  	[smem:$0x3F53] =	sst s2  }
0xb: {  	[smem:$0x3F54] =	sst s3  }
0xc: {  	[smem:$0x3F55] =	sst s4  }
0xd: {  	[smem:$0x3F56] =	sst s5  }
0xe: {  	[smem:$0x3F57] =	sst s6  }
0xf: {  	[smem:$0x3F58] =	sst s7  }
0x10: {  	[smem:$0x3F59] =	sst s8  }
0x11: {  	[smem:$0x3F5A] =	sst s9;
	s0 =	simm.s32 @!p0 $0x0  }
0x12: {  	s1 =	sld [smem:$0x3F40];
	s0 =	simm.s32 @p0 $0x1  }
0x13: {  	[smem:$0x3F5B] =	sst s0;
	s0 =	simm.s32 @!p1 $0x0  }
0x14: {  	s2 =	sld [smem:$0x3F3F];
	s0 =	simm.s32 @p1 $0x1  }
0x15: {  	[smem:$0x3F5C] =	sst s0;
	s0 =	simm.s32 @!p2 $0x0  }
0x16: {  	s3 =	sld [smem:$0x3FDB];
	s0 =	simm.s32 @p2 $0x1  }
0x17: {  	s4 =	simm.s32 $0x1BF5;
	[smem:$0x3F5E] =	sst s0  }
0x18: {  	s0 =	sld [smem:$0x3F41];
	_ =	swait.ge [sflag:s4], $0x0  }
0x19: {  	s7 =	sld [smem:$0x3F42]  }
0x1a: {  	s8 =	sadd.s32 $0xFFFFE003, lr  }
0x1b: {  	s9 =	sadd.s32 $0xFFFFFEF7, lr;
	s5 =	simm.s32 $0xFFFFFFFF;
	p2 =	slt.u32 s8, $0xFFFFF086  }
0x1c: {  	p1 =	slt.u32 s9, $0xF7A;
	s5 =	simm.s32 @!p2 $0x0  }
0x1d: {  	s5 =	simm.s32 @p1 $0x1;
	p0 =	seq.s32 s7, s2  }
0x1e: {  	s7 =	smul.u32 @!p0 $0xF7A, s2;
	p2 =	seq.s32 @!p0 s5, $0x0  }
0x1f: {  	s9 =	smul.u32 $0xF7A, s1;
	s8 =	simm.s32 @!p0 $0x1BF5;
	p2 =	por !p2, p0  }
0x20: {  	[sflag:s8] =	ssyncset.s32 @!p0 $0xFFFFF086;
	s6 =	sadd.s32 @!p0 s3, s7;
	s7 =	simm.s32 @!p0 $0x108  }
0x21: {  	s3 =	sadd.s32 s3, s9;
	s6 =	sadd.s32 @!p0 $0x88, s6;
	s7 =	simm.s32 @p2 $0x1082  }
0x22: {  	[simem:s7], [sflag:s8] =	dma.local @!p0 [hbm:s6], $0xF7A  }
0x23: {  	s9 =	sor.u32 $0xD0000000, s2;
	s6 =	simm.s32 $0x108;
	_ =	swait.ge @!p0 [sflag:s8], $0x0  }
0x24: {  	s3 =	sadd.s32 $0x88, s3;
	s6 =	simm.s32 @!p1 $0x1082;
	[sflag:s4] =	ssyncset.s32 $0xFFFFF086  }
0x25: {  	[simem:s6], [sflag:s4] =	dma.local [hbm:s3], $0xF7A  }
0x26: {  	[smem:$0x3F42] =	sst s1;
	(tag) =	ssettag s2;
	_ =	strace s9  }
0x27: {  	s1 =	sld [smem:$0x3F52]  }
0x28: {  	s2 =	sld [smem:$0x3F53]  }
0x29: {  	s4 =	sld [smem:$0x3F55]  }
0x2a: {  	p0 =	seq.s32 s5, $0x0;
	s5 =	sld [smem:$0x3F56]  }
0x2b: {  	s6 =	sld [smem:$0x3F57]  }
0x2c: {  	s7 =	sld [smem:$0x3F58]  }
0x2d: {  	s3 =	simm.s32 $0x108;
	s8 =	sld [smem:$0x3F59]  }
0x2e: {  	s3 =	simm.s32 @!p0 $0x1082;
	s9 =	sld [smem:$0x3F5A]  }
0x2f: {  	lr =	sadd.s32 s0, s3;
	s0 =	sld [smem:$0x3F51]  }
0x30: {  	s3 =	sld [smem:$0x3F54]  }
0x31: {  	[smem:$0x3F5D] =	sst s10  }
0x32: {  	s10 =	sld [smem:$0x3F5B];
	_ =	sdelay $0x3  }
0x33: {  	p0 =	seq.s32 s10, $0x1;
	s10 =	sld [smem:$0x3F5D];
	_ =	sdelay $0x3  }
0x34: {  	[smem:$0x3F5D] =	sst s10  }
0x35: {  	s10 =	sld [smem:$0x3F5C];
	_ =	sdelay $0x3  }
0x36: {  	p1 =	seq.s32 s10, $0x1;
	s10 =	sld [smem:$0x3F5D];
	_ =	sdelay $0x3  }
0x37: {  	[smem:$0x3F5D] =	sst s10  }
0x38: {  	s10 =	sld [smem:$0x3F5E]  }
0x39: {  	_ = 	snop;
	(pc) =	sbr.ind lr, $3  }
0x3a: {  	_ = 	snop  }
0x3b: {  	_ = 	snop  }
0x3c: {  	p2 =	seq.s32 s10, $0x1;
	s10 =	sld [smem:$0x3F5D]  }
0x3d: {  	_ =	shalt  }
0x3e: {  	_ =	shalt  }
0x3f: {  	_ =	shalt  }
0x40: {  	_ =	shalt  }
0x41: {  	_ =	shalt  }
0x42: {  	_ =	shalt  }
0x43: {  	_ =	shalt  }
0x44: {  	_ =	shalt  }
0x45: {  	_ =	shalt  }
0x46: {  	_ =	shalt  }
0x47: {  	_ =	shalt  }
0x48: {  	_ =	shalt  }
0x49: {  	_ =	shalt  }
0x4a: {  	_ =	shalt  }
0x4b: {  	_ =	shalt  }
0x4c: {  	_ =	shalt  }
0x4d: {  	_ =	shalt  }
0x4e: {  	_ =	shalt  }
0x4f: {  	_ =	shalt  }
0x50: {  	_ =	shalt  }
0x51: {  	_ =	shalt  }
0x52: {  	_ =	shalt  }
0x53: {  	_ =	shalt  }
0x54: {  	_ =	shalt  }
0x55: {  	_ =	shalt  }
0x56: {  	_ =	shalt  }
0x57: {  	_ =	shalt  }
0x58: {  	_ =	shalt  }
0x59: {  	_ =	shalt  }
0x5a: {  	_ =	shalt  }
0x5b: {  	_ =	shalt  }
0x5c: {  	_ =	shalt  }
0x5d: {  	_ =	shalt  }
0x5e: {  	_ =	shalt  }
0x5f: {  	_ =	shalt  }
0x60: {  	_ =	shalt  }
0x61: {  	_ =	shalt  }
0x62: {  	_ =	shalt  }
0x63: {  	_ =	shalt  }
0x64: {  	_ =	shalt  }
0x65: {  	_ =	shalt  }
0x66: {  	_ =	shalt  }
0x67: {  	_ =	shalt  }
0x68: {  	_ =	shalt  }
0x69: {  	_ =	shalt  }
0x6a: {  	_ =	shalt  }
0x6b: {  	_ =	shalt  }
0x6c: {  	_ =	shalt  }
0x6d: {  	_ =	shalt  }
0x6e: {  	_ =	shalt  }
0x6f: {  	_ =	shalt  }
0x70: {  	_ =	shalt  }
0x71: {  	_ =	shalt  }
0x72: {  	_ =	shalt  }
0x73: {  	_ =	shalt  }
0x74: {  	_ =	shalt  }
0x75: {  	_ =	shalt  }
0x76: {  	_ =	shalt  }
0x77: {  	_ =	shalt  }
0x78: {  	_ =	shalt  }
0x79: {  	_ =	shalt  }
0x7a: {  	_ =	shalt  }
0x7b: {  	_ =	shalt  }
0x7c: {  	_ =	shalt  }
0x7d: {  	_ =	shalt  }
0x7e: {  	_ =	shalt  }
0x7f: {  	_ =	shalt  }
0x80: {  	_ =	shalt  }
0x81: {  	_ =	shalt  }
0x82: {  	_ =	shalt  }
0x83: {  	_ =	shalt  }
0x84: {  	_ =	shalt  }
0x85: {  	_ =	shalt  }
0x86: {  	_ =	shalt  }
0x87: {  	_ =	shalt  }
.Lfunc_end0:
.L_simem_size_0:
called_computation.3_lowered:
.L_overlay_start_0:
0x88: {  	s2 =	sld [smem:$0x3FD9]  }
0x89: {  	s3 =	sld [smem:$0x3FFE];
	_ =	sdelay $0x1  }
0x8a: {  	s1 =	srdreg.scid  }
0x8b: {  	s0 =	sand.u32 $0x1, s1  }
0x8c: {  	s16 =	sshll.u32 s0, $0xA;
	s2 =	sadd.s32 s3, s2  }
0x8d: {  	s2 =	sadd.s32 s2, s16  }
0x8e: {  	[smem:$0x3F69] =	sst s2  }
0x8f: {  	_ = 	snop  }
0x90: {  	(tm) =	ssettm $0x1  }
0x91: {  	s17 =	sld [smem:$0x3FFB];
	_ =	sdelay $0x3  }
0x92: {  	_ =	strace s17  }
0x93: {  	s2 =	sld [smem:$0x3FFC];
	_ =	sdelay $0x3  }
0x94: {  	_ =	strace s2  }
0x95: {  	s2 =	sld [smem:$0x3FFD];
	_ =	sdelay $0x3  }
0x96: {  	_ =	strace s2  }
0x97: {  	_ =	strace $0x8FFFFFFF  }
0x98: {  	s18 =	sld [smem:$0x3FDB];
	_ =	sdelay $0x1  }
0x99: {  	s19 =	simm.s32 $_scs_section_size  }
0x9a: {  	s4 =	simm.s32 $_size__tile_overlayer_lowered;
	s5 =	simm.s32 $_tile_overlayer_lowered  }
0x9b: {  	s22 =	simm.s32 $0x1BFF;
	s21 =	sshll.u32 s5, $0x1;
	s2 =	sadd.s32 s19, s18  }
0x9c: {  	s6 =	simm.s32 $0x0;
	s20 =	sshll.u32 s4, $0x1;
	s4 =	sadd.s32 s21, s2  }
0x9d: {  	[timem:s6], [sflag:s22] =	dma.local [hbm:s4], s20  }
0x9e: {  	_ =	swait.ge [sflag:s22], s20  }
0x9f: {  	s3 =	ssub.s32 $0x0, s20;
	[sflag:s22] =	ssyncset.done $0x0  }
0xa0: {  	[sflag:s22] =	ssyncadd.s32 s3;
	_ =	sdelay $0x1  }
0xa1: {  	s23 =	simm.s32 $0x1B8B  }
0xa2: {  	_ =	swait.ge [sflag:s23], $0x1  }
0xa3: {  	[sflag:s23] =	ssyncset.done $0x0  }
0xa4: {  	s25 =	simm.s32 $0x1B8E;
	s24 =	sld [smem:$0x3FFE];
	[sflag:s23] =	ssyncadd.s32 $0xFFFFFFFF  }
0xa5: {  	s26 =	simm.s32 $execute0_lowered;
	[smem:$0x3FD2] =	sst s25  }
0xa6: {  	s4 =	sshll.u32 s26, $0x1;
	_ =	strace $0x8000004F;
	[dreg:$0x1] =	wrdreg $0xFFFFFFFF  }
0xa7: {  	s28 =	simm.s32 $_size_execute0_lowered;
	s2 =	sadd.s32 s2, s4;
	[dreg:$0x0] =	wrdreg $0x0  }
0xa8: {  	s4 =	sshll.u32 s28, $0x1;
	[dreg:$0x2] =	wrdreg s2  }
0xa9: {  	[dreg:$0x3] =	wrdreg s4  }
0xaa: {  	[dreg:$0x4] =	wrdreg $0xC0  }
0xab: {  	_ =	task [dreg:s6], $0x5FFFF  }
0xac: {  	[dreg:$0x1] =	wrdreg $0xFFFFFFFF  }
0xad: {  	[dreg:$0x0] =	wrdreg $0x60  }
0xae: {  	[dreg:$0x2] =	wrdreg s24  }
0xaf: {  	[dreg:$0x3] =	wrdreg $0x94000  }
0xb0: {  	[dreg:$0x4] =	wrdreg $0x9  }
0xb1: {  	_ =	task.clear_ibuf [dreg:s6], $0x5FFFF;
	_ =	strace $0x9000004F  }
0xb2: {  	s29 =	simm.s32 $0x9;
	_ =	strace $0x80000051  }
0xb3: {  	_ =	swait.ge [sflag:s29], $0x1  }
0xb4: {  	[sflag:s29] =	ssyncadd.s32 $0xFFFFFFFF  }
0xb5: {  	_ =	strace $0x90000051  }
0xb6: {  	_ =	sfence  }
0xb7: {  	s30 =	sld [smem:$0x0];
	_ =	sdelay $0x2  }
0xb8: {  	s31 =	sshll.u32 s1, $0xD;
	s1 =	sshrl.u32 s1, $0x2  }
0xb9: {  	s3 =	sand.u32 $0x4000, s31;
	s1 =	sadd.s32 s1, s30  }
0xba: {  	s0 =	sor.u32 s3, s0;
	s1 =	sshll.u32 s1, $0x11  }
0xbb: {  	s0 =	sor.u32 s1, s0  }
0xbc: {  	s0 =	sadd.s32 $0x8F2B, s0  }
0xbd: {  	[sflag:s0] =	ssyncadd.remote.s32 $0x1  }
0xbe: {  	_ =	sfence.sel $0xFFFF  }
0xbf: {  	[dreg:$0x0] =	wrdreg $0xFFFFFFFF;
	(pc) =	sbr.abs _section_cstart, $3  }
0xc0: {  	[dreg:$0x1] =	wrdreg $0xFFFFFFFF  }
0xc1: {  	_ =	task.clear_ibuf [dreg:s6], $0x2FFFF;
	_ =	strace $0x9FFFFFFF  }
0xc2: {  	(tm) =	ssettm $0x7FFFFFFF  }
0xc3: {  	_ =	shalt  }
tec
execute0_lowered:
.L_overlay_start_1:
0x0: {  	(tag) =	ssettag $0x1  }
0x1: {  	s0 =	srdreg.scid  }
0x2: {  	s6 =	rddreg [dreg:$0x0];
	s1 =	stileid.u32  }
0x3: {  	s2 =	rddreg [dreg:$0x1];
	s8 =	smul.u32 $0x13800, s1  }
0x4: {  	s3 =	simm.s32 $0x0;
	s11 =	sand.u32 $0x1, s0;
	s5 =	smul.u32 $0x4E000, s1  }
0x5: {  	[smem:$0x7FF] =	sst s3;
	s12 =	sadd.s32 $0x500A00, s6;
	s19 =	smul.u32 $0x14000, s1  }
0x6: {  	s13 =	sadd.s32 $0x7EC000, s6;
	s24 =	sshll.u32 s1, $0x6;
	s31 =	smul.u32 $0x28, s1  }
0x7: {  	s17 =	sadd.s32 $0x138000, s2;
	p0 =	sne.s32 s1, $0xF;
	s16 =	smul.u32 $0x138800, s11  }
0x8: {  	s4 =	sshll.u32 s11, $0x4;
	_ =	strace $0x80000050;
	s18 =	smul.u32 $0x140000, s11  }
0x9: {  	s9 =	ssub.s32 $0x2, s11;
	s28 =	smul.u32 $0x280, s11;
	s17 =	sshrl.u32 @!p0 s17, $0x3  }
0xa: {  	s20 =	sor.u32 s1, s4;
	s23 =	sshrl.u32 s8, $0x3;
	s10 =	sshrl.u32 s9, $0x1  }
0xb: {  	s5 =	sshrl.u32 s5, $0x2;
	s4 =	smul.u32 $0x280, s20;
	s14 =	ssub.s32 s9, s10  }
0xc: {  	s15 =	sadd.s32 s5, s2;
	s5 =	sor.u32 $0x1C05, s24;
	s25 =	smul.u32 $0x14000, s20  }
0xd: {  	s26 =	sadd.s32 s8, s16;
	s16 =	sshrl.u32 s16, $0x3;
	p1 =	seq.s32 s20, $0x1F  }
0xe: {  	s20 =	simm.s32 $0x0;
	s10 =	sshrl.u32 s26, $0x3;
	s29 =	sadd.s32 s13, s16  }
0xf: {  	s15 =	sshrl.u32 s15, $0x3;
	s16 =	simm.s32 $0x5;
	s7 =	sadd.s32 s4, s6  }
0x10: {  	s4 =	sadd.s32 s23, s6;
	s6 =	sadd.s32 $0x7C4C00, s6;
	s8 =	sadd.s32 s12, s25  }
0x11: {  	s12 =	sadd.s32 s18, s12;
	s11 =	sadd.s32 $0x27000, s29;
	s18 =	simm.s32 $0x1400  }
0x12: {  	s10 =	sadd.s32 s13, s10;
	s4 =	sadd.s32 $0x79DC00, s4;
	s7 =	sadd.s32 $0x798C00, s7  }
0x13: {  	s9 =	sadd.s32 $0x800, s8;
	s30 =	sadd.s32 s19, s12;
	s12 =	smax.u32 s14, $0x1  }
0x14: {  	s14 =	sadd.s32 s31, s28;
	s19 =	simm.s32 $0x5400;
	s13 =	sadd.s32 $0x1800, s30  }
.LBB2_1:
0x15: {  	[spmem:s15], [sflag:s5] =	dma.local [hbm:s4], $0x2700  }
0x16: {  	_ =	swait.ge [sflag:s16], $0x2700  }
0x17: {  	[sflag:s16] =	ssyncset.done $0x0  }
0x18: {  	s21 =	simm.s32 @!p0 $0x5;
	[sflag:s16] =	ssyncadd.s32 $0xFFFFD900  }
0x19: {  	[spmem:s17], [sflag:s5] =	dma.local @!p0 [hbm:s6], $0x100  }
0x1a: {  	_ =	swait.ge @!p0 [sflag:s21], $0x100  }
0x1b: {  	[sflag:s21] =	ssyncset.done @!p0 $0x0  }
0x1c: {  	[sflag:s21] =	ssyncadd.s32 @!p0 $0xFFFFFF00  }
0x1d: {  	[tilespmem:s3], [sflag:$0x5] =	stream.linear.gather [hbm4b:s7+s3], $0x1400, $0x38;
	[tilespmem:$0x1CC80] =	vst v63  }
0x1e: {  	_ =	swait.ge [sflag:s16], $0x1400  }
0x1f: {  	[sflag:s16] =	ssyncset.done $0x0  }
0x20: {  	s25 =	sadd.s32 $0x0, s14;
	[sflag:s16] =	ssyncadd.s32 $0xFFFFEC00  }
0x21: {  	p2 =	sgt.u32 s25, $0x4E1;
	[bflag:$0x0] =	sbarrier.arrive $0xFFFF  }
0x22: {  	[tilespmem:s18], [sflag:$0x1] =	stream.linear.gather [hbm4b:s8+s3], $0x4000, $0x38;
	[tilespmem:$0x1CC80] =	vst v63  }
0x23: {  	s21 =	simm.s32 @!p2 $0x1  }
0x24: {  	[tilespmem:s19], [sflag:$0x2] =	stream.linear.gather [hbm4b:s9+s3], $0x4000, $0x38;
	[tilespmem:$0x1CC80] =	vst v63  }
0x25: {  	_ =	swait.ge @!p2 [sflag:s21], $0x4000  }
0x26: {  	s22 =	simm.s32 @!p2 $0x1400;
	s23 =	simm.s32 @!p2 $0x2;
	[sflag:s21] =	ssyncset.done @!p2 $0x0  }
0x27: {  	s24 =	simm.s32 @!p2 $0x0;
	s26 =	simm.s32 @!p2 $0x80;
	[sflag:s21] =	ssyncadd.s32 @!p2 $0xFFFFC000  }
0x28: {  	[spmem:s2] =	stream.indirect.scatter.add.f32 @!p2 [tilespmem:s22], [sflag:$0x3], $0x80, s24, s26, $0xb8;
	[tilespmem:$0x1CC80] =	vst v63  }
0x29: {  	_ =	swait.ge @!p2 [sflag:s23], $0x4000;
	p2 =	por p2, p2  }
0x2a: {  	s31 =	sadd.s32 $0x2, s25;
	s21 =	simm.s32 $0x80;
	[sflag:s23] =	ssyncset.done @!p2 $0x0  }
0x2b: {  	s22 =	simm.s32 @!p2 $0x5400;
	s28 =	simm.s32 @!p2 $0x3;
	[sflag:s23] =	ssyncadd.s32 @!p2 $0xFFFFC000  }
0x2c: {  	[spmem:s2] =	stream.indirect.scatter.add.f32 @!p2 [tilespmem:s22], [sflag:$0x4], $0x80, s21, s26, $0xb8;
	[tilespmem:$0x1CC80] =	vst v63  }
0x2d: {  	p3 =	sgt.u32 s31, $0x4E1;
	s24 =	simm.s32 $0x4;
	_ =	swait.ge @!p2 [sflag:s28], $0x4000  }
0x2e: {  	s23 =	simm.s32 @!p3 $0x1400;
	s21 =	sadd.s32 @!p3 $0xFFFFF800, s13;
	[sflag:s28] =	ssyncset.done @!p2 $0x0  }
0x2f: {  	s22 =	simm.s32 @!p3 $0x0;
	s26 =	simm.s32 @!p2 $0x4;
	[sflag:s28] =	ssyncadd.s32 @!p2 $0xFFFFC000  }
0x30: {  	[tilespmem:s23], [sflag:$0x1] =	stream.linear.gather @!p3 [hbm4b:s21+s22], $0x4000, $0x38;
	[tilespmem:$0x1CC80] =	vst v63  }
0x31: {  	s28 =	sadd.s32 $0x3, s25;
	s25 =	smov.u32 s13;
	s21 =	sadd.s32 $0x1000, s13  }
0x32: {  	s23 =	simm.s32 $0x180;
	s22 =	sadd.s32 $0x2, s14;
	_ =	swait.ge @!p2 [sflag:s26], $0x4000  }
.LBB2_2:
0x33: {  	p4 =	sgt.u32 s22, $0x4E1;
	[sflag:s26] =	ssyncset.done @!p2 $0x0;
	p3 =	sgt.u32 s28, $0x4E1  }
0x34: {  	s28 =	simm.s32 @!p4 $0x1;
	[sflag:s26] =	ssyncadd.s32 @!p2 $0xFFFFC000;
	s26 =	simm.s32 @!p3 $0x0  }
0x35: {  	s30 =	smov.u32 s24;
	s24 =	sadd.s32 $0x2, s24;
	s29 =	simm.s32 @!p3 $0x5400  }
0x36: {  	[tilespmem:s29], [sflag:$0x2] =	stream.linear.gather @!p3 [hbm4b:s25+s26], $0x4000, $0x38;
	[tilespmem:$0x1CC80] =	vst v63  }
0x37: {  	s26 =	simm.s32 @!p4 $0x1400;
	s29 =	simm.s32 @!p4 $0x2;
	_ =	swait.ge @!p4 [sflag:s28], $0x4000  }
0x38: {  	s31 =	sadd.s32 @!p4 $0xFFFFFF80, s23;
	s0 =	simm.s32 @!p4 $0x80;
	[sflag:s28] =	ssyncset.done @!p4 $0x0  }
0x39: {  	p3 =	sne.s32 s24, $0x26;
	s25 =	smov.u32 s21;
	[sflag:s28] =	ssyncadd.s32 @!p4 $0xFFFFC000  }
0x3a: {  	[spmem:s2] =	stream.indirect.scatter.add.f32 @!p4 [tilespmem:s26], [sflag:$0x3], $0x80, s31, s0, $0xb8;
	[tilespmem:$0x1CC80] =	vst v63  }
0x3b: {  	p2 =	por p4, p4;
	_ =	swait.ge @!p4 [sflag:s29], $0x4000  }
0x3c: {  	s28 =	simm.s32 @!p2 $0x3;
	s26 =	simm.s32 @!p2 $0x5400;
	[sflag:s29] =	ssyncset.done @!p2 $0x0  }
0x3d: {  	s21 =	sadd.s32 $0x1000, s21;
	[sflag:s29] =	ssyncadd.s32 @!p2 $0xFFFFC000;
	s29 =	sadd.s32 $0x2, s22  }
0x3e: {  	[spmem:s2] =	stream.indirect.scatter.add.f32 @!p2 [tilespmem:s26], [sflag:$0x4], $0x80, s23, s0, $0xb8;
	[tilespmem:$0x1CC80] =	vst v63  }
0x3f: {  	p4 =	sgt.u32 s29, $0x4E1  }
.Ltmp0:
0x40: {  	s23 =	sadd.s32 $0x100, s23;
	_ =	swait.ge @!p2 [sflag:s28], $0x4000;
	(pc) =	sbr.rel @p3 .LBB2_2-.Ltmp0, $4  }
0x41: {  	s0 =	sadd.s32 @!p4 $0xFFFFF800, s25;
	s29 =	simm.s32 @!p4 $0x0;
	[sflag:s28] =	ssyncset.done @!p2 $0x0  }
0x42: {  	s26 =	simm.s32 @!p2 $0x4;
	[sflag:s28] =	ssyncadd.s32 @!p2 $0xFFFFC000;
	s28 =	simm.s32 @!p4 $0x1400  }
0x43: {  	[tilespmem:s28], [sflag:$0x1] =	stream.linear.gather @!p4 [hbm4b:s0+s29], $0x4000, $0x38;
	[tilespmem:$0x1CC80] =	vst v63  }
0x44: {  	s28 =	sadd.s32 $0x3, s22;
	s22 =	sadd.s32 s30, s14;
	_ =	swait.ge @!p2 [sflag:s26], $0x4000  }
0x45: {  	p3 =	sgt.u32 s22, $0x4E1  }
0x46: {  	[sflag:s26] =	ssyncset.done @!p2 $0x0;
	p4 =	sgt.u32 s28, $0x4E1;
	s0 =	simm.s32 @!p3 $0x1  }
0x47: {  	[sflag:s26] =	ssyncadd.s32 @!p2 $0xFFFFC000;
	s24 =	simm.s32 @!p4 $0x0;
	s26 =	simm.s32 @!p4 $0x5400  }
0x48: {  	[tilespmem:s26], [sflag:$0x2] =	stream.linear.gather @!p4 [hbm4b:s25+s24], $0x4000, $0x38;
	[tilespmem:$0x1CC80] =	vst v63  }
0x49: {  	_ =	swait.ge @!p3 [sflag:s0], $0x4000  }
0x4a: {  	s28 =	simm.s32 @!p3 $0x80;
	s24 =	simm.s32 @!p3 $0x1400;
	[sflag:s0] =	ssyncset.done @!p3 $0x0  }
0x4b: {  	s25 =	simm.s32 @!p3 $0x2;
	s26 =	sadd.s32 @!p3 $0xFFFFFF80, s23;
	[sflag:s0] =	ssyncadd.s32 @!p3 $0xFFFFC000  }
0x4c: {  	[spmem:s2] =	stream.indirect.scatter.add.f32 @!p3 [tilespmem:s24], [sflag:$0x3], $0x80, s26, s28, $0xb8;
	[tilespmem:$0x1CC80] =	vst v63  }
0x4d: {  	p2 =	por p3, p3;
	_ =	swait.ge @!p3 [sflag:s25], $0x4000  }
0x4e: {  	s30 =	sadd.s32 $0x2, s22;
	[sflag:s25] =	ssyncset.done @!p2 $0x0  }
0x4f: {  	s0 =	simm.s32 @!p2 $0x5400;
	s24 =	simm.s32 @!p2 $0x3;
	[sflag:s25] =	ssyncadd.s32 @!p2 $0xFFFFC000  }
0x50: {  	[spmem:s2] =	stream.indirect.scatter.add.f32 @!p2 [tilespmem:s0], [sflag:$0x4], $0x80, s23, s28, $0xb8;
	[tilespmem:$0x1CC80] =	vst v63  }
0x51: {  	p3 =	sgt.u32 s30, $0x4E1;
	_ =	swait.ge @!p2 [sflag:s24], $0x4000  }
0x52: {  	s25 =	simm.s32 @!p2 $0x4;
	s0 =	sadd.s32 @!p3 $0xFFFFF800, s21;
	[sflag:s24] =	ssyncset.done @!p2 $0x0  }
0x53: {  	s23 =	simm.s32 @!p3 $0x0;
	[sflag:s24] =	ssyncadd.s32 @!p2 $0xFFFFC000;
	s24 =	simm.s32 @!p3 $0x1400  }
0x54: {  	[tilespmem:s24], [sflag:$0x1] =	stream.linear.gather @!p3 [hbm4b:s0+s23], $0x4000, $0x38;
	[tilespmem:$0x1CC80] =	vst v63  }
0x55: {  	s31 =	sadd.s32 $0x3, s22;
	_ =	swait.ge @!p2 [sflag:s25], $0x4000  }
0x56: {  	p3 =	sgt.u32 s31, $0x4E1;
	[sflag:s25] =	ssyncset.done @!p2 $0x0  }
0x57: {  	s0 =	simm.s32 @!p3 $0x0;
	s22 =	simm.s32 @!p3 $0x5400;
	[sflag:s25] =	ssyncadd.s32 @!p2 $0xFFFFC000  }
0x58: {  	[tilespmem:s22], [sflag:$0x2] =	stream.linear.gather @!p3 [hbm4b:s21+s0], $0x4000, $0x38;
	[tilespmem:$0x1CC80] =	vst v63  }
0x59: {  	s0 =	simm.s32 @!p1 $0x1  }
0x5a: {  	_ =	swait.ge @!p1 [sflag:s0], $0x4000  }
0x5b: {  	s21 =	simm.s32 @!p1 $0x1300;
	[sflag:s0] =	ssyncset.done @!p1 $0x0  }
0x5c: {  	s22 =	simm.s32 @!p1 $0x1400;
	[sflag:s0] =	ssyncadd.s32 @!p1 $0xFFFFC000;
	s0 =	simm.s32 @!p1 $0x80  }
0x5d: {  	[spmem:s2] =	stream.indirect.scatter.add.f32 @!p1 [tilespmem:s22], [sflag:$0x3], $0x80, s21, s0, $0xb8;
	[tilespmem:$0x1CC80] =	vst v63  }
0x5e: {  	s21 =	simm.s32 @!p1 $0x2  }
0x5f: {  	_ =	swait.ge @!p1 [sflag:s21], $0x4000  }
0x60: {  	[sflag:s21] =	ssyncset.done @!p1 $0x0  }
0x61: {  	s22 =	simm.s32 @!p1 $0x5400;
	[sflag:s21] =	ssyncadd.s32 @!p1 $0xFFFFC000;
	s21 =	simm.s32 @!p1 $0x1380  }
0x62: {  	[spmem:s2] =	stream.indirect.scatter.add.f32 @!p1 [tilespmem:s22], [sflag:$0x4], $0x80, s21, s0, $0xb8;
	[tilespmem:$0x1CC80] =	vst v63  }
0x63: {  	s0 =	simm.s32 @!p1 $0x3  }
0x64: {  	_ =	swait.ge @!p1 [sflag:s0], $0x4000  }
0x65: {  	[sflag:s0] =	ssyncset.done @!p1 $0x0  }
0x66: {  	[sflag:s0] =	ssyncadd.s32 @!p1 $0xFFFFC000;
	s0 =	simm.s32 @!p1 $0x4  }
0x67: {  	_ =	swait.ge @!p1 [sflag:s0], $0x4000  }
0x68: {  	[sflag:s0] =	ssyncset.done @!p1 $0x0  }
0x69: {  	[sflag:s0] =	ssyncadd.s32 @!p1 $0xFFFFC000  }
0x6a: {  	[bflag:$0x0] =	sbarrier.arrive $0xFFFF  }
0x6b: {  	[hbm:s10], [sflag:s5] =	dma.local [spmem:s15], $0x2700  }
0x6c: {  	s20 =	sadd.s32 $0x1, s20;
	_ =	swait.ge [sflag:s16], $0x2700  }
0x6d: {  	p2 =	sne.s32 s20, s12;
	[sflag:s16] =	ssyncset.done $0x0  }
.Ltmp1:
0x6e: {  	s0 =	simm.s32 @!p0 $0x5;
	[sflag:s16] =	ssyncadd.s32 $0xFFFFD900;
	(pc) =	sbr.rel @p2 .LBB2_1-.Ltmp1, $4  }
0x6f: {  	[hbm:s11], [sflag:s5] =	dma.local @!p0 [spmem:s17], $0x100  }
0x70: {  	_ =	swait.ge @!p0 [sflag:s0], $0x100  }
0x71: {  	[sflag:s0] =	ssyncset.done @!p0 $0x0  }
0x72: {  	[sflag:s0] =	ssyncadd.s32 @!p0 $0xFFFFFF00  }
0x73: {  	_ =	sfence.sel $0x180000  }
0x74: {  	[bflag:$0x0] =	sbarrier.arrive $0xFFFF  }
0x75: {  	_ =	strace $0x90000050  }
0x76: {  	[bflag:$0x2] =	sbarrier.arrive $0xFFFF  }
0x77: {  	p0 =	sne.s32 s1, $0x0;
	s0 =	rddreg [dreg:$0x2]  }
0x78: {  	s0 =	sadd.s32 @!p0 $0x100000, s0  }
0x79: {  	[sflag:s0] =	ssyncadd.tile.s32 @!p0 $0x1;
	_ =	shalt  }
.Lfunc_end2:
_tile_overlayer_lowered:
.L_overlay_start_2:
0x7a: {  	(tag) =	ssettag $0x2  }
0x7b: {  	s0 =	rddreg [dreg:$0x0];
	s2 =	stileid.u32  }
0x7c: {  	s1 =	rddreg [dreg:$0x1];
	p0 =	sne.s32 s2, $0x0  }
0x7d: {  	s3 =	rddreg [dreg:$0x2];
	[bflag:$0x3] =	sbarrier.arrive $0xFFFF;
	s2 =	simm.s32 @!p0 $0x1C05  }
0x7e: {  	[timem:s3], [sflag:s2] =	dma.local @!p0 [hbm:s0], s1  }
0x7f: {  	s0 =	simm.s32 @!p0 $0x5  }
0x80: {  	_ =	swait.ge @!p0 [sflag:s0], s1  }
0x81: {  	s1 =	ssub.s32 @!p0 $0x0, s1;
	[sflag:s0] =	ssyncset.done @!p0 $0x0  }
0x82: {  	[sflag:s0] =	ssyncadd.s32 @!p0 s1  }
0x83: {  	[bflag:$0x3] =	sbarrier.arrive $0xFFFF  }
0x84: {  	_ =	shalt  }

// kernel: kernel.34.cloned.1.call-start
scs
__scs_entry_jumppad:
0x0: {  	(pc) =	sbr.rel $0x88, $3  }
0x1: {  	(tag) =	ssettag $0x0;
	lr =	simm.s32 $0x1  }
0x2: {  	[smem:$0x3F42] =	sst lr;
	_ =	strace $0xD0000000  }
0x3: {  	_ = 	snop  }
0x4: {  	_ = 	snop  }
0x5: {  	_ = 	snop  }
0x6: {  	_ = 	snop  }
0x7: {  	_ = 	snop  }
__scs_overlays_trampoline_lowered:
0x8: {  	[smem:$0x3F51] =	sst s0  }
0x9: {  	[smem:$0x3F52] =	sst s1  }
0xa: {  	[smem:$0x3F53] =	sst s2  }
0xb: {  	[smem:$0x3F54] =	sst s3  }
0xc: {  	[smem:$0x3F55] =	sst s4  }
0xd: {  	[smem:$0x3F56] =	sst s5  }
0xe: {  	[smem:$0x3F57] =	sst s6  }
0xf: {  	[smem:$0x3F58] =	sst s7  }
0x10: {  	[smem:$0x3F59] =	sst s8  }
0x11: {  	[smem:$0x3F5A] =	sst s9;
	s0 =	simm.s32 @!p0 $0x0  }
0x12: {  	s1 =	sld [smem:$0x3F40];
	s0 =	simm.s32 @p0 $0x1  }
0x13: {  	[smem:$0x3F5B] =	sst s0;
	s0 =	simm.s32 @!p1 $0x0  }
0x14: {  	s2 =	sld [smem:$0x3F3F];
	s0 =	simm.s32 @p1 $0x1  }
0x15: {  	[smem:$0x3F5C] =	sst s0;
	s0 =	simm.s32 @!p2 $0x0  }
0x16: {  	s3 =	sld [smem:$0x3FDB];
	s0 =	simm.s32 @p2 $0x1  }
0x17: {  	s4 =	simm.s32 $0x1BF5;
	[smem:$0x3F5E] =	sst s0  }
0x18: {  	s0 =	sld [smem:$0x3F41];
	_ =	swait.ge [sflag:s4], $0x0  }
0x19: {  	s7 =	sld [smem:$0x3F42]  }
0x1a: {  	s8 =	sadd.s32 $0xFFFFE003, lr  }
0x1b: {  	s9 =	sadd.s32 $0xFFFFFEF7, lr;
	s5 =	simm.s32 $0xFFFFFFFF;
	p2 =	slt.u32 s8, $0xFFFFF086  }
0x1c: {  	p1 =	slt.u32 s9, $0xF7A;
	s5 =	simm.s32 @!p2 $0x0  }
0x1d: {  	s5 =	simm.s32 @p1 $0x1;
	p0 =	seq.s32 s7, s2  }
0x1e: {  	s7 =	smul.u32 @!p0 $0xF7A, s2;
	p2 =	seq.s32 @!p0 s5, $0x0  }
0x1f: {  	s9 =	smul.u32 $0xF7A, s1;
	s8 =	simm.s32 @!p0 $0x1BF5;
	p2 =	por !p2, p0  }
0x20: {  	[sflag:s8] =	ssyncset.s32 @!p0 $0xFFFFF086;
	s6 =	sadd.s32 @!p0 s3, s7;
	s7 =	simm.s32 @!p0 $0x108  }
0x21: {  	s3 =	sadd.s32 s3, s9;
	s6 =	sadd.s32 @!p0 $0x88, s6;
	s7 =	simm.s32 @p2 $0x1082  }
0x22: {  	[simem:s7], [sflag:s8] =	dma.local @!p0 [hbm:s6], $0xF7A  }
0x23: {  	s9 =	sor.u32 $0xD0000000, s2;
	s6 =	simm.s32 $0x108;
	_ =	swait.ge @!p0 [sflag:s8], $0x0  }
0x24: {  	s3 =	sadd.s32 $0x88, s3;
	s6 =	simm.s32 @!p1 $0x1082;
	[sflag:s4] =	ssyncset.s32 $0xFFFFF086  }
0x25: {  	[simem:s6], [sflag:s4] =	dma.local [hbm:s3], $0xF7A  }
0x26: {  	[smem:$0x3F42] =	sst s1;
	(tag) =	ssettag s2;
	_ =	strace s9  }
0x27: {  	s1 =	sld [smem:$0x3F52]  }
0x28: {  	s2 =	sld [smem:$0x3F53]  }
0x29: {  	s4 =	sld [smem:$0x3F55]  }
0x2a: {  	p0 =	seq.s32 s5, $0x0;
	s5 =	sld [smem:$0x3F56]  }
0x2b: {  	s6 =	sld [smem:$0x3F57]  }
0x2c: {  	s7 =	sld [smem:$0x3F58]  }
0x2d: {  	s3 =	simm.s32 $0x108;
	s8 =	sld [smem:$0x3F59]  }
0x2e: {  	s3 =	simm.s32 @!p0 $0x1082;
	s9 =	sld [smem:$0x3F5A]  }
0x2f: {  	lr =	sadd.s32 s0, s3;
	s0 =	sld [smem:$0x3F51]  }
0x30: {  	s3 =	sld [smem:$0x3F54]  }
0x31: {  	[smem:$0x3F5D] =	sst s10  }
0x32: {  	s10 =	sld [smem:$0x3F5B];
	_ =	sdelay $0x3  }
0x33: {  	p0 =	seq.s32 s10, $0x1;
	s10 =	sld [smem:$0x3F5D];
	_ =	sdelay $0x3  }
0x34: {  	[smem:$0x3F5D] =	sst s10  }
0x35: {  	s10 =	sld [smem:$0x3F5C];
	_ =	sdelay $0x3  }
0x36: {  	p1 =	seq.s32 s10, $0x1;
	s10 =	sld [smem:$0x3F5D];
	_ =	sdelay $0x3  }
0x37: {  	[smem:$0x3F5D] =	sst s10  }
0x38: {  	s10 =	sld [smem:$0x3F5E]  }
0x39: {  	_ = 	snop;
	(pc) =	sbr.ind lr, $3  }
0x3a: {  	_ = 	snop  }
0x3b: {  	_ = 	snop  }
0x3c: {  	p2 =	seq.s32 s10, $0x1;
	s10 =	sld [smem:$0x3F5D]  }
0x3d: {  	_ =	shalt  }
0x3e: {  	_ =	shalt  }
0x3f: {  	_ =	shalt  }
0x40: {  	_ =	shalt  }
0x41: {  	_ =	shalt  }
0x42: {  	_ =	shalt  }
0x43: {  	_ =	shalt  }
0x44: {  	_ =	shalt  }
0x45: {  	_ =	shalt  }
0x46: {  	_ =	shalt  }
0x47: {  	_ =	shalt  }
0x48: {  	_ =	shalt  }
0x49: {  	_ =	shalt  }
0x4a: {  	_ =	shalt  }
0x4b: {  	_ =	shalt  }
0x4c: {  	_ =	shalt  }
0x4d: {  	_ =	shalt  }
0x4e: {  	_ =	shalt  }
0x4f: {  	_ =	shalt  }
0x50: {  	_ =	shalt  }
0x51: {  	_ =	shalt  }
0x52: {  	_ =	shalt  }
0x53: {  	_ =	shalt  }
0x54: {  	_ =	shalt  }
0x55: {  	_ =	shalt  }
0x56: {  	_ =	shalt  }
0x57: {  	_ =	shalt  }
0x58: {  	_ =	shalt  }
0x59: {  	_ =	shalt  }
0x5a: {  	_ =	shalt  }
0x5b: {  	_ =	shalt  }
0x5c: {  	_ =	shalt  }
0x5d: {  	_ =	shalt  }
0x5e: {  	_ =	shalt  }
0x5f: {  	_ =	shalt  }
0x60: {  	_ =	shalt  }
0x61: {  	_ =	shalt  }
0x62: {  	_ =	shalt  }
0x63: {  	_ =	shalt  }
0x64: {  	_ =	shalt  }
0x65: {  	_ =	shalt  }
0x66: {  	_ =	shalt  }
0x67: {  	_ =	shalt  }
0x68: {  	_ =	shalt  }
0x69: {  	_ =	shalt  }
0x6a: {  	_ =	shalt  }
0x6b: {  	_ =	shalt  }
0x6c: {  	_ =	shalt  }
0x6d: {  	_ =	shalt  }
0x6e: {  	_ =	shalt  }
0x6f: {  	_ =	shalt  }
0x70: {  	_ =	shalt  }
0x71: {  	_ =	shalt  }
0x72: {  	_ =	shalt  }
0x73: {  	_ =	shalt  }
0x74: {  	_ =	shalt  }
0x75: {  	_ =	shalt  }
0x76: {  	_ =	shalt  }
0x77: {  	_ =	shalt  }
0x78: {  	_ =	shalt  }
0x79: {  	_ =	shalt  }
0x7a: {  	_ =	shalt  }
0x7b: {  	_ =	shalt  }
0x7c: {  	_ =	shalt  }
0x7d: {  	_ =	shalt  }
0x7e: {  	_ =	shalt  }
0x7f: {  	_ =	shalt  }
0x80: {  	_ =	shalt  }
0x81: {  	_ =	shalt  }
0x82: {  	_ =	shalt  }
0x83: {  	_ =	shalt  }
0x84: {  	_ =	shalt  }
0x85: {  	_ =	shalt  }
0x86: {  	_ =	shalt  }
0x87: {  	_ =	shalt  }
.Lfunc_end0:
.L_simem_size_0:
called_computation.4_lowered:
.L_overlay_start_0:
0x88: {  	s2 =	sld [smem:$0x3FD9]  }
0x89: {  	s3 =	sld [smem:$0x3FFE];
	_ =	sdelay $0x1  }
0x8a: {  	s1 =	srdreg.scid  }
0x8b: {  	s0 =	sand.u32 $0x1, s1  }
0x8c: {  	s16 =	sshll.u32 s0, $0xA;
	s2 =	sadd.s32 s3, s2  }
0x8d: {  	s2 =	sadd.s32 s2, s16  }
0x8e: {  	[smem:$0x3F69] =	sst s2  }
0x8f: {  	_ = 	snop  }
0x90: {  	(tm) =	ssettm $0x1  }
0x91: {  	s17 =	sld [smem:$0x3FFB];
	_ =	sdelay $0x3  }
0x92: {  	_ =	strace s17  }
0x93: {  	s2 =	sld [smem:$0x3FFC];
	_ =	sdelay $0x3  }
0x94: {  	_ =	strace s2  }
0x95: {  	s2 =	sld [smem:$0x3FFD];
	_ =	sdelay $0x3  }
0x96: {  	_ =	strace s2  }
0x97: {  	_ =	strace $0x8FFFFFFF  }
0x98: {  	s18 =	sld [smem:$0x3FDB];
	_ =	sdelay $0x1  }
0x99: {  	s19 =	simm.s32 $_scs_section_size  }
0x9a: {  	s4 =	simm.s32 $_size__tile_overlayer_lowered;
	s5 =	simm.s32 $_tile_overlayer_lowered  }
0x9b: {  	s22 =	simm.s32 $0x1BFF;
	s21 =	sshll.u32 s5, $0x1;
	s2 =	sadd.s32 s19, s18  }
0x9c: {  	s6 =	simm.s32 $0x0;
	s20 =	sshll.u32 s4, $0x1;
	s4 =	sadd.s32 s21, s2  }
0x9d: {  	[timem:s6], [sflag:s22] =	dma.local [hbm:s4], s20  }
0x9e: {  	_ =	swait.ge [sflag:s22], s20  }
0x9f: {  	s3 =	ssub.s32 $0x0, s20;
	[sflag:s22] =	ssyncset.done $0x0  }
0xa0: {  	[sflag:s22] =	ssyncadd.s32 s3;
	_ =	sdelay $0x1  }
0xa1: {  	s23 =	simm.s32 $0x1B8B  }
0xa2: {  	_ =	swait.ge [sflag:s23], $0x1  }
0xa3: {  	[sflag:s23] =	ssyncset.done $0x0  }
0xa4: {  	s25 =	simm.s32 $0x1B8E;
	s24 =	sld [smem:$0x3FFE];
	[sflag:s23] =	ssyncadd.s32 $0xFFFFFFFF  }
0xa5: {  	s26 =	simm.s32 $execute0_lowered;
	[smem:$0x3FD2] =	sst s25  }
0xa6: {  	s4 =	sshll.u32 s26, $0x1;
	_ =	strace $0x80000052;
	[dreg:$0x1] =	wrdreg $0xFFFFFFFF  }
0xa7: {  	s28 =	simm.s32 $_size_execute0_lowered;
	s2 =	sadd.s32 s2, s4;
	[dreg:$0x0] =	wrdreg $0x0  }
0xa8: {  	s4 =	sshll.u32 s28, $0x1;
	[dreg:$0x2] =	wrdreg s2  }
0xa9: {  	[dreg:$0x3] =	wrdreg s4  }
0xaa: {  	[dreg:$0x4] =	wrdreg $0xC0  }
0xab: {  	_ =	task [dreg:s6], $0x5FFFF  }
0xac: {  	[dreg:$0x1] =	wrdreg $0xFFFFFFFF  }
0xad: {  	[dreg:$0x0] =	wrdreg $0x60  }
0xae: {  	[dreg:$0x2] =	wrdreg s24  }
0xaf: {  	[dreg:$0x3] =	wrdreg $0x9  }
0xb0: {  	_ =	task.clear_ibuf [dreg:s6], $0x4FFFF;
	_ =	strace $0x90000052  }
0xb1: {  	s29 =	simm.s32 $0x9;
	_ =	strace $0x80000054  }
0xb2: {  	_ =	swait.ge [sflag:s29], $0x1  }
0xb3: {  	[sflag:s29] =	ssyncadd.s32 $0xFFFFFFFF  }
0xb4: {  	_ =	strace $0x90000054  }
0xb5: {  	_ =	sfence  }
0xb6: {  	s30 =	sld [smem:$0x0];
	_ =	sdelay $0x2  }
0xb7: {  	s31 =	sshll.u32 s1, $0xD;
	s1 =	sshrl.u32 s1, $0x2  }
0xb8: {  	s3 =	sand.u32 $0x4000, s31;
	s1 =	sadd.s32 s1, s30  }
0xb9: {  	s0 =	sor.u32 s3, s0;
	s1 =	sshll.u32 s1, $0x11  }
0xba: {  	s0 =	sor.u32 s1, s0  }
0xbb: {  	s0 =	sadd.s32 $0x8F2B, s0  }
0xbc: {  	[sflag:s0] =	ssyncadd.remote.s32 $0x1  }
0xbd: {  	_ =	sfence.sel $0xFFFF  }
0xbe: {  	[dreg:$0x0] =	wrdreg $0xFFFFFFFF;
	(pc) =	sbr.abs _section_cstart, $3  }
0xbf: {  	[dreg:$0x1] =	wrdreg $0xFFFFFFFF  }
0xc0: {  	_ =	task.clear_ibuf [dreg:s6], $0x2FFFF;
	_ =	strace $0x9FFFFFFF  }
0xc1: {  	(tm) =	ssettm $0x7FFFFFFF  }
tec
execute0_lowered:
.L_overlay_start_1:
0x0: {  	(tag) =	ssettag $0x1  }
0x1: {  	s1 =	srdreg.scid  }
0x2: {  	s0 =	stileid.u32;
	s4 =	rddreg [dreg:$0x0]  }
0x3: {  	s2 =	simm.s32 $0x0;
	s10 =	simm.s32 $0x4F80;
	s11 =	simm.s32 $0xA0  }
0x4: {  	s12 =	simm.s32 $0x7780;
	s13 =	simm.s32 $0xF0;
	s14 =	simm.s32 $0x9F80  }
0x5: {  	s15 =	simm.s32 $0x140;
	s16 =	simm.s32 $0xC780;
	s17 =	simm.s32 $0x1  }
0x6: {  	s18 =	simm.s32 $0x2;
	s19 =	simm.s32 $0x3;
	s20 =	simm.s32 $0x4  }
0x7: {  	s21 =	simm.s32 $0x5;
	s22 =	simm.s32 $0x6;
	s23 =	simm.s32 $0x7  }
0x8: {  	s24 =	simm.s32 $0x8;
	s25 =	simm.s32 $0x9;
	s26 =	simm.s32 $0xA  }
0x9: {  	s5 =	sand.u32 $0x1, s1;
	s3 =	sshll.u32 s0, $0x1;
	s7 =	smul.u32 $0x4E200, s0  }
0xa: {  	s3 =	sor.u32 s5, s3;
	s8 =	ssub.s32 $0x2, s5;
	s5 =	smul.u32 $0x27100, s5  }
0xb: {  	s28 =	simm.s32 $0x0;
	[smem:$0x7FF] =	sst s2;
	s6 =	smul.u32 $0x2710, s3  }
.Ltmp0:
0xc: {  	_ =	strace $0x80000053;
	s9 =	sshrl.u32 s8, $0x1;
	(pc) =	sbr.rel .LBB2_1-.Ltmp0, $4  }
0xd: {  	s3 =	sadd.s32 $0x7C4E00, s4;
	s7 =	sadd.s32 s7, s4;
	s31 =	ssub.s32 s8, s9  }
0xe: {  	s7 =	sadd.s32 s5, s7;
	s8 =	simm.s32 $0x50;
	s6 =	sshrl.u32 s6, $0x3  }
0xf: {  	s9 =	simm.s32 $0x2780;
	s5 =	smax.u32 s31, $0x1;
	s4 =	sadd.s32 s6, s4  }
0x10: {  	s6 =	sadd.s32 $0x1FE00, s7;
	s7 =	simm.s32 $0xB;
	s4 =	sadd.s32 $0x14C00, s4  }
.LBB2_4:
0x11: {  	_ =	swait.ge [sflag:s23], $0x2800  }
0x12: {  	[sflag:s23] =	ssyncset.done $0x0  }
0x13: {  	[sflag:s23] =	ssyncadd.s32 $0xFFFFD800  }
0x14: {  	_ =	swait.ge [sflag:s24], $0x2800  }
0x15: {  	[sflag:s24] =	ssyncset.done $0x0  }
0x16: {  	s28 =	sadd.s32 $0x1, s28;
	[sflag:s24] =	ssyncadd.s32 $0xFFFFD800  }
0x17: {  	p0 =	sne.s32 s28, s5;
	_ =	swait.ge [sflag:s25], $0x2800  }
.Ltmp1:
0x18: {  	[sflag:s25] =	ssyncset.done $0x0;
	(pc) =	sbr.rel @!p0 .LBB2_5-.Ltmp1, $4  }
0x19: {  	[sflag:s25] =	ssyncadd.s32 $0xFFFFD800  }
0x1a: {  	_ =	swait.ge [sflag:s26], $0x2800  }
0x1b: {  	[sflag:s26] =	ssyncset.done $0x0  }
0x1c: {  	[sflag:s26] =	ssyncadd.s32 $0xFFFFD800  }
.LBB2_1:
0x1d: {  	[tilespmem:s2], [sflag:$0xB] =	stream.linear.gather [hbm4b:s4+s2], $0x2710, $0x38;
	[tilespmem:$0xEF80] =	vst v63  }
0x1e: {  	_ =	swait.ge [sflag:s7], $0x2710  }
0x1f: {  	[sflag:s7] =	ssyncset.done $0x0  }
0x20: {  	[sflag:s7] =	ssyncadd.s32 $0xFFFFD8F0  }
0x21: {  	[tilespmem:s9], [sflag:$0x1] =	stream.indirect.gather [hbm4b:s3+s8], $0x80, s2, s8, $0xb8;
	[tilespmem:$0xEF80] =	vst v63  }
0x22: {  	_ = 	snop  }
0x23: {  	[tilespmem:s10], [sflag:$0x2] =	stream.indirect.gather [hbm4b:s3+s8], $0x80, s8, s8, $0xb8;
	[tilespmem:$0xEF80] =	vst v63  }
0x24: {  	_ = 	snop  }
0x25: {  	[tilespmem:s12], [sflag:$0x3] =	stream.indirect.gather [hbm4b:s3+s8], $0x80, s11, s8, $0xb8;
	[tilespmem:$0xEF80] =	vst v63  }
0x26: {  	_ = 	snop  }
0x27: {  	[tilespmem:s14], [sflag:$0x4] =	stream.indirect.gather [hbm4b:s3+s8], $0x80, s13, s8, $0xb8;
	[tilespmem:$0xEF80] =	vst v63  }
0x28: {  	s29 =	smov.u32 s6;
	s30 =	simm.s32 $0x0  }
0x29: {  	[tilespmem:s16], [sflag:$0x5] =	stream.indirect.gather [hbm4b:s3+s8], $0x80, s15, s8, $0xb8;
	[tilespmem:$0xEF80] =	vst v63  }
.LBB2_2:
0x2a: {  	_ =	swait.ge [sflag:s17], $0x2800  }
0x2b: {  	[sflag:s17] =	ssyncset.done $0x0  }
0x2c: {  	s31 =	sadd.s32 $0xFFFFEC00, s29;
	[sflag:s17] =	ssyncadd.s32 $0xFFFFD800  }
0x2d: {  	[hbm4b:s31+s2] =	stream.linear.scatter [tilespmem:s9], [sflag:$0x6], $0x2800, $0x38;
	[tilespmem:$0xEF80] =	vst v63  }
0x2e: {  	_ =	swait.ge [sflag:s18], $0x2800  }
0x2f: {  	[sflag:s18] =	ssyncset.done $0x0  }
0x30: {  	s1 =	sadd.s32 $0xFFFFF100, s29;
	[sflag:s18] =	ssyncadd.s32 $0xFFFFD800  }
0x31: {  	[hbm4b:s1+s2] =	stream.linear.scatter [tilespmem:s10], [sflag:$0x7], $0x2800, $0x38;
	[tilespmem:$0xEF80] =	vst v63  }
0x32: {  	_ =	swait.ge [sflag:s19], $0x2800  }
0x33: {  	[sflag:s19] =	ssyncset.done $0x0  }
0x34: {  	s1 =	sadd.s32 $0xFFFFF600, s29;
	[sflag:s19] =	ssyncadd.s32 $0xFFFFD800  }
0x35: {  	[hbm4b:s1+s2] =	stream.linear.scatter [tilespmem:s12], [sflag:$0x8], $0x2800, $0x38;
	[tilespmem:$0xEF80] =	vst v63  }
0x36: {  	_ =	swait.ge [sflag:s20], $0x2800  }
0x37: {  	[sflag:s20] =	ssyncset.done $0x0  }
0x38: {  	s1 =	sadd.s32 $0xFFFFFB00, s29;
	[sflag:s20] =	ssyncadd.s32 $0xFFFFD800  }
0x39: {  	[hbm4b:s1+s2] =	stream.linear.scatter [tilespmem:s14], [sflag:$0x9], $0x2800, $0x38;
	[tilespmem:$0xEF80] =	vst v63  }
0x3a: {  	_ =	swait.ge [sflag:s21], $0x2800  }
0x3b: {  	p0 =	seq.s32 s30, $0x9600;
	[sflag:s21] =	ssyncset.done $0x0  }
.Ltmp2:
0x3c: {  	[sflag:s21] =	ssyncadd.s32 $0xFFFFD800;
	(pc) =	sbr.rel @p0 .LBB2_4-.Ltmp2, $4  }
0x3d: {  	[hbm4b:s29+s2] =	stream.linear.scatter [tilespmem:s16], [sflag:$0xA], $0x2800, $0x38;
	[tilespmem:$0xEF80] =	vst v63  }
0x3e: {  	_ =	swait.ge [sflag:s22], $0x2800  }
0x3f: {  	[sflag:s22] =	ssyncset.done $0x0  }
0x40: {  	[sflag:s22] =	ssyncadd.s32 $0xFFFFD800  }
0x41: {  	s31 =	sshra.s32 s30, $0x2  }
0x42: {  	s1 =	sadd.s32 $0x190, s31  }
0x43: {  	[tilespmem:s9], [sflag:$0x1] =	stream.indirect.gather [hbm4b:s3+s8], $0x80, s1, s8, $0xb8;
	[tilespmem:$0xEF80] =	vst v63  }
0x44: {  	_ =	swait.ge [sflag:s23], $0x2800  }
0x45: {  	[sflag:s23] =	ssyncset.done $0x0  }
0x46: {  	s1 =	sadd.s32 $0x1E0, s31;
	[sflag:s23] =	ssyncadd.s32 $0xFFFFD800  }
0x47: {  	[tilespmem:s10], [sflag:$0x2] =	stream.indirect.gather [hbm4b:s3+s8], $0x80, s1, s8, $0xb8;
	[tilespmem:$0xEF80] =	vst v63  }
0x48: {  	_ =	swait.ge [sflag:s24], $0x2800  }
0x49: {  	[sflag:s24] =	ssyncset.done $0x0  }
0x4a: {  	s1 =	sadd.s32 $0x230, s31;
	[sflag:s24] =	ssyncadd.s32 $0xFFFFD800  }
0x4b: {  	[tilespmem:s12], [sflag:$0x3] =	stream.indirect.gather [hbm4b:s3+s8], $0x80, s1, s8, $0xb8;
	[tilespmem:$0xEF80] =	vst v63  }
0x4c: {  	_ =	swait.ge [sflag:s25], $0x2800  }
0x4d: {  	[sflag:s25] =	ssyncset.done $0x0  }
0x4e: {  	s1 =	sadd.s32 $0x280, s31;
	[sflag:s25] =	ssyncadd.s32 $0xFFFFD800  }
0x4f: {  	[tilespmem:s14], [sflag:$0x4] =	stream.indirect.gather [hbm4b:s3+s8], $0x80, s1, s8, $0xb8;
	[tilespmem:$0xEF80] =	vst v63  }
.Ltmp3:
0x50: {  	_ = 	snop;
	(pc) =	sbr.rel .LBB2_2-.Ltmp3, $4  }
0x51: {  	_ =	swait.ge [sflag:s26], $0x2800  }
0x52: {  	s30 =	sadd.s32 $0x640, s30;
	[sflag:s26] =	ssyncset.done $0x0  }
0x53: {  	s29 =	sadd.s32 $0x1900, s29;
	s31 =	sadd.s32 $0x2D0, s31;
	[sflag:s26] =	ssyncadd.s32 $0xFFFFD800  }
0x54: {  	[tilespmem:s16], [sflag:$0x5] =	stream.indirect.gather [hbm4b:s3+s8], $0x80, s31, s8, $0xb8;
	[tilespmem:$0xEF80] =	vst v63  }
.LBB2_5:
0x55: {  	_ =	sfence.sel $0x180000  }
0x56: {  	[bflag:$0x0] =	sbarrier.arrive $0xFFFF  }
0x57: {  	_ =	strace $0x90000053  }
0x58: {  	[bflag:$0x2] =	sbarrier.arrive $0xFFFF  }
0x59: {  	p0 =	sne.s32 s0, $0x0;
	s0 =	rddreg [dreg:$0x1]  }
0x5a: {  	s0 =	sadd.s32 @!p0 $0x100000, s0  }
0x5b: {  	[sflag:s0] =	ssyncadd.tile.s32 @!p0 $0x1;
	_ =	shalt  }
.Lfunc_end2:
_tile_overlayer_lowered:
.L_overlay_start_2:
0x5c: {  	(tag) =	ssettag $0x2  }
0x5d: {  	s0 =	rddreg [dreg:$0x0];
	s2 =	stileid.u32  }
0x5e: {  	s1 =	rddreg [dreg:$0x1];
	p0 =	sne.s32 s2, $0x0  }
0x5f: {  	s3 =	rddreg [dreg:$0x2];
	[bflag:$0x3] =	sbarrier.arrive $0xFFFF;
	s2 =	simm.s32 @!p0 $0x1C0B  }
0x60: {  	[timem:s3], [sflag:s2] =	dma.local @!p0 [hbm:s0], s1  }
0x61: {  	s0 =	simm.s32 @!p0 $0xB  }
0x62: {  	_ =	swait.ge @!p0 [sflag:s0], s1  }
0x63: {  	s1 =	ssub.s32 @!p0 $0x0, s1;
	[sflag:s0] =	ssyncset.done @!p0 $0x0  }
0x64: {  	[sflag:s0] =	ssyncadd.s32 @!p0 s1  }
0x65: {  	[bflag:$0x3] =	sbarrier.arrive $0xFFFF  }
0x66: {  	_ =	shalt  }

// kernel: kernel.37.cloned.1.call-start
scs
__scs_entry_jumppad:
0x0: {  	(pc) =	sbr.rel $0x88, $3  }
0x1: {  	(tag) =	ssettag $0x0;
	lr =	simm.s32 $0x1  }
0x2: {  	[smem:$0x3F42] =	sst lr;
	_ =	strace $0xD0000000  }
0x3: {  	_ = 	snop  }
0x4: {  	_ = 	snop  }
0x5: {  	_ = 	snop  }
0x6: {  	_ = 	snop  }
0x7: {  	_ = 	snop  }
__scs_overlays_trampoline_lowered:
0x8: {  	[smem:$0x3F51] =	sst s0  }
0x9: {  	[smem:$0x3F52] =	sst s1  }
0xa: {  	[smem:$0x3F53] =	sst s2  }
0xb: {  	[smem:$0x3F54] =	sst s3  }
0xc: {  	[smem:$0x3F55] =	sst s4  }
0xd: {  	[smem:$0x3F56] =	sst s5  }
0xe: {  	[smem:$0x3F57] =	sst s6  }
0xf: {  	[smem:$0x3F58] =	sst s7  }
0x10: {  	[smem:$0x3F59] =	sst s8  }
0x11: {  	[smem:$0x3F5A] =	sst s9;
	s0 =	simm.s32 @!p0 $0x0  }
0x12: {  	s1 =	sld [smem:$0x3F40];
	s0 =	simm.s32 @p0 $0x1  }
0x13: {  	[smem:$0x3F5B] =	sst s0;
	s0 =	simm.s32 @!p1 $0x0  }
0x14: {  	s2 =	sld [smem:$0x3F3F];
	s0 =	simm.s32 @p1 $0x1  }
0x15: {  	[smem:$0x3F5C] =	sst s0;
	s0 =	simm.s32 @!p2 $0x0  }
0x16: {  	s3 =	sld [smem:$0x3FDB];
	s0 =	simm.s32 @p2 $0x1  }
0x17: {  	s4 =	simm.s32 $0x1BF5;
	[smem:$0x3F5E] =	sst s0  }
0x18: {  	s0 =	sld [smem:$0x3F41];
	_ =	swait.ge [sflag:s4], $0x0  }
0x19: {  	s7 =	sld [smem:$0x3F42]  }
0x1a: {  	s8 =	sadd.s32 $0xFFFFE003, lr  }
0x1b: {  	s9 =	sadd.s32 $0xFFFFFEF7, lr;
	s5 =	simm.s32 $0xFFFFFFFF;
	p2 =	slt.u32 s8, $0xFFFFF086  }
0x1c: {  	p1 =	slt.u32 s9, $0xF7A;
	s5 =	simm.s32 @!p2 $0x0  }
0x1d: {  	s5 =	simm.s32 @p1 $0x1;
	p0 =	seq.s32 s7, s2  }
0x1e: {  	s7 =	smul.u32 @!p0 $0xF7A, s2;
	p2 =	seq.s32 @!p0 s5, $0x0  }
0x1f: {  	s9 =	smul.u32 $0xF7A, s1;
	s8 =	simm.s32 @!p0 $0x1BF5;
	p2 =	por !p2, p0  }
0x20: {  	[sflag:s8] =	ssyncset.s32 @!p0 $0xFFFFF086;
	s6 =	sadd.s32 @!p0 s3, s7;
	s7 =	simm.s32 @!p0 $0x108  }
0x21: {  	s3 =	sadd.s32 s3, s9;
	s6 =	sadd.s32 @!p0 $0x88, s6;
	s7 =	simm.s32 @p2 $0x1082  }
0x22: {  	[simem:s7], [sflag:s8] =	dma.local @!p0 [hbm:s6], $0xF7A  }
0x23: {  	s9 =	sor.u32 $0xD0000000, s2;
	s6 =	simm.s32 $0x108;
	_ =	swait.ge @!p0 [sflag:s8], $0x0  }
0x24: {  	s3 =	sadd.s32 $0x88, s3;
	s6 =	simm.s32 @!p1 $0x1082;
	[sflag:s4] =	ssyncset.s32 $0xFFFFF086  }
0x25: {  	[simem:s6], [sflag:s4] =	dma.local [hbm:s3], $0xF7A  }
0x26: {  	[smem:$0x3F42] =	sst s1;
	(tag) =	ssettag s2;
	_ =	strace s9  }
0x27: {  	s1 =	sld [smem:$0x3F52]  }
0x28: {  	s2 =	sld [smem:$0x3F53]  }
0x29: {  	s4 =	sld [smem:$0x3F55]  }
0x2a: {  	p0 =	seq.s32 s5, $0x0;
	s5 =	sld [smem:$0x3F56]  }
0x2b: {  	s6 =	sld [smem:$0x3F57]  }
0x2c: {  	s7 =	sld [smem:$0x3F58]  }
0x2d: {  	s3 =	simm.s32 $0x108;
	s8 =	sld [smem:$0x3F59]  }
0x2e: {  	s3 =	simm.s32 @!p0 $0x1082;
	s9 =	sld [smem:$0x3F5A]  }
0x2f: {  	lr =	sadd.s32 s0, s3;
	s0 =	sld [smem:$0x3F51]  }
0x30: {  	s3 =	sld [smem:$0x3F54]  }
0x31: {  	[smem:$0x3F5D] =	sst s10  }
0x32: {  	s10 =	sld [smem:$0x3F5B];
	_ =	sdelay $0x3  }
0x33: {  	p0 =	seq.s32 s10, $0x1;
	s10 =	sld [smem:$0x3F5D];
	_ =	sdelay $0x3  }
0x34: {  	[smem:$0x3F5D] =	sst s10  }
0x35: {  	s10 =	sld [smem:$0x3F5C];
	_ =	sdelay $0x3  }
0x36: {  	p1 =	seq.s32 s10, $0x1;
	s10 =	sld [smem:$0x3F5D];
	_ =	sdelay $0x3  }
0x37: {  	[smem:$0x3F5D] =	sst s10  }
0x38: {  	s10 =	sld [smem:$0x3F5E]  }
0x39: {  	_ = 	snop;
	(pc) =	sbr.ind lr, $3  }
0x3a: {  	_ = 	snop  }
0x3b: {  	_ = 	snop  }
0x3c: {  	p2 =	seq.s32 s10, $0x1;
	s10 =	sld [smem:$0x3F5D]  }
0x3d: {  	_ =	shalt  }
0x3e: {  	_ =	shalt  }
0x3f: {  	_ =	shalt  }
0x40: {  	_ =	shalt  }
0x41: {  	_ =	shalt  }
0x42: {  	_ =	shalt  }
0x43: {  	_ =	shalt  }
0x44: {  	_ =	shalt  }
0x45: {  	_ =	shalt  }
0x46: {  	_ =	shalt  }
0x47: {  	_ =	shalt  }
0x48: {  	_ =	shalt  }
0x49: {  	_ =	shalt  }
0x4a: {  	_ =	shalt  }
0x4b: {  	_ =	shalt  }
0x4c: {  	_ =	shalt  }
0x4d: {  	_ =	shalt  }
0x4e: {  	_ =	shalt  }
0x4f: {  	_ =	shalt  }
0x50: {  	_ =	shalt  }
0x51: {  	_ =	shalt  }
0x52: {  	_ =	shalt  }
0x53: {  	_ =	shalt  }
0x54: {  	_ =	shalt  }
0x55: {  	_ =	shalt  }
0x56: {  	_ =	shalt  }
0x57: {  	_ =	shalt  }
0x58: {  	_ =	shalt  }
0x59: {  	_ =	shalt  }
0x5a: {  	_ =	shalt  }
0x5b: {  	_ =	shalt  }
0x5c: {  	_ =	shalt  }
0x5d: {  	_ =	shalt  }
0x5e: {  	_ =	shalt  }
0x5f: {  	_ =	shalt  }
0x60: {  	_ =	shalt  }
0x61: {  	_ =	shalt  }
0x62: {  	_ =	shalt  }
0x63: {  	_ =	shalt  }
0x64: {  	_ =	shalt  }
0x65: {  	_ =	shalt  }
0x66: {  	_ =	shalt  }
0x67: {  	_ =	shalt  }
0x68: {  	_ =	shalt  }
0x69: {  	_ =	shalt  }
0x6a: {  	_ =	shalt  }
0x6b: {  	_ =	shalt  }
0x6c: {  	_ =	shalt  }
0x6d: {  	_ =	shalt  }
0x6e: {  	_ =	shalt  }
0x6f: {  	_ =	shalt  }
0x70: {  	_ =	shalt  }
0x71: {  	_ =	shalt  }
0x72: {  	_ =	shalt  }
0x73: {  	_ =	shalt  }
0x74: {  	_ =	shalt  }
0x75: {  	_ =	shalt  }
0x76: {  	_ =	shalt  }
0x77: {  	_ =	shalt  }
0x78: {  	_ =	shalt  }
0x79: {  	_ =	shalt  }
0x7a: {  	_ =	shalt  }
0x7b: {  	_ =	shalt  }
0x7c: {  	_ =	shalt  }
0x7d: {  	_ =	shalt  }
0x7e: {  	_ =	shalt  }
0x7f: {  	_ =	shalt  }
0x80: {  	_ =	shalt  }
0x81: {  	_ =	shalt  }
0x82: {  	_ =	shalt  }
0x83: {  	_ =	shalt  }
0x84: {  	_ =	shalt  }
0x85: {  	_ =	shalt  }
0x86: {  	_ =	shalt  }
0x87: {  	_ =	shalt  }
.Lfunc_end0:
.L_simem_size_0:
called_computation.5_lowered:
.L_overlay_start_0:
0x88: {  	s2 =	sld [smem:$0x3FD9]  }
0x89: {  	s3 =	sld [smem:$0x3FFE];
	_ =	sdelay $0x1  }
0x8a: {  	s1 =	srdreg.scid  }
0x8b: {  	s0 =	sand.u32 $0x1, s1  }
0x8c: {  	s16 =	sshll.u32 s0, $0xA;
	s2 =	sadd.s32 s3, s2  }
0x8d: {  	s2 =	sadd.s32 s2, s16  }
0x8e: {  	[smem:$0x3F69] =	sst s2  }
0x8f: {  	_ = 	snop  }
0x90: {  	(tm) =	ssettm $0x1  }
0x91: {  	s17 =	sld [smem:$0x3FFB];
	_ =	sdelay $0x3  }
0x92: {  	_ =	strace s17  }
0x93: {  	s2 =	sld [smem:$0x3FFC];
	_ =	sdelay $0x3  }
0x94: {  	_ =	strace s2  }
0x95: {  	s2 =	sld [smem:$0x3FFD];
	_ =	sdelay $0x3  }
0x96: {  	_ =	strace s2  }
0x97: {  	_ =	strace $0x8FFFFFFF  }
0x98: {  	s18 =	sld [smem:$0x3FDB];
	_ =	sdelay $0x1  }
0x99: {  	s19 =	simm.s32 $_scs_section_size  }
0x9a: {  	s4 =	simm.s32 $_size__tile_overlayer_lowered;
	s5 =	simm.s32 $_tile_overlayer_lowered  }
0x9b: {  	s22 =	simm.s32 $0x1BFF;
	s21 =	sshll.u32 s5, $0x1;
	s2 =	sadd.s32 s19, s18  }
0x9c: {  	s6 =	simm.s32 $0x0;
	s20 =	sshll.u32 s4, $0x1;
	s4 =	sadd.s32 s21, s2  }
0x9d: {  	[timem:s6], [sflag:s22] =	dma.local [hbm:s4], s20  }
0x9e: {  	_ =	swait.ge [sflag:s22], s20  }
0x9f: {  	s3 =	ssub.s32 $0x0, s20;
	[sflag:s22] =	ssyncset.done $0x0  }
0xa0: {  	[sflag:s22] =	ssyncadd.s32 s3;
	_ =	sdelay $0x1  }
0xa1: {  	s23 =	simm.s32 $0x1B8B  }
0xa2: {  	_ =	swait.ge [sflag:s23], $0x1  }
0xa3: {  	[sflag:s23] =	ssyncset.done $0x0  }
0xa4: {  	s25 =	simm.s32 $0x1B8E;
	s24 =	sld [smem:$0x3FFE];
	[sflag:s23] =	ssyncadd.s32 $0xFFFFFFFF  }
0xa5: {  	s26 =	simm.s32 $execute0_lowered;
	[smem:$0x3FD2] =	sst s25  }
0xa6: {  	s4 =	sshll.u32 s26, $0x1;
	_ =	strace $0x80000055;
	[dreg:$0x1] =	wrdreg $0xFFFFFFFF  }
0xa7: {  	s28 =	simm.s32 $_size_execute0_lowered;
	s2 =	sadd.s32 s2, s4;
	[dreg:$0x0] =	wrdreg $0x0  }
0xa8: {  	s4 =	sshll.u32 s28, $0x1;
	[dreg:$0x2] =	wrdreg s2  }
0xa9: {  	[dreg:$0x3] =	wrdreg s4  }
0xaa: {  	[dreg:$0x4] =	wrdreg $0xC0  }
0xab: {  	_ =	task [dreg:s6], $0x5FFFF  }
0xac: {  	[dreg:$0x1] =	wrdreg $0xFFFFFFFF  }
0xad: {  	[dreg:$0x0] =	wrdreg $0x60  }
0xae: {  	[dreg:$0x2] =	wrdreg s24  }
0xaf: {  	[dreg:$0x3] =	wrdreg $0x94000  }
0xb0: {  	[dreg:$0x4] =	wrdreg $0x9  }
0xb1: {  	_ =	task.clear_ibuf [dreg:s6], $0x5FFFF;
	_ =	strace $0x90000055  }
0xb2: {  	s29 =	simm.s32 $0x9;
	_ =	strace $0x80000057  }
0xb3: {  	_ =	swait.ge [sflag:s29], $0x1  }
0xb4: {  	[sflag:s29] =	ssyncadd.s32 $0xFFFFFFFF  }
0xb5: {  	_ =	strace $0x90000057  }
0xb6: {  	_ =	sfence  }
0xb7: {  	s30 =	sld [smem:$0x0];
	_ =	sdelay $0x2  }
0xb8: {  	s31 =	sshll.u32 s1, $0xD;
	s1 =	sshrl.u32 s1, $0x2  }
0xb9: {  	s3 =	sand.u32 $0x4000, s31;
	s1 =	sadd.s32 s1, s30  }
0xba: {  	s0 =	sor.u32 s3, s0;
	s1 =	sshll.u32 s1, $0x11  }
0xbb: {  	s0 =	sor.u32 s1, s0  }
0xbc: {  	s0 =	sadd.s32 $0x8F2B, s0  }
0xbd: {  	[sflag:s0] =	ssyncadd.remote.s32 $0x1  }
0xbe: {  	_ =	sfence.sel $0xFFFF  }
0xbf: {  	[dreg:$0x0] =	wrdreg $0xFFFFFFFF;
	(pc) =	sbr.abs _section_cstart, $3  }
0xc0: {  	[dreg:$0x1] =	wrdreg $0xFFFFFFFF  }
0xc1: {  	_ =	task.clear_ibuf [dreg:s6], $0x2FFFF;
	_ =	strace $0x9FFFFFFF  }
0xc2: {  	(tm) =	ssettm $0x7FFFFFFF  }
0xc3: {  	_ =	shalt  }
tec
execute0_lowered:
.L_overlay_start_1:
0x0: {  	(tag) =	ssettag $0x1  }
0x1: {  	s0 =	srdreg.scid  }
0x2: {  	s6 =	rddreg [dreg:$0x0];
	s1 =	stileid.u32  }
0x3: {  	s2 =	rddreg [dreg:$0x1];
	s8 =	smul.u32 $0x13800, s1  }
0x4: {  	s3 =	simm.s32 $0x0;
	s11 =	sand.u32 $0x1, s0;
	s5 =	smul.u32 $0x4E000, s1  }
0x5: {  	[smem:$0x7FF] =	sst s3;
	s12 =	sadd.s32 $0x500A00, s6;
	s19 =	smul.u32 $0x14000, s1  }
0x6: {  	s13 =	sadd.s32 $0x1EA00, s6;
	s24 =	sshll.u32 s1, $0x6;
	s31 =	smul.u32 $0x28, s1  }
0x7: {  	s17 =	sadd.s32 $0x138000, s2;
	p0 =	sne.s32 s1, $0xF;
	s16 =	smul.u32 $0x138800, s11  }
0x8: {  	s4 =	sshll.u32 s11, $0x4;
	_ =	strace $0x80000056;
	s18 =	smul.u32 $0x140000, s11  }
0x9: {  	s9 =	ssub.s32 $0x2, s11;
	s28 =	smul.u32 $0x280, s11;
	s17 =	sshrl.u32 @!p0 s17, $0x3  }
0xa: {  	s20 =	sor.u32 s1, s4;
	s23 =	sshrl.u32 s8, $0x3;
	s10 =	sshrl.u32 s9, $0x1  }
0xb: {  	s5 =	sshrl.u32 s5, $0x2;
	s4 =	smul.u32 $0x280, s20;
	s14 =	ssub.s32 s9, s10  }
0xc: {  	s15 =	sadd.s32 s5, s2;
	s5 =	sor.u32 $0x1C05, s24;
	s25 =	smul.u32 $0x14000, s20  }
0xd: {  	s26 =	sadd.s32 s8, s16;
	s16 =	sshrl.u32 s16, $0x3;
	p1 =	seq.s32 s20, $0x1F  }
0xe: {  	s20 =	simm.s32 $0x0;
	s10 =	sshrl.u32 s26, $0x3;
	s29 =	sadd.s32 s13, s16  }
0xf: {  	s15 =	sshrl.u32 s15, $0x3;
	s16 =	simm.s32 $0x5;
	s7 =	sadd.s32 s4, s6  }
0x10: {  	s4 =	sadd.s32 s23, s6;
	s6 =	sadd.s32 $0x7C4C00, s6;
	s8 =	sadd.s32 s12, s25  }
0x11: {  	s12 =	sadd.s32 s18, s12;
	s11 =	sadd.s32 $0x27000, s29;
	s18 =	simm.s32 $0x1400  }
0x12: {  	s10 =	sadd.s32 s13, s10;
	s4 =	sadd.s32 $0x79DC00, s4;
	s7 =	sadd.s32 $0x798C00, s7  }
0x13: {  	s9 =	sadd.s32 $0x800, s8;
	s30 =	sadd.s32 s19, s12;
	s12 =	smax.u32 s14, $0x1  }
0x14: {  	s14 =	sadd.s32 s31, s28;
	s19 =	simm.s32 $0x5400;
	s13 =	sadd.s32 $0x1800, s30  }
.LBB2_1:
0x15: {  	[spmem:s15], [sflag:s5] =	dma.local [hbm:s4], $0x2700  }
0x16: {  	_ =	swait.ge [sflag:s16], $0x2700  }
0x17: {  	[sflag:s16] =	ssyncset.done $0x0  }
0x18: {  	s21 =	simm.s32 @!p0 $0x5;
	[sflag:s16] =	ssyncadd.s32 $0xFFFFD900  }
0x19: {  	[spmem:s17], [sflag:s5] =	dma.local @!p0 [hbm:s6], $0x100  }
0x1a: {  	_ =	swait.ge @!p0 [sflag:s21], $0x100  }
0x1b: {  	[sflag:s21] =	ssyncset.done @!p0 $0x0  }
0x1c: {  	[sflag:s21] =	ssyncadd.s32 @!p0 $0xFFFFFF00  }
0x1d: {  	[tilespmem:s3], [sflag:$0x5] =	stream.linear.gather [hbm4b:s7+s3], $0x1400, $0x38;
	[tilespmem:$0x1CC80] =	vst v63  }
0x1e: {  	_ =	swait.ge [sflag:s16], $0x1400  }
0x1f: {  	[sflag:s16] =	ssyncset.done $0x0  }
0x20: {  	s25 =	sadd.s32 $0x0, s14;
	[sflag:s16] =	ssyncadd.s32 $0xFFFFEC00  }
0x21: {  	p2 =	sgt.u32 s25, $0x4E1;
	[bflag:$0x0] =	sbarrier.arrive $0xFFFF  }
0x22: {  	[tilespmem:s18], [sflag:$0x1] =	stream.linear.gather [hbm4b:s8+s3], $0x4000, $0x38;
	[tilespmem:$0x1CC80] =	vst v63  }
0x23: {  	s21 =	simm.s32 @!p2 $0x1  }
0x24: {  	[tilespmem:s19], [sflag:$0x2] =	stream.linear.gather [hbm4b:s9+s3], $0x4000, $0x38;
	[tilespmem:$0x1CC80] =	vst v63  }
0x25: {  	_ =	swait.ge @!p2 [sflag:s21], $0x4000  }
0x26: {  	s22 =	simm.s32 @!p2 $0x1400;
	s23 =	simm.s32 @!p2 $0x2;
	[sflag:s21] =	ssyncset.done @!p2 $0x0  }
0x27: {  	s24 =	simm.s32 @!p2 $0x0;
	s26 =	simm.s32 @!p2 $0x80;
	[sflag:s21] =	ssyncadd.s32 @!p2 $0xFFFFC000  }
0x28: {  	[spmem:s2] =	stream.indirect.scatter.add.f32 @!p2 [tilespmem:s22], [sflag:$0x3], $0x80, s24, s26, $0xb8;
	[tilespmem:$0x1CC80] =	vst v63  }
0x29: {  	_ =	swait.ge @!p2 [sflag:s23], $0x4000;
	p2 =	por p2, p2  }
0x2a: {  	s31 =	sadd.s32 $0x2, s25;
	s21 =	simm.s32 $0x80;
	[sflag:s23] =	ssyncset.done @!p2 $0x0  }
0x2b: {  	s22 =	simm.s32 @!p2 $0x5400;
	s28 =	simm.s32 @!p2 $0x3;
	[sflag:s23] =	ssyncadd.s32 @!p2 $0xFFFFC000  }
0x2c: {  	[spmem:s2] =	stream.indirect.scatter.add.f32 @!p2 [tilespmem:s22], [sflag:$0x4], $0x80, s21, s26, $0xb8;
	[tilespmem:$0x1CC80] =	vst v63  }
0x2d: {  	p3 =	sgt.u32 s31, $0x4E1;
	s24 =	simm.s32 $0x4;
	_ =	swait.ge @!p2 [sflag:s28], $0x4000  }
0x2e: {  	s23 =	simm.s32 @!p3 $0x1400;
	s21 =	sadd.s32 @!p3 $0xFFFFF800, s13;
	[sflag:s28] =	ssyncset.done @!p2 $0x0  }
0x2f: {  	s22 =	simm.s32 @!p3 $0x0;
	s26 =	simm.s32 @!p2 $0x4;
	[sflag:s28] =	ssyncadd.s32 @!p2 $0xFFFFC000  }
0x30: {  	[tilespmem:s23], [sflag:$0x1] =	stream.linear.gather @!p3 [hbm4b:s21+s22], $0x4000, $0x38;
	[tilespmem:$0x1CC80] =	vst v63  }
0x31: {  	s28 =	sadd.s32 $0x3, s25;
	s25 =	smov.u32 s13;
	s21 =	sadd.s32 $0x1000, s13  }
0x32: {  	s23 =	simm.s32 $0x180;
	s22 =	sadd.s32 $0x2, s14;
	_ =	swait.ge @!p2 [sflag:s26], $0x4000  }
.LBB2_2:
0x33: {  	p4 =	sgt.u32 s22, $0x4E1;
	[sflag:s26] =	ssyncset.done @!p2 $0x0;
	p3 =	sgt.u32 s28, $0x4E1  }
0x34: {  	s28 =	simm.s32 @!p4 $0x1;
	[sflag:s26] =	ssyncadd.s32 @!p2 $0xFFFFC000;
	s26 =	simm.s32 @!p3 $0x0  }
0x35: {  	s30 =	smov.u32 s24;
	s24 =	sadd.s32 $0x2, s24;
	s29 =	simm.s32 @!p3 $0x5400  }
0x36: {  	[tilespmem:s29], [sflag:$0x2] =	stream.linear.gather @!p3 [hbm4b:s25+s26], $0x4000, $0x38;
	[tilespmem:$0x1CC80] =	vst v63  }
0x37: {  	s26 =	simm.s32 @!p4 $0x1400;
	s29 =	simm.s32 @!p4 $0x2;
	_ =	swait.ge @!p4 [sflag:s28], $0x4000  }
0x38: {  	s31 =	sadd.s32 @!p4 $0xFFFFFF80, s23;
	s0 =	simm.s32 @!p4 $0x80;
	[sflag:s28] =	ssyncset.done @!p4 $0x0  }
0x39: {  	p3 =	sne.s32 s24, $0x26;
	s25 =	smov.u32 s21;
	[sflag:s28] =	ssyncadd.s32 @!p4 $0xFFFFC000  }
0x3a: {  	[spmem:s2] =	stream.indirect.scatter.add.f32 @!p4 [tilespmem:s26], [sflag:$0x3], $0x80, s31, s0, $0xb8;
	[tilespmem:$0x1CC80] =	vst v63  }
0x3b: {  	p2 =	por p4, p4;
	_ =	swait.ge @!p4 [sflag:s29], $0x4000  }
0x3c: {  	s28 =	simm.s32 @!p2 $0x3;
	s26 =	simm.s32 @!p2 $0x5400;
	[sflag:s29] =	ssyncset.done @!p2 $0x0  }
0x3d: {  	s21 =	sadd.s32 $0x1000, s21;
	[sflag:s29] =	ssyncadd.s32 @!p2 $0xFFFFC000;
	s29 =	sadd.s32 $0x2, s22  }
0x3e: {  	[spmem:s2] =	stream.indirect.scatter.add.f32 @!p2 [tilespmem:s26], [sflag:$0x4], $0x80, s23, s0, $0xb8;
	[tilespmem:$0x1CC80] =	vst v63  }
0x3f: {  	p4 =	sgt.u32 s29, $0x4E1  }
.Ltmp0:
0x40: {  	s23 =	sadd.s32 $0x100, s23;
	_ =	swait.ge @!p2 [sflag:s28], $0x4000;
	(pc) =	sbr.rel @p3 .LBB2_2-.Ltmp0, $4  }
0x41: {  	s0 =	sadd.s32 @!p4 $0xFFFFF800, s25;
	s29 =	simm.s32 @!p4 $0x0;
	[sflag:s28] =	ssyncset.done @!p2 $0x0  }
0x42: {  	s26 =	simm.s32 @!p2 $0x4;
	[sflag:s28] =	ssyncadd.s32 @!p2 $0xFFFFC000;
	s28 =	simm.s32 @!p4 $0x1400  }
0x43: {  	[tilespmem:s28], [sflag:$0x1] =	stream.linear.gather @!p4 [hbm4b:s0+s29], $0x4000, $0x38;
	[tilespmem:$0x1CC80] =	vst v63  }
0x44: {  	s28 =	sadd.s32 $0x3, s22;
	s22 =	sadd.s32 s30, s14;
	_ =	swait.ge @!p2 [sflag:s26], $0x4000  }
0x45: {  	p3 =	sgt.u32 s22, $0x4E1  }
0x46: {  	[sflag:s26] =	ssyncset.done @!p2 $0x0;
	p4 =	sgt.u32 s28, $0x4E1;
	s0 =	simm.s32 @!p3 $0x1  }
0x47: {  	[sflag:s26] =	ssyncadd.s32 @!p2 $0xFFFFC000;
	s24 =	simm.s32 @!p4 $0x0;
	s26 =	simm.s32 @!p4 $0x5400  }
0x48: {  	[tilespmem:s26], [sflag:$0x2] =	stream.linear.gather @!p4 [hbm4b:s25+s24], $0x4000, $0x38;
	[tilespmem:$0x1CC80] =	vst v63  }
0x49: {  	_ =	swait.ge @!p3 [sflag:s0], $0x4000  }
0x4a: {  	s28 =	simm.s32 @!p3 $0x80;
	s24 =	simm.s32 @!p3 $0x1400;
	[sflag:s0] =	ssyncset.done @!p3 $0x0  }
0x4b: {  	s25 =	simm.s32 @!p3 $0x2;
	s26 =	sadd.s32 @!p3 $0xFFFFFF80, s23;
	[sflag:s0] =	ssyncadd.s32 @!p3 $0xFFFFC000  }
0x4c: {  	[spmem:s2] =	stream.indirect.scatter.add.f32 @!p3 [tilespmem:s24], [sflag:$0x3], $0x80, s26, s28, $0xb8;
	[tilespmem:$0x1CC80] =	vst v63  }
0x4d: {  	p2 =	por p3, p3;
	_ =	swait.ge @!p3 [sflag:s25], $0x4000  }
0x4e: {  	s30 =	sadd.s32 $0x2, s22;
	[sflag:s25] =	ssyncset.done @!p2 $0x0  }
0x4f: {  	s0 =	simm.s32 @!p2 $0x5400;
	s24 =	simm.s32 @!p2 $0x3;
	[sflag:s25] =	ssyncadd.s32 @!p2 $0xFFFFC000  }
0x50: {  	[spmem:s2] =	stream.indirect.scatter.add.f32 @!p2 [tilespmem:s0], [sflag:$0x4], $0x80, s23, s28, $0xb8;
	[tilespmem:$0x1CC80] =	vst v63  }
0x51: {  	p3 =	sgt.u32 s30, $0x4E1;
	_ =	swait.ge @!p2 [sflag:s24], $0x4000  }
0x52: {  	s25 =	simm.s32 @!p2 $0x4;
	s0 =	sadd.s32 @!p3 $0xFFFFF800, s21;
	[sflag:s24] =	ssyncset.done @!p2 $0x0  }
0x53: {  	s23 =	simm.s32 @!p3 $0x0;
	[sflag:s24] =	ssyncadd.s32 @!p2 $0xFFFFC000;
	s24 =	simm.s32 @!p3 $0x1400  }
0x54: {  	[tilespmem:s24], [sflag:$0x1] =	stream.linear.gather @!p3 [hbm4b:s0+s23], $0x4000, $0x38;
	[tilespmem:$0x1CC80] =	vst v63  }
0x55: {  	s31 =	sadd.s32 $0x3, s22;
	_ =	swait.ge @!p2 [sflag:s25], $0x4000  }
0x56: {  	p3 =	sgt.u32 s31, $0x4E1;
	[sflag:s25] =	ssyncset.done @!p2 $0x0  }
0x57: {  	s0 =	simm.s32 @!p3 $0x0;
	s22 =	simm.s32 @!p3 $0x5400;
	[sflag:s25] =	ssyncadd.s32 @!p2 $0xFFFFC000  }
0x58: {  	[tilespmem:s22], [sflag:$0x2] =	stream.linear.gather @!p3 [hbm4b:s21+s0], $0x4000, $0x38;
	[tilespmem:$0x1CC80] =	vst v63  }
0x59: {  	s0 =	simm.s32 @!p1 $0x1  }
0x5a: {  	_ =	swait.ge @!p1 [sflag:s0], $0x4000  }
0x5b: {  	s21 =	simm.s32 @!p1 $0x1300;
	[sflag:s0] =	ssyncset.done @!p1 $0x0  }
0x5c: {  	s22 =	simm.s32 @!p1 $0x1400;
	[sflag:s0] =	ssyncadd.s32 @!p1 $0xFFFFC000;
	s0 =	simm.s32 @!p1 $0x80  }
0x5d: {  	[spmem:s2] =	stream.indirect.scatter.add.f32 @!p1 [tilespmem:s22], [sflag:$0x3], $0x80, s21, s0, $0xb8;
	[tilespmem:$0x1CC80] =	vst v63  }
0x5e: {  	s21 =	simm.s32 @!p1 $0x2  }
0x5f: {  	_ =	swait.ge @!p1 [sflag:s21], $0x4000  }
0x60: {  	[sflag:s21] =	ssyncset.done @!p1 $0x0  }
0x61: {  	s22 =	simm.s32 @!p1 $0x5400;
	[sflag:s21] =	ssyncadd.s32 @!p1 $0xFFFFC000;
	s21 =	simm.s32 @!p1 $0x1380  }
0x62: {  	[spmem:s2] =	stream.indirect.scatter.add.f32 @!p1 [tilespmem:s22], [sflag:$0x4], $0x80, s21, s0, $0xb8;
	[tilespmem:$0x1CC80] =	vst v63  }
0x63: {  	s0 =	simm.s32 @!p1 $0x3  }
0x64: {  	_ =	swait.ge @!p1 [sflag:s0], $0x4000  }
0x65: {  	[sflag:s0] =	ssyncset.done @!p1 $0x0  }
0x66: {  	[sflag:s0] =	ssyncadd.s32 @!p1 $0xFFFFC000;
	s0 =	simm.s32 @!p1 $0x4  }
0x67: {  	_ =	swait.ge @!p1 [sflag:s0], $0x4000  }
0x68: {  	[sflag:s0] =	ssyncset.done @!p1 $0x0  }
0x69: {  	[sflag:s0] =	ssyncadd.s32 @!p1 $0xFFFFC000  }
0x6a: {  	[bflag:$0x0] =	sbarrier.arrive $0xFFFF  }
0x6b: {  	[hbm:s10], [sflag:s5] =	dma.local [spmem:s15], $0x2700  }
0x6c: {  	s20 =	sadd.s32 $0x1, s20;
	_ =	swait.ge [sflag:s16], $0x2700  }
0x6d: {  	p2 =	sne.s32 s20, s12;
	[sflag:s16] =	ssyncset.done $0x0  }
.Ltmp1:
0x6e: {  	s0 =	simm.s32 @!p0 $0x5;
	[sflag:s16] =	ssyncadd.s32 $0xFFFFD900;
	(pc) =	sbr.rel @p2 .LBB2_1-.Ltmp1, $4  }
0x6f: {  	[hbm:s11], [sflag:s5] =	dma.local @!p0 [spmem:s17], $0x100  }
0x70: {  	_ =	swait.ge @!p0 [sflag:s0], $0x100  }
0x71: {  	[sflag:s0] =	ssyncset.done @!p0 $0x0  }
0x72: {  	[sflag:s0] =	ssyncadd.s32 @!p0 $0xFFFFFF00  }
0x73: {  	_ =	sfence.sel $0x180000  }
0x74: {  	[bflag:$0x0] =	sbarrier.arrive $0xFFFF  }
0x75: {  	_ =	strace $0x90000056  }
0x76: {  	[bflag:$0x2] =	sbarrier.arrive $0xFFFF  }
0x77: {  	p0 =	sne.s32 s1, $0x0;
	s0 =	rddreg [dreg:$0x2]  }
0x78: {  	s0 =	sadd.s32 @!p0 $0x100000, s0  }
0x79: {  	[sflag:s0] =	ssyncadd.tile.s32 @!p0 $0x1;
	_ =	shalt  }
.Lfunc_end2:
_tile_overlayer_lowered:
.L_overlay_start_2:
0x7a: {  	(tag) =	ssettag $0x2  }
0x7b: {  	s0 =	rddreg [dreg:$0x0];
	s2 =	stileid.u32  }
0x7c: {  	s1 =	rddreg [dreg:$0x1];
	p0 =	sne.s32 s2, $0x0  }
0x7d: {  	s3 =	rddreg [dreg:$0x2];
	[bflag:$0x3] =	sbarrier.arrive $0xFFFF;
	s2 =	simm.s32 @!p0 $0x1C05  }
0x7e: {  	[timem:s3], [sflag:s2] =	dma.local @!p0 [hbm:s0], s1  }
0x7f: {  	s0 =	simm.s32 @!p0 $0x5  }
0x80: {  	_ =	swait.ge @!p0 [sflag:s0], s1  }
0x81: {  	s1 =	ssub.s32 @!p0 $0x0, s1;
	[sflag:s0] =	ssyncset.done @!p0 $0x0  }
0x82: {  	[sflag:s0] =	ssyncadd.s32 @!p0 s1  }
0x83: {  	[bflag:$0x3] =	sbarrier.arrive $0xFFFF  }
0x84: {  	_ =	shalt  }

// kernel: kernel.40.cloned.1.call-start
scs
__scs_entry_jumppad:
0x0: {  	(pc) =	sbr.rel $0x88, $3  }
0x1: {  	(tag) =	ssettag $0x0;
	lr =	simm.s32 $0x1  }
0x2: {  	[smem:$0x3F42] =	sst lr;
	_ =	strace $0xD0000000  }
0x3: {  	_ = 	snop  }
0x4: {  	_ = 	snop  }
0x5: {  	_ = 	snop  }
0x6: {  	_ = 	snop  }
0x7: {  	_ = 	snop  }
__scs_overlays_trampoline_lowered:
0x8: {  	[smem:$0x3F51] =	sst s0  }
0x9: {  	[smem:$0x3F52] =	sst s1  }
0xa: {  	[smem:$0x3F53] =	sst s2  }
0xb: {  	[smem:$0x3F54] =	sst s3  }
0xc: {  	[smem:$0x3F55] =	sst s4  }
0xd: {  	[smem:$0x3F56] =	sst s5  }
0xe: {  	[smem:$0x3F57] =	sst s6  }
0xf: {  	[smem:$0x3F58] =	sst s7  }
0x10: {  	[smem:$0x3F59] =	sst s8  }
0x11: {  	[smem:$0x3F5A] =	sst s9;
	s0 =	simm.s32 @!p0 $0x0  }
0x12: {  	s1 =	sld [smem:$0x3F40];
	s0 =	simm.s32 @p0 $0x1  }
0x13: {  	[smem:$0x3F5B] =	sst s0;
	s0 =	simm.s32 @!p1 $0x0  }
0x14: {  	s2 =	sld [smem:$0x3F3F];
	s0 =	simm.s32 @p1 $0x1  }
0x15: {  	[smem:$0x3F5C] =	sst s0;
	s0 =	simm.s32 @!p2 $0x0  }
0x16: {  	s3 =	sld [smem:$0x3FDB];
	s0 =	simm.s32 @p2 $0x1  }
0x17: {  	s4 =	simm.s32 $0x1BF5;
	[smem:$0x3F5E] =	sst s0  }
0x18: {  	s0 =	sld [smem:$0x3F41];
	_ =	swait.ge [sflag:s4], $0x0  }
0x19: {  	s7 =	sld [smem:$0x3F42]  }
0x1a: {  	s8 =	sadd.s32 $0xFFFFE003, lr  }
0x1b: {  	s9 =	sadd.s32 $0xFFFFFEF7, lr;
	s5 =	simm.s32 $0xFFFFFFFF;
	p2 =	slt.u32 s8, $0xFFFFF086  }
0x1c: {  	p1 =	slt.u32 s9, $0xF7A;
	s5 =	simm.s32 @!p2 $0x0  }
0x1d: {  	s5 =	simm.s32 @p1 $0x1;
	p0 =	seq.s32 s7, s2  }
0x1e: {  	s7 =	smul.u32 @!p0 $0xF7A, s2;
	p2 =	seq.s32 @!p0 s5, $0x0  }
0x1f: {  	s9 =	smul.u32 $0xF7A, s1;
	s8 =	simm.s32 @!p0 $0x1BF5;
	p2 =	por !p2, p0  }
0x20: {  	[sflag:s8] =	ssyncset.s32 @!p0 $0xFFFFF086;
	s6 =	sadd.s32 @!p0 s3, s7;
	s7 =	simm.s32 @!p0 $0x108  }
0x21: {  	s3 =	sadd.s32 s3, s9;
	s6 =	sadd.s32 @!p0 $0x88, s6;
	s7 =	simm.s32 @p2 $0x1082  }
0x22: {  	[simem:s7], [sflag:s8] =	dma.local @!p0 [hbm:s6], $0xF7A  }
0x23: {  	s9 =	sor.u32 $0xD0000000, s2;
	s6 =	simm.s32 $0x108;
	_ =	swait.ge @!p0 [sflag:s8], $0x0  }
0x24: {  	s3 =	sadd.s32 $0x88, s3;
	s6 =	simm.s32 @!p1 $0x1082;
	[sflag:s4] =	ssyncset.s32 $0xFFFFF086  }
0x25: {  	[simem:s6], [sflag:s4] =	dma.local [hbm:s3], $0xF7A  }
0x26: {  	[smem:$0x3F42] =	sst s1;
	(tag) =	ssettag s2;
	_ =	strace s9  }
0x27: {  	s1 =	sld [smem:$0x3F52]  }
0x28: {  	s2 =	sld [smem:$0x3F53]  }
0x29: {  	s4 =	sld [smem:$0x3F55]  }
0x2a: {  	p0 =	seq.s32 s5, $0x0;
	s5 =	sld [smem:$0x3F56]  }
0x2b: {  	s6 =	sld [smem:$0x3F57]  }
0x2c: {  	s7 =	sld [smem:$0x3F58]  }
0x2d: {  	s3 =	simm.s32 $0x108;
	s8 =	sld [smem:$0x3F59]  }
0x2e: {  	s3 =	simm.s32 @!p0 $0x1082;
	s9 =	sld [smem:$0x3F5A]  }
0x2f: {  	lr =	sadd.s32 s0, s3;
	s0 =	sld [smem:$0x3F51]  }
0x30: {  	s3 =	sld [smem:$0x3F54]  }
0x31: {  	[smem:$0x3F5D] =	sst s10  }
0x32: {  	s10 =	sld [smem:$0x3F5B];
	_ =	sdelay $0x3  }
0x33: {  	p0 =	seq.s32 s10, $0x1;
	s10 =	sld [smem:$0x3F5D];
	_ =	sdelay $0x3  }
0x34: {  	[smem:$0x3F5D] =	sst s10  }
0x35: {  	s10 =	sld [smem:$0x3F5C];
	_ =	sdelay $0x3  }
0x36: {  	p1 =	seq.s32 s10, $0x1;
	s10 =	sld [smem:$0x3F5D];
	_ =	sdelay $0x3  }
0x37: {  	[smem:$0x3F5D] =	sst s10  }
0x38: {  	s10 =	sld [smem:$0x3F5E]  }
0x39: {  	_ = 	snop;
	(pc) =	sbr.ind lr, $3  }
0x3a: {  	_ = 	snop  }
0x3b: {  	_ = 	snop  }
0x3c: {  	p2 =	seq.s32 s10, $0x1;
	s10 =	sld [smem:$0x3F5D]  }
0x3d: {  	_ =	shalt  }
0x3e: {  	_ =	shalt  }
0x3f: {  	_ =	shalt  }
0x40: {  	_ =	shalt  }
0x41: {  	_ =	shalt  }
0x42: {  	_ =	shalt  }
0x43: {  	_ =	shalt  }
0x44: {  	_ =	shalt  }
0x45: {  	_ =	shalt  }
0x46: {  	_ =	shalt  }
0x47: {  	_ =	shalt  }
0x48: {  	_ =	shalt  }
0x49: {  	_ =	shalt  }
0x4a: {  	_ =	shalt  }
0x4b: {  	_ =	shalt  }
0x4c: {  	_ =	shalt  }
0x4d: {  	_ =	shalt  }
0x4e: {  	_ =	shalt  }
0x4f: {  	_ =	shalt  }
0x50: {  	_ =	shalt  }
0x51: {  	_ =	shalt  }
0x52: {  	_ =	shalt  }
0x53: {  	_ =	shalt  }
0x54: {  	_ =	shalt  }
0x55: {  	_ =	shalt  }
0x56: {  	_ =	shalt  }
0x57: {  	_ =	shalt  }
0x58: {  	_ =	shalt  }
0x59: {  	_ =	shalt  }
0x5a: {  	_ =	shalt  }
0x5b: {  	_ =	shalt  }
0x5c: {  	_ =	shalt  }
0x5d: {  	_ =	shalt  }
0x5e: {  	_ =	shalt  }
0x5f: {  	_ =	shalt  }
0x60: {  	_ =	shalt  }
0x61: {  	_ =	shalt  }
0x62: {  	_ =	shalt  }
0x63: {  	_ =	shalt  }
0x64: {  	_ =	shalt  }
0x65: {  	_ =	shalt  }
0x66: {  	_ =	shalt  }
0x67: {  	_ =	shalt  }
0x68: {  	_ =	shalt  }
0x69: {  	_ =	shalt  }
0x6a: {  	_ =	shalt  }
0x6b: {  	_ =	shalt  }
0x6c: {  	_ =	shalt  }
0x6d: {  	_ =	shalt  }
0x6e: {  	_ =	shalt  }
0x6f: {  	_ =	shalt  }
0x70: {  	_ =	shalt  }
0x71: {  	_ =	shalt  }
0x72: {  	_ =	shalt  }
0x73: {  	_ =	shalt  }
0x74: {  	_ =	shalt  }
0x75: {  	_ =	shalt  }
0x76: {  	_ =	shalt  }
0x77: {  	_ =	shalt  }
0x78: {  	_ =	shalt  }
0x79: {  	_ =	shalt  }
0x7a: {  	_ =	shalt  }
0x7b: {  	_ =	shalt  }
0x7c: {  	_ =	shalt  }
0x7d: {  	_ =	shalt  }
0x7e: {  	_ =	shalt  }
0x7f: {  	_ =	shalt  }
0x80: {  	_ =	shalt  }
0x81: {  	_ =	shalt  }
0x82: {  	_ =	shalt  }
0x83: {  	_ =	shalt  }
0x84: {  	_ =	shalt  }
0x85: {  	_ =	shalt  }
0x86: {  	_ =	shalt  }
0x87: {  	_ =	shalt  }
.Lfunc_end0:
.L_simem_size_0:
called_computation.6_lowered:
.L_overlay_start_0:
0x88: {  	s2 =	sld [smem:$0x3FD9]  }
0x89: {  	s3 =	sld [smem:$0x3FFE];
	_ =	sdelay $0x1  }
0x8a: {  	s1 =	srdreg.scid  }
0x8b: {  	s0 =	sand.u32 $0x1, s1  }
0x8c: {  	s16 =	sshll.u32 s0, $0xA;
	s2 =	sadd.s32 s3, s2  }
0x8d: {  	s2 =	sadd.s32 s2, s16  }
0x8e: {  	[smem:$0x3F69] =	sst s2  }
0x8f: {  	_ = 	snop  }
0x90: {  	(tm) =	ssettm $0x1  }
0x91: {  	s17 =	sld [smem:$0x3FFB];
	_ =	sdelay $0x3  }
0x92: {  	_ =	strace s17  }
0x93: {  	s2 =	sld [smem:$0x3FFC];
	_ =	sdelay $0x3  }
0x94: {  	_ =	strace s2  }
0x95: {  	s2 =	sld [smem:$0x3FFD];
	_ =	sdelay $0x3  }
0x96: {  	_ =	strace s2  }
0x97: {  	_ =	strace $0x8FFFFFFF  }
0x98: {  	s18 =	sld [smem:$0x3FDB];
	_ =	sdelay $0x1  }
0x99: {  	s19 =	simm.s32 $_scs_section_size  }
0x9a: {  	s4 =	simm.s32 $_size__tile_overlayer_lowered;
	s5 =	simm.s32 $_tile_overlayer_lowered  }
0x9b: {  	s22 =	simm.s32 $0x1BFF;
	s21 =	sshll.u32 s5, $0x1;
	s2 =	sadd.s32 s19, s18  }
0x9c: {  	s6 =	simm.s32 $0x0;
	s20 =	sshll.u32 s4, $0x1;
	s4 =	sadd.s32 s21, s2  }
0x9d: {  	[timem:s6], [sflag:s22] =	dma.local [hbm:s4], s20  }
0x9e: {  	_ =	swait.ge [sflag:s22], s20  }
0x9f: {  	s3 =	ssub.s32 $0x0, s20;
	[sflag:s22] =	ssyncset.done $0x0  }
0xa0: {  	[sflag:s22] =	ssyncadd.s32 s3;
	_ =	sdelay $0x1  }
0xa1: {  	s23 =	simm.s32 $0x1B8B  }
0xa2: {  	_ =	swait.ge [sflag:s23], $0x1  }
0xa3: {  	[sflag:s23] =	ssyncset.done $0x0  }
0xa4: {  	s25 =	simm.s32 $0x1B8E;
	s24 =	sld [smem:$0x3FFE];
	[sflag:s23] =	ssyncadd.s32 $0xFFFFFFFF  }
0xa5: {  	s26 =	simm.s32 $execute0_lowered;
	[smem:$0x3FD2] =	sst s25  }
0xa6: {  	s4 =	sshll.u32 s26, $0x1;
	_ =	strace $0x80000058;
	[dreg:$0x1] =	wrdreg $0xFFFFFFFF  }
0xa7: {  	s28 =	simm.s32 $_size_execute0_lowered;
	s2 =	sadd.s32 s2, s4;
	[dreg:$0x0] =	wrdreg $0x0  }
0xa8: {  	s4 =	sshll.u32 s28, $0x1;
	[dreg:$0x2] =	wrdreg s2  }
0xa9: {  	[dreg:$0x3] =	wrdreg s4  }
0xaa: {  	[dreg:$0x4] =	wrdreg $0xC0  }
0xab: {  	_ =	task [dreg:s6], $0x5FFFF  }
0xac: {  	[dreg:$0x1] =	wrdreg $0xFFFFFFFF  }
0xad: {  	[dreg:$0x0] =	wrdreg $0x60  }
0xae: {  	[dreg:$0x2] =	wrdreg s24  }
0xaf: {  	[dreg:$0x3] =	wrdreg $0x9  }
0xb0: {  	_ =	task.clear_ibuf [dreg:s6], $0x4FFFF;
	_ =	strace $0x90000058  }
0xb1: {  	s29 =	simm.s32 $0x9;
	_ =	strace $0x8000005A  }
0xb2: {  	_ =	swait.ge [sflag:s29], $0x1  }
0xb3: {  	[sflag:s29] =	ssyncadd.s32 $0xFFFFFFFF  }
0xb4: {  	_ =	strace $0x9000005A  }
0xb5: {  	_ =	sfence  }
0xb6: {  	s30 =	sld [smem:$0x0];
	_ =	sdelay $0x2  }
0xb7: {  	s31 =	sshll.u32 s1, $0xD;
	s1 =	sshrl.u32 s1, $0x2  }
0xb8: {  	s3 =	sand.u32 $0x4000, s31;
	s1 =	sadd.s32 s1, s30  }
0xb9: {  	s0 =	sor.u32 s3, s0;
	s1 =	sshll.u32 s1, $0x11  }
0xba: {  	s0 =	sor.u32 s1, s0  }
0xbb: {  	s0 =	sadd.s32 $0x8F2B, s0  }
0xbc: {  	[sflag:s0] =	ssyncadd.remote.s32 $0x1  }
0xbd: {  	_ =	sfence.sel $0xFFFF  }
0xbe: {  	[dreg:$0x0] =	wrdreg $0xFFFFFFFF;
	(pc) =	sbr.abs _section_cstart, $3  }
0xbf: {  	[dreg:$0x1] =	wrdreg $0xFFFFFFFF  }
0xc0: {  	_ =	task.clear_ibuf [dreg:s6], $0x2FFFF;
	_ =	strace $0x9FFFFFFF  }
0xc1: {  	(tm) =	ssettm $0x7FFFFFFF  }
tec
execute0_lowered:
.L_overlay_start_1:
0x0: {  	(tag) =	ssettag $0x1  }
0x1: {  	s1 =	srdreg.scid  }
0x2: {  	s0 =	stileid.u32;
	s4 =	rddreg [dreg:$0x0]  }
0x3: {  	s2 =	simm.s32 $0x0;
	s10 =	simm.s32 $0x4F80;
	s11 =	simm.s32 $0xA0  }
0x4: {  	s12 =	simm.s32 $0x7780;
	s13 =	simm.s32 $0xF0;
	s14 =	simm.s32 $0x9F80  }
0x5: {  	s15 =	simm.s32 $0x140;
	s16 =	simm.s32 $0xC780;
	s17 =	simm.s32 $0x1  }
0x6: {  	s18 =	simm.s32 $0x2;
	s19 =	simm.s32 $0x3;
	s20 =	simm.s32 $0x4  }
0x7: {  	s21 =	simm.s32 $0x5;
	s22 =	simm.s32 $0x6;
	s23 =	simm.s32 $0x7  }
0x8: {  	s24 =	simm.s32 $0x8;
	s25 =	simm.s32 $0x9;
	s26 =	simm.s32 $0xA  }
0x9: {  	s5 =	sand.u32 $0x1, s1;
	s3 =	sshll.u32 s0, $0x1;
	s7 =	smul.u32 $0x4E200, s0  }
0xa: {  	s3 =	sor.u32 s5, s3;
	s8 =	ssub.s32 $0x2, s5;
	s5 =	smul.u32 $0x27100, s5  }
0xb: {  	s28 =	simm.s32 $0x0;
	[smem:$0x7FF] =	sst s2;
	s6 =	smul.u32 $0x2710, s3  }
.Ltmp0:
0xc: {  	_ =	strace $0x80000059;
	s9 =	sshrl.u32 s8, $0x1;
	(pc) =	sbr.rel .LBB2_1-.Ltmp0, $4  }
0xd: {  	s3 =	sadd.s32 $0x7C4E00, s4;
	s7 =	sadd.s32 s7, s4;
	s31 =	ssub.s32 s8, s9  }
0xe: {  	s7 =	sadd.s32 s5, s7;
	s8 =	simm.s32 $0x50;
	s6 =	sshrl.u32 s6, $0x3  }
0xf: {  	s9 =	simm.s32 $0x2780;
	s5 =	smax.u32 s31, $0x1;
	s4 =	sadd.s32 s6, s4  }
0x10: {  	s6 =	sadd.s32 $0x1FE00, s7;
	s7 =	simm.s32 $0xB;
	s4 =	sadd.s32 $0x14C00, s4  }
.LBB2_4:
0x11: {  	_ =	swait.ge [sflag:s23], $0x2800  }
0x12: {  	[sflag:s23] =	ssyncset.done $0x0  }
0x13: {  	[sflag:s23] =	ssyncadd.s32 $0xFFFFD800  }
0x14: {  	_ =	swait.ge [sflag:s24], $0x2800  }
0x15: {  	[sflag:s24] =	ssyncset.done $0x0  }
0x16: {  	s28 =	sadd.s32 $0x1, s28;
	[sflag:s24] =	ssyncadd.s32 $0xFFFFD800  }
0x17: {  	p0 =	sne.s32 s28, s5;
	_ =	swait.ge [sflag:s25], $0x2800  }
.Ltmp1:
0x18: {  	[sflag:s25] =	ssyncset.done $0x0;
	(pc) =	sbr.rel @!p0 .LBB2_5-.Ltmp1, $4  }
0x19: {  	[sflag:s25] =	ssyncadd.s32 $0xFFFFD800  }
0x1a: {  	_ =	swait.ge [sflag:s26], $0x2800  }
0x1b: {  	[sflag:s26] =	ssyncset.done $0x0  }
0x1c: {  	[sflag:s26] =	ssyncadd.s32 $0xFFFFD800  }
.LBB2_1:
0x1d: {  	[tilespmem:s2], [sflag:$0xB] =	stream.linear.gather [hbm4b:s4+s2], $0x2710, $0x38;
	[tilespmem:$0xEF80] =	vst v63  }
0x1e: {  	_ =	swait.ge [sflag:s7], $0x2710  }
0x1f: {  	[sflag:s7] =	ssyncset.done $0x0  }
0x20: {  	[sflag:s7] =	ssyncadd.s32 $0xFFFFD8F0  }
0x21: {  	[tilespmem:s9], [sflag:$0x1] =	stream.indirect.gather [hbm4b:s3+s8], $0x80, s2, s8, $0xb8;
	[tilespmem:$0xEF80] =	vst v63  }
0x22: {  	_ = 	snop  }
0x23: {  	[tilespmem:s10], [sflag:$0x2] =	stream.indirect.gather [hbm4b:s3+s8], $0x80, s8, s8, $0xb8;
	[tilespmem:$0xEF80] =	vst v63  }
0x24: {  	_ = 	snop  }
0x25: {  	[tilespmem:s12], [sflag:$0x3] =	stream.indirect.gather [hbm4b:s3+s8], $0x80, s11, s8, $0xb8;
	[tilespmem:$0xEF80] =	vst v63  }
0x26: {  	_ = 	snop  }
0x27: {  	[tilespmem:s14], [sflag:$0x4] =	stream.indirect.gather [hbm4b:s3+s8], $0x80, s13, s8, $0xb8;
	[tilespmem:$0xEF80] =	vst v63  }
0x28: {  	s29 =	smov.u32 s6;
	s30 =	simm.s32 $0x0  }
0x29: {  	[tilespmem:s16], [sflag:$0x5] =	stream.indirect.gather [hbm4b:s3+s8], $0x80, s15, s8, $0xb8;
	[tilespmem:$0xEF80] =	vst v63  }
.LBB2_2:
0x2a: {  	_ =	swait.ge [sflag:s17], $0x2800  }
0x2b: {  	[sflag:s17] =	ssyncset.done $0x0  }
0x2c: {  	s31 =	sadd.s32 $0xFFFFEC00, s29;
	[sflag:s17] =	ssyncadd.s32 $0xFFFFD800  }
0x2d: {  	[hbm4b:s31+s2] =	stream.linear.scatter [tilespmem:s9], [sflag:$0x6], $0x2800, $0x38;
	[tilespmem:$0xEF80] =	vst v63  }
0x2e: {  	_ =	swait.ge [sflag:s18], $0x2800  }
0x2f: {  	[sflag:s18] =	ssyncset.done $0x0  }
0x30: {  	s1 =	sadd.s32 $0xFFFFF100, s29;
	[sflag:s18] =	ssyncadd.s32 $0xFFFFD800  }
0x31: {  	[hbm4b:s1+s2] =	stream.linear.scatter [tilespmem:s10], [sflag:$0x7], $0x2800, $0x38;
	[tilespmem:$0xEF80] =	vst v63  }
0x32: {  	_ =	swait.ge [sflag:s19], $0x2800  }
0x33: {  	[sflag:s19] =	ssyncset.done $0x0  }
0x34: {  	s1 =	sadd.s32 $0xFFFFF600, s29;
	[sflag:s19] =	ssyncadd.s32 $0xFFFFD800  }
0x35: {  	[hbm4b:s1+s2] =	stream.linear.scatter [tilespmem:s12], [sflag:$0x8], $0x2800, $0x38;
	[tilespmem:$0xEF80] =	vst v63  }
0x36: {  	_ =	swait.ge [sflag:s20], $0x2800  }
0x37: {  	[sflag:s20] =	ssyncset.done $0x0  }
0x38: {  	s1 =	sadd.s32 $0xFFFFFB00, s29;
	[sflag:s20] =	ssyncadd.s32 $0xFFFFD800  }
0x39: {  	[hbm4b:s1+s2] =	stream.linear.scatter [tilespmem:s14], [sflag:$0x9], $0x2800, $0x38;
	[tilespmem:$0xEF80] =	vst v63  }
0x3a: {  	_ =	swait.ge [sflag:s21], $0x2800  }
0x3b: {  	p0 =	seq.s32 s30, $0x9600;
	[sflag:s21] =	ssyncset.done $0x0  }
.Ltmp2:
0x3c: {  	[sflag:s21] =	ssyncadd.s32 $0xFFFFD800;
	(pc) =	sbr.rel @p0 .LBB2_4-.Ltmp2, $4  }
0x3d: {  	[hbm4b:s29+s2] =	stream.linear.scatter [tilespmem:s16], [sflag:$0xA], $0x2800, $0x38;
	[tilespmem:$0xEF80] =	vst v63  }
0x3e: {  	_ =	swait.ge [sflag:s22], $0x2800  }
0x3f: {  	[sflag:s22] =	ssyncset.done $0x0  }
0x40: {  	[sflag:s22] =	ssyncadd.s32 $0xFFFFD800  }
0x41: {  	s31 =	sshra.s32 s30, $0x2  }
0x42: {  	s1 =	sadd.s32 $0x190, s31  }
0x43: {  	[tilespmem:s9], [sflag:$0x1] =	stream.indirect.gather [hbm4b:s3+s8], $0x80, s1, s8, $0xb8;
	[tilespmem:$0xEF80] =	vst v63  }
0x44: {  	_ =	swait.ge [sflag:s23], $0x2800  }
0x45: {  	[sflag:s23] =	ssyncset.done $0x0  }
0x46: {  	s1 =	sadd.s32 $0x1E0, s31;
	[sflag:s23] =	ssyncadd.s32 $0xFFFFD800  }
0x47: {  	[tilespmem:s10], [sflag:$0x2] =	stream.indirect.gather [hbm4b:s3+s8], $0x80, s1, s8, $0xb8;
	[tilespmem:$0xEF80] =	vst v63  }
0x48: {  	_ =	swait.ge [sflag:s24], $0x2800  }
0x49: {  	[sflag:s24] =	ssyncset.done $0x0  }
0x4a: {  	s1 =	sadd.s32 $0x230, s31;
	[sflag:s24] =	ssyncadd.s32 $0xFFFFD800  }
0x4b: {  	[tilespmem:s12], [sflag:$0x3] =	stream.indirect.gather [hbm4b:s3+s8], $0x80, s1, s8, $0xb8;
	[tilespmem:$0xEF80] =	vst v63  }
0x4c: {  	_ =	swait.ge [sflag:s25], $0x2800  }
0x4d: {  	[sflag:s25] =	ssyncset.done $0x0  }
0x4e: {  	s1 =	sadd.s32 $0x280, s31;
	[sflag:s25] =	ssyncadd.s32 $0xFFFFD800  }
0x4f: {  	[tilespmem:s14], [sflag:$0x4] =	stream.indirect.gather [hbm4b:s3+s8], $0x80, s1, s8, $0xb8;
	[tilespmem:$0xEF80] =	vst v63  }
.Ltmp3:
0x50: {  	_ = 	snop;
	(pc) =	sbr.rel .LBB2_2-.Ltmp3, $4  }
0x51: {  	_ =	swait.ge [sflag:s26], $0x2800  }
0x52: {  	s30 =	sadd.s32 $0x640, s30;
	[sflag:s26] =	ssyncset.done $0x0  }
0x53: {  	s29 =	sadd.s32 $0x1900, s29;
	s31 =	sadd.s32 $0x2D0, s31;
	[sflag:s26] =	ssyncadd.s32 $0xFFFFD800  }
0x54: {  	[tilespmem:s16], [sflag:$0x5] =	stream.indirect.gather [hbm4b:s3+s8], $0x80, s31, s8, $0xb8;
	[tilespmem:$0xEF80] =	vst v63  }
.LBB2_5:
0x55: {  	_ =	sfence.sel $0x180000  }
0x56: {  	[bflag:$0x0] =	sbarrier.arrive $0xFFFF  }
0x57: {  	_ =	strace $0x90000059  }
0x58: {  	[bflag:$0x2] =	sbarrier.arrive $0xFFFF  }
0x59: {  	p0 =	sne.s32 s0, $0x0;
	s0 =	rddreg [dreg:$0x1]  }
0x5a: {  	s0 =	sadd.s32 @!p0 $0x100000, s0  }
0x5b: {  	[sflag:s0] =	ssyncadd.tile.s32 @!p0 $0x1;
	_ =	shalt  }
.Lfunc_end2:
_tile_overlayer_lowered:
.L_overlay_start_2:
0x5c: {  	(tag) =	ssettag $0x2  }
0x5d: {  	s0 =	rddreg [dreg:$0x0];
	s2 =	stileid.u32  }
0x5e: {  	s1 =	rddreg [dreg:$0x1];
	p0 =	sne.s32 s2, $0x0  }
0x5f: {  	s3 =	rddreg [dreg:$0x2];
	[bflag:$0x3] =	sbarrier.arrive $0xFFFF;
	s2 =	simm.s32 @!p0 $0x1C0B  }
0x60: {  	[timem:s3], [sflag:s2] =	dma.local @!p0 [hbm:s0], s1  }
0x61: {  	s0 =	simm.s32 @!p0 $0xB  }
0x62: {  	_ =	swait.ge @!p0 [sflag:s0], s1  }
0x63: {  	s1 =	ssub.s32 @!p0 $0x0, s1;
	[sflag:s0] =	ssyncset.done @!p0 $0x0  }
0x64: {  	[sflag:s0] =	ssyncadd.s32 @!p0 s1  }
0x65: {  	[bflag:$0x3] =	sbarrier.arrive $0xFFFF  }
0x66: {  	_ =	shalt  }

// kernel: kernel.43.cloned.1.call-start
scs
__scs_entry_jumppad:
0x0: {  	(pc) =	sbr.rel $0x88, $3  }
0x1: {  	(tag) =	ssettag $0x0;
	lr =	simm.s32 $0x1  }
0x2: {  	[smem:$0x3F42] =	sst lr;
	_ =	strace $0xD0000000  }
0x3: {  	_ = 	snop  }
0x4: {  	_ = 	snop  }
0x5: {  	_ = 	snop  }
0x6: {  	_ = 	snop  }
0x7: {  	_ = 	snop  }
__scs_overlays_trampoline_lowered:
0x8: {  	[smem:$0x3F51] =	sst s0  }
0x9: {  	[smem:$0x3F52] =	sst s1  }
0xa: {  	[smem:$0x3F53] =	sst s2  }
0xb: {  	[smem:$0x3F54] =	sst s3  }
0xc: {  	[smem:$0x3F55] =	sst s4  }
0xd: {  	[smem:$0x3F56] =	sst s5  }
0xe: {  	[smem:$0x3F57] =	sst s6  }
0xf: {  	[smem:$0x3F58] =	sst s7  }
0x10: {  	[smem:$0x3F59] =	sst s8  }
0x11: {  	[smem:$0x3F5A] =	sst s9;
	s0 =	simm.s32 @!p0 $0x0  }
0x12: {  	s1 =	sld [smem:$0x3F40];
	s0 =	simm.s32 @p0 $0x1  }
0x13: {  	[smem:$0x3F5B] =	sst s0;
	s0 =	simm.s32 @!p1 $0x0  }
0x14: {  	s2 =	sld [smem:$0x3F3F];
	s0 =	simm.s32 @p1 $0x1  }
0x15: {  	[smem:$0x3F5C] =	sst s0;
	s0 =	simm.s32 @!p2 $0x0  }
0x16: {  	s3 =	sld [smem:$0x3FDB];
	s0 =	simm.s32 @p2 $0x1  }
0x17: {  	s4 =	simm.s32 $0x1BF5;
	[smem:$0x3F5E] =	sst s0  }
0x18: {  	s0 =	sld [smem:$0x3F41];
	_ =	swait.ge [sflag:s4], $0x0  }
0x19: {  	s7 =	sld [smem:$0x3F42]  }
0x1a: {  	s8 =	sadd.s32 $0xFFFFE003, lr  }
0x1b: {  	s9 =	sadd.s32 $0xFFFFFEF7, lr;
	s5 =	simm.s32 $0xFFFFFFFF;
	p2 =	slt.u32 s8, $0xFFFFF086  }
0x1c: {  	p1 =	slt.u32 s9, $0xF7A;
	s5 =	simm.s32 @!p2 $0x0  }
0x1d: {  	s5 =	simm.s32 @p1 $0x1;
	p0 =	seq.s32 s7, s2  }
0x1e: {  	s7 =	smul.u32 @!p0 $0xF7A, s2;
	p2 =	seq.s32 @!p0 s5, $0x0  }
0x1f: {  	s9 =	smul.u32 $0xF7A, s1;
	s8 =	simm.s32 @!p0 $0x1BF5;
	p2 =	por !p2, p0  }
0x20: {  	[sflag:s8] =	ssyncset.s32 @!p0 $0xFFFFF086;
	s6 =	sadd.s32 @!p0 s3, s7;
	s7 =	simm.s32 @!p0 $0x108  }
0x21: {  	s3 =	sadd.s32 s3, s9;
	s6 =	sadd.s32 @!p0 $0x88, s6;
	s7 =	simm.s32 @p2 $0x1082  }
0x22: {  	[simem:s7], [sflag:s8] =	dma.local @!p0 [hbm:s6], $0xF7A  }
0x23: {  	s9 =	sor.u32 $0xD0000000, s2;
	s6 =	simm.s32 $0x108;
	_ =	swait.ge @!p0 [sflag:s8], $0x0  }
0x24: {  	s3 =	sadd.s32 $0x88, s3;
	s6 =	simm.s32 @!p1 $0x1082;
	[sflag:s4] =	ssyncset.s32 $0xFFFFF086  }
0x25: {  	[simem:s6], [sflag:s4] =	dma.local [hbm:s3], $0xF7A  }
0x26: {  	[smem:$0x3F42] =	sst s1;
	(tag) =	ssettag s2;
	_ =	strace s9  }
0x27: {  	s1 =	sld [smem:$0x3F52]  }
0x28: {  	s2 =	sld [smem:$0x3F53]  }
0x29: {  	s4 =	sld [smem:$0x3F55]  }
0x2a: {  	p0 =	seq.s32 s5, $0x0;
	s5 =	sld [smem:$0x3F56]  }
0x2b: {  	s6 =	sld [smem:$0x3F57]  }
0x2c: {  	s7 =	sld [smem:$0x3F58]  }
0x2d: {  	s3 =	simm.s32 $0x108;
	s8 =	sld [smem:$0x3F59]  }
0x2e: {  	s3 =	simm.s32 @!p0 $0x1082;
	s9 =	sld [smem:$0x3F5A]  }
0x2f: {  	lr =	sadd.s32 s0, s3;
	s0 =	sld [smem:$0x3F51]  }
0x30: {  	s3 =	sld [smem:$0x3F54]  }
0x31: {  	[smem:$0x3F5D] =	sst s10  }
0x32: {  	s10 =	sld [smem:$0x3F5B];
	_ =	sdelay $0x3  }
0x33: {  	p0 =	seq.s32 s10, $0x1;
	s10 =	sld [smem:$0x3F5D];
	_ =	sdelay $0x3  }
0x34: {  	[smem:$0x3F5D] =	sst s10  }
0x35: {  	s10 =	sld [smem:$0x3F5C];
	_ =	sdelay $0x3  }
0x36: {  	p1 =	seq.s32 s10, $0x1;
	s10 =	sld [smem:$0x3F5D];
	_ =	sdelay $0x3  }
0x37: {  	[smem:$0x3F5D] =	sst s10  }
0x38: {  	s10 =	sld [smem:$0x3F5E]  }
0x39: {  	_ = 	snop;
	(pc) =	sbr.ind lr, $3  }
0x3a: {  	_ = 	snop  }
0x3b: {  	_ = 	snop  }
0x3c: {  	p2 =	seq.s32 s10, $0x1;
	s10 =	sld [smem:$0x3F5D]  }
0x3d: {  	_ =	shalt  }
0x3e: {  	_ =	shalt  }
0x3f: {  	_ =	shalt  }
0x40: {  	_ =	shalt  }
0x41: {  	_ =	shalt  }
0x42: {  	_ =	shalt  }
0x43: {  	_ =	shalt  }
0x44: {  	_ =	shalt  }
0x45: {  	_ =	shalt  }
0x46: {  	_ =	shalt  }
0x47: {  	_ =	shalt  }
0x48: {  	_ =	shalt  }
0x49: {  	_ =	shalt  }
0x4a: {  	_ =	shalt  }
0x4b: {  	_ =	shalt  }
0x4c: {  	_ =	shalt  }
0x4d: {  	_ =	shalt  }
0x4e: {  	_ =	shalt  }
0x4f: {  	_ =	shalt  }
0x50: {  	_ =	shalt  }
0x51: {  	_ =	shalt  }
0x52: {  	_ =	shalt  }
0x53: {  	_ =	shalt  }
0x54: {  	_ =	shalt  }
0x55: {  	_ =	shalt  }
0x56: {  	_ =	shalt  }
0x57: {  	_ =	shalt  }
0x58: {  	_ =	shalt  }
0x59: {  	_ =	shalt  }
0x5a: {  	_ =	shalt  }
0x5b: {  	_ =	shalt  }
0x5c: {  	_ =	shalt  }
0x5d: {  	_ =	shalt  }
0x5e: {  	_ =	shalt  }
0x5f: {  	_ =	shalt  }
0x60: {  	_ =	shalt  }
0x61: {  	_ =	shalt  }
0x62: {  	_ =	shalt  }
0x63: {  	_ =	shalt  }
0x64: {  	_ =	shalt  }
0x65: {  	_ =	shalt  }
0x66: {  	_ =	shalt  }
0x67: {  	_ =	shalt  }
0x68: {  	_ =	shalt  }
0x69: {  	_ =	shalt  }
0x6a: {  	_ =	shalt  }
0x6b: {  	_ =	shalt  }
0x6c: {  	_ =	shalt  }
0x6d: {  	_ =	shalt  }
0x6e: {  	_ =	shalt  }
0x6f: {  	_ =	shalt  }
0x70: {  	_ =	shalt  }
0x71: {  	_ =	shalt  }
0x72: {  	_ =	shalt  }
0x73: {  	_ =	shalt  }
0x74: {  	_ =	shalt  }
0x75: {  	_ =	shalt  }
0x76: {  	_ =	shalt  }
0x77: {  	_ =	shalt  }
0x78: {  	_ =	shalt  }
0x79: {  	_ =	shalt  }
0x7a: {  	_ =	shalt  }
0x7b: {  	_ =	shalt  }
0x7c: {  	_ =	shalt  }
0x7d: {  	_ =	shalt  }
0x7e: {  	_ =	shalt  }
0x7f: {  	_ =	shalt  }
0x80: {  	_ =	shalt  }
0x81: {  	_ =	shalt  }
0x82: {  	_ =	shalt  }
0x83: {  	_ =	shalt  }
0x84: {  	_ =	shalt  }
0x85: {  	_ =	shalt  }
0x86: {  	_ =	shalt  }
0x87: {  	_ =	shalt  }
.Lfunc_end0:
.L_simem_size_0:
called_computation.7_lowered:
.L_overlay_start_0:
0x88: {  	s2 =	sld [smem:$0x3FD9]  }
0x89: {  	s3 =	sld [smem:$0x3FFE];
	_ =	sdelay $0x1  }
0x8a: {  	s1 =	srdreg.scid  }
0x8b: {  	s0 =	sand.u32 $0x1, s1  }
0x8c: {  	s16 =	sshll.u32 s0, $0xA;
	s2 =	sadd.s32 s3, s2  }
0x8d: {  	s2 =	sadd.s32 s2, s16  }
0x8e: {  	[smem:$0x3F69] =	sst s2  }
0x8f: {  	_ = 	snop  }
0x90: {  	(tm) =	ssettm $0x1  }
0x91: {  	s17 =	sld [smem:$0x3FFB];
	_ =	sdelay $0x3  }
0x92: {  	_ =	strace s17  }
0x93: {  	s2 =	sld [smem:$0x3FFC];
	_ =	sdelay $0x3  }
0x94: {  	_ =	strace s2  }
0x95: {  	s2 =	sld [smem:$0x3FFD];
	_ =	sdelay $0x3  }
0x96: {  	_ =	strace s2  }
0x97: {  	_ =	strace $0x8FFFFFFF  }
0x98: {  	s18 =	sld [smem:$0x3FDB];
	_ =	sdelay $0x1  }
0x99: {  	s19 =	simm.s32 $_scs_section_size  }
0x9a: {  	s4 =	simm.s32 $_size__tile_overlayer_lowered;
	s5 =	simm.s32 $_tile_overlayer_lowered  }
0x9b: {  	s22 =	simm.s32 $0x1BFF;
	s21 =	sshll.u32 s5, $0x1;
	s2 =	sadd.s32 s19, s18  }
0x9c: {  	s6 =	simm.s32 $0x0;
	s20 =	sshll.u32 s4, $0x1;
	s4 =	sadd.s32 s21, s2  }
0x9d: {  	[timem:s6], [sflag:s22] =	dma.local [hbm:s4], s20  }
0x9e: {  	_ =	swait.ge [sflag:s22], s20  }
0x9f: {  	s3 =	ssub.s32 $0x0, s20;
	[sflag:s22] =	ssyncset.done $0x0  }
0xa0: {  	[sflag:s22] =	ssyncadd.s32 s3;
	_ =	sdelay $0x1  }
0xa1: {  	s23 =	simm.s32 $0x1B8B  }
0xa2: {  	_ =	swait.ge [sflag:s23], $0x1  }
0xa3: {  	[sflag:s23] =	ssyncset.done $0x0  }
0xa4: {  	s25 =	simm.s32 $0x1B8E;
	s24 =	sld [smem:$0x3FFE];
	[sflag:s23] =	ssyncadd.s32 $0xFFFFFFFF  }
0xa5: {  	s26 =	simm.s32 $execute0_lowered;
	[smem:$0x3FD2] =	sst s25  }
0xa6: {  	s4 =	sshll.u32 s26, $0x1;
	_ =	strace $0x8000005B;
	[dreg:$0x1] =	wrdreg $0xFFFFFFFF  }
0xa7: {  	s28 =	simm.s32 $_size_execute0_lowered;
	s2 =	sadd.s32 s2, s4;
	[dreg:$0x0] =	wrdreg $0x0  }
0xa8: {  	s4 =	sshll.u32 s28, $0x1;
	[dreg:$0x2] =	wrdreg s2  }
0xa9: {  	[dreg:$0x3] =	wrdreg s4  }
0xaa: {  	[dreg:$0x4] =	wrdreg $0xC0  }
0xab: {  	_ =	task [dreg:s6], $0x5FFFF  }
0xac: {  	[dreg:$0x1] =	wrdreg $0xFFFFFFFF  }
0xad: {  	[dreg:$0x0] =	wrdreg $0x60  }
0xae: {  	[dreg:$0x2] =	wrdreg s24  }
0xaf: {  	[dreg:$0x3] =	wrdreg $0x94000  }
0xb0: {  	[dreg:$0x4] =	wrdreg $0x9  }
0xb1: {  	_ =	task.clear_ibuf [dreg:s6], $0x5FFFF;
	_ =	strace $0x9000005B  }
0xb2: {  	s29 =	simm.s32 $0x9;
	_ =	strace $0x8000005D  }
0xb3: {  	_ =	swait.ge [sflag:s29], $0x1  }
0xb4: {  	[sflag:s29] =	ssyncadd.s32 $0xFFFFFFFF  }
0xb5: {  	_ =	strace $0x9000005D  }
0xb6: {  	_ =	sfence  }
0xb7: {  	s30 =	sld [smem:$0x0];
	_ =	sdelay $0x2  }
0xb8: {  	s31 =	sshll.u32 s1, $0xD;
	s1 =	sshrl.u32 s1, $0x2  }
0xb9: {  	s3 =	sand.u32 $0x4000, s31;
	s1 =	sadd.s32 s1, s30  }
0xba: {  	s0 =	sor.u32 s3, s0;
	s1 =	sshll.u32 s1, $0x11  }
0xbb: {  	s0 =	sor.u32 s1, s0  }
0xbc: {  	s0 =	sadd.s32 $0x8F2B, s0  }
0xbd: {  	[sflag:s0] =	ssyncadd.remote.s32 $0x1  }
0xbe: {  	_ =	sfence.sel $0xFFFF  }
0xbf: {  	[dreg:$0x0] =	wrdreg $0xFFFFFFFF;
	(pc) =	sbr.abs _section_cstart, $3  }
0xc0: {  	[dreg:$0x1] =	wrdreg $0xFFFFFFFF  }
0xc1: {  	_ =	task.clear_ibuf [dreg:s6], $0x2FFFF;
	_ =	strace $0x9FFFFFFF  }
0xc2: {  	(tm) =	ssettm $0x7FFFFFFF  }
0xc3: {  	_ =	shalt  }
tec
execute0_lowered:
.L_overlay_start_1:
0x0: {  	(tag) =	ssettag $0x1  }
0x1: {  	s0 =	srdreg.scid  }
0x2: {  	s11 =	sand.u32 $0x1, s0;
	s0 =	stileid.u32  }
0x3: {  	s6 =	rddreg [dreg:$0x0];
	s8 =	smul.u32 $0x13800, s0  }
0x4: {  	s2 =	rddreg [dreg:$0x1];
	s3 =	simm.s32 $0x0;
	s5 =	smul.u32 $0x4E000, s0  }
0x5: {  	[smem:$0x7FF] =	sst s3;
	s12 =	sadd.s32 $0xA5D000, s6;
	s16 =	smul.u32 $0x138800, s11  }
0x6: {  	s13 =	sadd.s32 $0x7EC000, s6;
	s17 =	sadd.s32 $0x138000, s2;
	s18 =	smul.u32 $0x140000, s11  }
0x7: {  	s1 =	sshll.u32 s11, $0x4;
	_ =	strace $0x8000005C;
	s19 =	smul.u32 $0x14000, s0  }
0x8: {  	s9 =	ssub.s32 $0x2, s11;
	s24 =	sshll.u32 s0, $0x6;
	s28 =	smul.u32 $0x280, s11  }
0x9: {  	s31 =	smul.u32 $0x28, s0;
	p0 =	sne.s32 s0, $0xF;
	s20 =	sor.u32 s0, s1  }
0xa: {  	s10 =	sshrl.u32 s9, $0x1;
	s17 =	sshrl.u32 @!p0 s17, $0x3;
	s4 =	smul.u32 $0x280, s20  }
0xb: {  	s23 =	sshrl.u32 s8, $0x3;
	s5 =	sshrl.u32 s5, $0x2;
	s14 =	ssub.s32 s9, s10  }
0xc: {  	s25 =	smul.u32 $0x14000, s20;
	s26 =	sadd.s32 s8, s16;
	s16 =	sshrl.u32 s16, $0x3  }
0xd: {  	p1 =	seq.s32 s20, $0x1F;
	s20 =	simm.s32 $0x0;
	s15 =	sadd.s32 s5, s2  }
0xe: {  	s5 =	sor.u32 $0x1C05, s24;
	s10 =	sshrl.u32 s26, $0x3;
	s29 =	sadd.s32 s13, s16  }
0xf: {  	s16 =	simm.s32 $0x5;
	s7 =	sadd.s32 s4, s6;
	s4 =	sadd.s32 s23, s6  }
0x10: {  	s6 =	sadd.s32 $0x7C4C00, s6;
	s8 =	sadd.s32 s12, s25;
	s10 =	sadd.s32 s13, s10  }
0x11: {  	s12 =	sadd.s32 s18, s12;
	s11 =	sadd.s32 $0x27000, s29;
	s18 =	simm.s32 $0x1400  }
0x12: {  	s15 =	sshrl.u32 s15, $0x3;
	s4 =	sadd.s32 $0x79DC00, s4;
	s7 =	sadd.s32 $0x798C00, s7  }
0x13: {  	s9 =	sadd.s32 $0x800, s8;
	s30 =	sadd.s32 s19, s12;
	s12 =	smax.u32 s14, $0x1  }
0x14: {  	s14 =	sadd.s32 s31, s28;
	s19 =	simm.s32 $0x5400;
	s13 =	sadd.s32 $0x1800, s30  }
.LBB2_1:
0x15: {  	[spmem:s15], [sflag:s5] =	dma.local [hbm:s4], $0x2700  }
0x16: {  	_ =	swait.ge [sflag:s16], $0x2700  }
0x17: {  	[sflag:s16] =	ssyncset.done $0x0  }
0x18: {  	s21 =	simm.s32 @!p0 $0x5;
	[sflag:s16] =	ssyncadd.s32 $0xFFFFD900  }
0x19: {  	[spmem:s17], [sflag:s5] =	dma.local @!p0 [hbm:s6], $0x100  }
0x1a: {  	_ =	swait.ge @!p0 [sflag:s21], $0x100  }
0x1b: {  	[sflag:s21] =	ssyncset.done @!p0 $0x0  }
0x1c: {  	[sflag:s21] =	ssyncadd.s32 @!p0 $0xFFFFFF00  }
0x1d: {  	[tilespmem:s3], [sflag:$0x5] =	stream.linear.gather [hbm4b:s7+s3], $0x1400, $0x38;
	[tilespmem:$0x1CC80] =	vst v63  }
0x1e: {  	_ =	swait.ge [sflag:s16], $0x1400  }
0x1f: {  	[sflag:s16] =	ssyncset.done $0x0  }
0x20: {  	s25 =	sadd.s32 $0x0, s14;
	[sflag:s16] =	ssyncadd.s32 $0xFFFFEC00  }
0x21: {  	p2 =	sgt.u32 s25, $0x4E1;
	[bflag:$0x0] =	sbarrier.arrive $0xFFFF  }
0x22: {  	[tilespmem:s18], [sflag:$0x1] =	stream.linear.gather [hbm4b:s8+s3], $0x4000, $0x38;
	[tilespmem:$0x1CC80] =	vst v63  }
0x23: {  	s21 =	simm.s32 @!p2 $0x1  }
0x24: {  	[tilespmem:s19], [sflag:$0x2] =	stream.linear.gather [hbm4b:s9+s3], $0x4000, $0x38;
	[tilespmem:$0x1CC80] =	vst v63  }
0x25: {  	_ =	swait.ge @!p2 [sflag:s21], $0x4000  }
0x26: {  	s22 =	simm.s32 @!p2 $0x1400;
	s23 =	simm.s32 @!p2 $0x2;
	[sflag:s21] =	ssyncset.done @!p2 $0x0  }
0x27: {  	s24 =	simm.s32 @!p2 $0x0;
	s26 =	simm.s32 @!p2 $0x80;
	[sflag:s21] =	ssyncadd.s32 @!p2 $0xFFFFC000  }
0x28: {  	[spmem:s2] =	stream.indirect.scatter.add.f32 @!p2 [tilespmem:s22], [sflag:$0x3], $0x80, s24, s26, $0xb8;
	[tilespmem:$0x1CC80] =	vst v63  }
0x29: {  	_ =	swait.ge @!p2 [sflag:s23], $0x4000;
	p2 =	por p2, p2  }
0x2a: {  	s31 =	sadd.s32 $0x2, s25;
	s21 =	simm.s32 $0x80;
	[sflag:s23] =	ssyncset.done @!p2 $0x0  }
0x2b: {  	s22 =	simm.s32 @!p2 $0x5400;
	s28 =	simm.s32 @!p2 $0x3;
	[sflag:s23] =	ssyncadd.s32 @!p2 $0xFFFFC000  }
0x2c: {  	[spmem:s2] =	stream.indirect.scatter.add.f32 @!p2 [tilespmem:s22], [sflag:$0x4], $0x80, s21, s26, $0xb8;
	[tilespmem:$0x1CC80] =	vst v63  }
0x2d: {  	p3 =	sgt.u32 s31, $0x4E1;
	s24 =	simm.s32 $0x4;
	_ =	swait.ge @!p2 [sflag:s28], $0x4000  }
0x2e: {  	s23 =	simm.s32 @!p3 $0x1400;
	s21 =	sadd.s32 @!p3 $0xFFFFF800, s13;
	[sflag:s28] =	ssyncset.done @!p2 $0x0  }
0x2f: {  	s22 =	simm.s32 @!p3 $0x0;
	s26 =	simm.s32 @!p2 $0x4;
	[sflag:s28] =	ssyncadd.s32 @!p2 $0xFFFFC000  }
0x30: {  	[tilespmem:s23], [sflag:$0x1] =	stream.linear.gather @!p3 [hbm4b:s21+s22], $0x4000, $0x38;
	[tilespmem:$0x1CC80] =	vst v63  }
0x31: {  	s28 =	sadd.s32 $0x3, s25;
	s25 =	smov.u32 s13;
	s21 =	sadd.s32 $0x1000, s13  }
0x32: {  	s23 =	simm.s32 $0x180;
	s22 =	sadd.s32 $0x2, s14;
	_ =	swait.ge @!p2 [sflag:s26], $0x4000  }
.LBB2_2:
0x33: {  	p4 =	sgt.u32 s22, $0x4E1;
	[sflag:s26] =	ssyncset.done @!p2 $0x0;
	p3 =	sgt.u32 s28, $0x4E1  }
0x34: {  	s28 =	simm.s32 @!p4 $0x1;
	[sflag:s26] =	ssyncadd.s32 @!p2 $0xFFFFC000;
	s26 =	simm.s32 @!p3 $0x0  }
0x35: {  	s30 =	smov.u32 s24;
	s24 =	sadd.s32 $0x2, s24;
	s29 =	simm.s32 @!p3 $0x5400  }
0x36: {  	[tilespmem:s29], [sflag:$0x2] =	stream.linear.gather @!p3 [hbm4b:s25+s26], $0x4000, $0x38;
	[tilespmem:$0x1CC80] =	vst v63  }
0x37: {  	s26 =	simm.s32 @!p4 $0x1400;
	s29 =	simm.s32 @!p4 $0x2;
	_ =	swait.ge @!p4 [sflag:s28], $0x4000  }
0x38: {  	s31 =	sadd.s32 @!p4 $0xFFFFFF80, s23;
	s1 =	simm.s32 @!p4 $0x80;
	[sflag:s28] =	ssyncset.done @!p4 $0x0  }
0x39: {  	p3 =	sne.s32 s24, $0x26;
	s25 =	smov.u32 s21;
	[sflag:s28] =	ssyncadd.s32 @!p4 $0xFFFFC000  }
0x3a: {  	[spmem:s2] =	stream.indirect.scatter.add.f32 @!p4 [tilespmem:s26], [sflag:$0x3], $0x80, s31, s1, $0xb8;
	[tilespmem:$0x1CC80] =	vst v63  }
0x3b: {  	p2 =	por p4, p4;
	_ =	swait.ge @!p4 [sflag:s29], $0x4000  }
0x3c: {  	s28 =	simm.s32 @!p2 $0x3;
	s26 =	simm.s32 @!p2 $0x5400;
	[sflag:s29] =	ssyncset.done @!p2 $0x0  }
0x3d: {  	s21 =	sadd.s32 $0x1000, s21;
	[sflag:s29] =	ssyncadd.s32 @!p2 $0xFFFFC000;
	s29 =	sadd.s32 $0x2, s22  }
0x3e: {  	[spmem:s2] =	stream.indirect.scatter.add.f32 @!p2 [tilespmem:s26], [sflag:$0x4], $0x80, s23, s1, $0xb8;
	[tilespmem:$0x1CC80] =	vst v63  }
0x3f: {  	p4 =	sgt.u32 s29, $0x4E1  }
.Ltmp0:
0x40: {  	s23 =	sadd.s32 $0x100, s23;
	_ =	swait.ge @!p2 [sflag:s28], $0x4000;
	(pc) =	sbr.rel @p3 .LBB2_2-.Ltmp0, $4  }
0x41: {  	s1 =	sadd.s32 @!p4 $0xFFFFF800, s25;
	s29 =	simm.s32 @!p4 $0x0;
	[sflag:s28] =	ssyncset.done @!p2 $0x0  }
0x42: {  	s26 =	simm.s32 @!p2 $0x4;
	[sflag:s28] =	ssyncadd.s32 @!p2 $0xFFFFC000;
	s28 =	simm.s32 @!p4 $0x1400  }
0x43: {  	[tilespmem:s28], [sflag:$0x1] =	stream.linear.gather @!p4 [hbm4b:s1+s29], $0x4000, $0x38;
	[tilespmem:$0x1CC80] =	vst v63  }
0x44: {  	s28 =	sadd.s32 $0x3, s22;
	s22 =	sadd.s32 s30, s14;
	_ =	swait.ge @!p2 [sflag:s26], $0x4000  }
0x45: {  	p3 =	sgt.u32 s22, $0x4E1  }
0x46: {  	[sflag:s26] =	ssyncset.done @!p2 $0x0;
	p4 =	sgt.u32 s28, $0x4E1;
	s1 =	simm.s32 @!p3 $0x1  }
0x47: {  	[sflag:s26] =	ssyncadd.s32 @!p2 $0xFFFFC000;
	s24 =	simm.s32 @!p4 $0x0;
	s26 =	simm.s32 @!p4 $0x5400  }
0x48: {  	[tilespmem:s26], [sflag:$0x2] =	stream.linear.gather @!p4 [hbm4b:s25+s24], $0x4000, $0x38;
	[tilespmem:$0x1CC80] =	vst v63  }
0x49: {  	_ =	swait.ge @!p3 [sflag:s1], $0x4000  }
0x4a: {  	s28 =	simm.s32 @!p3 $0x80;
	s24 =	simm.s32 @!p3 $0x1400;
	[sflag:s1] =	ssyncset.done @!p3 $0x0  }
0x4b: {  	s25 =	simm.s32 @!p3 $0x2;
	s26 =	sadd.s32 @!p3 $0xFFFFFF80, s23;
	[sflag:s1] =	ssyncadd.s32 @!p3 $0xFFFFC000  }
0x4c: {  	[spmem:s2] =	stream.indirect.scatter.add.f32 @!p3 [tilespmem:s24], [sflag:$0x3], $0x80, s26, s28, $0xb8;
	[tilespmem:$0x1CC80] =	vst v63  }
0x4d: {  	p2 =	por p3, p3;
	_ =	swait.ge @!p3 [sflag:s25], $0x4000  }
0x4e: {  	s30 =	sadd.s32 $0x2, s22;
	[sflag:s25] =	ssyncset.done @!p2 $0x0  }
0x4f: {  	s1 =	simm.s32 @!p2 $0x5400;
	s24 =	simm.s32 @!p2 $0x3;
	[sflag:s25] =	ssyncadd.s32 @!p2 $0xFFFFC000  }
0x50: {  	[spmem:s2] =	stream.indirect.scatter.add.f32 @!p2 [tilespmem:s1], [sflag:$0x4], $0x80, s23, s28, $0xb8;
	[tilespmem:$0x1CC80] =	vst v63  }
0x51: {  	p3 =	sgt.u32 s30, $0x4E1;
	_ =	swait.ge @!p2 [sflag:s24], $0x4000  }
0x52: {  	s25 =	simm.s32 @!p2 $0x4;
	s1 =	sadd.s32 @!p3 $0xFFFFF800, s21;
	[sflag:s24] =	ssyncset.done @!p2 $0x0  }
0x53: {  	s23 =	simm.s32 @!p3 $0x0;
	[sflag:s24] =	ssyncadd.s32 @!p2 $0xFFFFC000;
	s24 =	simm.s32 @!p3 $0x1400  }
0x54: {  	[tilespmem:s24], [sflag:$0x1] =	stream.linear.gather @!p3 [hbm4b:s1+s23], $0x4000, $0x38;
	[tilespmem:$0x1CC80] =	vst v63  }
0x55: {  	s31 =	sadd.s32 $0x3, s22;
	_ =	swait.ge @!p2 [sflag:s25], $0x4000  }
0x56: {  	p3 =	sgt.u32 s31, $0x4E1;
	[sflag:s25] =	ssyncset.done @!p2 $0x0  }
0x57: {  	s1 =	simm.s32 @!p3 $0x0;
	s22 =	simm.s32 @!p3 $0x5400;
	[sflag:s25] =	ssyncadd.s32 @!p2 $0xFFFFC000  }
0x58: {  	[tilespmem:s22], [sflag:$0x2] =	stream.linear.gather @!p3 [hbm4b:s21+s1], $0x4000, $0x38;
	[tilespmem:$0x1CC80] =	vst v63  }
0x59: {  	s1 =	simm.s32 @!p1 $0x1  }
0x5a: {  	_ =	swait.ge @!p1 [sflag:s1], $0x4000  }
0x5b: {  	s21 =	simm.s32 @!p1 $0x1300;
	[sflag:s1] =	ssyncset.done @!p1 $0x0  }
0x5c: {  	s22 =	simm.s32 @!p1 $0x1400;
	[sflag:s1] =	ssyncadd.s32 @!p1 $0xFFFFC000;
	s1 =	simm.s32 @!p1 $0x80  }
0x5d: {  	[spmem:s2] =	stream.indirect.scatter.add.f32 @!p1 [tilespmem:s22], [sflag:$0x3], $0x80, s21, s1, $0xb8;
	[tilespmem:$0x1CC80] =	vst v63  }
0x5e: {  	s21 =	simm.s32 @!p1 $0x2  }
0x5f: {  	_ =	swait.ge @!p1 [sflag:s21], $0x4000  }
0x60: {  	[sflag:s21] =	ssyncset.done @!p1 $0x0  }
0x61: {  	s22 =	simm.s32 @!p1 $0x5400;
	[sflag:s21] =	ssyncadd.s32 @!p1 $0xFFFFC000;
	s21 =	simm.s32 @!p1 $0x1380  }
0x62: {  	[spmem:s2] =	stream.indirect.scatter.add.f32 @!p1 [tilespmem:s22], [sflag:$0x4], $0x80, s21, s1, $0xb8;
	[tilespmem:$0x1CC80] =	vst v63  }
0x63: {  	s1 =	simm.s32 @!p1 $0x3  }
0x64: {  	_ =	swait.ge @!p1 [sflag:s1], $0x4000  }
0x65: {  	[sflag:s1] =	ssyncset.done @!p1 $0x0  }
0x66: {  	[sflag:s1] =	ssyncadd.s32 @!p1 $0xFFFFC000;
	s1 =	simm.s32 @!p1 $0x4  }
0x67: {  	_ =	swait.ge @!p1 [sflag:s1], $0x4000  }
0x68: {  	[sflag:s1] =	ssyncset.done @!p1 $0x0  }
0x69: {  	[sflag:s1] =	ssyncadd.s32 @!p1 $0xFFFFC000  }
0x6a: {  	[bflag:$0x0] =	sbarrier.arrive $0xFFFF  }
0x6b: {  	[hbm:s10], [sflag:s5] =	dma.local [spmem:s15], $0x2700  }
0x6c: {  	s20 =	sadd.s32 $0x1, s20;
	_ =	swait.ge [sflag:s16], $0x2700  }
0x6d: {  	p2 =	sne.s32 s20, s12;
	[sflag:s16] =	ssyncset.done $0x0  }
.Ltmp1:
0x6e: {  	s1 =	simm.s32 @!p0 $0x5;
	[sflag:s16] =	ssyncadd.s32 $0xFFFFD900;
	(pc) =	sbr.rel @p2 .LBB2_1-.Ltmp1, $4  }
0x6f: {  	[hbm:s11], [sflag:s5] =	dma.local @!p0 [spmem:s17], $0x100  }
0x70: {  	_ =	swait.ge @!p0 [sflag:s1], $0x100  }
0x71: {  	[sflag:s1] =	ssyncset.done @!p0 $0x0  }
0x72: {  	[sflag:s1] =	ssyncadd.s32 @!p0 $0xFFFFFF00  }
0x73: {  	_ =	sfence.sel $0x180000  }
0x74: {  	[bflag:$0x0] =	sbarrier.arrive $0xFFFF  }
0x75: {  	_ =	strace $0x9000005C  }
0x76: {  	[bflag:$0x2] =	sbarrier.arrive $0xFFFF  }
0x77: {  	p0 =	sne.s32 s0, $0x0;
	s0 =	rddreg [dreg:$0x2]  }
0x78: {  	s0 =	sadd.s32 @!p0 $0x100000, s0  }
0x79: {  	[sflag:s0] =	ssyncadd.tile.s32 @!p0 $0x1;
	_ =	shalt  }
.Lfunc_end2:
_tile_overlayer_lowered:
.L_overlay_start_2:
0x7a: {  	(tag) =	ssettag $0x2  }
0x7b: {  	s0 =	rddreg [dreg:$0x0];
	s2 =	stileid.u32  }
0x7c: {  	s1 =	rddreg [dreg:$0x1];
	p0 =	sne.s32 s2, $0x0  }
0x7d: {  	s3 =	rddreg [dreg:$0x2];
	[bflag:$0x3] =	sbarrier.arrive $0xFFFF;
	s2 =	simm.s32 @!p0 $0x1C05  }
0x7e: {  	[timem:s3], [sflag:s2] =	dma.local @!p0 [hbm:s0], s1  }
0x7f: {  	s0 =	simm.s32 @!p0 $0x5  }
0x80: {  	_ =	swait.ge @!p0 [sflag:s0], s1  }
0x81: {  	s1 =	ssub.s32 @!p0 $0x0, s1;
	[sflag:s0] =	ssyncset.done @!p0 $0x0  }
0x82: {  	[sflag:s0] =	ssyncadd.s32 @!p0 s1  }
0x83: {  	[bflag:$0x3] =	sbarrier.arrive $0xFFFF  }
0x84: {  	_ =	shalt  }

</sc_bundles>
